<compile_context>
chip_gen: v7x
topology: tpu7x:2x2x1
jax: 0.10.2.dev20260603
libtpu: 0.0.44.dev20260713+nightly
codegen_flags: <defaults>
</compile_context>

<pallas_src>
import functools

import jax
import jax.numpy as jnp
from jax import lax
from jax.experimental import pallas as pl
from jax.experimental.pallas import tpu as pltpu
from jax.experimental.pallas import tpu_sc as plsc

N = 10000
E = 160000
DIN = 256
DH = 512
G = 64

NC = 2
NS = 16
NW = NC * NS
L = 16
NPAD = 10240
BN = 1024
CH = 16


def _make_agg(D, R, passes, XN):
    mesh = plsc.VectorSubcoreMesh(core_axis_name="c", subcore_axis_name="s",
                                  num_cores=NC, num_subcores=NS)
    DEPTH = 3 if D <= 256 else 2
    SPAD = 8
    SEG = 8000 if D <= 256 else 6400
    NSEG = E // SEG

    @functools.partial(
        pl.kernel, mesh=mesh,
        compiler_params=pltpu.CompilerParams(needs_layout_passes=False),
        out_type=jax.ShapeDtypeStruct((NPAD, D), jnp.float32),
        scratch_types=[
            pltpu.VMEM((SEG,), jnp.int32),
            pltpu.VMEM((SEG,), jnp.int32),
            pltpu.VMEM((SEG + 32,), jnp.int32),
            pltpu.VMEM((SEG + 32,), jnp.int32),
            [pltpu.VMEM((CH, D), jnp.float32)] * DEPTH,
            pltpu.VMEM((R + SPAD, D), jnp.float32),
            [pltpu.SemaphoreType.DMA] * DEPTH,
        ],
    )
    def agg(x_hbm, esrc_hbm, edst_hbm, out_hbm,
            src_st, dst_st, srcf, dstf, stages, slab, sems):
        c = lax.axis_index("c")
        s = lax.axis_index("s")
        w = s * NC + c

        zero16 = jnp.zeros((L,), jnp.float32)
        rowi = lax.iota(jnp.int32, L)
        pad_src = w * 311
        padv_s = jnp.full((L,), pad_src, jnp.int32)
        padv_d = jnp.full((L,), R, jnp.int32)

        for p in range(passes):
            rid = p * NW + w
            lo = rid * R

            @plsc.parallel_loop(0, R + SPAD, unroll=2)
            def _(r):
                for k in range(D // L):
                    slab[r, pl.ds(k * L, L)] = zero16

            def seg_body(g, _):
                pltpu.sync_copy(esrc_hbm.at[pl.ds(g * SEG, SEG)], src_st)
                pltpu.sync_copy(edst_hbm.at[pl.ds(g * SEG, SEG)], dst_st)

                @plsc.parallel_loop(0, SEG // L, unroll=4,
                                    carry=jnp.int32(0))
                def cnt(i, cnt):
                    d = dst_st[pl.ds(i * L, L)]
                    sv = src_st[pl.ds(i * L, L)]
                    m = (d >= lo) & (d < lo + R)
                    cs = plsc.cumsum(m.astype(jnp.int32))
                    pos = cnt + cs - 1
                    plsc.store_scatter(srcf, [pos], sv, mask=m)
                    plsc.store_scatter(dstf, [pos], d - lo, mask=m)
                    pc = plsc.all_reduce_population_count(m)
                    return cnt + pc[0]

                srcf[pl.ds(cnt, L)] = padv_s
                dstf[pl.ds(cnt, L)] = padv_d

                nch = (cnt + CH - 1) // CH

                def fire(j, t):
                    pltpu.async_copy(
                        x_hbm.at[srcf.at[pl.ds(j * CH, CH)]], stages[t],
                        sems[t])

                def drain(t):
                    pltpu.make_async_copy(
                        x_hbm.at[srcf.at[pl.ds(0, CH)]], stages[t],
                        sems[t]).wait()

                def adds(t, j):
                    dstv = dstf[pl.ds(j * CH, CH)]

                    @plsc.parallel_loop(0, D, unroll=8)
                    def _(cc, _t=t):
                        colv = (cc & -16) + ((rowi + cc) & 15)
                        vals = plsc.load_gather(stages[_t], [rowi, colv])
                        plsc.addupdate_scatter(slab, [dstv, colv], vals)

                for t in range(DEPTH):
                    @pl.when(t < nch)
                    def _(_t=t):
                        fire(_t, _t)

                def ring(q, _):
                    j0 = q * DEPTH
                    for t in range(DEPTH):
                        @pl.when(j0 + t < nch)
                        def _(_t=t):
                            drain(_t)
                            adds(_t, j0 + _t)

                            @pl.when(j0 + _t + DEPTH < nch)
                            def _():
                                fire(j0 + _t + DEPTH, _t)
                    return 0
                lax.fori_loop(0, (nch + DEPTH - 1) // DEPTH, ring, 0)
                return 0
            lax.fori_loop(0, NSEG, seg_body, 0)

            pltpu.sync_copy(slab.at[pl.ds(0, R)], out_hbm.at[pl.ds(lo, R)])

    return agg


_agg1 = _make_agg(DIN, NPAD // NW, 1, N)
_agg2 = _make_agg(DH, NPAD // (2 * NW), 2, NPAD)


def _mlp1_body(x_ref, agg_ref, w1_ref, b1_ref, w2_ref, b2_ref, o_ref):
    a = x_ref[...] + agg_ref[...]
    h = jnp.maximum(jnp.dot(a, w1_ref[...], precision=lax.Precision.HIGHEST,
                            preferred_element_type=jnp.float32) + b1_ref[...], 0.0)
    o = jnp.maximum(jnp.dot(h, w2_ref[...], precision=lax.Precision.HIGHEST,
                            preferred_element_type=jnp.float32) + b2_ref[...], 0.0)
    o_ref[...] = o


def _mlp2_body(h_ref, agg_ref, batch_ref, w1_ref, b1_ref, w2_ref, b2_ref,
               wl1_ref, bl1_ref, wl2_ref, bl2_ref, o_ref, pooled):
    i = pl.program_id(0)
    a = h_ref[...] + agg_ref[...]
    t = jnp.maximum(jnp.dot(a, w1_ref[...], precision=lax.Precision.HIGHEST,
                            preferred_element_type=jnp.float32) + b1_ref[...], 0.0)
    h2 = jnp.maximum(jnp.dot(t, w2_ref[...], precision=lax.Precision.HIGHEST,
                             preferred_element_type=jnp.float32) + b2_ref[...], 0.0)
    bb = batch_ref[0, 0, :]
    oh = (bb[:, None] == lax.broadcasted_iota(jnp.int32, (BN, G), 1)
          ).astype(jnp.float32)
    part = lax.dot_general(oh, h2, (((0,), (0,)), ((), ())),
                           precision=lax.Precision.HIGHEST,
                           preferred_element_type=jnp.float32)

    @pl.when(i == 0)
    def _():
        pooled[...] = part

    @pl.when(i > 0)
    def _():
        pooled[...] += part

    @pl.when(i == pl.num_programs(0) - 1)
    def _():
        r1 = jnp.maximum(jnp.dot(pooled[...], wl1_ref[...],
                                 precision=lax.Precision.HIGHEST,
                                 preferred_element_type=jnp.float32)
                         + bl1_ref[...], 0.0)
        o_ref[...] = jnp.dot(r1, wl2_ref[...], precision=lax.Precision.HIGHEST,
                             preferred_element_type=jnp.float32) + bl2_ref[...]


def _full(shape):
    return pl.BlockSpec(shape, lambda i: tuple(0 for _ in shape))


def kernel(x, edge_index, batch,
           W1a, b1a, W2a, b2a,
           W1b, b1b, W2b, b2b,
           Wl1, bl1, Wl2, bl2):
    xp = jnp.pad(x, ((0, NPAD - N), (0, 0)))
    esrc = edge_index[0]
    edst = edge_index[1]
    agg1 = _agg1(x, esrc, edst)

    grid = NPAD // BN
    h = pl.pallas_call(
        _mlp1_body,
        grid=(grid,),
        in_specs=[
            pl.BlockSpec((BN, DIN), lambda i: (i, 0)),
            pl.BlockSpec((BN, DIN), lambda i: (i, 0)),
            _full((DIN, DH)), _full((1, DH)),
            _full((DH, DH)), _full((1, DH)),
        ],
        out_specs=pl.BlockSpec((BN, DH), lambda i: (i, 0)),
        out_shape=jax.ShapeDtypeStruct((NPAD, DH), jnp.float32),
    )(xp, agg1, W1a, b1a.reshape(1, DH), W2a, b2a.reshape(1, DH))

    agg2 = _agg2(h, esrc, edst)

    batchp = jnp.pad(batch, (0, NPAD - N), constant_values=G)
    batch3d = batchp.reshape(grid, 1, BN)
    Wl2p = jnp.pad(Wl2, ((0, 0), (0, 127)))
    bl2p = jnp.pad(bl2, (0, 127)).reshape(1, 128)

    outp = pl.pallas_call(
        _mlp2_body,
        grid=(grid,),
        in_specs=[
            pl.BlockSpec((BN, DH), lambda i: (i, 0)),
            pl.BlockSpec((BN, DH), lambda i: (i, 0)),
            pl.BlockSpec((1, 1, BN), lambda i: (i, 0, 0)),
            _full((DH, DH)), _full((1, DH)),
            _full((DH, DH)), _full((1, DH)),
            _full((DH, DH)), _full((1, DH)),
            _full((DH, 128)), _full((1, 128)),
        ],
        out_specs=_full((G, 128)),
        out_shape=jax.ShapeDtypeStruct((G, 128), jnp.float32),
        scratch_shapes=[pltpu.VMEM((G, DH), jnp.float32)],
    )(h, agg2, batch3d,
      W1b, b1b.reshape(1, DH), W2b, b2b.reshape(1, DH),
      Wl1, bl1.reshape(1, DH), Wl2p, bl2p)
    return outp[:, 0]

# --- scband reference (transcript-rebuilt; emitter-appended) ---
"""Pipeline reference for scband-ginregression-68865505624352 (READ-ONLY COPY).

The authoritative reference and input builder live on the scoring server;
editing this copy changes nothing except your own understanding.
"""

import jax, jax.numpy as jnp
import numpy as np

N = 10000
E = 160000
DIN = 256
DH = 512
G = 64


def setup_inputs(seed: int = 0) -> dict:
    key = jax.random.key(seed)
    ks = jax.random.split(key, 16)
    s = 0.05
    x = jax.random.normal(ks[0], (N, DIN), dtype=jnp.float32)
    edge_index = jax.random.randint(ks[1], (2, E), 0, N)
    batch = jnp.sort(jax.random.randint(ks[2], (N,), 0, G))
    # GINConv1 MLP: Linear(DIN, DH) -> ReLU -> Linear(DH, DH)
    W1a = jax.random.normal(ks[3], (DIN, DH), dtype=jnp.float32) * s
    b1a = jax.random.normal(ks[4], (DH,), dtype=jnp.float32) * s
    W2a = jax.random.normal(ks[5], (DH, DH), dtype=jnp.float32) * s
    b2a = jax.random.normal(ks[6], (DH,), dtype=jnp.float32) * s
    # GINConv2 MLP: Linear(DH, DH) -> ReLU -> Linear(DH, DH)
    W1b = jax.random.normal(ks[7], (DH, DH), dtype=jnp.float32) * s
    b1b = jax.random.normal(ks[8], (DH,), dtype=jnp.float32) * s
    W2b = jax.random.normal(ks[9], (DH, DH), dtype=jnp.float32) * s
    b2b = jax.random.normal(ks[10], (DH,), dtype=jnp.float32) * s
    # Readout heads
    Wl1 = jax.random.normal(ks[11], (DH, DH), dtype=jnp.float32) * s
    bl1 = jax.random.normal(ks[12], (DH,), dtype=jnp.float32) * s
    Wl2 = jax.random.normal(ks[13], (DH, 1), dtype=jnp.float32) * s
    bl2 = jax.random.normal(ks[14], (1,), dtype=jnp.float32) * s
    return {
        "x": x, "edge_index": edge_index, "batch": batch,
        "W1a": W1a, "b1a": b1a, "W2a": W2a, "b2a": b2a,
        "W1b": W1b, "b1b": b1b, "W2b": W2b, "b2b": b2b,
        "Wl1": Wl1, "bl1": bl1, "Wl2": Wl2, "bl2": bl2,
    }


def _gin_conv(x, edge_index, W1, b1, W2, b2):
    # PyG GINConv: nn((1 + eps) * x + sum_{j in N(i)} x_j), eps=0 default.
    src = edge_index[0]
    dst = edge_index[1]
    agg = jnp.zeros_like(x).at[dst].add(x[src])
    h = x + agg  # (1 + 0.0) * x + agg
    h = jnp.maximum(h @ W1 + b1, 0.0)
    return h @ W2 + b2


def reference(x, edge_index, batch,
              W1a, b1a, W2a, b2a,
              W1b, b1b, W2b, b2b,
              Wl1, bl1, Wl2, bl2):
    h = jnp.maximum(_gin_conv(x, edge_index, W1a, b1a, W2a, b2a), 0.0)
    # num_layers = 1 iteration of conv2 (weights shared)
    h = jnp.maximum(_gin_conv(h, edge_index, W1b, b1b, W2b, b2b), 0.0)
    pooled = jax.ops.segment_sum(h, batch, num_segments=G)
    h2 = jnp.maximum(pooled @ Wl1 + bl1, 0.0)
    out = (h2 @ Wl2 + bl2).squeeze(-1)
    return out

if __name__ == "__main__":
    import jax
    _d = setup_inputs()
    print(jax.jit(kernel)(*tuple(_d.values())))

</pallas_src>

<mosaic_0001>
#map = affine_map<(d0, d1) -> (0, 0)>
#map1 = affine_map<(d0, d1) -> (0)>
module attributes {stable_mosaic.version = 14 : i64} {
  func.func @agg(%arg0: i32, %arg1: i32, %arg2: memref<10000x256xf32, #tpu.memory_space<hbm>>, %arg3: memref<160000xi32, #tpu.memory_space<hbm>>, %arg4: memref<160000xi32, #tpu.memory_space<hbm>>, %arg5: memref<10240x256xf32, #tpu.memory_space<hbm>>, %arg6: memref<8000xi32, #tpu.memory_space<vmem>>, %arg7: memref<8000xi32, #tpu.memory_space<vmem>>, %arg8: memref<8032xi32, #tpu.memory_space<vmem>>, %arg9: memref<8032xi32, #tpu.memory_space<vmem>>, %arg10: memref<16x256xf32, #tpu.memory_space<vmem>>, %arg11: memref<16x256xf32, #tpu.memory_space<vmem>>, %arg12: memref<16x256xf32, #tpu.memory_space<vmem>>, %arg13: memref<328x256xf32, #tpu.memory_space<vmem>>, %arg14: memref<!tpu.dma_semaphore, #tpu.memory_space<semaphore_mem>>, %arg15: memref<!tpu.dma_semaphore, #tpu.memory_space<semaphore_mem>>, %arg16: memref<!tpu.dma_semaphore, #tpu.memory_space<semaphore_mem>>) attributes {dimension_semantics = [#tpu.dimension_semantics<core_parallel>, #tpu.dimension_semantics<subcore_parallel>], iteration_bounds = array<i64: 2, 16>, scalar_prefetch = 0 : i64, scratch_operands = 11 : i64, tpu.core_type = #tpu.core_type<sc_vector_subcore>, window_params = [{transform_indices = #map}, {transform_indices = #map1}, {transform_indices = #map1}, {transform_indices = #map}]} {
    %mul3A = arith.constant 2 : i32
    %mul3A_0 = arith.muli %arg1, %mul3A : i32
    %add3A = arith.addi %mul3A_0, %arg0 : i32
    %broadcast_in_dim3A = arith.constant 0.000000e+00 : f32
    %broadcast_in_dim3A_1 = vector.broadcast %broadcast_in_dim3A : f32 to vector<16xf32>
    %iota3A = tpu.iota {dimensions = array<i32: 0>} : vector<16xi32>
    %mul3A_2 = arith.constant 311 : i32
    %mul3A_3 = arith.muli %add3A, %mul3A_2 : i32
    %broadcast_in_dim3A_4 = vector.broadcast %mul3A_3 : i32 to vector<16xi32>
    %broadcast_in_dim3A_5 = arith.constant 320 : i32
    %broadcast_in_dim3A_6 = vector.broadcast %broadcast_in_dim3A_5 : i32 to vector<16xi32>
    %add3A_7 = arith.constant 0 : i32
    %add3A_8 = arith.addi %add3A_7, %add3A : i32
    %mul3A_9 = arith.constant 320 : i32
    %mul3A_10 = arith.muli %add3A_8, %mul3A_9 : i32
    %parallel_loop3A = arith.constant 0 : i32
    %parallel_loop3A_11 = arith.constant 328 : i32
    %parallel_loop3A_12 = arith.constant 1 : i32
    scf.for %parallel_loop3A_19 = %parallel_loop3A to %parallel_loop3A_11 step %parallel_loop3A_12  : i32 {
      %parallel_loop3A_20 = arith.index_cast %parallel_loop3A_19 : i32 to index
      %parallel_loop3A_21 = arith.constant 0 : index
      %parallel_loop3A_22 = tpu.vector_load %arg13[%parallel_loop3A_20, %parallel_loop3A_21] {strides = array<i32>} : memref<328x256xf32, #tpu.memory_space<vmem>>, vector<16xf32>,
      tpu.vector_store %arg13[%parallel_loop3A_20, %parallel_loop3A_21], %broadcast_in_dim3A_1 {strides = array<i32>} : memref<328x256xf32, #tpu.memory_space<vmem>>, vector<16xf32>,
      %parallel_loop3A_23 = arith.index_cast %parallel_loop3A_19 : i32 to index
      %parallel_loop3A_24 = arith.constant 16 : index
      %parallel_loop3A_25 = tpu.vector_load %arg13[%parallel_loop3A_23, %parallel_loop3A_24] {strides = array<i32>} : memref<328x256xf32, #tpu.memory_space<vmem>>, vector<16xf32>,
      tpu.vector_store %arg13[%parallel_loop3A_23, %parallel_loop3A_24], %broadcast_in_dim3A_1 {strides = array<i32>} : memref<328x256xf32, #tpu.memory_space<vmem>>, vector<16xf32>,
      %parallel_loop3A_26 = arith.index_cast %parallel_loop3A_19 : i32 to index
      %parallel_loop3A_27 = arith.constant 32 : index
      %parallel_loop3A_28 = tpu.vector_load %arg13[%parallel_loop3A_26, %parallel_loop3A_27] {strides = array<i32>} : memref<328x256xf32, #tpu.memory_space<vmem>>, vector<16xf32>,
      tpu.vector_store %arg13[%parallel_loop3A_26, %parallel_loop3A_27], %broadcast_in_dim3A_1 {strides = array<i32>} : memref<328x256xf32, #tpu.memory_space<vmem>>, vector<16xf32>,
      %parallel_loop3A_29 = arith.index_cast %parallel_loop3A_19 : i32 to index
      %parallel_loop3A_30 = arith.constant 48 : index
      %parallel_loop3A_31 = tpu.vector_load %arg13[%parallel_loop3A_29, %parallel_loop3A_30] {strides = array<i32>} : memref<328x256xf32, #tpu.memory_space<vmem>>, vector<16xf32>,
      tpu.vector_store %arg13[%parallel_loop3A_29, %parallel_loop3A_30], %broadcast_in_dim3A_1 {strides = array<i32>} : memref<328x256xf32, #tpu.memory_space<vmem>>, vector<16xf32>,
      %parallel_loop3A_32 = arith.index_cast %parallel_loop3A_19 : i32 to index
      %parallel_loop3A_33 = arith.constant 64 : index
      %parallel_loop3A_34 = tpu.vector_load %arg13[%parallel_loop3A_32, %parallel_loop3A_33] {strides = array<i32>} : memref<328x256xf32, #tpu.memory_space<vmem>>, vector<16xf32>,
      tpu.vector_store %arg13[%parallel_loop3A_32, %parallel_loop3A_33], %broadcast_in_dim3A_1 {strides = array<i32>} : memref<328x256xf32, #tpu.memory_space<vmem>>, vector<16xf32>,
      %parallel_loop3A_35 = arith.index_cast %parallel_loop3A_19 : i32 to index
      %parallel_loop3A_36 = arith.constant 80 : index
      %parallel_loop3A_37 = tpu.vector_load %arg13[%parallel_loop3A_35, %parallel_loop3A_36] {strides = array<i32>} : memref<328x256xf32, #tpu.memory_space<vmem>>, vector<16xf32>,
      tpu.vector_store %arg13[%parallel_loop3A_35, %parallel_loop3A_36], %broadcast_in_dim3A_1 {strides = array<i32>} : memref<328x256xf32, #tpu.memory_space<vmem>>, vector<16xf32>,
      %parallel_loop3A_38 = arith.index_cast %parallel_loop3A_19 : i32 to index
      %parallel_loop3A_39 = arith.constant 96 : index
      %parallel_loop3A_40 = tpu.vector_load %arg13[%parallel_loop3A_38, %parallel_loop3A_39] {strides = array<i32>} : memref<328x256xf32, #tpu.memory_space<vmem>>, vector<16xf32>,
      tpu.vector_store %arg13[%parallel_loop3A_38, %parallel_loop3A_39], %broadcast_in_dim3A_1 {strides = array<i32>} : memref<328x256xf32, #tpu.memory_space<vmem>>, vector<16xf32>,
      %parallel_loop3A_41 = arith.index_cast %parallel_loop3A_19 : i32 to index
      %parallel_loop3A_42 = arith.constant 112 : index
      %parallel_loop3A_43 = tpu.vector_load %arg13[%parallel_loop3A_41, %parallel_loop3A_42] {strides = array<i32>} : memref<328x256xf32, #tpu.memory_space<vmem>>, vector<16xf32>,
      tpu.vector_store %arg13[%parallel_loop3A_41, %parallel_loop3A_42], %broadcast_in_dim3A_1 {strides = array<i32>} : memref<328x256xf32, #tpu.memory_space<vmem>>, vector<16xf32>,
      %parallel_loop3A_44 = arith.index_cast %parallel_loop3A_19 : i32 to index
      %parallel_loop3A_45 = arith.constant 128 : index
      %parallel_loop3A_46 = tpu.vector_load %arg13[%parallel_loop3A_44, %parallel_loop3A_45] {strides = array<i32>} : memref<328x256xf32, #tpu.memory_space<vmem>>, vector<16xf32>,
      tpu.vector_store %arg13[%parallel_loop3A_44, %parallel_loop3A_45], %broadcast_in_dim3A_1 {strides = array<i32>} : memref<328x256xf32, #tpu.memory_space<vmem>>, vector<16xf32>,
      %parallel_loop3A_47 = arith.index_cast %parallel_loop3A_19 : i32 to index
      %parallel_loop3A_48 = arith.constant 144 : index
      %parallel_loop3A_49 = tpu.vector_load %arg13[%parallel_loop3A_47, %parallel_loop3A_48] {strides = array<i32>} : memref<328x256xf32, #tpu.memory_space<vmem>>, vector<16xf32>,
      tpu.vector_store %arg13[%parallel_loop3A_47, %parallel_loop3A_48], %broadcast_in_dim3A_1 {strides = array<i32>} : memref<328x256xf32, #tpu.memory_space<vmem>>, vector<16xf32>,
      %parallel_loop3A_50 = arith.index_cast %parallel_loop3A_19 : i32 to index
      %parallel_loop3A_51 = arith.constant 160 : index
      %parallel_loop3A_52 = tpu.vector_load %arg13[%parallel_loop3A_50, %parallel_loop3A_51] {strides = array<i32>} : memref<328x256xf32, #tpu.memory_space<vmem>>, vector<16xf32>,
      tpu.vector_store %arg13[%parallel_loop3A_50, %parallel_loop3A_51], %broadcast_in_dim3A_1 {strides = array<i32>} : memref<328x256xf32, #tpu.memory_space<vmem>>, vector<16xf32>,
      %parallel_loop3A_53 = arith.index_cast %parallel_loop3A_19 : i32 to index
      %parallel_loop3A_54 = arith.constant 176 : index
      %parallel_loop3A_55 = tpu.vector_load %arg13[%parallel_loop3A_53, %parallel_loop3A_54] {strides = array<i32>} : memref<328x256xf32, #tpu.memory_space<vmem>>, vector<16xf32>,
      tpu.vector_store %arg13[%parallel_loop3A_53, %parallel_loop3A_54], %broadcast_in_dim3A_1 {strides = array<i32>} : memref<328x256xf32, #tpu.memory_space<vmem>>, vector<16xf32>,
      %parallel_loop3A_56 = arith.index_cast %parallel_loop3A_19 : i32 to index
      %parallel_loop3A_57 = arith.constant 192 : index
      %parallel_loop3A_58 = tpu.vector_load %arg13[%parallel_loop3A_56, %parallel_loop3A_57] {strides = array<i32>} : memref<328x256xf32, #tpu.memory_space<vmem>>, vector<16xf32>,
      tpu.vector_store %arg13[%parallel_loop3A_56, %parallel_loop3A_57], %broadcast_in_dim3A_1 {strides = array<i32>} : memref<328x256xf32, #tpu.memory_space<vmem>>, vector<16xf32>,
      %parallel_loop3A_59 = arith.index_cast %parallel_loop3A_19 : i32 to index
      %parallel_loop3A_60 = arith.constant 208 : index
      %parallel_loop3A_61 = tpu.vector_load %arg13[%parallel_loop3A_59, %parallel_loop3A_60] {strides = array<i32>} : memref<328x256xf32, #tpu.memory_space<vmem>>, vector<16xf32>,
      tpu.vector_store %arg13[%parallel_loop3A_59, %parallel_loop3A_60], %broadcast_in_dim3A_1 {strides = array<i32>} : memref<328x256xf32, #tpu.memory_space<vmem>>, vector<16xf32>,
      %parallel_loop3A_62 = arith.index_cast %parallel_loop3A_19 : i32 to index
      %parallel_loop3A_63 = arith.constant 224 : index
      %parallel_loop3A_64 = tpu.vector_load %arg13[%parallel_loop3A_62, %parallel_loop3A_63] {strides = array<i32>} : memref<328x256xf32, #tpu.memory_space<vmem>>, vector<16xf32>,
      tpu.vector_store %arg13[%parallel_loop3A_62, %parallel_loop3A_63], %broadcast_in_dim3A_1 {strides = array<i32>} : memref<328x256xf32, #tpu.memory_space<vmem>>, vector<16xf32>,
      %parallel_loop3A_65 = arith.index_cast %parallel_loop3A_19 : i32 to index
      %parallel_loop3A_66 = arith.constant 240 : index
      %parallel_loop3A_67 = tpu.vector_load %arg13[%parallel_loop3A_65, %parallel_loop3A_66] {strides = array<i32>} : memref<328x256xf32, #tpu.memory_space<vmem>>, vector<16xf32>,
      tpu.vector_store %arg13[%parallel_loop3A_65, %parallel_loop3A_66], %broadcast_in_dim3A_1 {strides = array<i32>} : memref<328x256xf32, #tpu.memory_space<vmem>>, vector<16xf32>,
    } {sc.loop_unroll_factor = 2 : i64, sc.parallel_access}
    %scan3A = arith.constant 0 : i32
    %scan3A_13 = arith.constant 0 : i32
    %scan3A_14 = arith.constant 20 : i32
    %scan3A_15 = arith.addi %scan3A_13, %scan3A_14 : i32
    %scan3A_16 = arith.constant 1 : i32
    %scan3A_17 = scf.for %scan3A_19 = %scan3A_13 to %scan3A_15 step %scan3A_16 iter_args(%scan3A_20 = %scan3A) -> (i32)  : i32 {
      %mul3A_21 = arith.constant 8000 : i32
      %mul3A_22 = arith.muli %scan3A_19, %mul3A_21 : i32
      "tpu.region"() ({
        %run_scoped3A = tpu.sem_alloc : memref<!tpu.dma_semaphore, #tpu.memory_space<semaphore_mem>>
        %dma_start3A = tpu.memref_slice %arg3[%mul3A_22] : memref<160000xi32, #tpu.memory_space<hbm>> -> memref<8000xi32, #tpu.memory_space<hbm>>
        %dma_start3A_105 = tpu.memref_slice %arg3[%mul3A_22] : memref<160000xi32, #tpu.memory_space<hbm>> -> memref<8000xi32, #tpu.memory_space<hbm>>
        tpu.enqueue_dma source(%dma_start3A_105 : memref<8000xi32, #tpu.memory_space<hbm>>) target(%arg6 : memref<8000xi32, #tpu.memory_space<vmem>>) target_semaphore(%run_scoped3A : memref<!tpu.dma_semaphore, #tpu.memory_space<semaphore_mem>>)
        %dma_wait3A = tpu.memref_slice %arg3[%mul3A_22] : memref<160000xi32, #tpu.memory_space<hbm>> -> memref<8000xi32, #tpu.memory_space<hbm>>
        %dma_wait3A_106 = tpu.memref_slice %arg3[%mul3A_22] : memref<160000xi32, #tpu.memory_space<hbm>> -> memref<8000xi32, #tpu.memory_space<hbm>>
        tpu.wait_dma2 semaphore(%run_scoped3A : memref<!tpu.dma_semaphore, #tpu.memory_space<semaphore_mem>>) src(%dma_wait3A_106 : memref<8000xi32, #tpu.memory_space<hbm>>) dst(%arg6 : memref<8000xi32, #tpu.memory_space<vmem>>)
        tpu.yield
      }) : () -> ()
      %mul3A_23 = arith.constant 8000 : i32
      %mul3A_24 = arith.muli %scan3A_19, %mul3A_23 : i32
      "tpu.region"() ({
        %run_scoped3A = tpu.sem_alloc : memref<!tpu.dma_semaphore, #tpu.memory_space<semaphore_mem>>
        %dma_start3A = tpu.memref_slice %arg4[%mul3A_24] : memref<160000xi32, #tpu.memory_space<hbm>> -> memref<8000xi32, #tpu.memory_space<hbm>>
        %dma_start3A_105 = tpu.memref_slice %arg4[%mul3A_24] : memref<160000xi32, #tpu.memory_space<hbm>> -> memref<8000xi32, #tpu.memory_space<hbm>>
        tpu.enqueue_dma source(%dma_start3A_105 : memref<8000xi32, #tpu.memory_space<hbm>>) target(%arg7 : memref<8000xi32, #tpu.memory_space<vmem>>) target_semaphore(%run_scoped3A : memref<!tpu.dma_semaphore, #tpu.memory_space<semaphore_mem>>)
        %dma_wait3A = tpu.memref_slice %arg4[%mul3A_24] : memref<160000xi32, #tpu.memory_space<hbm>> -> memref<8000xi32, #tpu.memory_space<hbm>>
        %dma_wait3A_106 = tpu.memref_slice %arg4[%mul3A_24] : memref<160000xi32, #tpu.memory_space<hbm>> -> memref<8000xi32, #tpu.memory_space<hbm>>
        tpu.wait_dma2 semaphore(%run_scoped3A : memref<!tpu.dma_semaphore, #tpu.memory_space<semaphore_mem>>) src(%dma_wait3A_106 : memref<8000xi32, #tpu.memory_space<hbm>>) dst(%arg7 : memref<8000xi32, #tpu.memory_space<vmem>>)
        tpu.yield
      }) : () -> ()
      %parallel_loop3A_25 = arith.constant 0 : i32
      %parallel_loop3A_26 = arith.constant 500 : i32
      %parallel_loop3A_27 = arith.constant 1 : i32
      %parallel_loop3A_28 = arith.constant 0 : i32
      %parallel_loop3A_29 = scf.for %parallel_loop3A_105 = %parallel_loop3A_25 to %parallel_loop3A_26 step %parallel_loop3A_27 iter_args(%parallel_loop3A_106 = %parallel_loop3A_28) -> (i32)  : i32 {
        %parallel_loop3A_107 = arith.constant 16 : i32
        %parallel_loop3A_108 = arith.muli %parallel_loop3A_105, %parallel_loop3A_107 : i32
        %parallel_loop3A_109 = arith.index_cast %parallel_loop3A_108 : i32 to index
        %parallel_loop3A_110 = tpu.vector_load %arg7[%parallel_loop3A_109] {strides = array<i32>} : memref<8000xi32, #tpu.memory_space<vmem>>, vector<16xi32>,
        %parallel_loop3A_111 = arith.constant 16 : i32
        %parallel_loop3A_112 = arith.muli %parallel_loop3A_105, %parallel_loop3A_111 : i32
        %parallel_loop3A_113 = arith.index_cast %parallel_loop3A_112 : i32 to index
        %parallel_loop3A_114 = tpu.vector_load %arg6[%parallel_loop3A_113] {strides = array<i32>} : memref<8000xi32, #tpu.memory_space<vmem>>, vector<16xi32>,
        %parallel_loop3A_115 = vector.broadcast %mul3A_10 : i32 to vector<16xi32>
        %parallel_loop3A_116 = arith.cmpi sge, %parallel_loop3A_110, %parallel_loop3A_115 : vector<16xi32>
        %parallel_loop3A_117 = arith.constant 320 : i32
        %parallel_loop3A_118 = arith.addi %mul3A_10, %parallel_loop3A_117 : i32
        %parallel_loop3A_119 = vector.broadcast %parallel_loop3A_118 : i32 to vector<16xi32>
        %parallel_loop3A_120 = arith.cmpi slt, %parallel_loop3A_110, %parallel_loop3A_119 : vector<16xi32>
        %parallel_loop3A_121 = arith.andi %parallel_loop3A_116, %parallel_loop3A_120 : vector<16xi1>
        %parallel_loop3A_122 = arith.extui %parallel_loop3A_121 : vector<16xi1> to vector<16xi32>
        %parallel_loop3A_123 = arith.constant true
        %parallel_loop3A_124 = vector.broadcast %parallel_loop3A_123 : i1 to vector<16xi1>
        %parallel_loop3A_125 = tpu.scan <sum>, %parallel_loop3A_122 masked %parallel_loop3A_124 : vector<16xi32>, vector<16xi1> -> vector<16xi32>
        %parallel_loop3A_126 = vector.broadcast %parallel_loop3A_106 : i32 to vector<16xi32>
        %parallel_loop3A_127 = arith.addi %parallel_loop3A_126, %parallel_loop3A_125 : vector<16xi32>
        %parallel_loop3A_128 = arith.constant 1 : i32
        %parallel_loop3A_129 = vector.broadcast %parallel_loop3A_128 : i32 to vector<16xi32>
        %parallel_loop3A_130 = arith.subi %parallel_loop3A_127, %parallel_loop3A_129 : vector<16xi32>
        tpu.vector_store_idx %arg8[%parallel_loop3A_130], %parallel_loop3A_114 masked %parallel_loop3A_121 : memref<8032xi32, #tpu.memory_space<vmem>>[vector<16xi32>], vector<16xi32>, vector<16xi1>
        %parallel_loop3A_131 = vector.broadcast %mul3A_10 : i32 to vector<16xi32>
        %parallel_loop3A_132 = arith.subi %parallel_loop3A_110, %parallel_loop3A_131 : vector<16xi32>
        tpu.vector_store_idx %arg9[%parallel_loop3A_130], %parallel_loop3A_132 masked %parallel_loop3A_121 : memref<8032xi32, #tpu.memory_space<vmem>>[vector<16xi32>], vector<16xi32>, vector<16xi1>
        %parallel_loop3A_133 = tpu.all_reduce %parallel_loop3A_121 {dim = 0 : i64, kind = #tpu.reduction_kind<sum>} : vector<16xi1> -> vector<16xi32>
        %parallel_loop3A_134 = vector.extract_strided_slice %parallel_loop3A_133 {offsets = [0], sizes = [1], strides = [1]} : vector<16xi32> to vector<1xi32>
        %parallel_loop3A_135 = vector.extract %parallel_loop3A_134[0] : i32 from vector<1xi32>
        %parallel_loop3A_136 = arith.addi %parallel_loop3A_106, %parallel_loop3A_135 : i32
        scf.yield %parallel_loop3A_136 : i32
      } {sc.loop_unroll_factor = 4 : i64, sc.parallel_access}
      %swap3A = arith.index_cast %parallel_loop3A_29 : i32 to index
      %swap3A_30 = tpu.vector_load %arg8[%swap3A] {strides = array<i32>} : memref<8032xi32, #tpu.memory_space<vmem>>, vector<16xi32>,
      tpu.vector_store %arg8[%swap3A], %broadcast_in_dim3A_4 {strides = array<i32>} : memref<8032xi32, #tpu.memory_space<vmem>>, vector<16xi32>,
      %swap3A_31 = arith.index_cast %parallel_loop3A_29 : i32 to index
      %swap3A_32 = tpu.vector_load %arg9[%swap3A_31] {strides = array<i32>} : memref<8032xi32, #tpu.memory_space<vmem>>, vector<16xi32>,
      tpu.vector_store %arg9[%swap3A_31], %broadcast_in_dim3A_6 {strides = array<i32>} : memref<8032xi32, #tpu.memory_space<vmem>>, vector<16xi32>,
      %add3A_33 = arith.constant 16 : i32
      %add3A_34 = arith.addi %parallel_loop3A_29, %add3A_33 : i32
      %sub3A = arith.constant 1 : i32
      %sub3A_35 = arith.subi %add3A_34, %sub3A : i32
      %jit3A = arith.constant 16 : i32
      %div3A = arith.divsi %sub3A_35, %jit3A : i32
      %sign3A = arith.constant 0 : i32
      %sign3A_36 = arith.cmpi sgt, %sub3A_35, %sign3A : i32
      %sign3A_37 = arith.extui %sign3A_36 : i1 to i32
      %sign3A_38 = arith.constant 0 : i32
      %sign3A_39 = arith.cmpi slt, %sub3A_35, %sign3A_38 : i32
      %sign3A_40 = arith.extui %sign3A_39 : i1 to i32
      %sign3A_41 = arith.subi %sign3A_37, %sign3A_40 : i32
      %sign3A_42 = arith.constant 0 : i32
      %sign3A_43 = arith.cmpi sgt, %jit3A, %sign3A_42 : i32
      %sign3A_44 = arith.extui %sign3A_43 : i1 to i32
      %sign3A_45 = arith.constant 0 : i32
      %sign3A_46 = arith.cmpi slt, %jit3A, %sign3A_45 : i32
      %sign3A_47 = arith.extui %sign3A_46 : i1 to i32
      %sign3A_48 = arith.subi %sign3A_44, %sign3A_47 : i32
      %ne3A = arith.cmpi ne, %sign3A_41, %sign3A_48 : i32
      %rem3A = arith.remsi %sub3A_35, %jit3A : i32
      %ne3A_49 = arith.constant 0 : i32
      %ne3A_50 = arith.cmpi ne, %rem3A, %ne3A_49 : i32
      %and3A = arith.andi %ne3A, %ne3A_50 : i1
      %sub3A_51 = arith.constant 1 : i32
      %sub3A_52 = arith.subi %div3A, %sub3A_51 : i32
      %select_n3A = arith.select %and3A, %sub3A_52, %div3A : i32
      %gt3A = arith.constant 0 : i32
      %gt3A_53 = arith.cmpi sgt, %select_n3A, %gt3A : i32
      %convert_element_type3A = arith.extui %gt3A_53 : i1 to i32
      %cond3A = arith.constant 0 : i32
      %cond3A_54 = arith.cmpi ne, %convert_element_type3A, %cond3A : i32
      scf.if %cond3A_54 {
        %dma_start3A = arith.constant 0 : i32
        %dma_start3A_105 = tpu.memref_slice %arg8[%dma_start3A] : memref<8032xi32, #tpu.memory_space<vmem>> -> memref<16xi32, #tpu.memory_space<vmem>>
        %dma_start3A_106 = arith.constant 0 : i32
        %dma_start3A_107 = arith.constant 0 : i32
        %dma_start3A_108 = tpu.memref_slice %arg2[%dma_start3A_106, %dma_start3A_107] : memref<10000x256xf32, #tpu.memory_space<hbm>> -> memref<10000x256xf32, #tpu.memory_space<hbm>>
        tpu.enqueue_indirect_dma source(%dma_start3A_108 : memref<10000x256xf32, #tpu.memory_space<hbm>>) target(%arg10 : memref<16x256xf32, #tpu.memory_space<vmem>>) offsets(%dma_start3A_105 : memref<16xi32, #tpu.memory_space<vmem>>) semaphore(%arg14 : memref<!tpu.dma_semaphore, #tpu.memory_space<semaphore_mem>>)
      } else {
      }
      %gt3A_55 = arith.constant 1 : i32
      %gt3A_56 = arith.cmpi sgt, %select_n3A, %gt3A_55 : i32
      %convert_element_type3A_57 = arith.extui %gt3A_56 : i1 to i32
      %cond3A_58 = arith.constant 0 : i32
      %cond3A_59 = arith.cmpi ne, %convert_element_type3A_57, %cond3A_58 : i32
      scf.if %cond3A_59 {
        %dma_start3A = arith.constant 16 : i32
        %dma_start3A_105 = tpu.memref_slice %arg8[%dma_start3A] : memref<8032xi32, #tpu.memory_space<vmem>> -> memref<16xi32, #tpu.memory_space<vmem>>
        %dma_start3A_106 = arith.constant 0 : i32
        %dma_start3A_107 = arith.constant 0 : i32
        %dma_start3A_108 = tpu.memref_slice %arg2[%dma_start3A_106, %dma_start3A_107] : memref<10000x256xf32, #tpu.memory_space<hbm>> -> memref<10000x256xf32, #tpu.memory_space<hbm>>
        tpu.enqueue_indirect_dma source(%dma_start3A_108 : memref<10000x256xf32, #tpu.memory_space<hbm>>) target(%arg11 : memref<16x256xf32, #tpu.memory_space<vmem>>) offsets(%dma_start3A_105 : memref<16xi32, #tpu.memory_space<vmem>>) semaphore(%arg15 : memref<!tpu.dma_semaphore, #tpu.memory_space<semaphore_mem>>)
      } else {
      }
      %gt3A_60 = arith.constant 2 : i32
      %gt3A_61 = arith.cmpi sgt, %select_n3A, %gt3A_60 : i32
      %convert_element_type3A_62 = arith.extui %gt3A_61 : i1 to i32
      %cond3A_63 = arith.constant 0 : i32
      %cond3A_64 = arith.cmpi ne, %convert_element_type3A_62, %cond3A_63 : i32
      scf.if %cond3A_64 {
        %dma_start3A = arith.constant 32 : i32
        %dma_start3A_105 = tpu.memref_slice %arg8[%dma_start3A] : memref<8032xi32, #tpu.memory_space<vmem>> -> memref<16xi32, #tpu.memory_space<vmem>>
        %dma_start3A_106 = arith.constant 0 : i32
        %dma_start3A_107 = arith.constant 0 : i32
        %dma_start3A_108 = tpu.memref_slice %arg2[%dma_start3A_106, %dma_start3A_107] : memref<10000x256xf32, #tpu.memory_space<hbm>> -> memref<10000x256xf32, #tpu.memory_space<hbm>>
        tpu.enqueue_indirect_dma source(%dma_start3A_108 : memref<10000x256xf32, #tpu.memory_space<hbm>>) target(%arg12 : memref<16x256xf32, #tpu.memory_space<vmem>>) offsets(%dma_start3A_105 : memref<16xi32, #tpu.memory_space<vmem>>) semaphore(%arg16 : memref<!tpu.dma_semaphore, #tpu.memory_space<semaphore_mem>>)
      } else {
      }
      %add3A_65 = arith.constant 3 : i32
      %add3A_66 = arith.addi %select_n3A, %add3A_65 : i32
      %sub3A_67 = arith.constant 1 : i32
      %sub3A_68 = arith.subi %add3A_66, %sub3A_67 : i32
      %jit3A_69 = arith.constant 3 : i32
      %div3A_70 = arith.divsi %sub3A_68, %jit3A_69 : i32
      %sign3A_71 = arith.constant 0 : i32
      %sign3A_72 = arith.cmpi sgt, %sub3A_68, %sign3A_71 : i32
      %sign3A_73 = arith.extui %sign3A_72 : i1 to i32
      %sign3A_74 = arith.constant 0 : i32
      %sign3A_75 = arith.cmpi slt, %sub3A_68, %sign3A_74 : i32
      %sign3A_76 = arith.extui %sign3A_75 : i1 to i32
      %sign3A_77 = arith.subi %sign3A_73, %sign3A_76 : i32
      %sign3A_78 = arith.constant 0 : i32
      %sign3A_79 = arith.cmpi sgt, %jit3A_69, %sign3A_78 : i32
      %sign3A_80 = arith.extui %sign3A_79 : i1 to i32
      %sign3A_81 = arith.constant 0 : i32
      %sign3A_82 = arith.cmpi slt, %jit3A_69, %sign3A_81 : i32
      %sign3A_83 = arith.extui %sign3A_82 : i1 to i32
      %sign3A_84 = arith.subi %sign3A_80, %sign3A_83 : i32
      %ne3A_85 = arith.cmpi ne, %sign3A_77, %sign3A_84 : i32
      %rem3A_86 = arith.remsi %sub3A_68, %jit3A_69 : i32
      %ne3A_87 = arith.constant 0 : i32
      %ne3A_88 = arith.cmpi ne, %rem3A_86, %ne3A_87 : i32
      %and3A_89 = arith.andi %ne3A_85, %ne3A_88 : i1
      %sub3A_90 = arith.constant 1 : i32
      %sub3A_91 = arith.subi %div3A_70, %sub3A_90 : i32
      %select_n3A_92 = arith.select %and3A_89, %sub3A_91, %div3A_70 : i32
      %while3A = arith.constant 0 : i32
      %while3A_93 = arith.constant 0 : i32
      %while3A_94 = arith.subi %select_n3A_92, %while3A : i32
      %while3A_95 = arith.addi %while3A, %while3A_94 : i32
      %while3A_96 = arith.constant 1 : i32
      %while3A_97 = arith.divsi %while3A_94, %while3A_96 : i32
      %while3A_98 = arith.muli %while3A_97, %while3A_96 : i32
      %while3A_99 = arith.addi %while3A, %while3A_98 : i32
      %while3A_100 = arith.constant 1 : i32
      %while3A_101 = scf.for %while3A_105 = %while3A to %while3A_99 step %while3A_100 iter_args(%while3A_106 = %while3A_93) -> (i32)  : i32 {
        %mul3A_107 = arith.constant 3 : i32
        %mul3A_108 = arith.muli %while3A_105, %mul3A_107 : i32
        %add3A_109 = arith.constant 0 : i32
        %add3A_110 = arith.addi %mul3A_108, %add3A_109 : i32
        %lt3A = arith.cmpi slt, %add3A_110, %select_n3A : i32
        %convert_element_type3A_111 = arith.extui %lt3A : i1 to i32
        %cond3A_112 = arith.constant 0 : i32
        %cond3A_113 = arith.cmpi ne, %convert_element_type3A_111, %cond3A_112 : i32
        scf.if %cond3A_113 {
          %dma_wait3A = arith.constant 0 : i32
          %dma_wait3A_127 = tpu.memref_slice %arg8[%dma_wait3A] : memref<8032xi32, #tpu.memory_space<vmem>> -> memref<16xi32, #tpu.memory_space<vmem>>
          %dma_wait3A_128 = arith.constant 0 : i32
          %dma_wait3A_129 = arith.constant 0 : i32
          %dma_wait3A_130 = tpu.memref_slice %arg2[%dma_wait3A_128, %dma_wait3A_129] : memref<10000x256xf32, #tpu.memory_space<hbm>> -> memref<10000x256xf32, #tpu.memory_space<hbm>>
          tpu.wait_indirect_dma semaphore(%arg14 : memref<!tpu.dma_semaphore, #tpu.memory_space<semaphore_mem>>) src(%dma_wait3A_130 : memref<10000x256xf32, #tpu.memory_space<hbm>>) dst(%arg10 : memref<16x256xf32, #tpu.memory_space<vmem>>)
          %add3A_131 = arith.constant 0 : i32
          %add3A_132 = arith.addi %mul3A_108, %add3A_131 : i32
          %mul3A_133 = arith.constant 16 : i32
          %mul3A_134 = arith.muli %add3A_132, %mul3A_133 : i32
          %get3A = arith.index_cast %mul3A_134 : i32 to index
          %get3A_135 = tpu.vector_load %arg9[%get3A] {strides = array<i32>} : memref<8032xi32, #tpu.memory_space<vmem>>, vector<16xi32>,
          %parallel_loop3A_136 = arith.constant 0 : i32
          %parallel_loop3A_137 = arith.constant 256 : i32
          %parallel_loop3A_138 = arith.constant 1 : i32
          scf.for %parallel_loop3A_147 = %parallel_loop3A_136 to %parallel_loop3A_137 step %parallel_loop3A_138  : i32 {
            %parallel_loop3A_148 = arith.constant -16 : i32
            %parallel_loop3A_149 = arith.andi %parallel_loop3A_147, %parallel_loop3A_148 : i32
            %parallel_loop3A_150 = vector.broadcast %parallel_loop3A_147 : i32 to vector<16xi32>
            %parallel_loop3A_151 = arith.addi %iota3A, %parallel_loop3A_150 : vector<16xi32>
            %parallel_loop3A_152 = arith.constant 15 : i32
            %parallel_loop3A_153 = vector.broadcast %parallel_loop3A_152 : i32 to vector<16xi32>
            %parallel_loop3A_154 = arith.andi %parallel_loop3A_151, %parallel_loop3A_153 : vector<16xi32>
            %parallel_loop3A_155 = vector.broadcast %parallel_loop3A_149 : i32 to vector<16xi32>
            %parallel_loop3A_156 = arith.addi %parallel_loop3A_155, %parallel_loop3A_154 : vector<16xi32>
            %parallel_loop3A_157 = tpu.vector_load_idx %arg10[%iota3A, %parallel_loop3A_156] : memref<16x256xf32, #tpu.memory_space<vmem>>[vector<16xi32>, vector<16xi32>], vector<16xf32>,
            tpu.vector_store_idx %arg13[%get3A_135, %parallel_loop3A_156], %parallel_loop3A_157 {add = true} : memref<328x256xf32, #tpu.memory_space<vmem>>[vector<16xi32>, vector<16xi32>], vector<16xf32>,
          } {sc.loop_unroll_factor = 8 : i64, sc.parallel_access}
          %add3A_139 = arith.constant 0 : i32
          %add3A_140 = arith.addi %mul3A_108, %add3A_139 : i32
          %add3A_141 = arith.constant 3 : i32
          %add3A_142 = arith.addi %add3A_140, %add3A_141 : i32
          %lt3A_143 = arith.cmpi slt, %add3A_142, %select_n3A : i32
          %convert_element_type3A_144 = arith.extui %lt3A_143 : i1 to i32
          %cond3A_145 = arith.constant 0 : i32
          %cond3A_146 = arith.cmpi ne, %convert_element_type3A_144, %cond3A_145 : i32
          scf.if %cond3A_146 {
            %add3A_147 = arith.constant 0 : i32
            %add3A_148 = arith.addi %mul3A_108, %add3A_147 : i32
            %add3A_149 = arith.constant 3 : i32
            %add3A_150 = arith.addi %add3A_148, %add3A_149 : i32
            %mul3A_151 = arith.constant 16 : i32
            %mul3A_152 = arith.muli %add3A_150, %mul3A_151 : i32
            %dma_start3A = tpu.memref_slice %arg8[%mul3A_152] : memref<8032xi32, #tpu.memory_space<vmem>> -> memref<16xi32, #tpu.memory_space<vmem>>
            %dma_start3A_153 = arith.constant 0 : i32
            %dma_start3A_154 = arith.constant 0 : i32
            %dma_start3A_155 = tpu.memref_slice %arg2[%dma_start3A_153, %dma_start3A_154] : memref<10000x256xf32, #tpu.memory_space<hbm>> -> memref<10000x256xf32, #tpu.memory_space<hbm>>
            tpu.enqueue_indirect_dma source(%dma_start3A_155 : memref<10000x256xf32, #tpu.memory_space<hbm>>) target(%arg10 : memref<16x256xf32, #tpu.memory_space<vmem>>) offsets(%dma_start3A : memref<16xi32, #tpu.memory_space<vmem>>) semaphore(%arg14 : memref<!tpu.dma_semaphore, #tpu.memory_space<semaphore_mem>>)
          } else {
          }
        } else {
        }
        %add3A_114 = arith.constant 1 : i32
        %add3A_115 = arith.addi %mul3A_108, %add3A_114 : i32
        %lt3A_116 = arith.cmpi slt, %add3A_115, %select_n3A : i32
        %convert_element_type3A_117 = arith.extui %lt3A_116 : i1 to i32
        %cond3A_118 = arith.constant 0 : i32
        %cond3A_119 = arith.cmpi ne, %convert_element_type3A_117, %cond3A_118 : i32
        scf.if %cond3A_119 {
          %dma_wait3A = arith.constant 0 : i32
          %dma_wait3A_127 = tpu.memref_slice %arg8[%dma_wait3A] : memref<8032xi32, #tpu.memory_space<vmem>> -> memref<16xi32, #tpu.memory_space<vmem>>
          %dma_wait3A_128 = arith.constant 0 : i32
          %dma_wait3A_129 = arith.constant 0 : i32
          %dma_wait3A_130 = tpu.memref_slice %arg2[%dma_wait3A_128, %dma_wait3A_129] : memref<10000x256xf32, #tpu.memory_space<hbm>> -> memref<10000x256xf32, #tpu.memory_space<hbm>>
          tpu.wait_indirect_dma semaphore(%arg15 : memref<!tpu.dma_semaphore, #tpu.memory_space<semaphore_mem>>) src(%dma_wait3A_130 : memref<10000x256xf32, #tpu.memory_space<hbm>>) dst(%arg11 : memref<16x256xf32, #tpu.memory_space<vmem>>)
          %add3A_131 = arith.constant 1 : i32
          %add3A_132 = arith.addi %mul3A_108, %add3A_131 : i32
          %mul3A_133 = arith.constant 16 : i32
          %mul3A_134 = arith.muli %add3A_132, %mul3A_133 : i32
          %get3A = arith.index_cast %mul3A_134 : i32 to index
          %get3A_135 = tpu.vector_load %arg9[%get3A] {strides = array<i32>} : memref<8032xi32, #tpu.memory_space<vmem>>, vector<16xi32>,
          %parallel_loop3A_136 = arith.constant 0 : i32
          %parallel_loop3A_137 = arith.constant 256 : i32
          %parallel_loop3A_138 = arith.constant 1 : i32
          scf.for %parallel_loop3A_147 = %parallel_loop3A_136 to %parallel_loop3A_137 step %parallel_loop3A_138  : i32 {
            %parallel_loop3A_148 = arith.constant -16 : i32
            %parallel_loop3A_149 = arith.andi %parallel_loop3A_147, %parallel_loop3A_148 : i32
            %parallel_loop3A_150 = vector.broadcast %parallel_loop3A_147 : i32 to vector<16xi32>
            %parallel_loop3A_151 = arith.addi %iota3A, %parallel_loop3A_150 : vector<16xi32>
            %parallel_loop3A_152 = arith.constant 15 : i32
            %parallel_loop3A_153 = vector.broadcast %parallel_loop3A_152 : i32 to vector<16xi32>
            %parallel_loop3A_154 = arith.andi %parallel_loop3A_151, %parallel_loop3A_153 : vector<16xi32>
            %parallel_loop3A_155 = vector.broadcast %parallel_loop3A_149 : i32 to vector<16xi32>
            %parallel_loop3A_156 = arith.addi %parallel_loop3A_155, %parallel_loop3A_154 : vector<16xi32>
            %parallel_loop3A_157 = tpu.vector_load_idx %arg11[%iota3A, %parallel_loop3A_156] : memref<16x256xf32, #tpu.memory_space<vmem>>[vector<16xi32>, vector<16xi32>], vector<16xf32>,
            tpu.vector_store_idx %arg13[%get3A_135, %parallel_loop3A_156], %parallel_loop3A_157 {add = true} : memref<328x256xf32, #tpu.memory_space<vmem>>[vector<16xi32>, vector<16xi32>], vector<16xf32>,
          } {sc.loop_unroll_factor = 8 : i64, sc.parallel_access}
          %add3A_139 = arith.constant 1 : i32
          %add3A_140 = arith.addi %mul3A_108, %add3A_139 : i32
          %add3A_141 = arith.constant 3 : i32
          %add3A_142 = arith.addi %add3A_140, %add3A_141 : i32
          %lt3A_143 = arith.cmpi slt, %add3A_142, %select_n3A : i32
          %convert_element_type3A_144 = arith.extui %lt3A_143 : i1 to i32
          %cond3A_145 = arith.constant 0 : i32
          %cond3A_146 = arith.cmpi ne, %convert_element_type3A_144, %cond3A_145 : i32
          scf.if %cond3A_146 {
            %add3A_147 = arith.constant 1 : i32
            %add3A_148 = arith.addi %mul3A_108, %add3A_147 : i32
            %add3A_149 = arith.constant 3 : i32
            %add3A_150 = arith.addi %add3A_148, %add3A_149 : i32
            %mul3A_151 = arith.constant 16 : i32
            %mul3A_152 = arith.muli %add3A_150, %mul3A_151 : i32
            %dma_start3A = tpu.memref_slice %arg8[%mul3A_152] : memref<8032xi32, #tpu.memory_space<vmem>> -> memref<16xi32, #tpu.memory_space<vmem>>
            %dma_start3A_153 = arith.constant 0 : i32
            %dma_start3A_154 = arith.constant 0 : i32
            %dma_start3A_155 = tpu.memref_slice %arg2[%dma_start3A_153, %dma_start3A_154] : memref<10000x256xf32, #tpu.memory_space<hbm>> -> memref<10000x256xf32, #tpu.memory_space<hbm>>
            tpu.enqueue_indirect_dma source(%dma_start3A_155 : memref<10000x256xf32, #tpu.memory_space<hbm>>) target(%arg11 : memref<16x256xf32, #tpu.memory_space<vmem>>) offsets(%dma_start3A : memref<16xi32, #tpu.memory_space<vmem>>) semaphore(%arg15 : memref<!tpu.dma_semaphore, #tpu.memory_space<semaphore_mem>>)
          } else {
          }
        } else {
        }
        %add3A_120 = arith.constant 2 : i32
        %add3A_121 = arith.addi %mul3A_108, %add3A_120 : i32
        %lt3A_122 = arith.cmpi slt, %add3A_121, %select_n3A : i32
        %convert_element_type3A_123 = arith.extui %lt3A_122 : i1 to i32
        %cond3A_124 = arith.constant 0 : i32
        %cond3A_125 = arith.cmpi ne, %convert_element_type3A_123, %cond3A_124 : i32
        scf.if %cond3A_125 {
          %dma_wait3A = arith.constant 0 : i32
          %dma_wait3A_127 = tpu.memref_slice %arg8[%dma_wait3A] : memref<8032xi32, #tpu.memory_space<vmem>> -> memref<16xi32, #tpu.memory_space<vmem>>
          %dma_wait3A_128 = arith.constant 0 : i32
          %dma_wait3A_129 = arith.constant 0 : i32
          %dma_wait3A_130 = tpu.memref_slice %arg2[%dma_wait3A_128, %dma_wait3A_129] : memref<10000x256xf32, #tpu.memory_space<hbm>> -> memref<10000x256xf32, #tpu.memory_space<hbm>>
          tpu.wait_indirect_dma semaphore(%arg16 : memref<!tpu.dma_semaphore, #tpu.memory_space<semaphore_mem>>) src(%dma_wait3A_130 : memref<10000x256xf32, #tpu.memory_space<hbm>>) dst(%arg12 : memref<16x256xf32, #tpu.memory_space<vmem>>)
          %add3A_131 = arith.constant 2 : i32
          %add3A_132 = arith.addi %mul3A_108, %add3A_131 : i32
          %mul3A_133 = arith.constant 16 : i32
          %mul3A_134 = arith.muli %add3A_132, %mul3A_133 : i32
          %get3A = arith.index_cast %mul3A_134 : i32 to index
          %get3A_135 = tpu.vector_load %arg9[%get3A] {strides = array<i32>} : memref<8032xi32, #tpu.memory_space<vmem>>, vector<16xi32>,
          %parallel_loop3A_136 = arith.constant 0 : i32
          %parallel_loop3A_137 = arith.constant 256 : i32
          %parallel_loop3A_138 = arith.constant 1 : i32
          scf.for %parallel_loop3A_147 = %parallel_loop3A_136 to %parallel_loop3A_137 step %parallel_loop3A_138  : i32 {
            %parallel_loop3A_148 = arith.constant -16 : i32
            %parallel_loop3A_149 = arith.andi %parallel_loop3A_147, %parallel_loop3A_148 : i32
            %parallel_loop3A_150 = vector.broadcast %parallel_loop3A_147 : i32 to vector<16xi32>
            %parallel_loop3A_151 = arith.addi %iota3A, %parallel_loop3A_150 : vector<16xi32>
            %parallel_loop3A_152 = arith.constant 15 : i32
            %parallel_loop3A_153 = vector.broadcast %parallel_loop3A_152 : i32 to vector<16xi32>
            %parallel_loop3A_154 = arith.andi %parallel_loop3A_151, %parallel_loop3A_153 : vector<16xi32>
            %parallel_loop3A_155 = vector.broadcast %parallel_loop3A_149 : i32 to vector<16xi32>
            %parallel_loop3A_156 = arith.addi %parallel_loop3A_155, %parallel_loop3A_154 : vector<16xi32>
            %parallel_loop3A_157 = tpu.vector_load_idx %arg12[%iota3A, %parallel_loop3A_156] : memref<16x256xf32, #tpu.memory_space<vmem>>[vector<16xi32>, vector<16xi32>], vector<16xf32>,
            tpu.vector_store_idx %arg13[%get3A_135, %parallel_loop3A_156], %parallel_loop3A_157 {add = true} : memref<328x256xf32, #tpu.memory_space<vmem>>[vector<16xi32>, vector<16xi32>], vector<16xf32>,
          } {sc.loop_unroll_factor = 8 : i64, sc.parallel_access}
          %add3A_139 = arith.constant 2 : i32
          %add3A_140 = arith.addi %mul3A_108, %add3A_139 : i32
          %add3A_141 = arith.constant 3 : i32
          %add3A_142 = arith.addi %add3A_140, %add3A_141 : i32
          %lt3A_143 = arith.cmpi slt, %add3A_142, %select_n3A : i32
          %convert_element_type3A_144 = arith.extui %lt3A_143 : i1 to i32
          %cond3A_145 = arith.constant 0 : i32
          %cond3A_146 = arith.cmpi ne, %convert_element_type3A_144, %cond3A_145 : i32
          scf.if %cond3A_146 {
            %add3A_147 = arith.constant 2 : i32
            %add3A_148 = arith.addi %mul3A_108, %add3A_147 : i32
            %add3A_149 = arith.constant 3 : i32
            %add3A_150 = arith.addi %add3A_148, %add3A_149 : i32
            %mul3A_151 = arith.constant 16 : i32
            %mul3A_152 = arith.muli %add3A_150, %mul3A_151 : i32
            %dma_start3A = tpu.memref_slice %arg8[%mul3A_152] : memref<8032xi32, #tpu.memory_space<vmem>> -> memref<16xi32, #tpu.memory_space<vmem>>
            %dma_start3A_153 = arith.constant 0 : i32
            %dma_start3A_154 = arith.constant 0 : i32
            %dma_start3A_155 = tpu.memref_slice %arg2[%dma_start3A_153, %dma_start3A_154] : memref<10000x256xf32, #tpu.memory_space<hbm>> -> memref<10000x256xf32, #tpu.memory_space<hbm>>
            tpu.enqueue_indirect_dma source(%dma_start3A_155 : memref<10000x256xf32, #tpu.memory_space<hbm>>) target(%arg12 : memref<16x256xf32, #tpu.memory_space<vmem>>) offsets(%dma_start3A : memref<16xi32, #tpu.memory_space<vmem>>) semaphore(%arg16 : memref<!tpu.dma_semaphore, #tpu.memory_space<semaphore_mem>>)
          } else {
          }
        } else {
        }
        %while3A_126 = arith.constant 0 : i32
        scf.yield %while3A_126 : i32
      }
      %while3A_102 = arith.constant 1 : i32
      %while3A_103 = scf.for %while3A_105 = %while3A_99 to %while3A_95 step %while3A_102 iter_args(%while3A_106 = %while3A_101) -> (i32)  : i32 {
        %mul3A_107 = arith.constant 3 : i32
        %mul3A_108 = arith.muli %while3A_105, %mul3A_107 : i32
        %add3A_109 = arith.constant 0 : i32
        %add3A_110 = arith.addi %mul3A_108, %add3A_109 : i32
        %lt3A = arith.cmpi slt, %add3A_110, %select_n3A : i32
        %convert_element_type3A_111 = arith.extui %lt3A : i1 to i32
        %cond3A_112 = arith.constant 0 : i32
        %cond3A_113 = arith.cmpi ne, %convert_element_type3A_111, %cond3A_112 : i32
        scf.if %cond3A_113 {
          %dma_wait3A = arith.constant 0 : i32
          %dma_wait3A_127 = tpu.memref_slice %arg8[%dma_wait3A] : memref<8032xi32, #tpu.memory_space<vmem>> -> memref<16xi32, #tpu.memory_space<vmem>>
          %dma_wait3A_128 = arith.constant 0 : i32
          %dma_wait3A_129 = arith.constant 0 : i32
          %dma_wait3A_130 = tpu.memref_slice %arg2[%dma_wait3A_128, %dma_wait3A_129] : memref<10000x256xf32, #tpu.memory_space<hbm>> -> memref<10000x256xf32, #tpu.memory_space<hbm>>
          tpu.wait_indirect_dma semaphore(%arg14 : memref<!tpu.dma_semaphore, #tpu.memory_space<semaphore_mem>>) src(%dma_wait3A_130 : memref<10000x256xf32, #tpu.memory_space<hbm>>) dst(%arg10 : memref<16x256xf32, #tpu.memory_space<vmem>>)
          %add3A_131 = arith.constant 0 : i32
          %add3A_132 = arith.addi %mul3A_108, %add3A_131 : i32
          %mul3A_133 = arith.constant 16 : i32
          %mul3A_134 = arith.muli %add3A_132, %mul3A_133 : i32
          %get3A = arith.index_cast %mul3A_134 : i32 to index
          %get3A_135 = tpu.vector_load %arg9[%get3A] {strides = array<i32>} : memref<8032xi32, #tpu.memory_space<vmem>>, vector<16xi32>,
          %parallel_loop3A_136 = arith.constant 0 : i32
          %parallel_loop3A_137 = arith.constant 256 : i32
          %parallel_loop3A_138 = arith.constant 1 : i32
          scf.for %parallel_loop3A_147 = %parallel_loop3A_136 to %parallel_loop3A_137 step %parallel_loop3A_138  : i32 {
            %parallel_loop3A_148 = arith.constant -16 : i32
            %parallel_loop3A_149 = arith.andi %parallel_loop3A_147, %parallel_loop3A_148 : i32
            %parallel_loop3A_150 = vector.broadcast %parallel_loop3A_147 : i32 to vector<16xi32>
            %parallel_loop3A_151 = arith.addi %iota3A, %parallel_loop3A_150 : vector<16xi32>
            %parallel_loop3A_152 = arith.constant 15 : i32
            %parallel_loop3A_153 = vector.broadcast %parallel_loop3A_152 : i32 to vector<16xi32>
            %parallel_loop3A_154 = arith.andi %parallel_loop3A_151, %parallel_loop3A_153 : vector<16xi32>
            %parallel_loop3A_155 = vector.broadcast %parallel_loop3A_149 : i32 to vector<16xi32>
            %parallel_loop3A_156 = arith.addi %parallel_loop3A_155, %parallel_loop3A_154 : vector<16xi32>
            %parallel_loop3A_157 = tpu.vector_load_idx %arg10[%iota3A, %parallel_loop3A_156] : memref<16x256xf32, #tpu.memory_space<vmem>>[vector<16xi32>, vector<16xi32>], vector<16xf32>,
            tpu.vector_store_idx %arg13[%get3A_135, %parallel_loop3A_156], %parallel_loop3A_157 {add = true} : memref<328x256xf32, #tpu.memory_space<vmem>>[vector<16xi32>, vector<16xi32>], vector<16xf32>,
          } {sc.loop_unroll_factor = 8 : i64, sc.parallel_access}
          %add3A_139 = arith.constant 0 : i32
          %add3A_140 = arith.addi %mul3A_108, %add3A_139 : i32
          %add3A_141 = arith.constant 3 : i32
          %add3A_142 = arith.addi %add3A_140, %add3A_141 : i32
          %lt3A_143 = arith.cmpi slt, %add3A_142, %select_n3A : i32
          %convert_element_type3A_144 = arith.extui %lt3A_143 : i1 to i32
          %cond3A_145 = arith.constant 0 : i32
          %cond3A_146 = arith.cmpi ne, %convert_element_type3A_144, %cond3A_145 : i32
          scf.if %cond3A_146 {
            %add3A_147 = arith.constant 0 : i32
            %add3A_148 = arith.addi %mul3A_108, %add3A_147 : i32
            %add3A_149 = arith.constant 3 : i32
            %add3A_150 = arith.addi %add3A_148, %add3A_149 : i32
            %mul3A_151 = arith.constant 16 : i32
            %mul3A_152 = arith.muli %add3A_150, %mul3A_151 : i32
            %dma_start3A = tpu.memref_slice %arg8[%mul3A_152] : memref<8032xi32, #tpu.memory_space<vmem>> -> memref<16xi32, #tpu.memory_space<vmem>>
            %dma_start3A_153 = arith.constant 0 : i32
            %dma_start3A_154 = arith.constant 0 : i32
            %dma_start3A_155 = tpu.memref_slice %arg2[%dma_start3A_153, %dma_start3A_154] : memref<10000x256xf32, #tpu.memory_space<hbm>> -> memref<10000x256xf32, #tpu.memory_space<hbm>>
            tpu.enqueue_indirect_dma source(%dma_start3A_155 : memref<10000x256xf32, #tpu.memory_space<hbm>>) target(%arg10 : memref<16x256xf32, #tpu.memory_space<vmem>>) offsets(%dma_start3A : memref<16xi32, #tpu.memory_space<vmem>>) semaphore(%arg14 : memref<!tpu.dma_semaphore, #tpu.memory_space<semaphore_mem>>)
          } else {
          }
        } else {
        }
        %add3A_114 = arith.constant 1 : i32
        %add3A_115 = arith.addi %mul3A_108, %add3A_114 : i32
        %lt3A_116 = arith.cmpi slt, %add3A_115, %select_n3A : i32
        %convert_element_type3A_117 = arith.extui %lt3A_116 : i1 to i32
        %cond3A_118 = arith.constant 0 : i32
        %cond3A_119 = arith.cmpi ne, %convert_element_type3A_117, %cond3A_118 : i32
        scf.if %cond3A_119 {
          %dma_wait3A = arith.constant 0 : i32
          %dma_wait3A_127 = tpu.memref_slice %arg8[%dma_wait3A] : memref<8032xi32, #tpu.memory_space<vmem>> -> memref<16xi32, #tpu.memory_space<vmem>>
          %dma_wait3A_128 = arith.constant 0 : i32
          %dma_wait3A_129 = arith.constant 0 : i32
          %dma_wait3A_130 = tpu.memref_slice %arg2[%dma_wait3A_128, %dma_wait3A_129] : memref<10000x256xf32, #tpu.memory_space<hbm>> -> memref<10000x256xf32, #tpu.memory_space<hbm>>
          tpu.wait_indirect_dma semaphore(%arg15 : memref<!tpu.dma_semaphore, #tpu.memory_space<semaphore_mem>>) src(%dma_wait3A_130 : memref<10000x256xf32, #tpu.memory_space<hbm>>) dst(%arg11 : memref<16x256xf32, #tpu.memory_space<vmem>>)
          %add3A_131 = arith.constant 1 : i32
          %add3A_132 = arith.addi %mul3A_108, %add3A_131 : i32
          %mul3A_133 = arith.constant 16 : i32
          %mul3A_134 = arith.muli %add3A_132, %mul3A_133 : i32
          %get3A = arith.index_cast %mul3A_134 : i32 to index
          %get3A_135 = tpu.vector_load %arg9[%get3A] {strides = array<i32>} : memref<8032xi32, #tpu.memory_space<vmem>>, vector<16xi32>,
          %parallel_loop3A_136 = arith.constant 0 : i32
          %parallel_loop3A_137 = arith.constant 256 : i32
          %parallel_loop3A_138 = arith.constant 1 : i32
          scf.for %parallel_loop3A_147 = %parallel_loop3A_136 to %parallel_loop3A_137 step %parallel_loop3A_138  : i32 {
            %parallel_loop3A_148 = arith.constant -16 : i32
            %parallel_loop3A_149 = arith.andi %parallel_loop3A_147, %parallel_loop3A_148 : i32
            %parallel_loop3A_150 = vector.broadcast %parallel_loop3A_147 : i32 to vector<16xi32>
            %parallel_loop3A_151 = arith.addi %iota3A, %parallel_loop3A_150 : vector<16xi32>
            %parallel_loop3A_152 = arith.constant 15 : i32
            %parallel_loop3A_153 = vector.broadcast %parallel_loop3A_152 : i32 to vector<16xi32>
            %parallel_loop3A_154 = arith.andi %parallel_loop3A_151, %parallel_loop3A_153 : vector<16xi32>
            %parallel_loop3A_155 = vector.broadcast %parallel_loop3A_149 : i32 to vector<16xi32>
            %parallel_loop3A_156 = arith.addi %parallel_loop3A_155, %parallel_loop3A_154 : vector<16xi32>
            %parallel_loop3A_157 = tpu.vector_load_idx %arg11[%iota3A, %parallel_loop3A_156] : memref<16x256xf32, #tpu.memory_space<vmem>>[vector<16xi32>, vector<16xi32>], vector<16xf32>,
            tpu.vector_store_idx %arg13[%get3A_135, %parallel_loop3A_156], %parallel_loop3A_157 {add = true} : memref<328x256xf32, #tpu.memory_space<vmem>>[vector<16xi32>, vector<16xi32>], vector<16xf32>,
          } {sc.loop_unroll_factor = 8 : i64, sc.parallel_access}
          %add3A_139 = arith.constant 1 : i32
          %add3A_140 = arith.addi %mul3A_108, %add3A_139 : i32
          %add3A_141 = arith.constant 3 : i32
          %add3A_142 = arith.addi %add3A_140, %add3A_141 : i32
          %lt3A_143 = arith.cmpi slt, %add3A_142, %select_n3A : i32
          %convert_element_type3A_144 = arith.extui %lt3A_143 : i1 to i32
          %cond3A_145 = arith.constant 0 : i32
          %cond3A_146 = arith.cmpi ne, %convert_element_type3A_144, %cond3A_145 : i32
          scf.if %cond3A_146 {
            %add3A_147 = arith.constant 1 : i32
            %add3A_148 = arith.addi %mul3A_108, %add3A_147 : i32
            %add3A_149 = arith.constant 3 : i32
            %add3A_150 = arith.addi %add3A_148, %add3A_149 : i32
            %mul3A_151 = arith.constant 16 : i32
            %mul3A_152 = arith.muli %add3A_150, %mul3A_151 : i32
            %dma_start3A = tpu.memref_slice %arg8[%mul3A_152] : memref<8032xi32, #tpu.memory_space<vmem>> -> memref<16xi32, #tpu.memory_space<vmem>>
            %dma_start3A_153 = arith.constant 0 : i32
            %dma_start3A_154 = arith.constant 0 : i32
            %dma_start3A_155 = tpu.memref_slice %arg2[%dma_start3A_153, %dma_start3A_154] : memref<10000x256xf32, #tpu.memory_space<hbm>> -> memref<10000x256xf32, #tpu.memory_space<hbm>>
            tpu.enqueue_indirect_dma source(%dma_start3A_155 : memref<10000x256xf32, #tpu.memory_space<hbm>>) target(%arg11 : memref<16x256xf32, #tpu.memory_space<vmem>>) offsets(%dma_start3A : memref<16xi32, #tpu.memory_space<vmem>>) semaphore(%arg15 : memref<!tpu.dma_semaphore, #tpu.memory_space<semaphore_mem>>)
          } else {
          }
        } else {
        }
        %add3A_120 = arith.constant 2 : i32
        %add3A_121 = arith.addi %mul3A_108, %add3A_120 : i32
        %lt3A_122 = arith.cmpi slt, %add3A_121, %select_n3A : i32
        %convert_element_type3A_123 = arith.extui %lt3A_122 : i1 to i32
        %cond3A_124 = arith.constant 0 : i32
        %cond3A_125 = arith.cmpi ne, %convert_element_type3A_123, %cond3A_124 : i32
        scf.if %cond3A_125 {
          %dma_wait3A = arith.constant 0 : i32
          %dma_wait3A_127 = tpu.memref_slice %arg8[%dma_wait3A] : memref<8032xi32, #tpu.memory_space<vmem>> -> memref<16xi32, #tpu.memory_space<vmem>>
          %dma_wait3A_128 = arith.constant 0 : i32
          %dma_wait3A_129 = arith.constant 0 : i32
          %dma_wait3A_130 = tpu.memref_slice %arg2[%dma_wait3A_128, %dma_wait3A_129] : memref<10000x256xf32, #tpu.memory_space<hbm>> -> memref<10000x256xf32, #tpu.memory_space<hbm>>
          tpu.wait_indirect_dma semaphore(%arg16 : memref<!tpu.dma_semaphore, #tpu.memory_space<semaphore_mem>>) src(%dma_wait3A_130 : memref<10000x256xf32, #tpu.memory_space<hbm>>) dst(%arg12 : memref<16x256xf32, #tpu.memory_space<vmem>>)
          %add3A_131 = arith.constant 2 : i32
          %add3A_132 = arith.addi %mul3A_108, %add3A_131 : i32
          %mul3A_133 = arith.constant 16 : i32
          %mul3A_134 = arith.muli %add3A_132, %mul3A_133 : i32
          %get3A = arith.index_cast %mul3A_134 : i32 to index
          %get3A_135 = tpu.vector_load %arg9[%get3A] {strides = array<i32>} : memref<8032xi32, #tpu.memory_space<vmem>>, vector<16xi32>,
          %parallel_loop3A_136 = arith.constant 0 : i32
          %parallel_loop3A_137 = arith.constant 256 : i32
          %parallel_loop3A_138 = arith.constant 1 : i32
          scf.for %parallel_loop3A_147 = %parallel_loop3A_136 to %parallel_loop3A_137 step %parallel_loop3A_138  : i32 {
            %parallel_loop3A_148 = arith.constant -16 : i32
            %parallel_loop3A_149 = arith.andi %parallel_loop3A_147, %parallel_loop3A_148 : i32
            %parallel_loop3A_150 = vector.broadcast %parallel_loop3A_147 : i32 to vector<16xi32>
            %parallel_loop3A_151 = arith.addi %iota3A, %parallel_loop3A_150 : vector<16xi32>
            %parallel_loop3A_152 = arith.constant 15 : i32
            %parallel_loop3A_153 = vector.broadcast %parallel_loop3A_152 : i32 to vector<16xi32>
            %parallel_loop3A_154 = arith.andi %parallel_loop3A_151, %parallel_loop3A_153 : vector<16xi32>
            %parallel_loop3A_155 = vector.broadcast %parallel_loop3A_149 : i32 to vector<16xi32>
            %parallel_loop3A_156 = arith.addi %parallel_loop3A_155, %parallel_loop3A_154 : vector<16xi32>
            %parallel_loop3A_157 = tpu.vector_load_idx %arg12[%iota3A, %parallel_loop3A_156] : memref<16x256xf32, #tpu.memory_space<vmem>>[vector<16xi32>, vector<16xi32>], vector<16xf32>,
            tpu.vector_store_idx %arg13[%get3A_135, %parallel_loop3A_156], %parallel_loop3A_157 {add = true} : memref<328x256xf32, #tpu.memory_space<vmem>>[vector<16xi32>, vector<16xi32>], vector<16xf32>,
          } {sc.loop_unroll_factor = 8 : i64, sc.parallel_access}
          %add3A_139 = arith.constant 2 : i32
          %add3A_140 = arith.addi %mul3A_108, %add3A_139 : i32
          %add3A_141 = arith.constant 3 : i32
          %add3A_142 = arith.addi %add3A_140, %add3A_141 : i32
          %lt3A_143 = arith.cmpi slt, %add3A_142, %select_n3A : i32
          %convert_element_type3A_144 = arith.extui %lt3A_143 : i1 to i32
          %cond3A_145 = arith.constant 0 : i32
          %cond3A_146 = arith.cmpi ne, %convert_element_type3A_144, %cond3A_145 : i32
          scf.if %cond3A_146 {
            %add3A_147 = arith.constant 2 : i32
            %add3A_148 = arith.addi %mul3A_108, %add3A_147 : i32
            %add3A_149 = arith.constant 3 : i32
            %add3A_150 = arith.addi %add3A_148, %add3A_149 : i32
            %mul3A_151 = arith.constant 16 : i32
            %mul3A_152 = arith.muli %add3A_150, %mul3A_151 : i32
            %dma_start3A = tpu.memref_slice %arg8[%mul3A_152] : memref<8032xi32, #tpu.memory_space<vmem>> -> memref<16xi32, #tpu.memory_space<vmem>>
            %dma_start3A_153 = arith.constant 0 : i32
            %dma_start3A_154 = arith.constant 0 : i32
            %dma_start3A_155 = tpu.memref_slice %arg2[%dma_start3A_153, %dma_start3A_154] : memref<10000x256xf32, #tpu.memory_space<hbm>> -> memref<10000x256xf32, #tpu.memory_space<hbm>>
            tpu.enqueue_indirect_dma source(%dma_start3A_155 : memref<10000x256xf32, #tpu.memory_space<hbm>>) target(%arg12 : memref<16x256xf32, #tpu.memory_space<vmem>>) offsets(%dma_start3A : memref<16xi32, #tpu.memory_space<vmem>>) semaphore(%arg16 : memref<!tpu.dma_semaphore, #tpu.memory_space<semaphore_mem>>)
          } else {
          }
        } else {
        }
        %while3A_126 = arith.constant 0 : i32
        scf.yield %while3A_126 : i32
      }
      %scan3A_104 = arith.constant 0 : i32
      scf.yield %scan3A_104 : i32
    }
    %scan3A_18 = arith.constant 20 : i32
    "tpu.region"() ({
      %run_scoped3A = tpu.sem_alloc : memref<!tpu.dma_semaphore, #tpu.memory_space<semaphore_mem>>
      %dma_start3A = arith.constant 0 : i32
      %dma_start3A_19 = arith.constant 0 : i32
      %dma_start3A_20 = tpu.memref_slice %arg13[%dma_start3A, %dma_start3A_19] : memref<328x256xf32, #tpu.memory_space<vmem>> -> memref<320x256xf32, #tpu.memory_space<vmem>>
      %dma_start3A_21 = arith.constant 0 : i32
      %dma_start3A_22 = tpu.memref_slice %arg5[%mul3A_10, %dma_start3A_21] : memref<10240x256xf32, #tpu.memory_space<hbm>> -> memref<320x256xf32, #tpu.memory_space<hbm>>
      %dma_start3A_23 = arith.constant 0 : i32
      %dma_start3A_24 = tpu.memref_slice %arg5[%mul3A_10, %dma_start3A_23] : memref<10240x256xf32, #tpu.memory_space<hbm>> -> memref<320x256xf32, #tpu.memory_space<hbm>>
      %dma_start3A_25 = arith.constant 0 : i32
      %dma_start3A_26 = arith.constant 0 : i32
      %dma_start3A_27 = tpu.memref_slice %arg13[%dma_start3A_25, %dma_start3A_26] : memref<328x256xf32, #tpu.memory_space<vmem>> -> memref<320x256xf32, #tpu.memory_space<vmem>>
      tpu.enqueue_dma source(%dma_start3A_27 : memref<320x256xf32, #tpu.memory_space<vmem>>) target(%dma_start3A_24 : memref<320x256xf32, #tpu.memory_space<hbm>>) target_semaphore(%run_scoped3A : memref<!tpu.dma_semaphore, #tpu.memory_space<semaphore_mem>>)
      %dma_wait3A = arith.constant 0 : i32
      %dma_wait3A_28 = arith.constant 0 : i32
      %dma_wait3A_29 = tpu.memref_slice %arg13[%dma_wait3A, %dma_wait3A_28] : memref<328x256xf32, #tpu.memory_space<vmem>> -> memref<320x256xf32, #tpu.memory_space<vmem>>
      %dma_wait3A_30 = arith.constant 0 : i32
      %dma_wait3A_31 = tpu.memref_slice %arg5[%mul3A_10, %dma_wait3A_30] : memref<10240x256xf32, #tpu.memory_space<hbm>> -> memref<320x256xf32, #tpu.memory_space<hbm>>
      %dma_wait3A_32 = arith.constant 0 : i32
      %dma_wait3A_33 = tpu.memref_slice %arg5[%mul3A_10, %dma_wait3A_32] : memref<10240x256xf32, #tpu.memory_space<hbm>> -> memref<320x256xf32, #tpu.memory_space<hbm>>
      %dma_wait3A_34 = arith.constant 0 : i32
      %dma_wait3A_35 = arith.constant 0 : i32
      %dma_wait3A_36 = tpu.memref_slice %arg13[%dma_wait3A_34, %dma_wait3A_35] : memref<328x256xf32, #tpu.memory_space<vmem>> -> memref<320x256xf32, #tpu.memory_space<vmem>>
      tpu.wait_dma2 semaphore(%run_scoped3A : memref<!tpu.dma_semaphore, #tpu.memory_space<semaphore_mem>>) src(%dma_wait3A_36 : memref<320x256xf32, #tpu.memory_space<vmem>>) dst(%dma_wait3A_33 : memref<320x256xf32, #tpu.memory_space<hbm>>)
      tpu.yield
    }) : () -> ()
    return
  }
}

#map = affine_map<(d0, d1) -> (0, 0)>
#map1 = affine_map<(d0, d1) -> (0)>
module attributes {stable_mosaic.version = 14 : i64} {
  func.func @agg(%arg0: i32, %arg1: i32, %arg2: memref<10240x512xf32, #tpu.memory_space<hbm>>, %arg3: memref<160000xi32, #tpu.memory_space<hbm>>, %arg4: memref<160000xi32, #tpu.memory_space<hbm>>, %arg5: memref<10240x512xf32, #tpu.memory_space<hbm>>, %arg6: memref<6400xi32, #tpu.memory_space<vmem>>, %arg7: memref<6400xi32, #tpu.memory_space<vmem>>, %arg8: memref<6432xi32, #tpu.memory_space<vmem>>, %arg9: memref<6432xi32, #tpu.memory_space<vmem>>, %arg10: memref<16x512xf32, #tpu.memory_space<vmem>>, %arg11: memref<16x512xf32, #tpu.memory_space<vmem>>, %arg12: memref<168x512xf32, #tpu.memory_space<vmem>>, %arg13: memref<!tpu.dma_semaphore, #tpu.memory_space<semaphore_mem>>, %arg14: memref<!tpu.dma_semaphore, #tpu.memory_space<semaphore_mem>>) attributes {dimension_semantics = [#tpu.dimension_semantics<core_parallel>, #tpu.dimension_semantics<subcore_parallel>], iteration_bounds = array<i64: 2, 16>, scalar_prefetch = 0 : i64, scratch_operands = 9 : i64, tpu.core_type = #tpu.core_type<sc_vector_subcore>, window_params = [{transform_indices = #map}, {transform_indices = #map1}, {transform_indices = #map1}, {transform_indices = #map}]} {
    %mul3A = arith.constant 2 : i32
    %mul3A_0 = arith.muli %arg1, %mul3A : i32
    %add3A = arith.addi %mul3A_0, %arg0 : i32
    %broadcast_in_dim3A = arith.constant 0.000000e+00 : f32
    %broadcast_in_dim3A_1 = vector.broadcast %broadcast_in_dim3A : f32 to vector<16xf32>
    %iota3A = tpu.iota {dimensions = array<i32: 0>} : vector<16xi32>
    %mul3A_2 = arith.constant 311 : i32
    %mul3A_3 = arith.muli %add3A, %mul3A_2 : i32
    %broadcast_in_dim3A_4 = vector.broadcast %mul3A_3 : i32 to vector<16xi32>
    %broadcast_in_dim3A_5 = arith.constant 160 : i32
    %broadcast_in_dim3A_6 = vector.broadcast %broadcast_in_dim3A_5 : i32 to vector<16xi32>
    %add3A_7 = arith.constant 0 : i32
    %add3A_8 = arith.addi %add3A_7, %add3A : i32
    %mul3A_9 = arith.constant 160 : i32
    %mul3A_10 = arith.muli %add3A_8, %mul3A_9 : i32
    %parallel_loop3A = arith.constant 0 : i32
    %parallel_loop3A_11 = arith.constant 168 : i32
    %parallel_loop3A_12 = arith.constant 1 : i32
    scf.for %parallel_loop3A_33 = %parallel_loop3A to %parallel_loop3A_11 step %parallel_loop3A_12  : i32 {
      %parallel_loop3A_34 = arith.index_cast %parallel_loop3A_33 : i32 to index
      %parallel_loop3A_35 = arith.constant 0 : index
      %parallel_loop3A_36 = tpu.vector_load %arg12[%parallel_loop3A_34, %parallel_loop3A_35] {strides = array<i32>} : memref<168x512xf32, #tpu.memory_space<vmem>>, vector<16xf32>,
      tpu.vector_store %arg12[%parallel_loop3A_34, %parallel_loop3A_35], %broadcast_in_dim3A_1 {strides = array<i32>} : memref<168x512xf32, #tpu.memory_space<vmem>>, vector<16xf32>,
      %parallel_loop3A_37 = arith.index_cast %parallel_loop3A_33 : i32 to index
      %parallel_loop3A_38 = arith.constant 16 : index
      %parallel_loop3A_39 = tpu.vector_load %arg12[%parallel_loop3A_37, %parallel_loop3A_38] {strides = array<i32>} : memref<168x512xf32, #tpu.memory_space<vmem>>, vector<16xf32>,
      tpu.vector_store %arg12[%parallel_loop3A_37, %parallel_loop3A_38], %broadcast_in_dim3A_1 {strides = array<i32>} : memref<168x512xf32, #tpu.memory_space<vmem>>, vector<16xf32>,
      %parallel_loop3A_40 = arith.index_cast %parallel_loop3A_33 : i32 to index
      %parallel_loop3A_41 = arith.constant 32 : index
      %parallel_loop3A_42 = tpu.vector_load %arg12[%parallel_loop3A_40, %parallel_loop3A_41] {strides = array<i32>} : memref<168x512xf32, #tpu.memory_space<vmem>>, vector<16xf32>,
      tpu.vector_store %arg12[%parallel_loop3A_40, %parallel_loop3A_41], %broadcast_in_dim3A_1 {strides = array<i32>} : memref<168x512xf32, #tpu.memory_space<vmem>>, vector<16xf32>,
      %parallel_loop3A_43 = arith.index_cast %parallel_loop3A_33 : i32 to index
      %parallel_loop3A_44 = arith.constant 48 : index
      %parallel_loop3A_45 = tpu.vector_load %arg12[%parallel_loop3A_43, %parallel_loop3A_44] {strides = array<i32>} : memref<168x512xf32, #tpu.memory_space<vmem>>, vector<16xf32>,
      tpu.vector_store %arg12[%parallel_loop3A_43, %parallel_loop3A_44], %broadcast_in_dim3A_1 {strides = array<i32>} : memref<168x512xf32, #tpu.memory_space<vmem>>, vector<16xf32>,
      %parallel_loop3A_46 = arith.index_cast %parallel_loop3A_33 : i32 to index
      %parallel_loop3A_47 = arith.constant 64 : index
      %parallel_loop3A_48 = tpu.vector_load %arg12[%parallel_loop3A_46, %parallel_loop3A_47] {strides = array<i32>} : memref<168x512xf32, #tpu.memory_space<vmem>>, vector<16xf32>,
      tpu.vector_store %arg12[%parallel_loop3A_46, %parallel_loop3A_47], %broadcast_in_dim3A_1 {strides = array<i32>} : memref<168x512xf32, #tpu.memory_space<vmem>>, vector<16xf32>,
      %parallel_loop3A_49 = arith.index_cast %parallel_loop3A_33 : i32 to index
      %parallel_loop3A_50 = arith.constant 80 : index
      %parallel_loop3A_51 = tpu.vector_load %arg12[%parallel_loop3A_49, %parallel_loop3A_50] {strides = array<i32>} : memref<168x512xf32, #tpu.memory_space<vmem>>, vector<16xf32>,
      tpu.vector_store %arg12[%parallel_loop3A_49, %parallel_loop3A_50], %broadcast_in_dim3A_1 {strides = array<i32>} : memref<168x512xf32, #tpu.memory_space<vmem>>, vector<16xf32>,
      %parallel_loop3A_52 = arith.index_cast %parallel_loop3A_33 : i32 to index
      %parallel_loop3A_53 = arith.constant 96 : index
      %parallel_loop3A_54 = tpu.vector_load %arg12[%parallel_loop3A_52, %parallel_loop3A_53] {strides = array<i32>} : memref<168x512xf32, #tpu.memory_space<vmem>>, vector<16xf32>,
      tpu.vector_store %arg12[%parallel_loop3A_52, %parallel_loop3A_53], %broadcast_in_dim3A_1 {strides = array<i32>} : memref<168x512xf32, #tpu.memory_space<vmem>>, vector<16xf32>,
      %parallel_loop3A_55 = arith.index_cast %parallel_loop3A_33 : i32 to index
      %parallel_loop3A_56 = arith.constant 112 : index
      %parallel_loop3A_57 = tpu.vector_load %arg12[%parallel_loop3A_55, %parallel_loop3A_56] {strides = array<i32>} : memref<168x512xf32, #tpu.memory_space<vmem>>, vector<16xf32>,
      tpu.vector_store %arg12[%parallel_loop3A_55, %parallel_loop3A_56], %broadcast_in_dim3A_1 {strides = array<i32>} : memref<168x512xf32, #tpu.memory_space<vmem>>, vector<16xf32>,
      %parallel_loop3A_58 = arith.index_cast %parallel_loop3A_33 : i32 to index
      %parallel_loop3A_59 = arith.constant 128 : index
      %parallel_loop3A_60 = tpu.vector_load %arg12[%parallel_loop3A_58, %parallel_loop3A_59] {strides = array<i32>} : memref<168x512xf32, #tpu.memory_space<vmem>>, vector<16xf32>,
      tpu.vector_store %arg12[%parallel_loop3A_58, %parallel_loop3A_59], %broadcast_in_dim3A_1 {strides = array<i32>} : memref<168x512xf32, #tpu.memory_space<vmem>>, vector<16xf32>,
      %parallel_loop3A_61 = arith.index_cast %parallel_loop3A_33 : i32 to index
      %parallel_loop3A_62 = arith.constant 144 : index
      %parallel_loop3A_63 = tpu.vector_load %arg12[%parallel_loop3A_61, %parallel_loop3A_62] {strides = array<i32>} : memref<168x512xf32, #tpu.memory_space<vmem>>, vector<16xf32>,
      tpu.vector_store %arg12[%parallel_loop3A_61, %parallel_loop3A_62], %broadcast_in_dim3A_1 {strides = array<i32>} : memref<168x512xf32, #tpu.memory_space<vmem>>, vector<16xf32>,
      %parallel_loop3A_64 = arith.index_cast %parallel_loop3A_33 : i32 to index
      %parallel_loop3A_65 = arith.constant 160 : index
      %parallel_loop3A_66 = tpu.vector_load %arg12[%parallel_loop3A_64, %parallel_loop3A_65] {strides = array<i32>} : memref<168x512xf32, #tpu.memory_space<vmem>>, vector<16xf32>,
      tpu.vector_store %arg12[%parallel_loop3A_64, %parallel_loop3A_65], %broadcast_in_dim3A_1 {strides = array<i32>} : memref<168x512xf32, #tpu.memory_space<vmem>>, vector<16xf32>,
      %parallel_loop3A_67 = arith.index_cast %parallel_loop3A_33 : i32 to index
      %parallel_loop3A_68 = arith.constant 176 : index
      %parallel_loop3A_69 = tpu.vector_load %arg12[%parallel_loop3A_67, %parallel_loop3A_68] {strides = array<i32>} : memref<168x512xf32, #tpu.memory_space<vmem>>, vector<16xf32>,
      tpu.vector_store %arg12[%parallel_loop3A_67, %parallel_loop3A_68], %broadcast_in_dim3A_1 {strides = array<i32>} : memref<168x512xf32, #tpu.memory_space<vmem>>, vector<16xf32>,
      %parallel_loop3A_70 = arith.index_cast %parallel_loop3A_33 : i32 to index
      %parallel_loop3A_71 = arith.constant 192 : index
      %parallel_loop3A_72 = tpu.vector_load %arg12[%parallel_loop3A_70, %parallel_loop3A_71] {strides = array<i32>} : memref<168x512xf32, #tpu.memory_space<vmem>>, vector<16xf32>,
      tpu.vector_store %arg12[%parallel_loop3A_70, %parallel_loop3A_71], %broadcast_in_dim3A_1 {strides = array<i32>} : memref<168x512xf32, #tpu.memory_space<vmem>>, vector<16xf32>,
      %parallel_loop3A_73 = arith.index_cast %parallel_loop3A_33 : i32 to index
      %parallel_loop3A_74 = arith.constant 208 : index
      %parallel_loop3A_75 = tpu.vector_load %arg12[%parallel_loop3A_73, %parallel_loop3A_74] {strides = array<i32>} : memref<168x512xf32, #tpu.memory_space<vmem>>, vector<16xf32>,
      tpu.vector_store %arg12[%parallel_loop3A_73, %parallel_loop3A_74], %broadcast_in_dim3A_1 {strides = array<i32>} : memref<168x512xf32, #tpu.memory_space<vmem>>, vector<16xf32>,
      %parallel_loop3A_76 = arith.index_cast %parallel_loop3A_33 : i32 to index
      %parallel_loop3A_77 = arith.constant 224 : index
      %parallel_loop3A_78 = tpu.vector_load %arg12[%parallel_loop3A_76, %parallel_loop3A_77] {strides = array<i32>} : memref<168x512xf32, #tpu.memory_space<vmem>>, vector<16xf32>,
      tpu.vector_store %arg12[%parallel_loop3A_76, %parallel_loop3A_77], %broadcast_in_dim3A_1 {strides = array<i32>} : memref<168x512xf32, #tpu.memory_space<vmem>>, vector<16xf32>,
      %parallel_loop3A_79 = arith.index_cast %parallel_loop3A_33 : i32 to index
      %parallel_loop3A_80 = arith.constant 240 : index
      %parallel_loop3A_81 = tpu.vector_load %arg12[%parallel_loop3A_79, %parallel_loop3A_80] {strides = array<i32>} : memref<168x512xf32, #tpu.memory_space<vmem>>, vector<16xf32>,
      tpu.vector_store %arg12[%parallel_loop3A_79, %parallel_loop3A_80], %broadcast_in_dim3A_1 {strides = array<i32>} : memref<168x512xf32, #tpu.memory_space<vmem>>, vector<16xf32>,
      %parallel_loop3A_82 = arith.index_cast %parallel_loop3A_33 : i32 to index
      %parallel_loop3A_83 = arith.constant 256 : index
      %parallel_loop3A_84 = tpu.vector_load %arg12[%parallel_loop3A_82, %parallel_loop3A_83] {strides = array<i32>} : memref<168x512xf32, #tpu.memory_space<vmem>>, vector<16xf32>,
      tpu.vector_store %arg12[%parallel_loop3A_82, %parallel_loop3A_83], %broadcast_in_dim3A_1 {strides = array<i32>} : memref<168x512xf32, #tpu.memory_space<vmem>>, vector<16xf32>,
      %parallel_loop3A_85 = arith.index_cast %parallel_loop3A_33 : i32 to index
      %parallel_loop3A_86 = arith.constant 272 : index
      %parallel_loop3A_87 = tpu.vector_load %arg12[%parallel_loop3A_85, %parallel_loop3A_86] {strides = array<i32>} : memref<168x512xf32, #tpu.memory_space<vmem>>, vector<16xf32>,
      tpu.vector_store %arg12[%parallel_loop3A_85, %parallel_loop3A_86], %broadcast_in_dim3A_1 {strides = array<i32>} : memref<168x512xf32, #tpu.memory_space<vmem>>, vector<16xf32>,
      %parallel_loop3A_88 = arith.index_cast %parallel_loop3A_33 : i32 to index
      %parallel_loop3A_89 = arith.constant 288 : index
      %parallel_loop3A_90 = tpu.vector_load %arg12[%parallel_loop3A_88, %parallel_loop3A_89] {strides = array<i32>} : memref<168x512xf32, #tpu.memory_space<vmem>>, vector<16xf32>,
      tpu.vector_store %arg12[%parallel_loop3A_88, %parallel_loop3A_89], %broadcast_in_dim3A_1 {strides = array<i32>} : memref<168x512xf32, #tpu.memory_space<vmem>>, vector<16xf32>,
      %parallel_loop3A_91 = arith.index_cast %parallel_loop3A_33 : i32 to index
      %parallel_loop3A_92 = arith.constant 304 : index
      %parallel_loop3A_93 = tpu.vector_load %arg12[%parallel_loop3A_91, %parallel_loop3A_92] {strides = array<i32>} : memref<168x512xf32, #tpu.memory_space<vmem>>, vector<16xf32>,
      tpu.vector_store %arg12[%parallel_loop3A_91, %parallel_loop3A_92], %broadcast_in_dim3A_1 {strides = array<i32>} : memref<168x512xf32, #tpu.memory_space<vmem>>, vector<16xf32>,
      %parallel_loop3A_94 = arith.index_cast %parallel_loop3A_33 : i32 to index
      %parallel_loop3A_95 = arith.constant 320 : index
      %parallel_loop3A_96 = tpu.vector_load %arg12[%parallel_loop3A_94, %parallel_loop3A_95] {strides = array<i32>} : memref<168x512xf32, #tpu.memory_space<vmem>>, vector<16xf32>,
      tpu.vector_store %arg12[%parallel_loop3A_94, %parallel_loop3A_95], %broadcast_in_dim3A_1 {strides = array<i32>} : memref<168x512xf32, #tpu.memory_space<vmem>>, vector<16xf32>,
      %parallel_loop3A_97 = arith.index_cast %parallel_loop3A_33 : i32 to index
      %parallel_loop3A_98 = arith.constant 336 : index
      %parallel_loop3A_99 = tpu.vector_load %arg12[%parallel_loop3A_97, %parallel_loop3A_98] {strides = array<i32>} : memref<168x512xf32, #tpu.memory_space<vmem>>, vector<16xf32>,
      tpu.vector_store %arg12[%parallel_loop3A_97, %parallel_loop3A_98], %broadcast_in_dim3A_1 {strides = array<i32>} : memref<168x512xf32, #tpu.memory_space<vmem>>, vector<16xf32>,
      %parallel_loop3A_100 = arith.index_cast %parallel_loop3A_33 : i32 to index
      %parallel_loop3A_101 = arith.constant 352 : index
      %parallel_loop3A_102 = tpu.vector_load %arg12[%parallel_loop3A_100, %parallel_loop3A_101] {strides = array<i32>} : memref<168x512xf32, #tpu.memory_space<vmem>>, vector<16xf32>,
      tpu.vector_store %arg12[%parallel_loop3A_100, %parallel_loop3A_101], %broadcast_in_dim3A_1 {strides = array<i32>} : memref<168x512xf32, #tpu.memory_space<vmem>>, vector<16xf32>,
      %parallel_loop3A_103 = arith.index_cast %parallel_loop3A_33 : i32 to index
      %parallel_loop3A_104 = arith.constant 368 : index
      %parallel_loop3A_105 = tpu.vector_load %arg12[%parallel_loop3A_103, %parallel_loop3A_104] {strides = array<i32>} : memref<168x512xf32, #tpu.memory_space<vmem>>, vector<16xf32>,
      tpu.vector_store %arg12[%parallel_loop3A_103, %parallel_loop3A_104], %broadcast_in_dim3A_1 {strides = array<i32>} : memref<168x512xf32, #tpu.memory_space<vmem>>, vector<16xf32>,
      %parallel_loop3A_106 = arith.index_cast %parallel_loop3A_33 : i32 to index
      %parallel_loop3A_107 = arith.constant 384 : index
      %parallel_loop3A_108 = tpu.vector_load %arg12[%parallel_loop3A_106, %parallel_loop3A_107] {strides = array<i32>} : memref<168x512xf32, #tpu.memory_space<vmem>>, vector<16xf32>,
      tpu.vector_store %arg12[%parallel_loop3A_106, %parallel_loop3A_107], %broadcast_in_dim3A_1 {strides = array<i32>} : memref<168x512xf32, #tpu.memory_space<vmem>>, vector<16xf32>,
      %parallel_loop3A_109 = arith.index_cast %parallel_loop3A_33 : i32 to index
      %parallel_loop3A_110 = arith.constant 400 : index
      %parallel_loop3A_111 = tpu.vector_load %arg12[%parallel_loop3A_109, %parallel_loop3A_110] {strides = array<i32>} : memref<168x512xf32, #tpu.memory_space<vmem>>, vector<16xf32>,
      tpu.vector_store %arg12[%parallel_loop3A_109, %parallel_loop3A_110], %broadcast_in_dim3A_1 {strides = array<i32>} : memref<168x512xf32, #tpu.memory_space<vmem>>, vector<16xf32>,
      %parallel_loop3A_112 = arith.index_cast %parallel_loop3A_33 : i32 to index
      %parallel_loop3A_113 = arith.constant 416 : index
      %parallel_loop3A_114 = tpu.vector_load %arg12[%parallel_loop3A_112, %parallel_loop3A_113] {strides = array<i32>} : memref<168x512xf32, #tpu.memory_space<vmem>>, vector<16xf32>,
      tpu.vector_store %arg12[%parallel_loop3A_112, %parallel_loop3A_113], %broadcast_in_dim3A_1 {strides = array<i32>} : memref<168x512xf32, #tpu.memory_space<vmem>>, vector<16xf32>,
      %parallel_loop3A_115 = arith.index_cast %parallel_loop3A_33 : i32 to index
      %parallel_loop3A_116 = arith.constant 432 : index
      %parallel_loop3A_117 = tpu.vector_load %arg12[%parallel_loop3A_115, %parallel_loop3A_116] {strides = array<i32>} : memref<168x512xf32, #tpu.memory_space<vmem>>, vector<16xf32>,
      tpu.vector_store %arg12[%parallel_loop3A_115, %parallel_loop3A_116], %broadcast_in_dim3A_1 {strides = array<i32>} : memref<168x512xf32, #tpu.memory_space<vmem>>, vector<16xf32>,
      %parallel_loop3A_118 = arith.index_cast %parallel_loop3A_33 : i32 to index
      %parallel_loop3A_119 = arith.constant 448 : index
      %parallel_loop3A_120 = tpu.vector_load %arg12[%parallel_loop3A_118, %parallel_loop3A_119] {strides = array<i32>} : memref<168x512xf32, #tpu.memory_space<vmem>>, vector<16xf32>,
      tpu.vector_store %arg12[%parallel_loop3A_118, %parallel_loop3A_119], %broadcast_in_dim3A_1 {strides = array<i32>} : memref<168x512xf32, #tpu.memory_space<vmem>>, vector<16xf32>,
      %parallel_loop3A_121 = arith.index_cast %parallel_loop3A_33 : i32 to index
      %parallel_loop3A_122 = arith.constant 464 : index
      %parallel_loop3A_123 = tpu.vector_load %arg12[%parallel_loop3A_121, %parallel_loop3A_122] {strides = array<i32>} : memref<168x512xf32, #tpu.memory_space<vmem>>, vector<16xf32>,
      tpu.vector_store %arg12[%parallel_loop3A_121, %parallel_loop3A_122], %broadcast_in_dim3A_1 {strides = array<i32>} : memref<168x512xf32, #tpu.memory_space<vmem>>, vector<16xf32>,
      %parallel_loop3A_124 = arith.index_cast %parallel_loop3A_33 : i32 to index
      %parallel_loop3A_125 = arith.constant 480 : index
      %parallel_loop3A_126 = tpu.vector_load %arg12[%parallel_loop3A_124, %parallel_loop3A_125] {strides = array<i32>} : memref<168x512xf32, #tpu.memory_space<vmem>>, vector<16xf32>,
      tpu.vector_store %arg12[%parallel_loop3A_124, %parallel_loop3A_125], %broadcast_in_dim3A_1 {strides = array<i32>} : memref<168x512xf32, #tpu.memory_space<vmem>>, vector<16xf32>,
      %parallel_loop3A_127 = arith.index_cast %parallel_loop3A_33 : i32 to index
      %parallel_loop3A_128 = arith.constant 496 : index
      %parallel_loop3A_129 = tpu.vector_load %arg12[%parallel_loop3A_127, %parallel_loop3A_128] {strides = array<i32>} : memref<168x512xf32, #tpu.memory_space<vmem>>, vector<16xf32>,
      tpu.vector_store %arg12[%parallel_loop3A_127, %parallel_loop3A_128], %broadcast_in_dim3A_1 {strides = array<i32>} : memref<168x512xf32, #tpu.memory_space<vmem>>, vector<16xf32>,
    } {sc.loop_unroll_factor = 2 : i64, sc.parallel_access}
    %scan3A = arith.constant 0 : i32
    %scan3A_13 = arith.constant 0 : i32
    %scan3A_14 = arith.constant 25 : i32
    %scan3A_15 = arith.addi %scan3A_13, %scan3A_14 : i32
    %scan3A_16 = arith.constant 1 : i32
    %scan3A_17 = scf.for %scan3A_33 = %scan3A_13 to %scan3A_15 step %scan3A_16 iter_args(%scan3A_34 = %scan3A) -> (i32)  : i32 {
      %mul3A_35 = arith.constant 6400 : i32
      %mul3A_36 = arith.muli %scan3A_33, %mul3A_35 : i32
      "tpu.region"() ({
        %run_scoped3A = tpu.sem_alloc : memref<!tpu.dma_semaphore, #tpu.memory_space<semaphore_mem>>
        %dma_start3A = tpu.memref_slice %arg3[%mul3A_36] : memref<160000xi32, #tpu.memory_space<hbm>> -> memref<6400xi32, #tpu.memory_space<hbm>>
        %dma_start3A_114 = tpu.memref_slice %arg3[%mul3A_36] : memref<160000xi32, #tpu.memory_space<hbm>> -> memref<6400xi32, #tpu.memory_space<hbm>>
        tpu.enqueue_dma source(%dma_start3A_114 : memref<6400xi32, #tpu.memory_space<hbm>>) target(%arg6 : memref<6400xi32, #tpu.memory_space<vmem>>) target_semaphore(%run_scoped3A : memref<!tpu.dma_semaphore, #tpu.memory_space<semaphore_mem>>)
        %dma_wait3A = tpu.memref_slice %arg3[%mul3A_36] : memref<160000xi32, #tpu.memory_space<hbm>> -> memref<6400xi32, #tpu.memory_space<hbm>>
        %dma_wait3A_115 = tpu.memref_slice %arg3[%mul3A_36] : memref<160000xi32, #tpu.memory_space<hbm>> -> memref<6400xi32, #tpu.memory_space<hbm>>
        tpu.wait_dma2 semaphore(%run_scoped3A : memref<!tpu.dma_semaphore, #tpu.memory_space<semaphore_mem>>) src(%dma_wait3A_115 : memref<6400xi32, #tpu.memory_space<hbm>>) dst(%arg6 : memref<6400xi32, #tpu.memory_space<vmem>>)
        tpu.yield
      }) : () -> ()
      %mul3A_37 = arith.constant 6400 : i32
      %mul3A_38 = arith.muli %scan3A_33, %mul3A_37 : i32
      "tpu.region"() ({
        %run_scoped3A = tpu.sem_alloc : memref<!tpu.dma_semaphore, #tpu.memory_space<semaphore_mem>>
        %dma_start3A = tpu.memref_slice %arg4[%mul3A_38] : memref<160000xi32, #tpu.memory_space<hbm>> -> memref<6400xi32, #tpu.memory_space<hbm>>
        %dma_start3A_114 = tpu.memref_slice %arg4[%mul3A_38] : memref<160000xi32, #tpu.memory_space<hbm>> -> memref<6400xi32, #tpu.memory_space<hbm>>
        tpu.enqueue_dma source(%dma_start3A_114 : memref<6400xi32, #tpu.memory_space<hbm>>) target(%arg7 : memref<6400xi32, #tpu.memory_space<vmem>>) target_semaphore(%run_scoped3A : memref<!tpu.dma_semaphore, #tpu.memory_space<semaphore_mem>>)
        %dma_wait3A = tpu.memref_slice %arg4[%mul3A_38] : memref<160000xi32, #tpu.memory_space<hbm>> -> memref<6400xi32, #tpu.memory_space<hbm>>
        %dma_wait3A_115 = tpu.memref_slice %arg4[%mul3A_38] : memref<160000xi32, #tpu.memory_space<hbm>> -> memref<6400xi32, #tpu.memory_space<hbm>>
        tpu.wait_dma2 semaphore(%run_scoped3A : memref<!tpu.dma_semaphore, #tpu.memory_space<semaphore_mem>>) src(%dma_wait3A_115 : memref<6400xi32, #tpu.memory_space<hbm>>) dst(%arg7 : memref<6400xi32, #tpu.memory_space<vmem>>)
        tpu.yield
      }) : () -> ()
      %parallel_loop3A_39 = arith.constant 0 : i32
      %parallel_loop3A_40 = arith.constant 400 : i32
      %parallel_loop3A_41 = arith.constant 1 : i32
      %parallel_loop3A_42 = arith.constant 0 : i32
      %parallel_loop3A_43 = scf.for %parallel_loop3A_114 = %parallel_loop3A_39 to %parallel_loop3A_40 step %parallel_loop3A_41 iter_args(%parallel_loop3A_115 = %parallel_loop3A_42) -> (i32)  : i32 {
        %parallel_loop3A_116 = arith.constant 16 : i32
        %parallel_loop3A_117 = arith.muli %parallel_loop3A_114, %parallel_loop3A_116 : i32
        %parallel_loop3A_118 = arith.index_cast %parallel_loop3A_117 : i32 to index
        %parallel_loop3A_119 = tpu.vector_load %arg7[%parallel_loop3A_118] {strides = array<i32>} : memref<6400xi32, #tpu.memory_space<vmem>>, vector<16xi32>,
        %parallel_loop3A_120 = arith.constant 16 : i32
        %parallel_loop3A_121 = arith.muli %parallel_loop3A_114, %parallel_loop3A_120 : i32
        %parallel_loop3A_122 = arith.index_cast %parallel_loop3A_121 : i32 to index
        %parallel_loop3A_123 = tpu.vector_load %arg6[%parallel_loop3A_122] {strides = array<i32>} : memref<6400xi32, #tpu.memory_space<vmem>>, vector<16xi32>,
        %parallel_loop3A_124 = vector.broadcast %mul3A_10 : i32 to vector<16xi32>
        %parallel_loop3A_125 = arith.cmpi sge, %parallel_loop3A_119, %parallel_loop3A_124 : vector<16xi32>
        %parallel_loop3A_126 = arith.constant 160 : i32
        %parallel_loop3A_127 = arith.addi %mul3A_10, %parallel_loop3A_126 : i32
        %parallel_loop3A_128 = vector.broadcast %parallel_loop3A_127 : i32 to vector<16xi32>
        %parallel_loop3A_129 = arith.cmpi slt, %parallel_loop3A_119, %parallel_loop3A_128 : vector<16xi32>
        %parallel_loop3A_130 = arith.andi %parallel_loop3A_125, %parallel_loop3A_129 : vector<16xi1>
        %parallel_loop3A_131 = arith.extui %parallel_loop3A_130 : vector<16xi1> to vector<16xi32>
        %parallel_loop3A_132 = arith.constant true
        %parallel_loop3A_133 = vector.broadcast %parallel_loop3A_132 : i1 to vector<16xi1>
        %parallel_loop3A_134 = tpu.scan <sum>, %parallel_loop3A_131 masked %parallel_loop3A_133 : vector<16xi32>, vector<16xi1> -> vector<16xi32>
        %parallel_loop3A_135 = vector.broadcast %parallel_loop3A_115 : i32 to vector<16xi32>
        %parallel_loop3A_136 = arith.addi %parallel_loop3A_135, %parallel_loop3A_134 : vector<16xi32>
        %parallel_loop3A_137 = arith.constant 1 : i32
        %parallel_loop3A_138 = vector.broadcast %parallel_loop3A_137 : i32 to vector<16xi32>
        %parallel_loop3A_139 = arith.subi %parallel_loop3A_136, %parallel_loop3A_138 : vector<16xi32>
        tpu.vector_store_idx %arg8[%parallel_loop3A_139], %parallel_loop3A_123 masked %parallel_loop3A_130 : memref<6432xi32, #tpu.memory_space<vmem>>[vector<16xi32>], vector<16xi32>, vector<16xi1>
        %parallel_loop3A_140 = vector.broadcast %mul3A_10 : i32 to vector<16xi32>
        %parallel_loop3A_141 = arith.subi %parallel_loop3A_119, %parallel_loop3A_140 : vector<16xi32>
        tpu.vector_store_idx %arg9[%parallel_loop3A_139], %parallel_loop3A_141 masked %parallel_loop3A_130 : memref<6432xi32, #tpu.memory_space<vmem>>[vector<16xi32>], vector<16xi32>, vector<16xi1>
        %parallel_loop3A_142 = tpu.all_reduce %parallel_loop3A_130 {dim = 0 : i64, kind = #tpu.reduction_kind<sum>} : vector<16xi1> -> vector<16xi32>
        %parallel_loop3A_143 = vector.extract_strided_slice %parallel_loop3A_142 {offsets = [0], sizes = [1], strides = [1]} : vector<16xi32> to vector<1xi32>
        %parallel_loop3A_144 = vector.extract %parallel_loop3A_143[0] : i32 from vector<1xi32>
        %parallel_loop3A_145 = arith.addi %parallel_loop3A_115, %parallel_loop3A_144 : i32
        scf.yield %parallel_loop3A_145 : i32
      } {sc.loop_unroll_factor = 4 : i64, sc.parallel_access}
      %swap3A = arith.index_cast %parallel_loop3A_43 : i32 to index
      %swap3A_44 = tpu.vector_load %arg8[%swap3A] {strides = array<i32>} : memref<6432xi32, #tpu.memory_space<vmem>>, vector<16xi32>,
      tpu.vector_store %arg8[%swap3A], %broadcast_in_dim3A_4 {strides = array<i32>} : memref<6432xi32, #tpu.memory_space<vmem>>, vector<16xi32>,
      %swap3A_45 = arith.index_cast %parallel_loop3A_43 : i32 to index
      %swap3A_46 = tpu.vector_load %arg9[%swap3A_45] {strides = array<i32>} : memref<6432xi32, #tpu.memory_space<vmem>>, vector<16xi32>,
      tpu.vector_store %arg9[%swap3A_45], %broadcast_in_dim3A_6 {strides = array<i32>} : memref<6432xi32, #tpu.memory_space<vmem>>, vector<16xi32>,
      %add3A_47 = arith.constant 16 : i32
      %add3A_48 = arith.addi %parallel_loop3A_43, %add3A_47 : i32
      %sub3A = arith.constant 1 : i32
      %sub3A_49 = arith.subi %add3A_48, %sub3A : i32
      %jit3A = arith.constant 16 : i32
      %div3A = arith.divsi %sub3A_49, %jit3A : i32
      %sign3A = arith.constant 0 : i32
      %sign3A_50 = arith.cmpi sgt, %sub3A_49, %sign3A : i32
      %sign3A_51 = arith.extui %sign3A_50 : i1 to i32
      %sign3A_52 = arith.constant 0 : i32
      %sign3A_53 = arith.cmpi slt, %sub3A_49, %sign3A_52 : i32
      %sign3A_54 = arith.extui %sign3A_53 : i1 to i32
      %sign3A_55 = arith.subi %sign3A_51, %sign3A_54 : i32
      %sign3A_56 = arith.constant 0 : i32
      %sign3A_57 = arith.cmpi sgt, %jit3A, %sign3A_56 : i32
      %sign3A_58 = arith.extui %sign3A_57 : i1 to i32
      %sign3A_59 = arith.constant 0 : i32
      %sign3A_60 = arith.cmpi slt, %jit3A, %sign3A_59 : i32
      %sign3A_61 = arith.extui %sign3A_60 : i1 to i32
      %sign3A_62 = arith.subi %sign3A_58, %sign3A_61 : i32
      %ne3A = arith.cmpi ne, %sign3A_55, %sign3A_62 : i32
      %rem3A = arith.remsi %sub3A_49, %jit3A : i32
      %ne3A_63 = arith.constant 0 : i32
      %ne3A_64 = arith.cmpi ne, %rem3A, %ne3A_63 : i32
      %and3A = arith.andi %ne3A, %ne3A_64 : i1
      %sub3A_65 = arith.constant 1 : i32
      %sub3A_66 = arith.subi %div3A, %sub3A_65 : i32
      %select_n3A = arith.select %and3A, %sub3A_66, %div3A : i32
      %gt3A = arith.constant 0 : i32
      %gt3A_67 = arith.cmpi sgt, %select_n3A, %gt3A : i32
      %convert_element_type3A = arith.extui %gt3A_67 : i1 to i32
      %cond3A = arith.constant 0 : i32
      %cond3A_68 = arith.cmpi ne, %convert_element_type3A, %cond3A : i32
      scf.if %cond3A_68 {
        %dma_start3A = arith.constant 0 : i32
        %dma_start3A_114 = tpu.memref_slice %arg8[%dma_start3A] : memref<6432xi32, #tpu.memory_space<vmem>> -> memref<16xi32, #tpu.memory_space<vmem>>
        %dma_start3A_115 = arith.constant 0 : i32
        %dma_start3A_116 = arith.constant 0 : i32
        %dma_start3A_117 = tpu.memref_slice %arg2[%dma_start3A_115, %dma_start3A_116] : memref<10240x512xf32, #tpu.memory_space<hbm>> -> memref<10240x512xf32, #tpu.memory_space<hbm>>
        tpu.enqueue_indirect_dma source(%dma_start3A_117 : memref<10240x512xf32, #tpu.memory_space<hbm>>) target(%arg10 : memref<16x512xf32, #tpu.memory_space<vmem>>) offsets(%dma_start3A_114 : memref<16xi32, #tpu.memory_space<vmem>>) semaphore(%arg13 : memref<!tpu.dma_semaphore, #tpu.memory_space<semaphore_mem>>)
      } else {
      }
      %gt3A_69 = arith.constant 1 : i32
      %gt3A_70 = arith.cmpi sgt, %select_n3A, %gt3A_69 : i32
      %convert_element_type3A_71 = arith.extui %gt3A_70 : i1 to i32
      %cond3A_72 = arith.constant 0 : i32
      %cond3A_73 = arith.cmpi ne, %convert_element_type3A_71, %cond3A_72 : i32
      scf.if %cond3A_73 {
        %dma_start3A = arith.constant 16 : i32
        %dma_start3A_114 = tpu.memref_slice %arg8[%dma_start3A] : memref<6432xi32, #tpu.memory_space<vmem>> -> memref<16xi32, #tpu.memory_space<vmem>>
        %dma_start3A_115 = arith.constant 0 : i32
        %dma_start3A_116 = arith.constant 0 : i32
        %dma_start3A_117 = tpu.memref_slice %arg2[%dma_start3A_115, %dma_start3A_116] : memref<10240x512xf32, #tpu.memory_space<hbm>> -> memref<10240x512xf32, #tpu.memory_space<hbm>>
        tpu.enqueue_indirect_dma source(%dma_start3A_117 : memref<10240x512xf32, #tpu.memory_space<hbm>>) target(%arg11 : memref<16x512xf32, #tpu.memory_space<vmem>>) offsets(%dma_start3A_114 : memref<16xi32, #tpu.memory_space<vmem>>) semaphore(%arg14 : memref<!tpu.dma_semaphore, #tpu.memory_space<semaphore_mem>>)
      } else {
      }
      %add3A_74 = arith.constant 2 : i32
      %add3A_75 = arith.addi %select_n3A, %add3A_74 : i32
      %sub3A_76 = arith.constant 1 : i32
      %sub3A_77 = arith.subi %add3A_75, %sub3A_76 : i32
      %jit3A_78 = arith.constant 2 : i32
      %div3A_79 = arith.divsi %sub3A_77, %jit3A_78 : i32
      %sign3A_80 = arith.constant 0 : i32
      %sign3A_81 = arith.cmpi sgt, %sub3A_77, %sign3A_80 : i32
      %sign3A_82 = arith.extui %sign3A_81 : i1 to i32
      %sign3A_83 = arith.constant 0 : i32
      %sign3A_84 = arith.cmpi slt, %sub3A_77, %sign3A_83 : i32
      %sign3A_85 = arith.extui %sign3A_84 : i1 to i32
      %sign3A_86 = arith.subi %sign3A_82, %sign3A_85 : i32
      %sign3A_87 = arith.constant 0 : i32
      %sign3A_88 = arith.cmpi sgt, %jit3A_78, %sign3A_87 : i32
      %sign3A_89 = arith.extui %sign3A_88 : i1 to i32
      %sign3A_90 = arith.constant 0 : i32
      %sign3A_91 = arith.cmpi slt, %jit3A_78, %sign3A_90 : i32
      %sign3A_92 = arith.extui %sign3A_91 : i1 to i32
      %sign3A_93 = arith.subi %sign3A_89, %sign3A_92 : i32
      %ne3A_94 = arith.cmpi ne, %sign3A_86, %sign3A_93 : i32
      %rem3A_95 = arith.remsi %sub3A_77, %jit3A_78 : i32
      %ne3A_96 = arith.constant 0 : i32
      %ne3A_97 = arith.cmpi ne, %rem3A_95, %ne3A_96 : i32
      %and3A_98 = arith.andi %ne3A_94, %ne3A_97 : i1
      %sub3A_99 = arith.constant 1 : i32
      %sub3A_100 = arith.subi %div3A_79, %sub3A_99 : i32
      %select_n3A_101 = arith.select %and3A_98, %sub3A_100, %div3A_79 : i32
      %while3A = arith.constant 0 : i32
      %while3A_102 = arith.constant 0 : i32
      %while3A_103 = arith.subi %select_n3A_101, %while3A : i32
      %while3A_104 = arith.addi %while3A, %while3A_103 : i32
      %while3A_105 = arith.constant 1 : i32
      %while3A_106 = arith.divsi %while3A_103, %while3A_105 : i32
      %while3A_107 = arith.muli %while3A_106, %while3A_105 : i32
      %while3A_108 = arith.addi %while3A, %while3A_107 : i32
      %while3A_109 = arith.constant 1 : i32
      %while3A_110 = scf.for %while3A_114 = %while3A to %while3A_108 step %while3A_109 iter_args(%while3A_115 = %while3A_102) -> (i32)  : i32 {
        %mul3A_116 = arith.constant 2 : i32
        %mul3A_117 = arith.muli %while3A_114, %mul3A_116 : i32
        %add3A_118 = arith.constant 0 : i32
        %add3A_119 = arith.addi %mul3A_117, %add3A_118 : i32
        %lt3A = arith.cmpi slt, %add3A_119, %select_n3A : i32
        %convert_element_type3A_120 = arith.extui %lt3A : i1 to i32
        %cond3A_121 = arith.constant 0 : i32
        %cond3A_122 = arith.cmpi ne, %convert_element_type3A_120, %cond3A_121 : i32
        scf.if %cond3A_122 {
          %dma_wait3A = arith.constant 0 : i32
          %dma_wait3A_130 = tpu.memref_slice %arg8[%dma_wait3A] : memref<6432xi32, #tpu.memory_space<vmem>> -> memref<16xi32, #tpu.memory_space<vmem>>
          %dma_wait3A_131 = arith.constant 0 : i32
          %dma_wait3A_132 = arith.constant 0 : i32
          %dma_wait3A_133 = tpu.memref_slice %arg2[%dma_wait3A_131, %dma_wait3A_132] : memref<10240x512xf32, #tpu.memory_space<hbm>> -> memref<10240x512xf32, #tpu.memory_space<hbm>>
          tpu.wait_indirect_dma semaphore(%arg13 : memref<!tpu.dma_semaphore, #tpu.memory_space<semaphore_mem>>) src(%dma_wait3A_133 : memref<10240x512xf32, #tpu.memory_space<hbm>>) dst(%arg10 : memref<16x512xf32, #tpu.memory_space<vmem>>)
          %add3A_134 = arith.constant 0 : i32
          %add3A_135 = arith.addi %mul3A_117, %add3A_134 : i32
          %mul3A_136 = arith.constant 16 : i32
          %mul3A_137 = arith.muli %add3A_135, %mul3A_136 : i32
          %get3A = arith.index_cast %mul3A_137 : i32 to index
          %get3A_138 = tpu.vector_load %arg9[%get3A] {strides = array<i32>} : memref<6432xi32, #tpu.memory_space<vmem>>, vector<16xi32>,
          %parallel_loop3A_139 = arith.constant 0 : i32
          %parallel_loop3A_140 = arith.constant 512 : i32
          %parallel_loop3A_141 = arith.constant 1 : i32
          scf.for %parallel_loop3A_150 = %parallel_loop3A_139 to %parallel_loop3A_140 step %parallel_loop3A_141  : i32 {
            %parallel_loop3A_151 = arith.constant -16 : i32
            %parallel_loop3A_152 = arith.andi %parallel_loop3A_150, %parallel_loop3A_151 : i32
            %parallel_loop3A_153 = vector.broadcast %parallel_loop3A_150 : i32 to vector<16xi32>
            %parallel_loop3A_154 = arith.addi %iota3A, %parallel_loop3A_153 : vector<16xi32>
            %parallel_loop3A_155 = arith.constant 15 : i32
            %parallel_loop3A_156 = vector.broadcast %parallel_loop3A_155 : i32 to vector<16xi32>
            %parallel_loop3A_157 = arith.andi %parallel_loop3A_154, %parallel_loop3A_156 : vector<16xi32>
            %parallel_loop3A_158 = vector.broadcast %parallel_loop3A_152 : i32 to vector<16xi32>
            %parallel_loop3A_159 = arith.addi %parallel_loop3A_158, %parallel_loop3A_157 : vector<16xi32>
            %parallel_loop3A_160 = tpu.vector_load_idx %arg10[%iota3A, %parallel_loop3A_159] : memref<16x512xf32, #tpu.memory_space<vmem>>[vector<16xi32>, vector<16xi32>], vector<16xf32>,
            tpu.vector_store_idx %arg12[%get3A_138, %parallel_loop3A_159], %parallel_loop3A_160 {add = true} : memref<168x512xf32, #tpu.memory_space<vmem>>[vector<16xi32>, vector<16xi32>], vector<16xf32>,
          } {sc.loop_unroll_factor = 8 : i64, sc.parallel_access}
          %add3A_142 = arith.constant 0 : i32
          %add3A_143 = arith.addi %mul3A_117, %add3A_142 : i32
          %add3A_144 = arith.constant 2 : i32
          %add3A_145 = arith.addi %add3A_143, %add3A_144 : i32
          %lt3A_146 = arith.cmpi slt, %add3A_145, %select_n3A : i32
          %convert_element_type3A_147 = arith.extui %lt3A_146 : i1 to i32
          %cond3A_148 = arith.constant 0 : i32
          %cond3A_149 = arith.cmpi ne, %convert_element_type3A_147, %cond3A_148 : i32
          scf.if %cond3A_149 {
            %add3A_150 = arith.constant 0 : i32
            %add3A_151 = arith.addi %mul3A_117, %add3A_150 : i32
            %add3A_152 = arith.constant 2 : i32
            %add3A_153 = arith.addi %add3A_151, %add3A_152 : i32
            %mul3A_154 = arith.constant 16 : i32
            %mul3A_155 = arith.muli %add3A_153, %mul3A_154 : i32
            %dma_start3A = tpu.memref_slice %arg8[%mul3A_155] : memref<6432xi32, #tpu.memory_space<vmem>> -> memref<16xi32, #tpu.memory_space<vmem>>
            %dma_start3A_156 = arith.constant 0 : i32
            %dma_start3A_157 = arith.constant 0 : i32
            %dma_start3A_158 = tpu.memref_slice %arg2[%dma_start3A_156, %dma_start3A_157] : memref<10240x512xf32, #tpu.memory_space<hbm>> -> memref<10240x512xf32, #tpu.memory_space<hbm>>
            tpu.enqueue_indirect_dma source(%dma_start3A_158 : memref<10240x512xf32, #tpu.memory_space<hbm>>) target(%arg10 : memref<16x512xf32, #tpu.memory_space<vmem>>) offsets(%dma_start3A : memref<16xi32, #tpu.memory_space<vmem>>) semaphore(%arg13 : memref<!tpu.dma_semaphore, #tpu.memory_space<semaphore_mem>>)
          } else {
          }
        } else {
        }
        %add3A_123 = arith.constant 1 : i32
        %add3A_124 = arith.addi %mul3A_117, %add3A_123 : i32
        %lt3A_125 = arith.cmpi slt, %add3A_124, %select_n3A : i32
        %convert_element_type3A_126 = arith.extui %lt3A_125 : i1 to i32
        %cond3A_127 = arith.constant 0 : i32
        %cond3A_128 = arith.cmpi ne, %convert_element_type3A_126, %cond3A_127 : i32
        scf.if %cond3A_128 {
          %dma_wait3A = arith.constant 0 : i32
          %dma_wait3A_130 = tpu.memref_slice %arg8[%dma_wait3A] : memref<6432xi32, #tpu.memory_space<vmem>> -> memref<16xi32, #tpu.memory_space<vmem>>
          %dma_wait3A_131 = arith.constant 0 : i32
          %dma_wait3A_132 = arith.constant 0 : i32
          %dma_wait3A_133 = tpu.memref_slice %arg2[%dma_wait3A_131, %dma_wait3A_132] : memref<10240x512xf32, #tpu.memory_space<hbm>> -> memref<10240x512xf32, #tpu.memory_space<hbm>>
          tpu.wait_indirect_dma semaphore(%arg14 : memref<!tpu.dma_semaphore, #tpu.memory_space<semaphore_mem>>) src(%dma_wait3A_133 : memref<10240x512xf32, #tpu.memory_space<hbm>>) dst(%arg11 : memref<16x512xf32, #tpu.memory_space<vmem>>)
          %add3A_134 = arith.constant 1 : i32
          %add3A_135 = arith.addi %mul3A_117, %add3A_134 : i32
          %mul3A_136 = arith.constant 16 : i32
          %mul3A_137 = arith.muli %add3A_135, %mul3A_136 : i32
          %get3A = arith.index_cast %mul3A_137 : i32 to index
          %get3A_138 = tpu.vector_load %arg9[%get3A] {strides = array<i32>} : memref<6432xi32, #tpu.memory_space<vmem>>, vector<16xi32>,
          %parallel_loop3A_139 = arith.constant 0 : i32
          %parallel_loop3A_140 = arith.constant 512 : i32
          %parallel_loop3A_141 = arith.constant 1 : i32
          scf.for %parallel_loop3A_150 = %parallel_loop3A_139 to %parallel_loop3A_140 step %parallel_loop3A_141  : i32 {
            %parallel_loop3A_151 = arith.constant -16 : i32
            %parallel_loop3A_152 = arith.andi %parallel_loop3A_150, %parallel_loop3A_151 : i32
            %parallel_loop3A_153 = vector.broadcast %parallel_loop3A_150 : i32 to vector<16xi32>
            %parallel_loop3A_154 = arith.addi %iota3A, %parallel_loop3A_153 : vector<16xi32>
            %parallel_loop3A_155 = arith.constant 15 : i32
            %parallel_loop3A_156 = vector.broadcast %parallel_loop3A_155 : i32 to vector<16xi32>
            %parallel_loop3A_157 = arith.andi %parallel_loop3A_154, %parallel_loop3A_156 : vector<16xi32>
            %parallel_loop3A_158 = vector.broadcast %parallel_loop3A_152 : i32 to vector<16xi32>
            %parallel_loop3A_159 = arith.addi %parallel_loop3A_158, %parallel_loop3A_157 : vector<16xi32>
            %parallel_loop3A_160 = tpu.vector_load_idx %arg11[%iota3A, %parallel_loop3A_159] : memref<16x512xf32, #tpu.memory_space<vmem>>[vector<16xi32>, vector<16xi32>], vector<16xf32>,
            tpu.vector_store_idx %arg12[%get3A_138, %parallel_loop3A_159], %parallel_loop3A_160 {add = true} : memref<168x512xf32, #tpu.memory_space<vmem>>[vector<16xi32>, vector<16xi32>], vector<16xf32>,
          } {sc.loop_unroll_factor = 8 : i64, sc.parallel_access}
          %add3A_142 = arith.constant 1 : i32
          %add3A_143 = arith.addi %mul3A_117, %add3A_142 : i32
          %add3A_144 = arith.constant 2 : i32
          %add3A_145 = arith.addi %add3A_143, %add3A_144 : i32
          %lt3A_146 = arith.cmpi slt, %add3A_145, %select_n3A : i32
          %convert_element_type3A_147 = arith.extui %lt3A_146 : i1 to i32
          %cond3A_148 = arith.constant 0 : i32
          %cond3A_149 = arith.cmpi ne, %convert_element_type3A_147, %cond3A_148 : i32
          scf.if %cond3A_149 {
            %add3A_150 = arith.constant 1 : i32
            %add3A_151 = arith.addi %mul3A_117, %add3A_150 : i32
            %add3A_152 = arith.constant 2 : i32
            %add3A_153 = arith.addi %add3A_151, %add3A_152 : i32
            %mul3A_154 = arith.constant 16 : i32
            %mul3A_155 = arith.muli %add3A_153, %mul3A_154 : i32
            %dma_start3A = tpu.memref_slice %arg8[%mul3A_155] : memref<6432xi32, #tpu.memory_space<vmem>> -> memref<16xi32, #tpu.memory_space<vmem>>
            %dma_start3A_156 = arith.constant 0 : i32
            %dma_start3A_157 = arith.constant 0 : i32
            %dma_start3A_158 = tpu.memref_slice %arg2[%dma_start3A_156, %dma_start3A_157] : memref<10240x512xf32, #tpu.memory_space<hbm>> -> memref<10240x512xf32, #tpu.memory_space<hbm>>
            tpu.enqueue_indirect_dma source(%dma_start3A_158 : memref<10240x512xf32, #tpu.memory_space<hbm>>) target(%arg11 : memref<16x512xf32, #tpu.memory_space<vmem>>) offsets(%dma_start3A : memref<16xi32, #tpu.memory_space<vmem>>) semaphore(%arg14 : memref<!tpu.dma_semaphore, #tpu.memory_space<semaphore_mem>>)
          } else {
          }
        } else {
        }
        %while3A_129 = arith.constant 0 : i32
        scf.yield %while3A_129 : i32
      }
      %while3A_111 = arith.constant 1 : i32
      %while3A_112 = scf.for %while3A_114 = %while3A_108 to %while3A_104 step %while3A_111 iter_args(%while3A_115 = %while3A_110) -> (i32)  : i32 {
        %mul3A_116 = arith.constant 2 : i32
        %mul3A_117 = arith.muli %while3A_114, %mul3A_116 : i32
        %add3A_118 = arith.constant 0 : i32
        %add3A_119 = arith.addi %mul3A_117, %add3A_118 : i32
        %lt3A = arith.cmpi slt, %add3A_119, %select_n3A : i32
        %convert_element_type3A_120 = arith.extui %lt3A : i1 to i32
        %cond3A_121 = arith.constant 0 : i32
        %cond3A_122 = arith.cmpi ne, %convert_element_type3A_120, %cond3A_121 : i32
        scf.if %cond3A_122 {
          %dma_wait3A = arith.constant 0 : i32
          %dma_wait3A_130 = tpu.memref_slice %arg8[%dma_wait3A] : memref<6432xi32, #tpu.memory_space<vmem>> -> memref<16xi32, #tpu.memory_space<vmem>>
          %dma_wait3A_131 = arith.constant 0 : i32
          %dma_wait3A_132 = arith.constant 0 : i32
          %dma_wait3A_133 = tpu.memref_slice %arg2[%dma_wait3A_131, %dma_wait3A_132] : memref<10240x512xf32, #tpu.memory_space<hbm>> -> memref<10240x512xf32, #tpu.memory_space<hbm>>
          tpu.wait_indirect_dma semaphore(%arg13 : memref<!tpu.dma_semaphore, #tpu.memory_space<semaphore_mem>>) src(%dma_wait3A_133 : memref<10240x512xf32, #tpu.memory_space<hbm>>) dst(%arg10 : memref<16x512xf32, #tpu.memory_space<vmem>>)
          %add3A_134 = arith.constant 0 : i32
          %add3A_135 = arith.addi %mul3A_117, %add3A_134 : i32
          %mul3A_136 = arith.constant 16 : i32
          %mul3A_137 = arith.muli %add3A_135, %mul3A_136 : i32
          %get3A = arith.index_cast %mul3A_137 : i32 to index
          %get3A_138 = tpu.vector_load %arg9[%get3A] {strides = array<i32>} : memref<6432xi32, #tpu.memory_space<vmem>>, vector<16xi32>,
          %parallel_loop3A_139 = arith.constant 0 : i32
          %parallel_loop3A_140 = arith.constant 512 : i32
          %parallel_loop3A_141 = arith.constant 1 : i32
          scf.for %parallel_loop3A_150 = %parallel_loop3A_139 to %parallel_loop3A_140 step %parallel_loop3A_141  : i32 {
            %parallel_loop3A_151 = arith.constant -16 : i32
            %parallel_loop3A_152 = arith.andi %parallel_loop3A_150, %parallel_loop3A_151 : i32
            %parallel_loop3A_153 = vector.broadcast %parallel_loop3A_150 : i32 to vector<16xi32>
            %parallel_loop3A_154 = arith.addi %iota3A, %parallel_loop3A_153 : vector<16xi32>
            %parallel_loop3A_155 = arith.constant 15 : i32
            %parallel_loop3A_156 = vector.broadcast %parallel_loop3A_155 : i32 to vector<16xi32>
            %parallel_loop3A_157 = arith.andi %parallel_loop3A_154, %parallel_loop3A_156 : vector<16xi32>
            %parallel_loop3A_158 = vector.broadcast %parallel_loop3A_152 : i32 to vector<16xi32>
            %parallel_loop3A_159 = arith.addi %parallel_loop3A_158, %parallel_loop3A_157 : vector<16xi32>
            %parallel_loop3A_160 = tpu.vector_load_idx %arg10[%iota3A, %parallel_loop3A_159] : memref<16x512xf32, #tpu.memory_space<vmem>>[vector<16xi32>, vector<16xi32>], vector<16xf32>,
            tpu.vector_store_idx %arg12[%get3A_138, %parallel_loop3A_159], %parallel_loop3A_160 {add = true} : memref<168x512xf32, #tpu.memory_space<vmem>>[vector<16xi32>, vector<16xi32>], vector<16xf32>,
          } {sc.loop_unroll_factor = 8 : i64, sc.parallel_access}
          %add3A_142 = arith.constant 0 : i32
          %add3A_143 = arith.addi %mul3A_117, %add3A_142 : i32
          %add3A_144 = arith.constant 2 : i32
          %add3A_145 = arith.addi %add3A_143, %add3A_144 : i32
          %lt3A_146 = arith.cmpi slt, %add3A_145, %select_n3A : i32
          %convert_element_type3A_147 = arith.extui %lt3A_146 : i1 to i32
          %cond3A_148 = arith.constant 0 : i32
          %cond3A_149 = arith.cmpi ne, %convert_element_type3A_147, %cond3A_148 : i32
          scf.if %cond3A_149 {
            %add3A_150 = arith.constant 0 : i32
            %add3A_151 = arith.addi %mul3A_117, %add3A_150 : i32
            %add3A_152 = arith.constant 2 : i32
            %add3A_153 = arith.addi %add3A_151, %add3A_152 : i32
            %mul3A_154 = arith.constant 16 : i32
            %mul3A_155 = arith.muli %add3A_153, %mul3A_154 : i32
            %dma_start3A = tpu.memref_slice %arg8[%mul3A_155] : memref<6432xi32, #tpu.memory_space<vmem>> -> memref<16xi32, #tpu.memory_space<vmem>>
            %dma_start3A_156 = arith.constant 0 : i32
            %dma_start3A_157 = arith.constant 0 : i32
            %dma_start3A_158 = tpu.memref_slice %arg2[%dma_start3A_156, %dma_start3A_157] : memref<10240x512xf32, #tpu.memory_space<hbm>> -> memref<10240x512xf32, #tpu.memory_space<hbm>>
            tpu.enqueue_indirect_dma source(%dma_start3A_158 : memref<10240x512xf32, #tpu.memory_space<hbm>>) target(%arg10 : memref<16x512xf32, #tpu.memory_space<vmem>>) offsets(%dma_start3A : memref<16xi32, #tpu.memory_space<vmem>>) semaphore(%arg13 : memref<!tpu.dma_semaphore, #tpu.memory_space<semaphore_mem>>)
          } else {
          }
        } else {
        }
        %add3A_123 = arith.constant 1 : i32
        %add3A_124 = arith.addi %mul3A_117, %add3A_123 : i32
        %lt3A_125 = arith.cmpi slt, %add3A_124, %select_n3A : i32
        %convert_element_type3A_126 = arith.extui %lt3A_125 : i1 to i32
        %cond3A_127 = arith.constant 0 : i32
        %cond3A_128 = arith.cmpi ne, %convert_element_type3A_126, %cond3A_127 : i32
        scf.if %cond3A_128 {
          %dma_wait3A = arith.constant 0 : i32
          %dma_wait3A_130 = tpu.memref_slice %arg8[%dma_wait3A] : memref<6432xi32, #tpu.memory_space<vmem>> -> memref<16xi32, #tpu.memory_space<vmem>>
          %dma_wait3A_131 = arith.constant 0 : i32
          %dma_wait3A_132 = arith.constant 0 : i32
          %dma_wait3A_133 = tpu.memref_slice %arg2[%dma_wait3A_131, %dma_wait3A_132] : memref<10240x512xf32, #tpu.memory_space<hbm>> -> memref<10240x512xf32, #tpu.memory_space<hbm>>
          tpu.wait_indirect_dma semaphore(%arg14 : memref<!tpu.dma_semaphore, #tpu.memory_space<semaphore_mem>>) src(%dma_wait3A_133 : memref<10240x512xf32, #tpu.memory_space<hbm>>) dst(%arg11 : memref<16x512xf32, #tpu.memory_space<vmem>>)
          %add3A_134 = arith.constant 1 : i32
          %add3A_135 = arith.addi %mul3A_117, %add3A_134 : i32
          %mul3A_136 = arith.constant 16 : i32
          %mul3A_137 = arith.muli %add3A_135, %mul3A_136 : i32
          %get3A = arith.index_cast %mul3A_137 : i32 to index
          %get3A_138 = tpu.vector_load %arg9[%get3A] {strides = array<i32>} : memref<6432xi32, #tpu.memory_space<vmem>>, vector<16xi32>,
          %parallel_loop3A_139 = arith.constant 0 : i32
          %parallel_loop3A_140 = arith.constant 512 : i32
          %parallel_loop3A_141 = arith.constant 1 : i32
          scf.for %parallel_loop3A_150 = %parallel_loop3A_139 to %parallel_loop3A_140 step %parallel_loop3A_141  : i32 {
            %parallel_loop3A_151 = arith.constant -16 : i32
            %parallel_loop3A_152 = arith.andi %parallel_loop3A_150, %parallel_loop3A_151 : i32
            %parallel_loop3A_153 = vector.broadcast %parallel_loop3A_150 : i32 to vector<16xi32>
            %parallel_loop3A_154 = arith.addi %iota3A, %parallel_loop3A_153 : vector<16xi32>
            %parallel_loop3A_155 = arith.constant 15 : i32
            %parallel_loop3A_156 = vector.broadcast %parallel_loop3A_155 : i32 to vector<16xi32>
            %parallel_loop3A_157 = arith.andi %parallel_loop3A_154, %parallel_loop3A_156 : vector<16xi32>
            %parallel_loop3A_158 = vector.broadcast %parallel_loop3A_152 : i32 to vector<16xi32>
            %parallel_loop3A_159 = arith.addi %parallel_loop3A_158, %parallel_loop3A_157 : vector<16xi32>
            %parallel_loop3A_160 = tpu.vector_load_idx %arg11[%iota3A, %parallel_loop3A_159] : memref<16x512xf32, #tpu.memory_space<vmem>>[vector<16xi32>, vector<16xi32>], vector<16xf32>,
            tpu.vector_store_idx %arg12[%get3A_138, %parallel_loop3A_159], %parallel_loop3A_160 {add = true} : memref<168x512xf32, #tpu.memory_space<vmem>>[vector<16xi32>, vector<16xi32>], vector<16xf32>,
          } {sc.loop_unroll_factor = 8 : i64, sc.parallel_access}
          %add3A_142 = arith.constant 1 : i32
          %add3A_143 = arith.addi %mul3A_117, %add3A_142 : i32
          %add3A_144 = arith.constant 2 : i32
          %add3A_145 = arith.addi %add3A_143, %add3A_144 : i32
          %lt3A_146 = arith.cmpi slt, %add3A_145, %select_n3A : i32
          %convert_element_type3A_147 = arith.extui %lt3A_146 : i1 to i32
          %cond3A_148 = arith.constant 0 : i32
          %cond3A_149 = arith.cmpi ne, %convert_element_type3A_147, %cond3A_148 : i32
          scf.if %cond3A_149 {
            %add3A_150 = arith.constant 1 : i32
            %add3A_151 = arith.addi %mul3A_117, %add3A_150 : i32
            %add3A_152 = arith.constant 2 : i32
            %add3A_153 = arith.addi %add3A_151, %add3A_152 : i32
            %mul3A_154 = arith.constant 16 : i32
            %mul3A_155 = arith.muli %add3A_153, %mul3A_154 : i32
            %dma_start3A = tpu.memref_slice %arg8[%mul3A_155] : memref<6432xi32, #tpu.memory_space<vmem>> -> memref<16xi32, #tpu.memory_space<vmem>>
            %dma_start3A_156 = arith.constant 0 : i32
            %dma_start3A_157 = arith.constant 0 : i32
            %dma_start3A_158 = tpu.memref_slice %arg2[%dma_start3A_156, %dma_start3A_157] : memref<10240x512xf32, #tpu.memory_space<hbm>> -> memref<10240x512xf32, #tpu.memory_space<hbm>>
            tpu.enqueue_indirect_dma source(%dma_start3A_158 : memref<10240x512xf32, #tpu.memory_space<hbm>>) target(%arg11 : memref<16x512xf32, #tpu.memory_space<vmem>>) offsets(%dma_start3A : memref<16xi32, #tpu.memory_space<vmem>>) semaphore(%arg14 : memref<!tpu.dma_semaphore, #tpu.memory_space<semaphore_mem>>)
          } else {
          }
        } else {
        }
        %while3A_129 = arith.constant 0 : i32
        scf.yield %while3A_129 : i32
      }
      %scan3A_113 = arith.constant 0 : i32
      scf.yield %scan3A_113 : i32
    }
    %scan3A_18 = arith.constant 25 : i32
    "tpu.region"() ({
      %run_scoped3A = tpu.sem_alloc : memref<!tpu.dma_semaphore, #tpu.memory_space<semaphore_mem>>
      %dma_start3A = arith.constant 0 : i32
      %dma_start3A_33 = arith.constant 0 : i32
      %dma_start3A_34 = tpu.memref_slice %arg12[%dma_start3A, %dma_start3A_33] : memref<168x512xf32, #tpu.memory_space<vmem>> -> memref<160x512xf32, #tpu.memory_space<vmem>>
      %dma_start3A_35 = arith.constant 0 : i32
      %dma_start3A_36 = tpu.memref_slice %arg5[%mul3A_10, %dma_start3A_35] : memref<10240x512xf32, #tpu.memory_space<hbm>> -> memref<160x512xf32, #tpu.memory_space<hbm>>
      %dma_start3A_37 = arith.constant 0 : i32
      %dma_start3A_38 = tpu.memref_slice %arg5[%mul3A_10, %dma_start3A_37] : memref<10240x512xf32, #tpu.memory_space<hbm>> -> memref<160x512xf32, #tpu.memory_space<hbm>>
      %dma_start3A_39 = arith.constant 0 : i32
      %dma_start3A_40 = arith.constant 0 : i32
      %dma_start3A_41 = tpu.memref_slice %arg12[%dma_start3A_39, %dma_start3A_40] : memref<168x512xf32, #tpu.memory_space<vmem>> -> memref<160x512xf32, #tpu.memory_space<vmem>>
      tpu.enqueue_dma source(%dma_start3A_41 : memref<160x512xf32, #tpu.memory_space<vmem>>) target(%dma_start3A_38 : memref<160x512xf32, #tpu.memory_space<hbm>>) target_semaphore(%run_scoped3A : memref<!tpu.dma_semaphore, #tpu.memory_space<semaphore_mem>>)
      %dma_wait3A = arith.constant 0 : i32
      %dma_wait3A_42 = arith.constant 0 : i32
      %dma_wait3A_43 = tpu.memref_slice %arg12[%dma_wait3A, %dma_wait3A_42] : memref<168x512xf32, #tpu.memory_space<vmem>> -> memref<160x512xf32, #tpu.memory_space<vmem>>
      %dma_wait3A_44 = arith.constant 0 : i32
      %dma_wait3A_45 = tpu.memref_slice %arg5[%mul3A_10, %dma_wait3A_44] : memref<10240x512xf32, #tpu.memory_space<hbm>> -> memref<160x512xf32, #tpu.memory_space<hbm>>
      %dma_wait3A_46 = arith.constant 0 : i32
      %dma_wait3A_47 = tpu.memref_slice %arg5[%mul3A_10, %dma_wait3A_46] : memref<10240x512xf32, #tpu.memory_space<hbm>> -> memref<160x512xf32, #tpu.memory_space<hbm>>
      %dma_wait3A_48 = arith.constant 0 : i32
      %dma_wait3A_49 = arith.constant 0 : i32
      %dma_wait3A_50 = tpu.memref_slice %arg12[%dma_wait3A_48, %dma_wait3A_49] : memref<168x512xf32, #tpu.memory_space<vmem>> -> memref<160x512xf32, #tpu.memory_space<vmem>>
      tpu.wait_dma2 semaphore(%run_scoped3A : memref<!tpu.dma_semaphore, #tpu.memory_space<semaphore_mem>>) src(%dma_wait3A_50 : memref<160x512xf32, #tpu.memory_space<vmem>>) dst(%dma_wait3A_47 : memref<160x512xf32, #tpu.memory_space<hbm>>)
      tpu.yield
    }) : () -> ()
    %add3A_19 = arith.constant 32 : i32
    %add3A_20 = arith.addi %add3A_19, %add3A : i32
    %mul3A_21 = arith.constant 160 : i32
    %mul3A_22 = arith.muli %add3A_20, %mul3A_21 : i32
    %parallel_loop3A_23 = arith.constant 0 : i32
    %parallel_loop3A_24 = arith.constant 168 : i32
    %parallel_loop3A_25 = arith.constant 1 : i32
    scf.for %parallel_loop3A_33 = %parallel_loop3A_23 to %parallel_loop3A_24 step %parallel_loop3A_25  : i32 {
      %parallel_loop3A_34 = arith.index_cast %parallel_loop3A_33 : i32 to index
      %parallel_loop3A_35 = arith.constant 0 : index
      %parallel_loop3A_36 = tpu.vector_load %arg12[%parallel_loop3A_34, %parallel_loop3A_35] {strides = array<i32>} : memref<168x512xf32, #tpu.memory_space<vmem>>, vector<16xf32>,
      tpu.vector_store %arg12[%parallel_loop3A_34, %parallel_loop3A_35], %broadcast_in_dim3A_1 {strides = array<i32>} : memref<168x512xf32, #tpu.memory_space<vmem>>, vector<16xf32>,
      %parallel_loop3A_37 = arith.index_cast %parallel_loop3A_33 : i32 to index
      %parallel_loop3A_38 = arith.constant 16 : index
      %parallel_loop3A_39 = tpu.vector_load %arg12[%parallel_loop3A_37, %parallel_loop3A_38] {strides = array<i32>} : memref<168x512xf32, #tpu.memory_space<vmem>>, vector<16xf32>,
      tpu.vector_store %arg12[%parallel_loop3A_37, %parallel_loop3A_38], %broadcast_in_dim3A_1 {strides = array<i32>} : memref<168x512xf32, #tpu.memory_space<vmem>>, vector<16xf32>,
      %parallel_loop3A_40 = arith.index_cast %parallel_loop3A_33 : i32 to index
      %parallel_loop3A_41 = arith.constant 32 : index
      %parallel_loop3A_42 = tpu.vector_load %arg12[%parallel_loop3A_40, %parallel_loop3A_41] {strides = array<i32>} : memref<168x512xf32, #tpu.memory_space<vmem>>, vector<16xf32>,
      tpu.vector_store %arg12[%parallel_loop3A_40, %parallel_loop3A_41], %broadcast_in_dim3A_1 {strides = array<i32>} : memref<168x512xf32, #tpu.memory_space<vmem>>, vector<16xf32>,
      %parallel_loop3A_43 = arith.index_cast %parallel_loop3A_33 : i32 to index
      %parallel_loop3A_44 = arith.constant 48 : index
      %parallel_loop3A_45 = tpu.vector_load %arg12[%parallel_loop3A_43, %parallel_loop3A_44] {strides = array<i32>} : memref<168x512xf32, #tpu.memory_space<vmem>>, vector<16xf32>,
      tpu.vector_store %arg12[%parallel_loop3A_43, %parallel_loop3A_44], %broadcast_in_dim3A_1 {strides = array<i32>} : memref<168x512xf32, #tpu.memory_space<vmem>>, vector<16xf32>,
      %parallel_loop3A_46 = arith.index_cast %parallel_loop3A_33 : i32 to index
      %parallel_loop3A_47 = arith.constant 64 : index
      %parallel_loop3A_48 = tpu.vector_load %arg12[%parallel_loop3A_46, %parallel_loop3A_47] {strides = array<i32>} : memref<168x512xf32, #tpu.memory_space<vmem>>, vector<16xf32>,
      tpu.vector_store %arg12[%parallel_loop3A_46, %parallel_loop3A_47], %broadcast_in_dim3A_1 {strides = array<i32>} : memref<168x512xf32, #tpu.memory_space<vmem>>, vector<16xf32>,
      %parallel_loop3A_49 = arith.index_cast %parallel_loop3A_33 : i32 to index
      %parallel_loop3A_50 = arith.constant 80 : index
      %parallel_loop3A_51 = tpu.vector_load %arg12[%parallel_loop3A_49, %parallel_loop3A_50] {strides = array<i32>} : memref<168x512xf32, #tpu.memory_space<vmem>>, vector<16xf32>,
      tpu.vector_store %arg12[%parallel_loop3A_49, %parallel_loop3A_50], %broadcast_in_dim3A_1 {strides = array<i32>} : memref<168x512xf32, #tpu.memory_space<vmem>>, vector<16xf32>,
      %parallel_loop3A_52 = arith.index_cast %parallel_loop3A_33 : i32 to index
      %parallel_loop3A_53 = arith.constant 96 : index
      %parallel_loop3A_54 = tpu.vector_load %arg12[%parallel_loop3A_52, %parallel_loop3A_53] {strides = array<i32>} : memref<168x512xf32, #tpu.memory_space<vmem>>, vector<16xf32>,
      tpu.vector_store %arg12[%parallel_loop3A_52, %parallel_loop3A_53], %broadcast_in_dim3A_1 {strides = array<i32>} : memref<168x512xf32, #tpu.memory_space<vmem>>, vector<16xf32>,
      %parallel_loop3A_55 = arith.index_cast %parallel_loop3A_33 : i32 to index
      %parallel_loop3A_56 = arith.constant 112 : index
      %parallel_loop3A_57 = tpu.vector_load %arg12[%parallel_loop3A_55, %parallel_loop3A_56] {strides = array<i32>} : memref<168x512xf32, #tpu.memory_space<vmem>>, vector<16xf32>,
      tpu.vector_store %arg12[%parallel_loop3A_55, %parallel_loop3A_56], %broadcast_in_dim3A_1 {strides = array<i32>} : memref<168x512xf32, #tpu.memory_space<vmem>>, vector<16xf32>,
      %parallel_loop3A_58 = arith.index_cast %parallel_loop3A_33 : i32 to index
      %parallel_loop3A_59 = arith.constant 128 : index
      %parallel_loop3A_60 = tpu.vector_load %arg12[%parallel_loop3A_58, %parallel_loop3A_59] {strides = array<i32>} : memref<168x512xf32, #tpu.memory_space<vmem>>, vector<16xf32>,
      tpu.vector_store %arg12[%parallel_loop3A_58, %parallel_loop3A_59], %broadcast_in_dim3A_1 {strides = array<i32>} : memref<168x512xf32, #tpu.memory_space<vmem>>, vector<16xf32>,
      %parallel_loop3A_61 = arith.index_cast %parallel_loop3A_33 : i32 to index
      %parallel_loop3A_62 = arith.constant 144 : index
      %parallel_loop3A_63 = tpu.vector_load %arg12[%parallel_loop3A_61, %parallel_loop3A_62] {strides = array<i32>} : memref<168x512xf32, #tpu.memory_space<vmem>>, vector<16xf32>,
      tpu.vector_store %arg12[%parallel_loop3A_61, %parallel_loop3A_62], %broadcast_in_dim3A_1 {strides = array<i32>} : memref<168x512xf32, #tpu.memory_space<vmem>>, vector<16xf32>,
      %parallel_loop3A_64 = arith.index_cast %parallel_loop3A_33 : i32 to index
      %parallel_loop3A_65 = arith.constant 160 : index
      %parallel_loop3A_66 = tpu.vector_load %arg12[%parallel_loop3A_64, %parallel_loop3A_65] {strides = array<i32>} : memref<168x512xf32, #tpu.memory_space<vmem>>, vector<16xf32>,
      tpu.vector_store %arg12[%parallel_loop3A_64, %parallel_loop3A_65], %broadcast_in_dim3A_1 {strides = array<i32>} : memref<168x512xf32, #tpu.memory_space<vmem>>, vector<16xf32>,
      %parallel_loop3A_67 = arith.index_cast %parallel_loop3A_33 : i32 to index
      %parallel_loop3A_68 = arith.constant 176 : index
      %parallel_loop3A_69 = tpu.vector_load %arg12[%parallel_loop3A_67, %parallel_loop3A_68] {strides = array<i32>} : memref<168x512xf32, #tpu.memory_space<vmem>>, vector<16xf32>,
      tpu.vector_store %arg12[%parallel_loop3A_67, %parallel_loop3A_68], %broadcast_in_dim3A_1 {strides = array<i32>} : memref<168x512xf32, #tpu.memory_space<vmem>>, vector<16xf32>,
      %parallel_loop3A_70 = arith.index_cast %parallel_loop3A_33 : i32 to index
      %parallel_loop3A_71 = arith.constant 192 : index
      %parallel_loop3A_72 = tpu.vector_load %arg12[%parallel_loop3A_70, %parallel_loop3A_71] {strides = array<i32>} : memref<168x512xf32, #tpu.memory_space<vmem>>, vector<16xf32>,
      tpu.vector_store %arg12[%parallel_loop3A_70, %parallel_loop3A_71], %broadcast_in_dim3A_1 {strides = array<i32>} : memref<168x512xf32, #tpu.memory_space<vmem>>, vector<16xf32>,
      %parallel_loop3A_73 = arith.index_cast %parallel_loop3A_33 : i32 to index
      %parallel_loop3A_74 = arith.constant 208 : index
      %parallel_loop3A_75 = tpu.vector_load %arg12[%parallel_loop3A_73, %parallel_loop3A_74] {strides = array<i32>} : memref<168x512xf32, #tpu.memory_space<vmem>>, vector<16xf32>,
      tpu.vector_store %arg12[%parallel_loop3A_73, %parallel_loop3A_74], %broadcast_in_dim3A_1 {strides = array<i32>} : memref<168x512xf32, #tpu.memory_space<vmem>>, vector<16xf32>,
      %parallel_loop3A_76 = arith.index_cast %parallel_loop3A_33 : i32 to index
      %parallel_loop3A_77 = arith.constant 224 : index
      %parallel_loop3A_78 = tpu.vector_load %arg12[%parallel_loop3A_76, %parallel_loop3A_77] {strides = array<i32>} : memref<168x512xf32, #tpu.memory_space<vmem>>, vector<16xf32>,
      tpu.vector_store %arg12[%parallel_loop3A_76, %parallel_loop3A_77], %broadcast_in_dim3A_1 {strides = array<i32>} : memref<168x512xf32, #tpu.memory_space<vmem>>, vector<16xf32>,
      %parallel_loop3A_79 = arith.index_cast %parallel_loop3A_33 : i32 to index
      %parallel_loop3A_80 = arith.constant 240 : index
      %parallel_loop3A_81 = tpu.vector_load %arg12[%parallel_loop3A_79, %parallel_loop3A_80] {strides = array<i32>} : memref<168x512xf32, #tpu.memory_space<vmem>>, vector<16xf32>,
      tpu.vector_store %arg12[%parallel_loop3A_79, %parallel_loop3A_80], %broadcast_in_dim3A_1 {strides = array<i32>} : memref<168x512xf32, #tpu.memory_space<vmem>>, vector<16xf32>,
      %parallel_loop3A_82 = arith.index_cast %parallel_loop3A_33 : i32 to index
      %parallel_loop3A_83 = arith.constant 256 : index
      %parallel_loop3A_84 = tpu.vector_load %arg12[%parallel_loop3A_82, %parallel_loop3A_83] {strides = array<i32>} : memref<168x512xf32, #tpu.memory_space<vmem>>, vector<16xf32>,
      tpu.vector_store %arg12[%parallel_loop3A_82, %parallel_loop3A_83], %broadcast_in_dim3A_1 {strides = array<i32>} : memref<168x512xf32, #tpu.memory_space<vmem>>, vector<16xf32>,
      %parallel_loop3A_85 = arith.index_cast %parallel_loop3A_33 : i32 to index
      %parallel_loop3A_86 = arith.constant 272 : index
      %parallel_loop3A_87 = tpu.vector_load %arg12[%parallel_loop3A_85, %parallel_loop3A_86] {strides = array<i32>} : memref<168x512xf32, #tpu.memory_space<vmem>>, vector<16xf32>,
      tpu.vector_store %arg12[%parallel_loop3A_85, %parallel_loop3A_86], %broadcast_in_dim3A_1 {strides = array<i32>} : memref<168x512xf32, #tpu.memory_space<vmem>>, vector<16xf32>,
      %parallel_loop3A_88 = arith.index_cast %parallel_loop3A_33 : i32 to index
      %parallel_loop3A_89 = arith.constant 288 : index
      %parallel_loop3A_90 = tpu.vector_load %arg12[%parallel_loop3A_88, %parallel_loop3A_89] {strides = array<i32>} : memref<168x512xf32, #tpu.memory_space<vmem>>, vector<16xf32>,
      tpu.vector_store %arg12[%parallel_loop3A_88, %parallel_loop3A_89], %broadcast_in_dim3A_1 {strides = array<i32>} : memref<168x512xf32, #tpu.memory_space<vmem>>, vector<16xf32>,
      %parallel_loop3A_91 = arith.index_cast %parallel_loop3A_33 : i32 to index
      %parallel_loop3A_92 = arith.constant 304 : index
      %parallel_loop3A_93 = tpu.vector_load %arg12[%parallel_loop3A_91, %parallel_loop3A_92] {strides = array<i32>} : memref<168x512xf32, #tpu.memory_space<vmem>>, vector<16xf32>,
      tpu.vector_store %arg12[%parallel_loop3A_91, %parallel_loop3A_92], %broadcast_in_dim3A_1 {strides = array<i32>} : memref<168x512xf32, #tpu.memory_space<vmem>>, vector<16xf32>,
      %parallel_loop3A_94 = arith.index_cast %parallel_loop3A_33 : i32 to index
      %parallel_loop3A_95 = arith.constant 320 : index
      %parallel_loop3A_96 = tpu.vector_load %arg12[%parallel_loop3A_94, %parallel_loop3A_95] {strides = array<i32>} : memref<168x512xf32, #tpu.memory_space<vmem>>, vector<16xf32>,
      tpu.vector_store %arg12[%parallel_loop3A_94, %parallel_loop3A_95], %broadcast_in_dim3A_1 {strides = array<i32>} : memref<168x512xf32, #tpu.memory_space<vmem>>, vector<16xf32>,
      %parallel_loop3A_97 = arith.index_cast %parallel_loop3A_33 : i32 to index
      %parallel_loop3A_98 = arith.constant 336 : index
      %parallel_loop3A_99 = tpu.vector_load %arg12[%parallel_loop3A_97, %parallel_loop3A_98] {strides = array<i32>} : memref<168x512xf32, #tpu.memory_space<vmem>>, vector<16xf32>,
      tpu.vector_store %arg12[%parallel_loop3A_97, %parallel_loop3A_98], %broadcast_in_dim3A_1 {strides = array<i32>} : memref<168x512xf32, #tpu.memory_space<vmem>>, vector<16xf32>,
      %parallel_loop3A_100 = arith.index_cast %parallel_loop3A_33 : i32 to index
      %parallel_loop3A_101 = arith.constant 352 : index
      %parallel_loop3A_102 = tpu.vector_load %arg12[%parallel_loop3A_100, %parallel_loop3A_101] {strides = array<i32>} : memref<168x512xf32, #tpu.memory_space<vmem>>, vector<16xf32>,
      tpu.vector_store %arg12[%parallel_loop3A_100, %parallel_loop3A_101], %broadcast_in_dim3A_1 {strides = array<i32>} : memref<168x512xf32, #tpu.memory_space<vmem>>, vector<16xf32>,
      %parallel_loop3A_103 = arith.index_cast %parallel_loop3A_33 : i32 to index
      %parallel_loop3A_104 = arith.constant 368 : index
      %parallel_loop3A_105 = tpu.vector_load %arg12[%parallel_loop3A_103, %parallel_loop3A_104] {strides = array<i32>} : memref<168x512xf32, #tpu.memory_space<vmem>>, vector<16xf32>,
      tpu.vector_store %arg12[%parallel_loop3A_103, %parallel_loop3A_104], %broadcast_in_dim3A_1 {strides = array<i32>} : memref<168x512xf32, #tpu.memory_space<vmem>>, vector<16xf32>,
      %parallel_loop3A_106 = arith.index_cast %parallel_loop3A_33 : i32 to index
      %parallel_loop3A_107 = arith.constant 384 : index
      %parallel_loop3A_108 = tpu.vector_load %arg12[%parallel_loop3A_106, %parallel_loop3A_107] {strides = array<i32>} : memref<168x512xf32, #tpu.memory_space<vmem>>, vector<16xf32>,
      tpu.vector_store %arg12[%parallel_loop3A_106, %parallel_loop3A_107], %broadcast_in_dim3A_1 {strides = array<i32>} : memref<168x512xf32, #tpu.memory_space<vmem>>, vector<16xf32>,
      %parallel_loop3A_109 = arith.index_cast %parallel_loop3A_33 : i32 to index
      %parallel_loop3A_110 = arith.constant 400 : index
      %parallel_loop3A_111 = tpu.vector_load %arg12[%parallel_loop3A_109, %parallel_loop3A_110] {strides = array<i32>} : memref<168x512xf32, #tpu.memory_space<vmem>>, vector<16xf32>,
      tpu.vector_store %arg12[%parallel_loop3A_109, %parallel_loop3A_110], %broadcast_in_dim3A_1 {strides = array<i32>} : memref<168x512xf32, #tpu.memory_space<vmem>>, vector<16xf32>,
      %parallel_loop3A_112 = arith.index_cast %parallel_loop3A_33 : i32 to index
      %parallel_loop3A_113 = arith.constant 416 : index
      %parallel_loop3A_114 = tpu.vector_load %arg12[%parallel_loop3A_112, %parallel_loop3A_113] {strides = array<i32>} : memref<168x512xf32, #tpu.memory_space<vmem>>, vector<16xf32>,
      tpu.vector_store %arg12[%parallel_loop3A_112, %parallel_loop3A_113], %broadcast_in_dim3A_1 {strides = array<i32>} : memref<168x512xf32, #tpu.memory_space<vmem>>, vector<16xf32>,
      %parallel_loop3A_115 = arith.index_cast %parallel_loop3A_33 : i32 to index
      %parallel_loop3A_116 = arith.constant 432 : index
      %parallel_loop3A_117 = tpu.vector_load %arg12[%parallel_loop3A_115, %parallel_loop3A_116] {strides = array<i32>} : memref<168x512xf32, #tpu.memory_space<vmem>>, vector<16xf32>,
      tpu.vector_store %arg12[%parallel_loop3A_115, %parallel_loop3A_116], %broadcast_in_dim3A_1 {strides = array<i32>} : memref<168x512xf32, #tpu.memory_space<vmem>>, vector<16xf32>,
      %parallel_loop3A_118 = arith.index_cast %parallel_loop3A_33 : i32 to index
      %parallel_loop3A_119 = arith.constant 448 : index
      %parallel_loop3A_120 = tpu.vector_load %arg12[%parallel_loop3A_118, %parallel_loop3A_119] {strides = array<i32>} : memref<168x512xf32, #tpu.memory_space<vmem>>, vector<16xf32>,
      tpu.vector_store %arg12[%parallel_loop3A_118, %parallel_loop3A_119], %broadcast_in_dim3A_1 {strides = array<i32>} : memref<168x512xf32, #tpu.memory_space<vmem>>, vector<16xf32>,
      %parallel_loop3A_121 = arith.index_cast %parallel_loop3A_33 : i32 to index
      %parallel_loop3A_122 = arith.constant 464 : index
      %parallel_loop3A_123 = tpu.vector_load %arg12[%parallel_loop3A_121, %parallel_loop3A_122] {strides = array<i32>} : memref<168x512xf32, #tpu.memory_space<vmem>>, vector<16xf32>,
      tpu.vector_store %arg12[%parallel_loop3A_121, %parallel_loop3A_122], %broadcast_in_dim3A_1 {strides = array<i32>} : memref<168x512xf32, #tpu.memory_space<vmem>>, vector<16xf32>,
      %parallel_loop3A_124 = arith.index_cast %parallel_loop3A_33 : i32 to index
      %parallel_loop3A_125 = arith.constant 480 : index
      %parallel_loop3A_126 = tpu.vector_load %arg12[%parallel_loop3A_124, %parallel_loop3A_125] {strides = array<i32>} : memref<168x512xf32, #tpu.memory_space<vmem>>, vector<16xf32>,
      tpu.vector_store %arg12[%parallel_loop3A_124, %parallel_loop3A_125], %broadcast_in_dim3A_1 {strides = array<i32>} : memref<168x512xf32, #tpu.memory_space<vmem>>, vector<16xf32>,
      %parallel_loop3A_127 = arith.index_cast %parallel_loop3A_33 : i32 to index
      %parallel_loop3A_128 = arith.constant 496 : index
      %parallel_loop3A_129 = tpu.vector_load %arg12[%parallel_loop3A_127, %parallel_loop3A_128] {strides = array<i32>} : memref<168x512xf32, #tpu.memory_space<vmem>>, vector<16xf32>,
      tpu.vector_store %arg12[%parallel_loop3A_127, %parallel_loop3A_128], %broadcast_in_dim3A_1 {strides = array<i32>} : memref<168x512xf32, #tpu.memory_space<vmem>>, vector<16xf32>,
    } {sc.loop_unroll_factor = 2 : i64, sc.parallel_access}
    %scan3A_26 = arith.constant 0 : i32
    %scan3A_27 = arith.constant 0 : i32
    %scan3A_28 = arith.constant 25 : i32
    %scan3A_29 = arith.addi %scan3A_27, %scan3A_28 : i32
    %scan3A_30 = arith.constant 1 : i32
    %scan3A_31 = scf.for %scan3A_33 = %scan3A_27 to %scan3A_29 step %scan3A_30 iter_args(%scan3A_34 = %scan3A_26) -> (i32)  : i32 {
      %mul3A_35 = arith.constant 6400 : i32
      %mul3A_36 = arith.muli %scan3A_33, %mul3A_35 : i32
      "tpu.region"() ({
        %run_scoped3A = tpu.sem_alloc : memref<!tpu.dma_semaphore, #tpu.memory_space<semaphore_mem>>
        %dma_start3A = tpu.memref_slice %arg3[%mul3A_36] : memref<160000xi32, #tpu.memory_space<hbm>> -> memref<6400xi32, #tpu.memory_space<hbm>>
        %dma_start3A_114 = tpu.memref_slice %arg3[%mul3A_36] : memref<160000xi32, #tpu.memory_space<hbm>> -> memref<6400xi32, #tpu.memory_space<hbm>>
        tpu.enqueue_dma source(%dma_start3A_114 : memref<6400xi32, #tpu.memory_space<hbm>>) target(%arg6 : memref<6400xi32, #tpu.memory_space<vmem>>) target_semaphore(%run_scoped3A : memref<!tpu.dma_semaphore, #tpu.memory_space<semaphore_mem>>)
        %dma_wait3A = tpu.memref_slice %arg3[%mul3A_36] : memref<160000xi32, #tpu.memory_space<hbm>> -> memref<6400xi32, #tpu.memory_space<hbm>>
        %dma_wait3A_115 = tpu.memref_slice %arg3[%mul3A_36] : memref<160000xi32, #tpu.memory_space<hbm>> -> memref<6400xi32, #tpu.memory_space<hbm>>
        tpu.wait_dma2 semaphore(%run_scoped3A : memref<!tpu.dma_semaphore, #tpu.memory_space<semaphore_mem>>) src(%dma_wait3A_115 : memref<6400xi32, #tpu.memory_space<hbm>>) dst(%arg6 : memref<6400xi32, #tpu.memory_space<vmem>>)
        tpu.yield
      }) : () -> ()
      %mul3A_37 = arith.constant 6400 : i32
      %mul3A_38 = arith.muli %scan3A_33, %mul3A_37 : i32
      "tpu.region"() ({
        %run_scoped3A = tpu.sem_alloc : memref<!tpu.dma_semaphore, #tpu.memory_space<semaphore_mem>>
        %dma_start3A = tpu.memref_slice %arg4[%mul3A_38] : memref<160000xi32, #tpu.memory_space<hbm>> -> memref<6400xi32, #tpu.memory_space<hbm>>
        %dma_start3A_114 = tpu.memref_slice %arg4[%mul3A_38] : memref<160000xi32, #tpu.memory_space<hbm>> -> memref<6400xi32, #tpu.memory_space<hbm>>
        tpu.enqueue_dma source(%dma_start3A_114 : memref<6400xi32, #tpu.memory_space<hbm>>) target(%arg7 : memref<6400xi32, #tpu.memory_space<vmem>>) target_semaphore(%run_scoped3A : memref<!tpu.dma_semaphore, #tpu.memory_space<semaphore_mem>>)
        %dma_wait3A = tpu.memref_slice %arg4[%mul3A_38] : memref<160000xi32, #tpu.memory_space<hbm>> -> memref<6400xi32, #tpu.memory_space<hbm>>
        %dma_wait3A_115 = tpu.memref_slice %arg4[%mul3A_38] : memref<160000xi32, #tpu.memory_space<hbm>> -> memref<6400xi32, #tpu.memory_space<hbm>>
        tpu.wait_dma2 semaphore(%run_scoped3A : memref<!tpu.dma_semaphore, #tpu.memory_space<semaphore_mem>>) src(%dma_wait3A_115 : memref<6400xi32, #tpu.memory_space<hbm>>) dst(%arg7 : memref<6400xi32, #tpu.memory_space<vmem>>)
        tpu.yield
      }) : () -> ()
      %parallel_loop3A_39 = arith.constant 0 : i32
      %parallel_loop3A_40 = arith.constant 400 : i32
      %parallel_loop3A_41 = arith.constant 1 : i32
      %parallel_loop3A_42 = arith.constant 0 : i32
      %parallel_loop3A_43 = scf.for %parallel_loop3A_114 = %parallel_loop3A_39 to %parallel_loop3A_40 step %parallel_loop3A_41 iter_args(%parallel_loop3A_115 = %parallel_loop3A_42) -> (i32)  : i32 {
        %parallel_loop3A_116 = arith.constant 16 : i32
        %parallel_loop3A_117 = arith.muli %parallel_loop3A_114, %parallel_loop3A_116 : i32
        %parallel_loop3A_118 = arith.index_cast %parallel_loop3A_117 : i32 to index
        %parallel_loop3A_119 = tpu.vector_load %arg7[%parallel_loop3A_118] {strides = array<i32>} : memref<6400xi32, #tpu.memory_space<vmem>>, vector<16xi32>,
        %parallel_loop3A_120 = arith.constant 16 : i32
        %parallel_loop3A_121 = arith.muli %parallel_loop3A_114, %parallel_loop3A_120 : i32
        %parallel_loop3A_122 = arith.index_cast %parallel_loop3A_121 : i32 to index
        %parallel_loop3A_123 = tpu.vector_load %arg6[%parallel_loop3A_122] {strides = array<i32>} : memref<6400xi32, #tpu.memory_space<vmem>>, vector<16xi32>,
        %parallel_loop3A_124 = vector.broadcast %mul3A_22 : i32 to vector<16xi32>
        %parallel_loop3A_125 = arith.cmpi sge, %parallel_loop3A_119, %parallel_loop3A_124 : vector<16xi32>
        %parallel_loop3A_126 = arith.constant 160 : i32
        %parallel_loop3A_127 = arith.addi %mul3A_22, %parallel_loop3A_126 : i32
        %parallel_loop3A_128 = vector.broadcast %parallel_loop3A_127 : i32 to vector<16xi32>
        %parallel_loop3A_129 = arith.cmpi slt, %parallel_loop3A_119, %parallel_loop3A_128 : vector<16xi32>
        %parallel_loop3A_130 = arith.andi %parallel_loop3A_125, %parallel_loop3A_129 : vector<16xi1>
        %parallel_loop3A_131 = arith.extui %parallel_loop3A_130 : vector<16xi1> to vector<16xi32>
        %parallel_loop3A_132 = arith.constant true
        %parallel_loop3A_133 = vector.broadcast %parallel_loop3A_132 : i1 to vector<16xi1>
        %parallel_loop3A_134 = tpu.scan <sum>, %parallel_loop3A_131 masked %parallel_loop3A_133 : vector<16xi32>, vector<16xi1> -> vector<16xi32>
        %parallel_loop3A_135 = vector.broadcast %parallel_loop3A_115 : i32 to vector<16xi32>
        %parallel_loop3A_136 = arith.addi %parallel_loop3A_135, %parallel_loop3A_134 : vector<16xi32>
        %parallel_loop3A_137 = arith.constant 1 : i32
        %parallel_loop3A_138 = vector.broadcast %parallel_loop3A_137 : i32 to vector<16xi32>
        %parallel_loop3A_139 = arith.subi %parallel_loop3A_136, %parallel_loop3A_138 : vector<16xi32>
        tpu.vector_store_idx %arg8[%parallel_loop3A_139], %parallel_loop3A_123 masked %parallel_loop3A_130 : memref<6432xi32, #tpu.memory_space<vmem>>[vector<16xi32>], vector<16xi32>, vector<16xi1>
        %parallel_loop3A_140 = vector.broadcast %mul3A_22 : i32 to vector<16xi32>
        %parallel_loop3A_141 = arith.subi %parallel_loop3A_119, %parallel_loop3A_140 : vector<16xi32>
        tpu.vector_store_idx %arg9[%parallel_loop3A_139], %parallel_loop3A_141 masked %parallel_loop3A_130 : memref<6432xi32, #tpu.memory_space<vmem>>[vector<16xi32>], vector<16xi32>, vector<16xi1>
        %parallel_loop3A_142 = tpu.all_reduce %parallel_loop3A_130 {dim = 0 : i64, kind = #tpu.reduction_kind<sum>} : vector<16xi1> -> vector<16xi32>
        %parallel_loop3A_143 = vector.extract_strided_slice %parallel_loop3A_142 {offsets = [0], sizes = [1], strides = [1]} : vector<16xi32> to vector<1xi32>
        %parallel_loop3A_144 = vector.extract %parallel_loop3A_143[0] : i32 from vector<1xi32>
        %parallel_loop3A_145 = arith.addi %parallel_loop3A_115, %parallel_loop3A_144 : i32
        scf.yield %parallel_loop3A_145 : i32
      } {sc.loop_unroll_factor = 4 : i64, sc.parallel_access}
      %swap3A = arith.index_cast %parallel_loop3A_43 : i32 to index
      %swap3A_44 = tpu.vector_load %arg8[%swap3A] {strides = array<i32>} : memref<6432xi32, #tpu.memory_space<vmem>>, vector<16xi32>,
      tpu.vector_store %arg8[%swap3A], %broadcast_in_dim3A_4 {strides = array<i32>} : memref<6432xi32, #tpu.memory_space<vmem>>, vector<16xi32>,
      %swap3A_45 = arith.index_cast %parallel_loop3A_43 : i32 to index
      %swap3A_46 = tpu.vector_load %arg9[%swap3A_45] {strides = array<i32>} : memref<6432xi32, #tpu.memory_space<vmem>>, vector<16xi32>,
      tpu.vector_store %arg9[%swap3A_45], %broadcast_in_dim3A_6 {strides = array<i32>} : memref<6432xi32, #tpu.memory_space<vmem>>, vector<16xi32>,
      %add3A_47 = arith.constant 16 : i32
      %add3A_48 = arith.addi %parallel_loop3A_43, %add3A_47 : i32
      %sub3A = arith.constant 1 : i32
      %sub3A_49 = arith.subi %add3A_48, %sub3A : i32
      %jit3A = arith.constant 16 : i32
      %div3A = arith.divsi %sub3A_49, %jit3A : i32
      %sign3A = arith.constant 0 : i32
      %sign3A_50 = arith.cmpi sgt, %sub3A_49, %sign3A : i32
      %sign3A_51 = arith.extui %sign3A_50 : i1 to i32
      %sign3A_52 = arith.constant 0 : i32
      %sign3A_53 = arith.cmpi slt, %sub3A_49, %sign3A_52 : i32
      %sign3A_54 = arith.extui %sign3A_53 : i1 to i32
      %sign3A_55 = arith.subi %sign3A_51, %sign3A_54 : i32
      %sign3A_56 = arith.constant 0 : i32
      %sign3A_57 = arith.cmpi sgt, %jit3A, %sign3A_56 : i32
      %sign3A_58 = arith.extui %sign3A_57 : i1 to i32
      %sign3A_59 = arith.constant 0 : i32
      %sign3A_60 = arith.cmpi slt, %jit3A, %sign3A_59 : i32
      %sign3A_61 = arith.extui %sign3A_60 : i1 to i32
      %sign3A_62 = arith.subi %sign3A_58, %sign3A_61 : i32
      %ne3A = arith.cmpi ne, %sign3A_55, %sign3A_62 : i32
      %rem3A = arith.remsi %sub3A_49, %jit3A : i32
      %ne3A_63 = arith.constant 0 : i32
      %ne3A_64 = arith.cmpi ne, %rem3A, %ne3A_63 : i32
      %and3A = arith.andi %ne3A, %ne3A_64 : i1
      %sub3A_65 = arith.constant 1 : i32
      %sub3A_66 = arith.subi %div3A, %sub3A_65 : i32
      %select_n3A = arith.select %and3A, %sub3A_66, %div3A : i32
      %gt3A = arith.constant 0 : i32
      %gt3A_67 = arith.cmpi sgt, %select_n3A, %gt3A : i32
      %convert_element_type3A = arith.extui %gt3A_67 : i1 to i32
      %cond3A = arith.constant 0 : i32
      %cond3A_68 = arith.cmpi ne, %convert_element_type3A, %cond3A : i32
      scf.if %cond3A_68 {
        %dma_start3A = arith.constant 0 : i32
        %dma_start3A_114 = tpu.memref_slice %arg8[%dma_start3A] : memref<6432xi32, #tpu.memory_space<vmem>> -> memref<16xi32, #tpu.memory_space<vmem>>
        %dma_start3A_115 = arith.constant 0 : i32
        %dma_start3A_116 = arith.constant 0 : i32
        %dma_start3A_117 = tpu.memref_slice %arg2[%dma_start3A_115, %dma_start3A_116] : memref<10240x512xf32, #tpu.memory_space<hbm>> -> memref<10240x512xf32, #tpu.memory_space<hbm>>
        tpu.enqueue_indirect_dma source(%dma_start3A_117 : memref<10240x512xf32, #tpu.memory_space<hbm>>) target(%arg10 : memref<16x512xf32, #tpu.memory_space<vmem>>) offsets(%dma_start3A_114 : memref<16xi32, #tpu.memory_space<vmem>>) semaphore(%arg13 : memref<!tpu.dma_semaphore, #tpu.memory_space<semaphore_mem>>)
      } else {
      }
      %gt3A_69 = arith.constant 1 : i32
      %gt3A_70 = arith.cmpi sgt, %select_n3A, %gt3A_69 : i32
      %convert_element_type3A_71 = arith.extui %gt3A_70 : i1 to i32
      %cond3A_72 = arith.constant 0 : i32
      %cond3A_73 = arith.cmpi ne, %convert_element_type3A_71, %cond3A_72 : i32
      scf.if %cond3A_73 {
        %dma_start3A = arith.constant 16 : i32
        %dma_start3A_114 = tpu.memref_slice %arg8[%dma_start3A] : memref<6432xi32, #tpu.memory_space<vmem>> -> memref<16xi32, #tpu.memory_space<vmem>>
        %dma_start3A_115 = arith.constant 0 : i32
        %dma_start3A_116 = arith.constant 0 : i32
        %dma_start3A_117 = tpu.memref_slice %arg2[%dma_start3A_115, %dma_start3A_116] : memref<10240x512xf32, #tpu.memory_space<hbm>> -> memref<10240x512xf32, #tpu.memory_space<hbm>>
        tpu.enqueue_indirect_dma source(%dma_start3A_117 : memref<10240x512xf32, #tpu.memory_space<hbm>>) target(%arg11 : memref<16x512xf32, #tpu.memory_space<vmem>>) offsets(%dma_start3A_114 : memref<16xi32, #tpu.memory_space<vmem>>) semaphore(%arg14 : memref<!tpu.dma_semaphore, #tpu.memory_space<semaphore_mem>>)
      } else {
      }
      %add3A_74 = arith.constant 2 : i32
      %add3A_75 = arith.addi %select_n3A, %add3A_74 : i32
      %sub3A_76 = arith.constant 1 : i32
      %sub3A_77 = arith.subi %add3A_75, %sub3A_76 : i32
      %jit3A_78 = arith.constant 2 : i32
      %div3A_79 = arith.divsi %sub3A_77, %jit3A_78 : i32
      %sign3A_80 = arith.constant 0 : i32
      %sign3A_81 = arith.cmpi sgt, %sub3A_77, %sign3A_80 : i32
      %sign3A_82 = arith.extui %sign3A_81 : i1 to i32
      %sign3A_83 = arith.constant 0 : i32
      %sign3A_84 = arith.cmpi slt, %sub3A_77, %sign3A_83 : i32
      %sign3A_85 = arith.extui %sign3A_84 : i1 to i32
      %sign3A_86 = arith.subi %sign3A_82, %sign3A_85 : i32
      %sign3A_87 = arith.constant 0 : i32
      %sign3A_88 = arith.cmpi sgt, %jit3A_78, %sign3A_87 : i32
      %sign3A_89 = arith.extui %sign3A_88 : i1 to i32
      %sign3A_90 = arith.constant 0 : i32
      %sign3A_91 = arith.cmpi slt, %jit3A_78, %sign3A_90 : i32
      %sign3A_92 = arith.extui %sign3A_91 : i1 to i32
      %sign3A_93 = arith.subi %sign3A_89, %sign3A_92 : i32
      %ne3A_94 = arith.cmpi ne, %sign3A_86, %sign3A_93 : i32
      %rem3A_95 = arith.remsi %sub3A_77, %jit3A_78 : i32
      %ne3A_96 = arith.constant 0 : i32
      %ne3A_97 = arith.cmpi ne, %rem3A_95, %ne3A_96 : i32
      %and3A_98 = arith.andi %ne3A_94, %ne3A_97 : i1
      %sub3A_99 = arith.constant 1 : i32
      %sub3A_100 = arith.subi %div3A_79, %sub3A_99 : i32
      %select_n3A_101 = arith.select %and3A_98, %sub3A_100, %div3A_79 : i32
      %while3A = arith.constant 0 : i32
      %while3A_102 = arith.constant 0 : i32
      %while3A_103 = arith.subi %select_n3A_101, %while3A : i32
      %while3A_104 = arith.addi %while3A, %while3A_103 : i32
      %while3A_105 = arith.constant 1 : i32
      %while3A_106 = arith.divsi %while3A_103, %while3A_105 : i32
      %while3A_107 = arith.muli %while3A_106, %while3A_105 : i32
      %while3A_108 = arith.addi %while3A, %while3A_107 : i32
      %while3A_109 = arith.constant 1 : i32
      %while3A_110 = scf.for %while3A_114 = %while3A to %while3A_108 step %while3A_109 iter_args(%while3A_115 = %while3A_102) -> (i32)  : i32 {
        %mul3A_116 = arith.constant 2 : i32
        %mul3A_117 = arith.muli %while3A_114, %mul3A_116 : i32
        %add3A_118 = arith.constant 0 : i32
        %add3A_119 = arith.addi %mul3A_117, %add3A_118 : i32
        %lt3A = arith.cmpi slt, %add3A_119, %select_n3A : i32
        %convert_element_type3A_120 = arith.extui %lt3A : i1 to i32
        %cond3A_121 = arith.constant 0 : i32
        %cond3A_122 = arith.cmpi ne, %convert_element_type3A_120, %cond3A_121 : i32
        scf.if %cond3A_122 {
          %dma_wait3A = arith.constant 0 : i32
          %dma_wait3A_130 = tpu.memref_slice %arg8[%dma_wait3A] : memref<6432xi32, #tpu.memory_space<vmem>> -> memref<16xi32, #tpu.memory_space<vmem>>
          %dma_wait3A_131 = arith.constant 0 : i32
          %dma_wait3A_132 = arith.constant 0 : i32
          %dma_wait3A_133 = tpu.memref_slice %arg2[%dma_wait3A_131, %dma_wait3A_132] : memref<10240x512xf32, #tpu.memory_space<hbm>> -> memref<10240x512xf32, #tpu.memory_space<hbm>>
          tpu.wait_indirect_dma semaphore(%arg13 : memref<!tpu.dma_semaphore, #tpu.memory_space<semaphore_mem>>) src(%dma_wait3A_133 : memref<10240x512xf32, #tpu.memory_space<hbm>>) dst(%arg10 : memref<16x512xf32, #tpu.memory_space<vmem>>)
          %add3A_134 = arith.constant 0 : i32
          %add3A_135 = arith.addi %mul3A_117, %add3A_134 : i32
          %mul3A_136 = arith.constant 16 : i32
          %mul3A_137 = arith.muli %add3A_135, %mul3A_136 : i32
          %get3A = arith.index_cast %mul3A_137 : i32 to index
          %get3A_138 = tpu.vector_load %arg9[%get3A] {strides = array<i32>} : memref<6432xi32, #tpu.memory_space<vmem>>, vector<16xi32>,
          %parallel_loop3A_139 = arith.constant 0 : i32
          %parallel_loop3A_140 = arith.constant 512 : i32
          %parallel_loop3A_141 = arith.constant 1 : i32
          scf.for %parallel_loop3A_150 = %parallel_loop3A_139 to %parallel_loop3A_140 step %parallel_loop3A_141  : i32 {
            %parallel_loop3A_151 = arith.constant -16 : i32
            %parallel_loop3A_152 = arith.andi %parallel_loop3A_150, %parallel_loop3A_151 : i32
            %parallel_loop3A_153 = vector.broadcast %parallel_loop3A_150 : i32 to vector<16xi32>
            %parallel_loop3A_154 = arith.addi %iota3A, %parallel_loop3A_153 : vector<16xi32>
            %parallel_loop3A_155 = arith.constant 15 : i32
            %parallel_loop3A_156 = vector.broadcast %parallel_loop3A_155 : i32 to vector<16xi32>
            %parallel_loop3A_157 = arith.andi %parallel_loop3A_154, %parallel_loop3A_156 : vector<16xi32>
            %parallel_loop3A_158 = vector.broadcast %parallel_loop3A_152 : i32 to vector<16xi32>
            %parallel_loop3A_159 = arith.addi %parallel_loop3A_158, %parallel_loop3A_157 : vector<16xi32>
            %parallel_loop3A_160 = tpu.vector_load_idx %arg10[%iota3A, %parallel_loop3A_159] : memref<16x512xf32, #tpu.memory_space<vmem>>[vector<16xi32>, vector<16xi32>], vector<16xf32>,
            tpu.vector_store_idx %arg12[%get3A_138, %parallel_loop3A_159], %parallel_loop3A_160 {add = true} : memref<168x512xf32, #tpu.memory_space<vmem>>[vector<16xi32>, vector<16xi32>], vector<16xf32>,
          } {sc.loop_unroll_factor = 8 : i64, sc.parallel_access}
          %add3A_142 = arith.constant 0 : i32
          %add3A_143 = arith.addi %mul3A_117, %add3A_142 : i32
          %add3A_144 = arith.constant 2 : i32
          %add3A_145 = arith.addi %add3A_143, %add3A_144 : i32
          %lt3A_146 = arith.cmpi slt, %add3A_145, %select_n3A : i32
          %convert_element_type3A_147 = arith.extui %lt3A_146 : i1 to i32
          %cond3A_148 = arith.constant 0 : i32
          %cond3A_149 = arith.cmpi ne, %convert_element_type3A_147, %cond3A_148 : i32
          scf.if %cond3A_149 {
            %add3A_150 = arith.constant 0 : i32
            %add3A_151 = arith.addi %mul3A_117, %add3A_150 : i32
            %add3A_152 = arith.constant 2 : i32
            %add3A_153 = arith.addi %add3A_151, %add3A_152 : i32
            %mul3A_154 = arith.constant 16 : i32
            %mul3A_155 = arith.muli %add3A_153, %mul3A_154 : i32
            %dma_start3A = tpu.memref_slice %arg8[%mul3A_155] : memref<6432xi32, #tpu.memory_space<vmem>> -> memref<16xi32, #tpu.memory_space<vmem>>
            %dma_start3A_156 = arith.constant 0 : i32
            %dma_start3A_157 = arith.constant 0 : i32
            %dma_start3A_158 = tpu.memref_slice %arg2[%dma_start3A_156, %dma_start3A_157] : memref<10240x512xf32, #tpu.memory_space<hbm>> -> memref<10240x512xf32, #tpu.memory_space<hbm>>
            tpu.enqueue_indirect_dma source(%dma_start3A_158 : memref<10240x512xf32, #tpu.memory_space<hbm>>) target(%arg10 : memref<16x512xf32, #tpu.memory_space<vmem>>) offsets(%dma_start3A : memref<16xi32, #tpu.memory_space<vmem>>) semaphore(%arg13 : memref<!tpu.dma_semaphore, #tpu.memory_space<semaphore_mem>>)
          } else {
          }
        } else {
        }
        %add3A_123 = arith.constant 1 : i32
        %add3A_124 = arith.addi %mul3A_117, %add3A_123 : i32
        %lt3A_125 = arith.cmpi slt, %add3A_124, %select_n3A : i32
        %convert_element_type3A_126 = arith.extui %lt3A_125 : i1 to i32
        %cond3A_127 = arith.constant 0 : i32
        %cond3A_128 = arith.cmpi ne, %convert_element_type3A_126, %cond3A_127 : i32
        scf.if %cond3A_128 {
          %dma_wait3A = arith.constant 0 : i32
          %dma_wait3A_130 = tpu.memref_slice %arg8[%dma_wait3A] : memref<6432xi32, #tpu.memory_space<vmem>> -> memref<16xi32, #tpu.memory_space<vmem>>
          %dma_wait3A_131 = arith.constant 0 : i32
          %dma_wait3A_132 = arith.constant 0 : i32
          %dma_wait3A_133 = tpu.memref_slice %arg2[%dma_wait3A_131, %dma_wait3A_132] : memref<10240x512xf32, #tpu.memory_space<hbm>> -> memref<10240x512xf32, #tpu.memory_space<hbm>>
          tpu.wait_indirect_dma semaphore(%arg14 : memref<!tpu.dma_semaphore, #tpu.memory_space<semaphore_mem>>) src(%dma_wait3A_133 : memref<10240x512xf32, #tpu.memory_space<hbm>>) dst(%arg11 : memref<16x512xf32, #tpu.memory_space<vmem>>)
          %add3A_134 = arith.constant 1 : i32
          %add3A_135 = arith.addi %mul3A_117, %add3A_134 : i32
          %mul3A_136 = arith.constant 16 : i32
          %mul3A_137 = arith.muli %add3A_135, %mul3A_136 : i32
          %get3A = arith.index_cast %mul3A_137 : i32 to index
          %get3A_138 = tpu.vector_load %arg9[%get3A] {strides = array<i32>} : memref<6432xi32, #tpu.memory_space<vmem>>, vector<16xi32>,
          %parallel_loop3A_139 = arith.constant 0 : i32
          %parallel_loop3A_140 = arith.constant 512 : i32
          %parallel_loop3A_141 = arith.constant 1 : i32
          scf.for %parallel_loop3A_150 = %parallel_loop3A_139 to %parallel_loop3A_140 step %parallel_loop3A_141  : i32 {
            %parallel_loop3A_151 = arith.constant -16 : i32
            %parallel_loop3A_152 = arith.andi %parallel_loop3A_150, %parallel_loop3A_151 : i32
            %parallel_loop3A_153 = vector.broadcast %parallel_loop3A_150 : i32 to vector<16xi32>
            %parallel_loop3A_154 = arith.addi %iota3A, %parallel_loop3A_153 : vector<16xi32>
            %parallel_loop3A_155 = arith.constant 15 : i32
            %parallel_loop3A_156 = vector.broadcast %parallel_loop3A_155 : i32 to vector<16xi32>
            %parallel_loop3A_157 = arith.andi %parallel_loop3A_154, %parallel_loop3A_156 : vector<16xi32>
            %parallel_loop3A_158 = vector.broadcast %parallel_loop3A_152 : i32 to vector<16xi32>
            %parallel_loop3A_159 = arith.addi %parallel_loop3A_158, %parallel_loop3A_157 : vector<16xi32>
            %parallel_loop3A_160 = tpu.vector_load_idx %arg11[%iota3A, %parallel_loop3A_159] : memref<16x512xf32, #tpu.memory_space<vmem>>[vector<16xi32>, vector<16xi32>], vector<16xf32>,
            tpu.vector_store_idx %arg12[%get3A_138, %parallel_loop3A_159], %parallel_loop3A_160 {add = true} : memref<168x512xf32, #tpu.memory_space<vmem>>[vector<16xi32>, vector<16xi32>], vector<16xf32>,
          } {sc.loop_unroll_factor = 8 : i64, sc.parallel_access}
          %add3A_142 = arith.constant 1 : i32
          %add3A_143 = arith.addi %mul3A_117, %add3A_142 : i32
          %add3A_144 = arith.constant 2 : i32
          %add3A_145 = arith.addi %add3A_143, %add3A_144 : i32
          %lt3A_146 = arith.cmpi slt, %add3A_145, %select_n3A : i32
          %convert_element_type3A_147 = arith.extui %lt3A_146 : i1 to i32
          %cond3A_148 = arith.constant 0 : i32
          %cond3A_149 = arith.cmpi ne, %convert_element_type3A_147, %cond3A_148 : i32
          scf.if %cond3A_149 {
            %add3A_150 = arith.constant 1 : i32
            %add3A_151 = arith.addi %mul3A_117, %add3A_150 : i32
            %add3A_152 = arith.constant 2 : i32
            %add3A_153 = arith.addi %add3A_151, %add3A_152 : i32
            %mul3A_154 = arith.constant 16 : i32
            %mul3A_155 = arith.muli %add3A_153, %mul3A_154 : i32
            %dma_start3A = tpu.memref_slice %arg8[%mul3A_155] : memref<6432xi32, #tpu.memory_space<vmem>> -> memref<16xi32, #tpu.memory_space<vmem>>
            %dma_start3A_156 = arith.constant 0 : i32
            %dma_start3A_157 = arith.constant 0 : i32
            %dma_start3A_158 = tpu.memref_slice %arg2[%dma_start3A_156, %dma_start3A_157] : memref<10240x512xf32, #tpu.memory_space<hbm>> -> memref<10240x512xf32, #tpu.memory_space<hbm>>
            tpu.enqueue_indirect_dma source(%dma_start3A_158 : memref<10240x512xf32, #tpu.memory_space<hbm>>) target(%arg11 : memref<16x512xf32, #tpu.memory_space<vmem>>) offsets(%dma_start3A : memref<16xi32, #tpu.memory_space<vmem>>) semaphore(%arg14 : memref<!tpu.dma_semaphore, #tpu.memory_space<semaphore_mem>>)
          } else {
          }
        } else {
        }
        %while3A_129 = arith.constant 0 : i32
        scf.yield %while3A_129 : i32
      }
      %while3A_111 = arith.constant 1 : i32
      %while3A_112 = scf.for %while3A_114 = %while3A_108 to %while3A_104 step %while3A_111 iter_args(%while3A_115 = %while3A_110) -> (i32)  : i32 {
        %mul3A_116 = arith.constant 2 : i32
        %mul3A_117 = arith.muli %while3A_114, %mul3A_116 : i32
        %add3A_118 = arith.constant 0 : i32
        %add3A_119 = arith.addi %mul3A_117, %add3A_118 : i32
        %lt3A = arith.cmpi slt, %add3A_119, %select_n3A : i32
        %convert_element_type3A_120 = arith.extui %lt3A : i1 to i32
        %cond3A_121 = arith.constant 0 : i32
        %cond3A_122 = arith.cmpi ne, %convert_element_type3A_120, %cond3A_121 : i32
        scf.if %cond3A_122 {
          %dma_wait3A = arith.constant 0 : i32
          %dma_wait3A_130 = tpu.memref_slice %arg8[%dma_wait3A] : memref<6432xi32, #tpu.memory_space<vmem>> -> memref<16xi32, #tpu.memory_space<vmem>>
          %dma_wait3A_131 = arith.constant 0 : i32
          %dma_wait3A_132 = arith.constant 0 : i32
          %dma_wait3A_133 = tpu.memref_slice %arg2[%dma_wait3A_131, %dma_wait3A_132] : memref<10240x512xf32, #tpu.memory_space<hbm>> -> memref<10240x512xf32, #tpu.memory_space<hbm>>
          tpu.wait_indirect_dma semaphore(%arg13 : memref<!tpu.dma_semaphore, #tpu.memory_space<semaphore_mem>>) src(%dma_wait3A_133 : memref<10240x512xf32, #tpu.memory_space<hbm>>) dst(%arg10 : memref<16x512xf32, #tpu.memory_space<vmem>>)
          %add3A_134 = arith.constant 0 : i32
          %add3A_135 = arith.addi %mul3A_117, %add3A_134 : i32
          %mul3A_136 = arith.constant 16 : i32
          %mul3A_137 = arith.muli %add3A_135, %mul3A_136 : i32
          %get3A = arith.index_cast %mul3A_137 : i32 to index
          %get3A_138 = tpu.vector_load %arg9[%get3A] {strides = array<i32>} : memref<6432xi32, #tpu.memory_space<vmem>>, vector<16xi32>,
          %parallel_loop3A_139 = arith.constant 0 : i32
          %parallel_loop3A_140 = arith.constant 512 : i32
          %parallel_loop3A_141 = arith.constant 1 : i32
          scf.for %parallel_loop3A_150 = %parallel_loop3A_139 to %parallel_loop3A_140 step %parallel_loop3A_141  : i32 {
            %parallel_loop3A_151 = arith.constant -16 : i32
            %parallel_loop3A_152 = arith.andi %parallel_loop3A_150, %parallel_loop3A_151 : i32
            %parallel_loop3A_153 = vector.broadcast %parallel_loop3A_150 : i32 to vector<16xi32>
            %parallel_loop3A_154 = arith.addi %iota3A, %parallel_loop3A_153 : vector<16xi32>
            %parallel_loop3A_155 = arith.constant 15 : i32
            %parallel_loop3A_156 = vector.broadcast %parallel_loop3A_155 : i32 to vector<16xi32>
            %parallel_loop3A_157 = arith.andi %parallel_loop3A_154, %parallel_loop3A_156 : vector<16xi32>
            %parallel_loop3A_158 = vector.broadcast %parallel_loop3A_152 : i32 to vector<16xi32>
            %parallel_loop3A_159 = arith.addi %parallel_loop3A_158, %parallel_loop3A_157 : vector<16xi32>
            %parallel_loop3A_160 = tpu.vector_load_idx %arg10[%iota3A, %parallel_loop3A_159] : memref<16x512xf32, #tpu.memory_space<vmem>>[vector<16xi32>, vector<16xi32>], vector<16xf32>,
            tpu.vector_store_idx %arg12[%get3A_138, %parallel_loop3A_159], %parallel_loop3A_160 {add = true} : memref<168x512xf32, #tpu.memory_space<vmem>>[vector<16xi32>, vector<16xi32>], vector<16xf32>,
          } {sc.loop_unroll_factor = 8 : i64, sc.parallel_access}
          %add3A_142 = arith.constant 0 : i32
          %add3A_143 = arith.addi %mul3A_117, %add3A_142 : i32
          %add3A_144 = arith.constant 2 : i32
          %add3A_145 = arith.addi %add3A_143, %add3A_144 : i32
          %lt3A_146 = arith.cmpi slt, %add3A_145, %select_n3A : i32
          %convert_element_type3A_147 = arith.extui %lt3A_146 : i1 to i32
          %cond3A_148 = arith.constant 0 : i32
          %cond3A_149 = arith.cmpi ne, %convert_element_type3A_147, %cond3A_148 : i32
          scf.if %cond3A_149 {
            %add3A_150 = arith.constant 0 : i32
            %add3A_151 = arith.addi %mul3A_117, %add3A_150 : i32
            %add3A_152 = arith.constant 2 : i32
            %add3A_153 = arith.addi %add3A_151, %add3A_152 : i32
            %mul3A_154 = arith.constant 16 : i32
            %mul3A_155 = arith.muli %add3A_153, %mul3A_154 : i32
            %dma_start3A = tpu.memref_slice %arg8[%mul3A_155] : memref<6432xi32, #tpu.memory_space<vmem>> -> memref<16xi32, #tpu.memory_space<vmem>>
            %dma_start3A_156 = arith.constant 0 : i32
            %dma_start3A_157 = arith.constant 0 : i32
            %dma_start3A_158 = tpu.memref_slice %arg2[%dma_start3A_156, %dma_start3A_157] : memref<10240x512xf32, #tpu.memory_space<hbm>> -> memref<10240x512xf32, #tpu.memory_space<hbm>>
            tpu.enqueue_indirect_dma source(%dma_start3A_158 : memref<10240x512xf32, #tpu.memory_space<hbm>>) target(%arg10 : memref<16x512xf32, #tpu.memory_space<vmem>>) offsets(%dma_start3A : memref<16xi32, #tpu.memory_space<vmem>>) semaphore(%arg13 : memref<!tpu.dma_semaphore, #tpu.memory_space<semaphore_mem>>)
          } else {
          }
        } else {
        }
        %add3A_123 = arith.constant 1 : i32
        %add3A_124 = arith.addi %mul3A_117, %add3A_123 : i32
        %lt3A_125 = arith.cmpi slt, %add3A_124, %select_n3A : i32
        %convert_element_type3A_126 = arith.extui %lt3A_125 : i1 to i32
        %cond3A_127 = arith.constant 0 : i32
        %cond3A_128 = arith.cmpi ne, %convert_element_type3A_126, %cond3A_127 : i32
        scf.if %cond3A_128 {
          %dma_wait3A = arith.constant 0 : i32
          %dma_wait3A_130 = tpu.memref_slice %arg8[%dma_wait3A] : memref<6432xi32, #tpu.memory_space<vmem>> -> memref<16xi32, #tpu.memory_space<vmem>>
          %dma_wait3A_131 = arith.constant 0 : i32
          %dma_wait3A_132 = arith.constant 0 : i32
          %dma_wait3A_133 = tpu.memref_slice %arg2[%dma_wait3A_131, %dma_wait3A_132] : memref<10240x512xf32, #tpu.memory_space<hbm>> -> memref<10240x512xf32, #tpu.memory_space<hbm>>
          tpu.wait_indirect_dma semaphore(%arg14 : memref<!tpu.dma_semaphore, #tpu.memory_space<semaphore_mem>>) src(%dma_wait3A_133 : memref<10240x512xf32, #tpu.memory_space<hbm>>) dst(%arg11 : memref<16x512xf32, #tpu.memory_space<vmem>>)
          %add3A_134 = arith.constant 1 : i32
          %add3A_135 = arith.addi %mul3A_117, %add3A_134 : i32
          %mul3A_136 = arith.constant 16 : i32
          %mul3A_137 = arith.muli %add3A_135, %mul3A_136 : i32
          %get3A = arith.index_cast %mul3A_137 : i32 to index
          %get3A_138 = tpu.vector_load %arg9[%get3A] {strides = array<i32>} : memref<6432xi32, #tpu.memory_space<vmem>>, vector<16xi32>,
          %parallel_loop3A_139 = arith.constant 0 : i32
          %parallel_loop3A_140 = arith.constant 512 : i32
          %parallel_loop3A_141 = arith.constant 1 : i32
          scf.for %parallel_loop3A_150 = %parallel_loop3A_139 to %parallel_loop3A_140 step %parallel_loop3A_141  : i32 {
            %parallel_loop3A_151 = arith.constant -16 : i32
            %parallel_loop3A_152 = arith.andi %parallel_loop3A_150, %parallel_loop3A_151 : i32
            %parallel_loop3A_153 = vector.broadcast %parallel_loop3A_150 : i32 to vector<16xi32>
            %parallel_loop3A_154 = arith.addi %iota3A, %parallel_loop3A_153 : vector<16xi32>
            %parallel_loop3A_155 = arith.constant 15 : i32
            %parallel_loop3A_156 = vector.broadcast %parallel_loop3A_155 : i32 to vector<16xi32>
            %parallel_loop3A_157 = arith.andi %parallel_loop3A_154, %parallel_loop3A_156 : vector<16xi32>
            %parallel_loop3A_158 = vector.broadcast %parallel_loop3A_152 : i32 to vector<16xi32>
            %parallel_loop3A_159 = arith.addi %parallel_loop3A_158, %parallel_loop3A_157 : vector<16xi32>
            %parallel_loop3A_160 = tpu.vector_load_idx %arg11[%iota3A, %parallel_loop3A_159] : memref<16x512xf32, #tpu.memory_space<vmem>>[vector<16xi32>, vector<16xi32>], vector<16xf32>,
            tpu.vector_store_idx %arg12[%get3A_138, %parallel_loop3A_159], %parallel_loop3A_160 {add = true} : memref<168x512xf32, #tpu.memory_space<vmem>>[vector<16xi32>, vector<16xi32>], vector<16xf32>,
          } {sc.loop_unroll_factor = 8 : i64, sc.parallel_access}
          %add3A_142 = arith.constant 1 : i32
          %add3A_143 = arith.addi %mul3A_117, %add3A_142 : i32
          %add3A_144 = arith.constant 2 : i32
          %add3A_145 = arith.addi %add3A_143, %add3A_144 : i32
          %lt3A_146 = arith.cmpi slt, %add3A_145, %select_n3A : i32
          %convert_element_type3A_147 = arith.extui %lt3A_146 : i1 to i32
          %cond3A_148 = arith.constant 0 : i32
          %cond3A_149 = arith.cmpi ne, %convert_element_type3A_147, %cond3A_148 : i32
          scf.if %cond3A_149 {
            %add3A_150 = arith.constant 1 : i32
            %add3A_151 = arith.addi %mul3A_117, %add3A_150 : i32
            %add3A_152 = arith.constant 2 : i32
            %add3A_153 = arith.addi %add3A_151, %add3A_152 : i32
            %mul3A_154 = arith.constant 16 : i32
            %mul3A_155 = arith.muli %add3A_153, %mul3A_154 : i32
            %dma_start3A = tpu.memref_slice %arg8[%mul3A_155] : memref<6432xi32, #tpu.memory_space<vmem>> -> memref<16xi32, #tpu.memory_space<vmem>>
            %dma_start3A_156 = arith.constant 0 : i32
            %dma_start3A_157 = arith.constant 0 : i32
            %dma_start3A_158 = tpu.memref_slice %arg2[%dma_start3A_156, %dma_start3A_157] : memref<10240x512xf32, #tpu.memory_space<hbm>> -> memref<10240x512xf32, #tpu.memory_space<hbm>>
            tpu.enqueue_indirect_dma source(%dma_start3A_158 : memref<10240x512xf32, #tpu.memory_space<hbm>>) target(%arg11 : memref<16x512xf32, #tpu.memory_space<vmem>>) offsets(%dma_start3A : memref<16xi32, #tpu.memory_space<vmem>>) semaphore(%arg14 : memref<!tpu.dma_semaphore, #tpu.memory_space<semaphore_mem>>)
          } else {
          }
        } else {
        }
        %while3A_129 = arith.constant 0 : i32
        scf.yield %while3A_129 : i32
      }
      %scan3A_113 = arith.constant 0 : i32
      scf.yield %scan3A_113 : i32
    }
    %scan3A_32 = arith.constant 25 : i32
    "tpu.region"() ({
      %run_scoped3A = tpu.sem_alloc : memref<!tpu.dma_semaphore, #tpu.memory_space<semaphore_mem>>
      %dma_start3A = arith.constant 0 : i32
      %dma_start3A_33 = arith.constant 0 : i32
      %dma_start3A_34 = tpu.memref_slice %arg12[%dma_start3A, %dma_start3A_33] : memref<168x512xf32, #tpu.memory_space<vmem>> -> memref<160x512xf32, #tpu.memory_space<vmem>>
      %dma_start3A_35 = arith.constant 0 : i32
      %dma_start3A_36 = tpu.memref_slice %arg5[%mul3A_22, %dma_start3A_35] : memref<10240x512xf32, #tpu.memory_space<hbm>> -> memref<160x512xf32, #tpu.memory_space<hbm>>
      %dma_start3A_37 = arith.constant 0 : i32
      %dma_start3A_38 = tpu.memref_slice %arg5[%mul3A_22, %dma_start3A_37] : memref<10240x512xf32, #tpu.memory_space<hbm>> -> memref<160x512xf32, #tpu.memory_space<hbm>>
      %dma_start3A_39 = arith.constant 0 : i32
      %dma_start3A_40 = arith.constant 0 : i32
      %dma_start3A_41 = tpu.memref_slice %arg12[%dma_start3A_39, %dma_start3A_40] : memref<168x512xf32, #tpu.memory_space<vmem>> -> memref<160x512xf32, #tpu.memory_space<vmem>>
      tpu.enqueue_dma source(%dma_start3A_41 : memref<160x512xf32, #tpu.memory_space<vmem>>) target(%dma_start3A_38 : memref<160x512xf32, #tpu.memory_space<hbm>>) target_semaphore(%run_scoped3A : memref<!tpu.dma_semaphore, #tpu.memory_space<semaphore_mem>>)
      %dma_wait3A = arith.constant 0 : i32
      %dma_wait3A_42 = arith.constant 0 : i32
      %dma_wait3A_43 = tpu.memref_slice %arg12[%dma_wait3A, %dma_wait3A_42] : memref<168x512xf32, #tpu.memory_space<vmem>> -> memref<160x512xf32, #tpu.memory_space<vmem>>
      %dma_wait3A_44 = arith.constant 0 : i32
      %dma_wait3A_45 = tpu.memref_slice %arg5[%mul3A_22, %dma_wait3A_44] : memref<10240x512xf32, #tpu.memory_space<hbm>> -> memref<160x512xf32, #tpu.memory_space<hbm>>
      %dma_wait3A_46 = arith.constant 0 : i32
      %dma_wait3A_47 = tpu.memref_slice %arg5[%mul3A_22, %dma_wait3A_46] : memref<10240x512xf32, #tpu.memory_space<hbm>> -> memref<160x512xf32, #tpu.memory_space<hbm>>
      %dma_wait3A_48 = arith.constant 0 : i32
      %dma_wait3A_49 = arith.constant 0 : i32
      %dma_wait3A_50 = tpu.memref_slice %arg12[%dma_wait3A_48, %dma_wait3A_49] : memref<168x512xf32, #tpu.memory_space<vmem>> -> memref<160x512xf32, #tpu.memory_space<vmem>>
      tpu.wait_dma2 semaphore(%run_scoped3A : memref<!tpu.dma_semaphore, #tpu.memory_space<semaphore_mem>>) src(%dma_wait3A_50 : memref<160x512xf32, #tpu.memory_space<vmem>>) dst(%dma_wait3A_47 : memref<160x512xf32, #tpu.memory_space<hbm>>)
      tpu.yield
    }) : () -> ()
    return
  }
}

module attributes {stable_mosaic.version = 14 : i64} {
  func.func @_mlp1_body(%arg0: i32, %arg1: memref<1024x256xf32, #tpu.memory_space<vmem>>, %arg2: memref<1024x256xf32, #tpu.memory_space<vmem>>, %arg3: memref<256x512xf32, #tpu.memory_space<vmem>>, %arg4: memref<1x512xf32, #tpu.memory_space<vmem>>, %arg5: memref<512x512xf32, #tpu.memory_space<vmem>>, %arg6: memref<1x512xf32, #tpu.memory_space<vmem>>, %arg7: memref<1024x512xf32, #tpu.memory_space<vmem>>) attributes {dimension_semantics = [#tpu.dimension_semantics<arbitrary>], iteration_bounds = array<i64: 10>, scalar_prefetch = 0 : i64, scratch_operands = 0 : i64, tpu.core_type = #tpu.core_type<tc>, window_params = [{transform_indices = @transform_0, window_bounds = array<i64: 1024, 256>}, {transform_indices = @transform_1, window_bounds = array<i64: 1024, 256>}, {pipeline_mode = #tpu.pipeline_mode<synchronous>, transform_indices = @transform_2, window_bounds = array<i64: 256, 512>}, {pipeline_mode = #tpu.pipeline_mode<synchronous>, transform_indices = @transform_3, window_bounds = array<i64: 1, 512>}, {pipeline_mode = #tpu.pipeline_mode<synchronous>, transform_indices = @transform_4, window_bounds = array<i64: 512, 512>}, {pipeline_mode = #tpu.pipeline_mode<synchronous>, transform_indices = @transform_5, window_bounds = array<i64: 1, 512>}, {transform_indices = @transform_6, window_bounds = array<i64: 1024, 512>}]} {
    %get3A = arith.constant 0 : index
    %get3A_0 = arith.constant 0 : index
    %get3A_1 = vector.load %arg1[%get3A, %get3A_0] : memref<1024x256xf32, #tpu.memory_space<vmem>>, vector<1024x256xf32>
    %get3A_2 = arith.constant 0 : index
    %get3A_3 = arith.constant 0 : index
    %get3A_4 = vector.load %arg2[%get3A_2, %get3A_3] : memref<1024x256xf32, #tpu.memory_space<vmem>>, vector<1024x256xf32>
    %add3A = arith.addf %get3A_1, %get3A_4 : vector<1024x256xf32>
    %get3A_5 = arith.constant 0 : index
    %get3A_6 = arith.constant 0 : index
    %get3A_7 = vector.load %arg3[%get3A_5, %get3A_6] : memref<256x512xf32, #tpu.memory_space<vmem>>, vector<256x512xf32>
    %dot_general3A = arith.constant dense<0.000000e+00> : vector<1024x512xf32>
    %dot_general3A_8 = tpu.matmul %add3A, %get3A_7, %dot_general3A {dimension_numbers = #tpu.dot_dimension_numbers<[1], [0], [0], [1], [0, 0, 1, 1], [], []>, precision = #tpu.contract_precision<fp32>, transpose_lhs_hint = false} : vector<1024x256xf32>, vector<256x512xf32>, vector<1024x512xf32> -> vector<1024x512xf32>
    %get3A_9 = arith.constant 0 : index
    %get3A_10 = arith.constant 0 : index
    %get3A_11 = vector.load %arg4[%get3A_9, %get3A_10] : memref<1x512xf32, #tpu.memory_space<vmem>>, vector<1x512xf32>
    %add3A_12 = vector.broadcast %get3A_11 : vector<1x512xf32> to vector<1024x512xf32>
    %add3A_13 = arith.addf %dot_general3A_8, %add3A_12 : vector<1024x512xf32>
    %max3A = arith.constant 0.000000e+00 : f32
    %max3A_14 = vector.broadcast %max3A : f32 to vector<1024x512xf32>
    %max3A_15 = arith.maximumf %add3A_13, %max3A_14 : vector<1024x512xf32>
    %get3A_16 = arith.constant 0 : index
    %get3A_17 = arith.constant 0 : index
    %get3A_18 = vector.load %arg5[%get3A_16, %get3A_17] : memref<512x512xf32, #tpu.memory_space<vmem>>, vector<512x512xf32>
    %dot_general3A_19 = arith.constant dense<0.000000e+00> : vector<1024x512xf32>
    %dot_general3A_20 = tpu.matmul %max3A_15, %get3A_18, %dot_general3A_19 {dimension_numbers = #tpu.dot_dimension_numbers<[1], [0], [0], [1], [0, 0, 1, 1], [], []>, precision = #tpu.contract_precision<fp32>, transpose_lhs_hint = false} : vector<1024x512xf32>, vector<512x512xf32>, vector<1024x512xf32> -> vector<1024x512xf32>
    %get3A_21 = arith.constant 0 : index
    %get3A_22 = arith.constant 0 : index
    %get3A_23 = vector.load %arg6[%get3A_21, %get3A_22] : memref<1x512xf32, #tpu.memory_space<vmem>>, vector<1x512xf32>
    %add3A_24 = vector.broadcast %get3A_23 : vector<1x512xf32> to vector<1024x512xf32>
    %add3A_25 = arith.addf %dot_general3A_20, %add3A_24 : vector<1024x512xf32>
    %max3A_26 = arith.constant 0.000000e+00 : f32
    %max3A_27 = vector.broadcast %max3A_26 : f32 to vector<1024x512xf32>
    %max3A_28 = arith.maximumf %add3A_25, %max3A_27 : vector<1024x512xf32>
    %swap3A = arith.constant 0 : index
    %swap3A_29 = arith.constant 0 : index
    %swap3A_30 = vector.load %arg7[%swap3A, %swap3A_29] : memref<1024x512xf32, #tpu.memory_space<vmem>>, vector<1024x512xf32>
    tpu.vector_store %arg7[%swap3A, %swap3A_29], %max3A_28 {strides = array<i32>} : memref<1024x512xf32, #tpu.memory_space<vmem>>, vector<1024x512xf32>,
    return
  }
  func.func @transform_0(%arg0: i32) -> (i32, i32) {
    %c0_i32 = arith.constant 0 : i32
    %c0_i32_0 = arith.constant 0 : i32
    return %arg0, %c0_i32 : i32, i32
  }
  func.func @transform_1(%arg0: i32) -> (i32, i32) {
    %c0_i32 = arith.constant 0 : i32
    %c0_i32_0 = arith.constant 0 : i32
    return %arg0, %c0_i32 : i32, i32
  }
  func.func @transform_2(%arg0: i32) -> (i32, i32) {
    %c0_i32 = arith.constant 0 : i32
    %c0_i32_0 = arith.constant 0 : i32
    %c0_i32_1 = arith.constant 0 : i32
    return %c0_i32, %c0_i32_0 : i32, i32
  }
  func.func @transform_3(%arg0: i32) -> (i32, i32) {
    %c0_i32 = arith.constant 0 : i32
    %c0_i32_0 = arith.constant 0 : i32
    %c0_i32_1 = arith.constant 0 : i32
    return %c0_i32, %c0_i32_0 : i32, i32
  }
  func.func @transform_4(%arg0: i32) -> (i32, i32) {
    %c0_i32 = arith.constant 0 : i32
    %c0_i32_0 = arith.constant 0 : i32
    %c0_i32_1 = arith.constant 0 : i32
    return %c0_i32, %c0_i32_0 : i32, i32
  }
  func.func @transform_5(%arg0: i32) -> (i32, i32) {
    %c0_i32 = arith.constant 0 : i32
    %c0_i32_0 = arith.constant 0 : i32
    %c0_i32_1 = arith.constant 0 : i32
    return %c0_i32, %c0_i32_0 : i32, i32
  }
  func.func @transform_6(%arg0: i32) -> (i32, i32) {
    %c0_i32 = arith.constant 0 : i32
    %c0_i32_0 = arith.constant 0 : i32
    return %arg0, %c0_i32 : i32, i32
  }
}

module attributes {stable_mosaic.version = 14 : i64} {
  func.func @_mlp2_body(%arg0: i32, %arg1: memref<1024x512xf32, #tpu.memory_space<vmem>>, %arg2: memref<1024x512xf32, #tpu.memory_space<vmem>>, %arg3: memref<1x1x1024xi32, #tpu.memory_space<vmem>>, %arg4: memref<512x512xf32, #tpu.memory_space<vmem>>, %arg5: memref<1x512xf32, #tpu.memory_space<vmem>>, %arg6: memref<512x512xf32, #tpu.memory_space<vmem>>, %arg7: memref<1x512xf32, #tpu.memory_space<vmem>>, %arg8: memref<512x512xf32, #tpu.memory_space<vmem>>, %arg9: memref<1x512xf32, #tpu.memory_space<vmem>>, %arg10: memref<512x128xf32, #tpu.memory_space<vmem>>, %arg11: memref<1x128xf32, #tpu.memory_space<vmem>>, %arg12: memref<64x128xf32, #tpu.memory_space<vmem>>, %arg13: memref<64x512xf32, #tpu.memory_space<vmem>>) attributes {dimension_semantics = [#tpu.dimension_semantics<arbitrary>], iteration_bounds = array<i64: 10>, scalar_prefetch = 0 : i64, scratch_operands = 1 : i64, tpu.core_type = #tpu.core_type<tc>, window_params = [{transform_indices = @transform_0, window_bounds = array<i64: 1024, 512>}, {transform_indices = @transform_1, window_bounds = array<i64: 1024, 512>}, {transform_indices = @transform_2, window_bounds = array<i64: 1, 1, 1024>}, {pipeline_mode = #tpu.pipeline_mode<synchronous>, transform_indices = @transform_3, window_bounds = array<i64: 512, 512>}, {pipeline_mode = #tpu.pipeline_mode<synchronous>, transform_indices = @transform_4, window_bounds = array<i64: 1, 512>}, {pipeline_mode = #tpu.pipeline_mode<synchronous>, transform_indices = @transform_5, window_bounds = array<i64: 512, 512>}, {pipeline_mode = #tpu.pipeline_mode<synchronous>, transform_indices = @transform_6, window_bounds = array<i64: 1, 512>}, {pipeline_mode = #tpu.pipeline_mode<synchronous>, transform_indices = @transform_7, window_bounds = array<i64: 512, 512>}, {pipeline_mode = #tpu.pipeline_mode<synchronous>, transform_indices = @transform_8, window_bounds = array<i64: 1, 512>}, {pipeline_mode = #tpu.pipeline_mode<synchronous>, transform_indices = @transform_9, window_bounds = array<i64: 512, 128>}, {pipeline_mode = #tpu.pipeline_mode<synchronous>, transform_indices = @transform_10, window_bounds = array<i64: 1, 128>}, {pipeline_mode = #tpu.pipeline_mode<synchronous>, transform_indices = @transform_11, window_bounds = array<i64: 64, 128>}]} {
    %get3A = arith.constant 0 : index
    %get3A_0 = arith.constant 0 : index
    %get3A_1 = vector.load %arg1[%get3A, %get3A_0] : memref<1024x512xf32, #tpu.memory_space<vmem>>, vector<1024x512xf32>
    %get3A_2 = arith.constant 0 : index
    %get3A_3 = arith.constant 0 : index
    %get3A_4 = vector.load %arg2[%get3A_2, %get3A_3] : memref<1024x512xf32, #tpu.memory_space<vmem>>, vector<1024x512xf32>
    %add3A = arith.addf %get3A_1, %get3A_4 : vector<1024x512xf32>
    %get3A_5 = arith.constant 0 : index
    %get3A_6 = arith.constant 0 : index
    %get3A_7 = vector.load %arg4[%get3A_5, %get3A_6] : memref<512x512xf32, #tpu.memory_space<vmem>>, vector<512x512xf32>
    %dot_general3A = arith.constant dense<0.000000e+00> : vector<1024x512xf32>
    %dot_general3A_8 = tpu.matmul %add3A, %get3A_7, %dot_general3A {dimension_numbers = #tpu.dot_dimension_numbers<[1], [0], [0], [1], [0, 0, 1, 1], [], []>, precision = #tpu.contract_precision<fp32>, transpose_lhs_hint = false} : vector<1024x512xf32>, vector<512x512xf32>, vector<1024x512xf32> -> vector<1024x512xf32>
    %get3A_9 = arith.constant 0 : index
    %get3A_10 = arith.constant 0 : index
    %get3A_11 = vector.load %arg5[%get3A_9, %get3A_10] : memref<1x512xf32, #tpu.memory_space<vmem>>, vector<1x512xf32>
    %add3A_12 = vector.broadcast %get3A_11 : vector<1x512xf32> to vector<1024x512xf32>
    %add3A_13 = arith.addf %dot_general3A_8, %add3A_12 : vector<1024x512xf32>
    %max3A = arith.constant 0.000000e+00 : f32
    %max3A_14 = vector.broadcast %max3A : f32 to vector<1024x512xf32>
    %max3A_15 = arith.maximumf %add3A_13, %max3A_14 : vector<1024x512xf32>
    %get3A_16 = arith.constant 0 : index
    %get3A_17 = arith.constant 0 : index
    %get3A_18 = vector.load %arg6[%get3A_16, %get3A_17] : memref<512x512xf32, #tpu.memory_space<vmem>>, vector<512x512xf32>
    %dot_general3A_19 = arith.constant dense<0.000000e+00> : vector<1024x512xf32>
    %dot_general3A_20 = tpu.matmul %max3A_15, %get3A_18, %dot_general3A_19 {dimension_numbers = #tpu.dot_dimension_numbers<[1], [0], [0], [1], [0, 0, 1, 1], [], []>, precision = #tpu.contract_precision<fp32>, transpose_lhs_hint = false} : vector<1024x512xf32>, vector<512x512xf32>, vector<1024x512xf32> -> vector<1024x512xf32>
    %get3A_21 = arith.constant 0 : index
    %get3A_22 = arith.constant 0 : index
    %get3A_23 = vector.load %arg7[%get3A_21, %get3A_22] : memref<1x512xf32, #tpu.memory_space<vmem>>, vector<1x512xf32>
    %add3A_24 = vector.broadcast %get3A_23 : vector<1x512xf32> to vector<1024x512xf32>
    %add3A_25 = arith.addf %dot_general3A_20, %add3A_24 : vector<1024x512xf32>
    %max3A_26 = arith.constant 0.000000e+00 : f32
    %max3A_27 = vector.broadcast %max3A_26 : f32 to vector<1024x512xf32>
    %max3A_28 = arith.maximumf %add3A_25, %max3A_27 : vector<1024x512xf32>
    %get3A_29 = arith.constant 0 : index
    %get3A_30 = arith.constant 0 : index
    %get3A_31 = arith.constant 0 : index
    %get3A_32 = vector.load %arg3[%get3A_29, %get3A_30, %get3A_31] : memref<1x1x1024xi32, #tpu.memory_space<vmem>>, vector<1x1x1024xi32>
    %get3A_33 = vector.shape_cast %get3A_32 : vector<1x1x1024xi32> to vector<1024xi32>
    %broadcast_in_dim3A = vector.shape_cast %get3A_33 : vector<1024xi32> to vector<1024x1xi32>
    %iota3A = tpu.iota {dimensions = array<i32: 1>} : vector<1024x64xi32>
    %eq3A = vector.broadcast %broadcast_in_dim3A : vector<1024x1xi32> to vector<1024x64xi32>
    %eq3A_34 = arith.cmpi eq, %eq3A, %iota3A : vector<1024x64xi32>
    %convert_element_type3A = arith.extui %eq3A_34 : vector<1024x64xi1> to vector<1024x64xi32>
    %convert_element_type3A_35 = arith.sitofp %convert_element_type3A : vector<1024x64xi32> to vector<1024x64xf32>
    %dot_general3A_36 = arith.constant dense<0.000000e+00> : vector<64x512xf32>
    %dot_general3A_37 = tpu.matmul %convert_element_type3A_35, %max3A_28, %dot_general3A_36 {dimension_numbers = #tpu.dot_dimension_numbers<[0], [0], [1], [1], [0, 1, 1, 1], [], []>, precision = #tpu.contract_precision<fp32>, transpose_lhs_hint = false} : vector<1024x64xf32>, vector<1024x512xf32>, vector<64x512xf32> -> vector<64x512xf32>
    %eq3A_38 = arith.constant 0 : i32
    %eq3A_39 = arith.cmpi eq, %arg0, %eq3A_38 : i32
    %convert_element_type3A_40 = arith.extui %eq3A_39 : i1 to i32
    %cond3A = arith.constant 0 : i32
    %cond3A_41 = arith.cmpi ne, %convert_element_type3A_40, %cond3A : i32
    scf.if %cond3A_41 {
      %swap3A = arith.constant 0 : index
      %swap3A_51 = arith.constant 0 : index
      %swap3A_52 = vector.load %arg13[%swap3A, %swap3A_51] : memref<64x512xf32, #tpu.memory_space<vmem>>, vector<64x512xf32>
      tpu.vector_store %arg13[%swap3A, %swap3A_51], %dot_general3A_37 {strides = array<i32>} : memref<64x512xf32, #tpu.memory_space<vmem>>, vector<64x512xf32>,
    } else {
    }
    %gt3A = arith.constant 0 : i32
    %gt3A_42 = arith.cmpi sgt, %arg0, %gt3A : i32
    %convert_element_type3A_43 = arith.extui %gt3A_42 : i1 to i32
    %cond3A_44 = arith.constant 0 : i32
    %cond3A_45 = arith.cmpi ne, %convert_element_type3A_43, %cond3A_44 : i32
    scf.if %cond3A_45 {
      %get3A_51 = arith.constant 0 : index
      %get3A_52 = arith.constant 0 : index
      %get3A_53 = vector.load %arg13[%get3A_51, %get3A_52] : memref<64x512xf32, #tpu.memory_space<vmem>>, vector<64x512xf32>
      %add3A_54 = arith.addf %get3A_53, %dot_general3A_37 : vector<64x512xf32>
      %swap3A = arith.constant 0 : index
      %swap3A_55 = arith.constant 0 : index
      %swap3A_56 = vector.load %arg13[%swap3A, %swap3A_55] : memref<64x512xf32, #tpu.memory_space<vmem>>, vector<64x512xf32>
      tpu.vector_store %arg13[%swap3A, %swap3A_55], %add3A_54 {strides = array<i32>} : memref<64x512xf32, #tpu.memory_space<vmem>>, vector<64x512xf32>,
    } else {
    }
    %eq3A_46 = arith.constant 9 : i32
    %eq3A_47 = arith.cmpi eq, %arg0, %eq3A_46 : i32
    %convert_element_type3A_48 = arith.extui %eq3A_47 : i1 to i32
    %cond3A_49 = arith.constant 0 : i32
    %cond3A_50 = arith.cmpi ne, %convert_element_type3A_48, %cond3A_49 : i32
    scf.if %cond3A_50 {
      %get3A_51 = arith.constant 0 : index
      %get3A_52 = arith.constant 0 : index
      %get3A_53 = vector.load %arg13[%get3A_51, %get3A_52] : memref<64x512xf32, #tpu.memory_space<vmem>>, vector<64x512xf32>
      %get3A_54 = arith.constant 0 : index
      %get3A_55 = arith.constant 0 : index
      %get3A_56 = vector.load %arg8[%get3A_54, %get3A_55] : memref<512x512xf32, #tpu.memory_space<vmem>>, vector<512x512xf32>
      %dot_general3A_57 = arith.constant dense<0.000000e+00> : vector<64x512xf32>
      %dot_general3A_58 = tpu.matmul %get3A_53, %get3A_56, %dot_general3A_57 {dimension_numbers = #tpu.dot_dimension_numbers<[1], [0], [0], [1], [0, 0, 1, 1], [], []>, precision = #tpu.contract_precision<fp32>, transpose_lhs_hint = false} : vector<64x512xf32>, vector<512x512xf32>, vector<64x512xf32> -> vector<64x512xf32>
      %get3A_59 = arith.constant 0 : index
      %get3A_60 = arith.constant 0 : index
      %get3A_61 = vector.load %arg9[%get3A_59, %get3A_60] : memref<1x512xf32, #tpu.memory_space<vmem>>, vector<1x512xf32>
      %add3A_62 = vector.broadcast %get3A_61 : vector<1x512xf32> to vector<64x512xf32>
      %add3A_63 = arith.addf %dot_general3A_58, %add3A_62 : vector<64x512xf32>
      %max3A_64 = arith.constant 0.000000e+00 : f32
      %max3A_65 = vector.broadcast %max3A_64 : f32 to vector<64x512xf32>
      %max3A_66 = arith.maximumf %add3A_63, %max3A_65 : vector<64x512xf32>
      %get3A_67 = arith.constant 0 : index
      %get3A_68 = arith.constant 0 : index
      %get3A_69 = vector.load %arg10[%get3A_67, %get3A_68] : memref<512x128xf32, #tpu.memory_space<vmem>>, vector<512x128xf32>
      %dot_general3A_70 = arith.constant dense<0.000000e+00> : vector<64x128xf32>
      %dot_general3A_71 = tpu.matmul %max3A_66, %get3A_69, %dot_general3A_70 {dimension_numbers = #tpu.dot_dimension_numbers<[1], [0], [0], [1], [0, 0, 1, 1], [], []>, precision = #tpu.contract_precision<fp32>, transpose_lhs_hint = false} : vector<64x512xf32>, vector<512x128xf32>, vector<64x128xf32> -> vector<64x128xf32>
      %get3A_72 = arith.constant 0 : index
      %get3A_73 = arith.constant 0 : index
      %get3A_74 = vector.load %arg11[%get3A_72, %get3A_73] : memref<1x128xf32, #tpu.memory_space<vmem>>, vector<1x128xf32>
      %add3A_75 = vector.broadcast %get3A_74 : vector<1x128xf32> to vector<64x128xf32>
      %add3A_76 = arith.addf %dot_general3A_71, %add3A_75 : vector<64x128xf32>
      %swap3A = arith.constant 0 : index
      %swap3A_77 = arith.constant 0 : index
      %swap3A_78 = vector.load %arg12[%swap3A, %swap3A_77] : memref<64x128xf32, #tpu.memory_space<vmem>>, vector<64x128xf32>
      tpu.vector_store %arg12[%swap3A, %swap3A_77], %add3A_76 {strides = array<i32>} : memref<64x128xf32, #tpu.memory_space<vmem>>, vector<64x128xf32>,
    } else {
    }
    return
  }
  func.func @transform_0(%arg0: i32) -> (i32, i32) {
    %c0_i32 = arith.constant 0 : i32
    %c0_i32_0 = arith.constant 0 : i32
    return %arg0, %c0_i32 : i32, i32
  }
  func.func @transform_1(%arg0: i32) -> (i32, i32) {
    %c0_i32 = arith.constant 0 : i32
    %c0_i32_0 = arith.constant 0 : i32
    return %arg0, %c0_i32 : i32, i32
  }
  func.func @transform_2(%arg0: i32) -> (i32, i32, i32) {
    %c0_i32 = arith.constant 0 : i32
    %c0_i32_0 = arith.constant 0 : i32
    %c0_i32_1 = arith.constant 0 : i32
    return %arg0, %c0_i32, %c0_i32_0 : i32, i32, i32
  }
  func.func @transform_3(%arg0: i32) -> (i32, i32) {
    %c0_i32 = arith.constant 0 : i32
    %c0_i32_0 = arith.constant 0 : i32
    %c0_i32_1 = arith.constant 0 : i32
    return %c0_i32, %c0_i32_0 : i32, i32
  }
  func.func @transform_4(%arg0: i32) -> (i32, i32) {
    %c0_i32 = arith.constant 0 : i32
    %c0_i32_0 = arith.constant 0 : i32
    %c0_i32_1 = arith.constant 0 : i32
    return %c0_i32, %c0_i32_0 : i32, i32
  }
  func.func @transform_5(%arg0: i32) -> (i32, i32) {
    %c0_i32 = arith.constant 0 : i32
    %c0_i32_0 = arith.constant 0 : i32
    %c0_i32_1 = arith.constant 0 : i32
    return %c0_i32, %c0_i32_0 : i32, i32
  }
  func.func @transform_6(%arg0: i32) -> (i32, i32) {
    %c0_i32 = arith.constant 0 : i32
    %c0_i32_0 = arith.constant 0 : i32
    %c0_i32_1 = arith.constant 0 : i32
    return %c0_i32, %c0_i32_0 : i32, i32
  }
  func.func @transform_7(%arg0: i32) -> (i32, i32) {
    %c0_i32 = arith.constant 0 : i32
    %c0_i32_0 = arith.constant 0 : i32
    %c0_i32_1 = arith.constant 0 : i32
    return %c0_i32, %c0_i32_0 : i32, i32
  }
  func.func @transform_8(%arg0: i32) -> (i32, i32) {
    %c0_i32 = arith.constant 0 : i32
    %c0_i32_0 = arith.constant 0 : i32
    %c0_i32_1 = arith.constant 0 : i32
    return %c0_i32, %c0_i32_0 : i32, i32
  }
  func.func @transform_9(%arg0: i32) -> (i32, i32) {
    %c0_i32 = arith.constant 0 : i32
    %c0_i32_0 = arith.constant 0 : i32
    %c0_i32_1 = arith.constant 0 : i32
    return %c0_i32, %c0_i32_0 : i32, i32
  }
  func.func @transform_10(%arg0: i32) -> (i32, i32) {
    %c0_i32 = arith.constant 0 : i32
    %c0_i32_0 = arith.constant 0 : i32
    %c0_i32_1 = arith.constant 0 : i32
    return %c0_i32, %c0_i32_0 : i32, i32
  }
  func.func @transform_11(%arg0: i32) -> (i32, i32) {
    %c0_i32 = arith.constant 0 : i32
    %c0_i32_0 = arith.constant 0 : i32
    %c0_i32_1 = arith.constant 0 : i32
    return %c0_i32, %c0_i32_0 : i32, i32
  }
}

</mosaic_0001>

<sc_bundles>
// kernel: kernel.6.cloned.1.call-start
scs
__scs_entry_jumppad:
0x0: {  	(pc) =	sbr.rel $0x88, $3  }
0x1: {  	(tag) =	ssettag $0x0;
	lr =	simm.s32 $0x1  }
0x2: {  	[smem:$0x3F92] =	sst lr;
	_ =	strace $0xD0000000  }
0x3: {  	_ = 	snop  }
0x4: {  	_ = 	snop  }
0x5: {  	_ = 	snop  }
0x6: {  	_ = 	snop  }
0x7: {  	_ = 	snop  }
__scs_overlays_trampoline_lowered:
0x8: {  	[smem:$0x3FA1] =	sst s0  }
0x9: {  	[smem:$0x3FA2] =	sst s1  }
0xa: {  	[smem:$0x3FA3] =	sst s2  }
0xb: {  	[smem:$0x3FA4] =	sst s3  }
0xc: {  	[smem:$0x3FA5] =	sst s4  }
0xd: {  	[smem:$0x3FA6] =	sst s5  }
0xe: {  	[smem:$0x3FA7] =	sst s6  }
0xf: {  	[smem:$0x3FA8] =	sst s7  }
0x10: {  	[smem:$0x3FA9] =	sst s8  }
0x11: {  	[smem:$0x3FAA] =	sst s9;
	s0 =	simm.s32 @!p0 $0x0  }
0x12: {  	s1 =	sld [smem:$0x3F90];
	s0 =	simm.s32 @p0 $0x1  }
0x13: {  	[smem:$0x3FAB] =	sst s0;
	s0 =	simm.s32 @!p1 $0x0  }
0x14: {  	s2 =	sld [smem:$0x3F8F];
	s0 =	simm.s32 @p1 $0x1  }
0x15: {  	[smem:$0x3FAC] =	sst s0;
	s0 =	simm.s32 @!p2 $0x0  }
0x16: {  	s3 =	sld [smem:$0x3FDB];
	s0 =	simm.s32 @p2 $0x1  }
0x17: {  	s4 =	simm.s32 $0x1BF5;
	[smem:$0x3FAE] =	sst s0  }
0x18: {  	s0 =	sld [smem:$0x3F91];
	_ =	swait.ge [sflag:s4], $0x0  }
0x19: {  	s7 =	sld [smem:$0x3F92]  }
0x1a: {  	s8 =	sadd.s32 $0xFFFFE003, lr  }
0x1b: {  	s9 =	sadd.s32 $0xFFFFFEF7, lr;
	s5 =	simm.s32 $0xFFFFFFFF;
	p2 =	slt.u32 s8, $0xFFFFF086  }
0x1c: {  	p1 =	slt.u32 s9, $0xF7A;
	s5 =	simm.s32 @!p2 $0x0  }
0x1d: {  	s5 =	simm.s32 @p1 $0x1;
	p0 =	seq.s32 s7, s2  }
0x1e: {  	s7 =	smul.u32 @!p0 $0xF7A, s2;
	p2 =	seq.s32 @!p0 s5, $0x0  }
0x1f: {  	s9 =	smul.u32 $0xF7A, s1;
	s8 =	simm.s32 @!p0 $0x1BF5;
	p2 =	por !p2, p0  }
0x20: {  	[sflag:s8] =	ssyncset.s32 @!p0 $0xFFFFF086;
	s6 =	sadd.s32 @!p0 s3, s7;
	s7 =	simm.s32 @!p0 $0x108  }
0x21: {  	s3 =	sadd.s32 s3, s9;
	s6 =	sadd.s32 @!p0 $0x88, s6;
	s7 =	simm.s32 @p2 $0x1082  }
0x22: {  	[simem:s7], [sflag:s8] =	dma.local @!p0 [hbm:s6], $0xF7A  }
0x23: {  	s9 =	sor.u32 $0xD0000000, s2;
	s6 =	simm.s32 $0x108;
	_ =	swait.ge @!p0 [sflag:s8], $0x0  }
0x24: {  	s3 =	sadd.s32 $0x88, s3;
	s6 =	simm.s32 @!p1 $0x1082;
	[sflag:s4] =	ssyncset.s32 $0xFFFFF086  }
0x25: {  	[simem:s6], [sflag:s4] =	dma.local [hbm:s3], $0xF7A  }
0x26: {  	[smem:$0x3F92] =	sst s1;
	(tag) =	ssettag s2;
	_ =	strace s9  }
0x27: {  	s1 =	sld [smem:$0x3FA2]  }
0x28: {  	s2 =	sld [smem:$0x3FA3]  }
0x29: {  	s4 =	sld [smem:$0x3FA5]  }
0x2a: {  	p0 =	seq.s32 s5, $0x0;
	s5 =	sld [smem:$0x3FA6]  }
0x2b: {  	s6 =	sld [smem:$0x3FA7]  }
0x2c: {  	s7 =	sld [smem:$0x3FA8]  }
0x2d: {  	s3 =	simm.s32 $0x108;
	s8 =	sld [smem:$0x3FA9]  }
0x2e: {  	s3 =	simm.s32 @!p0 $0x1082;
	s9 =	sld [smem:$0x3FAA]  }
0x2f: {  	lr =	sadd.s32 s0, s3;
	s0 =	sld [smem:$0x3FA1]  }
0x30: {  	s3 =	sld [smem:$0x3FA4]  }
0x31: {  	[smem:$0x3FAD] =	sst s10  }
0x32: {  	s10 =	sld [smem:$0x3FAB];
	_ =	sdelay $0x3  }
0x33: {  	p0 =	seq.s32 s10, $0x1;
	s10 =	sld [smem:$0x3FAD];
	_ =	sdelay $0x3  }
0x34: {  	[smem:$0x3FAD] =	sst s10  }
0x35: {  	s10 =	sld [smem:$0x3FAC];
	_ =	sdelay $0x3  }
0x36: {  	p1 =	seq.s32 s10, $0x1;
	s10 =	sld [smem:$0x3FAD];
	_ =	sdelay $0x3  }
0x37: {  	[smem:$0x3FAD] =	sst s10  }
0x38: {  	s10 =	sld [smem:$0x3FAE]  }
0x39: {  	_ = 	snop;
	(pc) =	sbr.ind lr, $3  }
0x3a: {  	_ = 	snop  }
0x3b: {  	_ = 	snop  }
0x3c: {  	p2 =	seq.s32 s10, $0x1;
	s10 =	sld [smem:$0x3FAD]  }
0x3d: {  	_ =	shalt  }
0x3e: {  	_ =	shalt  }
0x3f: {  	_ =	shalt  }
0x40: {  	_ =	shalt  }
0x41: {  	_ =	shalt  }
0x42: {  	_ =	shalt  }
0x43: {  	_ =	shalt  }
0x44: {  	_ =	shalt  }
0x45: {  	_ =	shalt  }
0x46: {  	_ =	shalt  }
0x47: {  	_ =	shalt  }
0x48: {  	_ =	shalt  }
0x49: {  	_ =	shalt  }
0x4a: {  	_ =	shalt  }
0x4b: {  	_ =	shalt  }
0x4c: {  	_ =	shalt  }
0x4d: {  	_ =	shalt  }
0x4e: {  	_ =	shalt  }
0x4f: {  	_ =	shalt  }
0x50: {  	_ =	shalt  }
0x51: {  	_ =	shalt  }
0x52: {  	_ =	shalt  }
0x53: {  	_ =	shalt  }
0x54: {  	_ =	shalt  }
0x55: {  	_ =	shalt  }
0x56: {  	_ =	shalt  }
0x57: {  	_ =	shalt  }
0x58: {  	_ =	shalt  }
0x59: {  	_ =	shalt  }
0x5a: {  	_ =	shalt  }
0x5b: {  	_ =	shalt  }
0x5c: {  	_ =	shalt  }
0x5d: {  	_ =	shalt  }
0x5e: {  	_ =	shalt  }
0x5f: {  	_ =	shalt  }
0x60: {  	_ =	shalt  }
0x61: {  	_ =	shalt  }
0x62: {  	_ =	shalt  }
0x63: {  	_ =	shalt  }
0x64: {  	_ =	shalt  }
0x65: {  	_ =	shalt  }
0x66: {  	_ =	shalt  }
0x67: {  	_ =	shalt  }
0x68: {  	_ =	shalt  }
0x69: {  	_ =	shalt  }
0x6a: {  	_ =	shalt  }
0x6b: {  	_ =	shalt  }
0x6c: {  	_ =	shalt  }
0x6d: {  	_ =	shalt  }
0x6e: {  	_ =	shalt  }
0x6f: {  	_ =	shalt  }
0x70: {  	_ =	shalt  }
0x71: {  	_ =	shalt  }
0x72: {  	_ =	shalt  }
0x73: {  	_ =	shalt  }
0x74: {  	_ =	shalt  }
0x75: {  	_ =	shalt  }
0x76: {  	_ =	shalt  }
0x77: {  	_ =	shalt  }
0x78: {  	_ =	shalt  }
0x79: {  	_ =	shalt  }
0x7a: {  	_ =	shalt  }
0x7b: {  	_ =	shalt  }
0x7c: {  	_ =	shalt  }
0x7d: {  	_ =	shalt  }
0x7e: {  	_ =	shalt  }
0x7f: {  	_ =	shalt  }
0x80: {  	_ =	shalt  }
0x81: {  	_ =	shalt  }
0x82: {  	_ =	shalt  }
0x83: {  	_ =	shalt  }
0x84: {  	_ =	shalt  }
0x85: {  	_ =	shalt  }
0x86: {  	_ =	shalt  }
0x87: {  	_ =	shalt  }
.Lfunc_end0:
.L_simem_size_0:
called_computation_lowered:
.L_overlay_start_0:
0x88: {  	s2 =	sld [smem:$0x3FD9]  }
0x89: {  	s3 =	sld [smem:$0x3FFE];
	_ =	sdelay $0x1  }
0x8a: {  	s1 =	srdreg.scid  }
0x8b: {  	s0 =	sand.u32 $0x1, s1  }
0x8c: {  	s17 =	sshll.u32 s0, $0xA;
	s2 =	sadd.s32 s3, s2  }
0x8d: {  	s2 =	sadd.s32 s2, s17  }
0x8e: {  	[smem:$0x3FB9] =	sst s2  }
0x8f: {  	_ = 	snop  }
0x90: {  	s2 =	sld [smem:$0x3FC9];
	(tm) =	ssettm $0x1  }
0x91: {  	s18 =	sld [smem:$0x3FFB];
	_ =	sdelay $0x3  }
0x92: {  	_ =	strace s18  }
0x93: {  	s3 =	sld [smem:$0x3FFC];
	_ =	sdelay $0x3  }
0x94: {  	_ =	strace s3  }
0x95: {  	s3 =	sld [smem:$0x3FFD];
	_ =	sdelay $0x3  }
0x96: {  	_ =	strace s3  }
0x97: {  	_ =	strace $0x8FFFFFFF  }
0x98: {  	s19 =	sld [smem:$0x3FDB];
	_ =	sdelay $0x1  }
0x99: {  	s4 =	simm.s32 $_scs_section_size  }
0x9a: {  	s5 =	simm.s32 $_size__tile_overlayer_lowered;
	s6 =	simm.s32 $_tile_overlayer_lowered  }
0x9b: {  	s22 =	simm.s32 $0x1BFF;
	s21 =	sshll.u32 s6, $0x1;
	s3 =	sadd.s32 s4, s19  }
0x9c: {  	s7 =	simm.s32 $0x0;
	s20 =	sshll.u32 s5, $0x1;
	s5 =	sadd.s32 s21, s3  }
0x9d: {  	[timem:s7], [sflag:s22] =	dma.local [hbm:s5], s20  }
0x9e: {  	_ =	swait.ge [sflag:s22], s20  }
0x9f: {  	s4 =	ssub.s32 $0x0, s20;
	[sflag:s22] =	ssyncset.done $0x0  }
0xa0: {  	[sflag:s22] =	ssyncadd.s32 s4;
	_ =	sdelay $0x1  }
0xa1: {  	s23 =	simm.s32 $0x1B8B  }
0xa2: {  	_ =	swait.ge [sflag:s23], $0x1  }
0xa3: {  	[sflag:s23] =	ssyncset.done $0x0  }
0xa4: {  	s25 =	simm.s32 $0x1B8E;
	s24 =	sld [smem:$0x3FFE];
	[sflag:s23] =	ssyncadd.s32 $0xFFFFFFFF  }
0xa5: {  	s26 =	simm.s32 $execute0_lowered;
	[smem:$0x3FD2] =	sst s25  }
0xa6: {  	s5 =	sshll.u32 s26, $0x1;
	_ =	strace $0x80000046;
	[dreg:$0x1] =	wrdreg $0xFFFFFFFF  }
0xa7: {  	s28 =	simm.s32 $_size_execute0_lowered;
	s3 =	sadd.s32 s3, s5;
	[dreg:$0x0] =	wrdreg $0x0  }
0xa8: {  	s5 =	sshll.u32 s28, $0x1;
	[dreg:$0x2] =	wrdreg s3  }
0xa9: {  	[dreg:$0x3] =	wrdreg s5  }
0xaa: {  	[dreg:$0x4] =	wrdreg $0xC0  }
0xab: {  	_ =	task [dreg:s7], $0x5FFFF  }
0xac: {  	[dreg:$0x1] =	wrdreg $0xFFFFFFFF  }
0xad: {  	[dreg:$0x0] =	wrdreg $0x60  }
0xae: {  	[dreg:$0x2] =	wrdreg s2  }
0xaf: {  	[dreg:$0x3] =	wrdreg s24  }
0xb0: {  	[dreg:$0x4] =	wrdreg $0x9  }
0xb1: {  	_ =	task.clear_ibuf [dreg:s7], $0x5FFFF;
	_ =	strace $0x90000046  }
0xb2: {  	s29 =	simm.s32 $0x9;
	_ =	strace $0x80000048  }
0xb3: {  	_ =	swait.ge [sflag:s29], $0x1  }
0xb4: {  	[sflag:s29] =	ssyncadd.s32 $0xFFFFFFFF  }
0xb5: {  	_ =	strace $0x90000048  }
0xb6: {  	_ =	sfence  }
0xb7: {  	s30 =	sld [smem:$0x0];
	_ =	sdelay $0x2  }
0xb8: {  	s31 =	sshll.u32 s1, $0xD;
	s1 =	sshrl.u32 s1, $0x2  }
0xb9: {  	s3 =	sand.u32 $0x4000, s31;
	s1 =	sadd.s32 s1, s30  }
0xba: {  	s0 =	sor.u32 s3, s0;
	s1 =	sshll.u32 s1, $0x11  }
0xbb: {  	s0 =	sor.u32 s1, s0  }
0xbc: {  	s0 =	sadd.s32 $0x8F2B, s0  }
0xbd: {  	[sflag:s0] =	ssyncadd.remote.s32 $0x1  }
0xbe: {  	_ =	sfence.sel $0xFFFF  }
0xbf: {  	[dreg:$0x0] =	wrdreg $0xFFFFFFFF;
	(pc) =	sbr.abs _section_cstart, $3  }
0xc0: {  	[dreg:$0x1] =	wrdreg $0xFFFFFFFF  }
0xc1: {  	_ =	task.clear_ibuf [dreg:s7], $0x2FFFF;
	_ =	strace $0x9FFFFFFF  }
0xc2: {  	(tm) =	ssettm $0x7FFFFFFF  }
0xc3: {  	_ =	shalt  }
tec
execute0_lowered:
.L_overlay_start_1:
0x0: {  	(tag) =	ssettag $0x1  }
0x1: {  	v0 =	vimm.s32 $0xB80;
	vm0 =	vcmask $0x300  }
0x2: {  	s1 =	srdreg.scid;
	s0 =	stileid.u32;
	v0 =	vsel vm0, $0x0, v0;
	vm0 =	vcmask $0x704  }
0x3: {  	s4 =	sand.u32 $0x1, s1;
	s29 =	sshll.u32 s0, $0x1;
	v0 =	vsel vm0, $0x80, v0;
	vm0 =	vcmask $0xB08  }
0x4: {  	s5 =	sor.u32 s4, s29;
	v0 =	vsel vm0, $0x100, v0;
	vm0 =	vcmask $0xF0C  }
0x5: {  	s2 =	smul.u32 $0x137, s5;
	v1 =	vsel vm0, $0x180, v0;
	vm0 =	vcmask $0x1310  }
0x6: {  	vm1 =	vcmask $0x3B38;
	s3 =	smul.u32 $0x140, s5;
	v2 =	vsel vm0, $0x200, v1;
	vm0 =	vcmask $0x1714  }
0x7: {  	s6 =	rddreg [dreg:$0x1];
	s10 =	simm.s32 $0x3F00;
	v0 =	vmov s2;
	v3 =	vsel vm0, $0x280, v2;
	vm0 =	vcmask $0x1B18  }
0x8: {  	s11 =	simm.s32 $0x5E80;
	s12 =	simm.s32 $0x1;
	v1 =	vmov s3;
	s7 =	sadd.s32 $0x140, s3;
	v4 =	vsel vm0, $0x300, v3;
	vm0 =	vcmask $0x1F1C  }
0x9: {  	s13 =	simm.s32 $0x7E00;
	s14 =	simm.s32 $0x8600;
	s15 =	simm.s32 $0xAE00;
	v2 =	vmov s7;
	v5 =	vsel vm0, $0x380, v4;
	vm0 =	vcmask $0x2320  }
0xa: {  	s16 =	simm.s32 $0x2;
	s17 =	simm.s32 $0x8E00;
	s18 =	simm.s32 $0x3;
	v3 =	vimm.f32 $0.0e+00;
	v6 =	vsel vm0, $0x800, v5;
	vm0 =	vcmask $0x2724  }
0xb: {  	s19 =	simm.s32 $0x9E00;
	s20 =	simm.s32 $0x0;
	s1 =	rddreg [dreg:$0x0];
	v4 =	vimm.s32 $0x0;
	v7 =	vsel vm0, $0x880, v6;
	vm0 =	vcmask $0x2B28  }
.Ltmp0:
0xc: {  	s8 =	ssub.s32 $0x2, s4;
	s4 =	sadd.s32 $0x7000, s6;
	v5 =	vimm.s32 $0x140;
	v8 =	vsel vm0, $0x900, v7;
	vm0 =	vcmask $0x2F2C;
	(pc) =	sbr.rel .LBB2_1-.Ltmp0, $4  }
0xd: {  	s30 =	smul.u32 $0x2800, s5;
	s9 =	sshrl.u32 s8, $0x1;
	s5 =	sadd.s32 $0x2000, s6;
	v6 =	vlaneseq.u32;
	v8 =	vsel vm0, $0x980, v8;
	vm0 =	vcmask $0x3330  }
0xe: {  	s31 =	ssub.s32 s8, s9;
	s8 =	simm.s32 $0x4;
	s3 =	simm.s32 $0x0;
	v9 =	vshrl.u32 v6, $0x3;
	v10 =	vsel vm0, $0xA00, v8;
	vm0 =	vcmask $0x3734  }
0xf: {  	s9 =	simm.s32 $0x1F80;
	s6 =	sadd.s32 s30, s6;
	[smem:$0x7FF] =	sst s3;
	v7 =	vand.u32 $0x7, v6;
	v8 =	vmul.u32 $0x8, v9;
	v10 =	vsel vm0, $0xA80, v10  }
0x10: {  	s6 =	sadd.s32 $0xC000, s6;
	s7 =	smax.u32 s31, $0x1;
	_ =	strace $0x80000047;
	v9 =	vor.u32 $0x8, v6;
	vm0 =	vmmov $0xffff;
	v10 =	vsel vm1, $0xB00, v10  }
.LBB2_23:
0x11: {  	s20 =	sadd.s32 $0x1, s20  }
0x12: {  	p0 =	sne.s32 s20, s7  }
.Ltmp1:
0x13: {  	_ = 	snop;
	(pc) =	sbr.rel @!p0 .LBB2_24-.Ltmp1, $4  }
0x14: {  	[hbm4b:s6+s3] =	stream.linear.scatter [tilespmem:s15], [sflag:$0x4], $0x14000, $0x38;
	[tilespmem:$0x1F600] =	vst v63  }
0x15: {  	_ =	swait.ge [sflag:s8], $0x14000  }
0x16: {  	[sflag:s8] =	ssyncset.done $0x0  }
0x17: {  	[sflag:s8] =	ssyncadd.s32 $0xFFFEC000  }
.LBB2_1:
0x18: {  	s21 =	sand.u32 $0x1F800, s3;
	s22 =	sand.u32 $0x300, s3  }
0x19: {  	s22 =	sor.u32 s22, s21  }
0x1a: {  	[tilespmem:s22+$0xB2F0] =	vst v3  }
0x1b: {  	[tilespmem:s22+$0xAE00] =	vst v3  }
0x1c: {  	[tilespmem:s22+$0xAE10] =	vst v3  }
0x1d: {  	[tilespmem:s22+$0xAE20] =	vst v3  }
0x1e: {  	[tilespmem:s22+$0xAE30] =	vst v3  }
0x1f: {  	[tilespmem:s22+$0xAE40] =	vst v3  }
0x20: {  	[tilespmem:s22+$0xAE50] =	vst v3  }
0x21: {  	[tilespmem:s22+$0xAE60] =	vst v3  }
0x22: {  	[tilespmem:s22+$0xAE70] =	vst v3  }
0x23: {  	[tilespmem:s22+$0xB200] =	vst v3  }
0x24: {  	[tilespmem:s22+$0xB210] =	vst v3  }
0x25: {  	[tilespmem:s22+$0xB220] =	vst v3  }
0x26: {  	[tilespmem:s22+$0xB230] =	vst v3  }
0x27: {  	[tilespmem:s22+$0xB240] =	vst v3  }
0x28: {  	[tilespmem:s22+$0xB250] =	vst v3  }
0x29: {  	[tilespmem:s22+$0xB260] =	vst v3  }
0x2a: {  	[tilespmem:s22+$0xB270] =	vst v3  }
0x2b: {  	[tilespmem:s22+$0xAE80] =	vst v3  }
0x2c: {  	[tilespmem:s22+$0xAE90] =	vst v3  }
0x2d: {  	[tilespmem:s22+$0xAEA0] =	vst v3  }
0x2e: {  	[tilespmem:s22+$0xAEB0] =	vst v3  }
0x2f: {  	[tilespmem:s22+$0xAEC0] =	vst v3  }
0x30: {  	[tilespmem:s22+$0xAED0] =	vst v3  }
0x31: {  	[tilespmem:s22+$0xAEE0] =	vst v3  }
0x32: {  	[tilespmem:s22+$0xAEF0] =	vst v3  }
0x33: {  	[tilespmem:s22+$0xB280] =	vst v3  }
0x34: {  	[tilespmem:s22+$0xB290] =	vst v3  }
0x35: {  	[tilespmem:s22+$0xB2A0] =	vst v3  }
0x36: {  	[tilespmem:s22+$0xB2B0] =	vst v3  }
0x37: {  	s23 =	simm.s32 $0x0;
	s24 =	simm.s32 $0x100;
	s25 =	simm.s32 $0x200;
	[tilespmem:s22+$0xB2C0] =	vst v3  }
.LBB2_2:
0x38: {  	s21 =	sand.u32 $0x1F800, s25;
	s26 =	sand.u32 $0x300, s24;
	s23 =	sadd.s32 $0x2, s23;
	[tilespmem:s22+$0xB2D0] =	vst v3  }
0x39: {  	p0 =	slt.u32 s23, $0x146;
	[tilespmem:s22+$0xB2E0] =	vst v3;
	s22 =	sor.u32 s26, s21  }
0x3a: {  	s21 =	simm.s32 $0x0;
	[tilespmem:s22+$0xB2F0] =	vst v3  }
0x3b: {  	[tilespmem:s22+$0xAE00] =	vst v3  }
0x3c: {  	[tilespmem:s22+$0xAE10] =	vst v3  }
0x3d: {  	[tilespmem:s22+$0xAE20] =	vst v3  }
0x3e: {  	[tilespmem:s22+$0xAE30] =	vst v3  }
0x3f: {  	[tilespmem:s22+$0xAE40] =	vst v3  }
0x40: {  	[tilespmem:s22+$0xAE50] =	vst v3  }
0x41: {  	[tilespmem:s22+$0xAE60] =	vst v3  }
0x42: {  	[tilespmem:s22+$0xAE70] =	vst v3  }
0x43: {  	[tilespmem:s22+$0xB200] =	vst v3  }
0x44: {  	[tilespmem:s22+$0xB210] =	vst v3  }
0x45: {  	[tilespmem:s22+$0xB220] =	vst v3  }
0x46: {  	[tilespmem:s22+$0xB230] =	vst v3  }
0x47: {  	[tilespmem:s22+$0xB240] =	vst v3  }
0x48: {  	[tilespmem:s22+$0xB250] =	vst v3  }
0x49: {  	[tilespmem:s22+$0xB260] =	vst v3  }
0x4a: {  	[tilespmem:s22+$0xB270] =	vst v3  }
0x4b: {  	[tilespmem:s22+$0xAE80] =	vst v3  }
0x4c: {  	[tilespmem:s22+$0xAE90] =	vst v3  }
0x4d: {  	[tilespmem:s22+$0xAEA0] =	vst v3  }
0x4e: {  	[tilespmem:s22+$0xAEB0] =	vst v3  }
0x4f: {  	[tilespmem:s22+$0xAEC0] =	vst v3  }
0x50: {  	[tilespmem:s22+$0xAED0] =	vst v3  }
0x51: {  	[tilespmem:s22+$0xAEE0] =	vst v3  }
0x52: {  	[tilespmem:s22+$0xAEF0] =	vst v3  }
.Ltmp2:
0x53: {  	[tilespmem:s22+$0xB280] =	vst v3;
	(pc) =	sbr.rel @p0 .LBB2_2-.Ltmp2, $4  }
0x54: {  	[tilespmem:s22+$0xB290] =	vst v3  }
0x55: {  	[tilespmem:s22+$0xB2A0] =	vst v3  }
0x56: {  	[tilespmem:s22+$0xB2B0] =	vst v3  }
0x57: {  	s24 =	sadd.s32 $0x100, s24;
	s25 =	sadd.s32 $0x200, s25;
	[tilespmem:s22+$0xB2C0] =	vst v3  }
.Ltmp3:
0x58: {  	(pc) =	sbr.rel .LBB2_4-.Ltmp3, $3  }
0x59: {  	_ =	sdelay $0x1  }
0x5a: {  	[tilespmem:s22+$0xB2D0] =	vst v3  }
0x5b: {  	[tilespmem:s22+$0xB2E0] =	vst v3;
	s22 =	simm.s32 $0x0  }
.LBB2_22:
0x5c: {  	s22 =	sadd.s32 $0x1, s22  }
0x5d: {  	p0 =	sne.s32 s22, $0x14  }
.Ltmp4:
0x5e: {  	_ = 	snop;
	(pc) =	sbr.rel @!p0 .LBB2_23-.Ltmp4, $1  }
0x5f: {  	_ =	sdelay $0x3  }
.LBB2_4:
0x60: {  	s23 =	smul.u32 $0x3E8, s22;
	_ =	sdelay $0x1  }
0x61: {  	s24 =	sadd.s32 s4, s23  }
0x62: {  	[tilespmem:s21], [sflag:$0x4] =	stream.linear.gather [hbm4b:s24+s21], $0x1F40, $0x38;
	[tilespmem:$0x1F600] =	vst v63  }
0x63: {  	_ =	swait.ge [sflag:s8], $0x1F40  }
0x64: {  	[sflag:s8] =	ssyncset.done $0x0  }
0x65: {  	s23 =	sadd.s32 s5, s23;
	[sflag:s8] =	ssyncadd.s32 $0xFFFFE0C0  }
0x66: {  	[tilespmem:s9], [sflag:$0x4] =	stream.linear.gather [hbm4b:s23+s21], $0x1F40, $0x38;
	[tilespmem:$0x1F600] =	vst v63  }
0x67: {  	_ =	swait.ge [sflag:s8], $0x1F40  }
0x68: {  	[sflag:s8] =	ssyncset.done $0x0  }
0x69: {  	s24 =	simm.s32 $0x1FA0;
	[sflag:s8] =	ssyncadd.s32 $0xFFFFE0C0  }
0x6a: {  	v12 =	vld [tilespmem:s24+$0x0]  }
0x6b: {  	v13 =	vld [tilespmem:s24+$0xFFFFFFE0]  }
0x6c: {  	v14 =	vld [tilespmem:s24+$0xFFFFFFF0];
	_ =	sdelay $0x3  }
0x6d: {  	v11 =	vld [tilespmem:s24+$0x10];
	vm2 =	vge.s32 v13, v1;
	vm3 =	vlt.s32 v13, v2;
	vm5 =	vge.s32 v12, v1  }
0x6e: {  	vm4 =	vlt.s32 v14, v2;
	vm3 =	vmand vm2, vm3;
	vm2 =	vge.s32 v14, v1  }
0x6f: {  	v15 =	vmpcnt.ones.xlane vm3;
	vm4 =	vmand vm2, vm4;
	vm2 =	vlt.s32 v12, v2  }
0x70: {  	s25 =	simm.s32 $0x1FE0;
	v16 =	vmpcnt.ones.xlane vm4;
	vm2 =	vmand vm5, vm2  }
0x71: {  	v21 =	vld [tilespmem:s25+$0xFFFFFFF0];
	s24 =	simm.s32 $0x2020;
	v17 =	vmpcnt.ones.xlane vm2;
	(v2sf) =	vpush v15, $0x0  }
0x72: {  	v26 =	vld [tilespmem:s24+$0x10];
	vm1 =	vge.s32 v11, v1;
	(v2sf) =	vpush v16, $0x0  }
0x73: {  	vm5 =	vlt.s32 v11, v2;
	v15 =	vsel vm3, $0x1, v4;
	(v2sf) =	vpush v17, $0x0  }
0x74: {  	vm1 =	vmand vm1, vm5;
	(xrf0) =	vadd.scan.msk.s32 $0xffff, v15  }
0x75: {  	v31 =	vsub.s32 v11, v1;
	v18 =	vmpcnt.ones.xlane vm1;
	v16 =	vld [tilespmem:s25+$0x10];
	v17 =	vmov s21  }
0x76: {  	v23 =	vsub.s32 v13, v1;
	v13 =	vsub.s32 v14, v1;
	v11 =	vadd.s32 $0xFFFFFFFF, v17;
	v17 =	vld [tilespmem:s25+$0xFFFFFFE0]  }
0x77: {  	vm8 =	vlt.s32 v21, v2;
	vm11 =	vge.s32 v26, v1;
	(v2sf) =	vpush v18, $0x0  }
0x78: {  	v19 =	vsel vm4, $0x1, v4;
	vm4 =	vmmov vm4;
	v20 =	vsel vm2, $0x1, v4;
	v18 =	vld [tilespmem:s25+$0x0]  }
0x79: {  	vm2 =	vmmov vm2;
	vm3 =	vmmov vm3;
	v11 =	vbroadcast v11, $0x0  }
0x7a: {  	v15 =	vsub.s32 v12, v1;
	v22 =	vsel vm1, $0x1, v4;
	vm9 =	vge.s32 v16, v1;
	v12, _, _ =	vpop (xrf0)  }
0x7b: {  	v25 =	vadd.s32 v12, v11;
	vm5 =	vge.s32 v17, v1;
	vm6 =	vlt.s32 v17, v2  }
0x7c: {  	v12 =	vsub.s32 v16, v1;
	vm6 =	vmand vm5, vm6;
	vm5 =	vge.s32 v21, v1  }
0x7d: {  	s23 =	simm.s32 $0x20;
	(xrf0) =	vadd.scan.msk.s32 $0xffff, v19;
	v11 =	vsub.s32 v18, v1;
	v14 =	vmpcnt.ones.xlane vm6;
	vm10 =	vmand vm5, vm8  }
0x7e: {  	vm7 =	vge.s32 v18, v1;
	(xrf0) =	vadd.scan.msk.s32 $0xffff, v20;
	v20 =	vld [tilespmem:s23+$0xFFFFFFE0];
	vm5 =	vlt.s32 v18, v2;
	v18 =	vmpcnt.ones.xlane vm10  }
0x7f: {  	vm5 =	vmand vm7, vm5;
	vm7 =	vlt.s32 v16, v2;
	(v2sf) =	vpush v14, $0x0  }
0x80: {  	v33 =	vld [tilespmem:s24+$0x0];
	vm8 =	vmmov vm1;
	v14 =	vmpcnt.ones.xlane vm5;
	vm1 =	vmand vm9, vm7;
	s26 =	spop (v2sf)  }
0x81: {  	(xrf0) =	vadd.scan.msk.s32 $0xffff, v22;
	v16 =	vsel vm6, $0x1, v4;
	v19 =	vmpcnt.ones.xlane vm1;
	s29 =	sadd.s32 $0x0, s26;
	s30 =	spop (v2sf);
	(v2sf) =	vpush v18, $0x0  }
0x82: {  	(xrf0) =	vadd.scan.msk.s32 $0xffff, v16;
	v16 =	vsel vm5, $0x1, v4;
	vm9 =	vmmov vm2;
	s26 =	sadd.s32 s29, s30;
	s25 =	spop (v2sf);
	(v2sf) =	vpush v14, $0x0  }
0x83: {  	vm5 =	vmmov vm5;
	vm2 =	vmmov vm6;
	[tilespmem:v25+s10+$0x0] =	vst.idx.msk vm3, v20;
	s28 =	sadd.s32 s26, s25;
	(v2sf) =	vpush v19, $0x0  }
0x84: {  	vm7 =	vmmov vm4;
	[tilespmem:v25+s11+$0x0] =	vst.idx.msk vm3, v23;
	v18 =	vsel vm10, $0x1, v4;
	v19 =	vmov s28  }
0x85: {  	v24, _, _ =	vpop (xrf0);
	vm3 =	vmmov vm10;
	vm10 =	vge.s32 v33, v1;
	(xrf0) =	vadd.scan.msk.s32 $0xffff, v18;
	v19 =	vadd.s32 $0xFFFFFFFF, v19  }
0x86: {  	v29, _, _ =	vpop (xrf0);
	v28 =	vmov s29;
	s31 =	spop (v2sf);
	v22 =	vmov s26;
	(xrf0) =	vadd.scan.msk.s32 $0xffff, v16;
	v16 =	vld [tilespmem:s24+$0xFFFFFFE0];
	v19 =	vbroadcast v19, $0x0  }
0x87: {  	v30 =	vld [tilespmem:s23+$0x10];
	v32, _, _ =	vpop (xrf0);
	v14 =	vsel vm1, $0x1, v4;
	v28 =	vadd.s32 $0xFFFFFFFF, v28;
	s25 =	sadd.s32 s28, s31;
	v22 =	vadd.s32 $0xFFFFFFFF, v22  }
0x88: {  	(xrf0) =	vadd.scan.msk.s32 $0xffff, v14;
	v14 =	vld [tilespmem:s24+$0xFFFFFFF0];
	v27 =	vmov s25;
	v22 =	vbroadcast v22, $0x0;
	v32 =	vadd.s32 v32, v19  }
0x89: {  	v18 =	vsub.s32 v17, v1;
	v28 =	vbroadcast v28, $0x0;
	v27 =	vadd.s32 $0xFFFFFFFF, v27  }
0x8a: {  	v17 =	vsub.s32 v21, v1;
	v34 =	vbroadcast v27, $0x0;
	v27 =	vadd.s32 v29, v22  }
0x8b: {  	v21, _, _ =	vpop (xrf0);
	v22 =	vadd.s32 v24, v28;
	v24 =	vsub.s32 v26, v1;
	v29 =	vld [tilespmem:s23+$0x0];
	vm4 =	vge.s32 v16, v1  }
0x8c: {  	v20, _, _ =	vpop (xrf0);
	vm6 =	vlt.s32 v16, v2;
	v19 =	vadd.s32 v21, v34;
	v21 =	vsub.s32 v33, v1  }
0x8d: {  	v28 =	vld [tilespmem:s23+$0xFFFFFFF0];
	v23, _, _ =	vpop (xrf0);
	vm6 =	vmand vm4, vm6;
	vm4 =	vge.s32 v14, v1;
	vm12 =	vlt.s32 v14, v2;
	[tilespmem:v32+s10+$0x0] =	vst.idx.msk vm8, v30  }
0x8e: {  	s26 =	simm.s32 $0x8;
	v25, _, _ =	vpop (xrf0);
	vm4 =	vmand vm4, vm12;
	vm12 =	vlt.s32 v33, v2;
	s28 =	spop (v2sf);
	v30 =	vmpcnt.ones.xlane vm6;
	[tilespmem:v32+s11+$0x0] =	vst.idx.msk vm8, v31  }
.LBB2_5:
0x8f: {  	v31 =	vmpcnt.ones.xlane vm4  }
0x90: {  	s26 =	sadd.s32 $0x4, s26;
	vm10 =	vmand vm10, vm12;
	vm12 =	vlt.s32 v26, v2;
	s28 =	sadd.s32 s25, s28;
	s25 =	spop (v2sf);
	[tilespmem:v27+s10+$0x0] =	vst.idx.msk vm9, v29;
	v32 =	vmovc v24;
	vm8 =	vmmov vm1  }
0x91: {  	p0 =	slt.u32 s26, $0x1F0;
	v24 =	vmpcnt.ones.xlane vm10;
	vm1 =	vmand vm11, vm12;
	(v2sf) =	vpush v30, $0x0;
	s29 =	sadd.s32 s28, s25;
	s25 =	spop (v2sf);
	[tilespmem:v27+s11+$0x0] =	vst.idx.msk vm9, v15;
	v15 =	vmovc v11;
	v11 =	vmovc v21  }
0x92: {  	s23 =	sadd.s32 $0x40, s23;
	v21 =	vsel vm6, $0x1, v4;
	v26 =	vmpcnt.ones.xlane vm1;
	(v2sf) =	vpush v31, $0x0;
	s30 =	sadd.s32 s29, s25;
	s25 =	spop (v2sf);
	[tilespmem:v22+s10+$0x0] =	vst.idx.msk vm7, v28  }
0x93: {  	v27 =	vsel vm4, $0x1, v4;
	v28 =	vsel vm10, $0x1, v4;
	(xrf0) =	vadd.scan.msk.s32 $0xffff, v21;
	(v2sf) =	vpush v24, $0x0;
	v21 =	vld [tilespmem:s23+$0xFFFFFFE0];
	s25 =	sadd.s32 s30, s25  }
0x94: {  	v24 =	vsel vm1, $0x1, v4;
	(xrf0) =	vadd.scan.msk.s32 $0xffff, v27;
	(v2sf) =	vpush v26, $0x0;
	v26 =	vmov s30  }
0x95: {  	v29 =	vmov s29;
	v27 =	vmov s25;
	(xrf0) =	vadd.scan.msk.s32 $0xffff, v28;
	v28 =	vmov s28  }
0x96: {  	s24 =	sadd.s32 $0x40, s24;
	(xrf0) =	vadd.scan.msk.s32 $0xffff, v24;
	v24 =	vadd.s32 $0xFFFFFFFF, v28;
	v28 =	vadd.s32 $0xFFFFFFFF, v29;
	v30 =	vld [tilespmem:s23+$0x10];
	v29 =	vadd.s32 $0xFFFFFFFF, v26  }
0x97: {  	v27 =	vadd.s32 $0xFFFFFFFF, v27;
	v26 =	vld [tilespmem:s24+$0x10];
	v28 =	vbroadcast v28, $0x0;
	v29 =	vbroadcast v29, $0x0;
	[tilespmem:v22+s11+$0x0] =	vst.idx.msk vm7, v13;
	v13 =	vmovc v17  }
0x98: {  	v33 =	vsub.s32 v16, v1;
	v22 =	vbroadcast v27, $0x0;
	v31 =	vld [tilespmem:s24+$0x0];
	[tilespmem:v19+s10+$0x0] =	vst.idx.msk vm2, v21;
	v21 =	vbroadcast v24, $0x0  }
0x99: {  	v17 =	vsub.s32 v14, v1;
	v16 =	vld [tilespmem:s24+$0xFFFFFFE0];
	v24, _, _ =	vpop (xrf0);
	v27 =	vadd.s32 v23, v28;
	v34 =	vadd.s32 v25, v29  }
0x9a: {  	v14 =	vld [tilespmem:s24+$0xFFFFFFF0];
	[tilespmem:v19+s11+$0x0] =	vst.idx.msk vm2, v18;
	v19 =	vadd.s32 v24, v22;
	v22 =	vadd.s32 v20, v21;
	v20, _, _ =	vpop (xrf0);
	v18 =	vmov v33  }
0x9b: {  	vm9 =	vmmov vm5;
	vm5 =	vmmov vm10;
	vm2 =	vmmov vm6;
	v23, _, _ =	vpop (xrf0)  }
.Ltmp5:
0x9c: {  	vm7 =	vmmov vm3;
	vm3 =	vmmov vm4;
	v24 =	vsub.s32 v26, v1;
	v25, _, _ =	vpop (xrf0);
	v29 =	vld [tilespmem:s23+$0x0];
	(pc) =	sbr.rel @p0 .LBB2_5-.Ltmp5, $4  }
0x9d: {  	vm11 =	vge.s32 v26, v1;
	v21 =	vsub.s32 v31, v1  }
0x9e: {  	vm10 =	vge.s32 v31, v1;
	vm4 =	vge.s32 v16, v1;
	vm6 =	vlt.s32 v16, v2;
	v28 =	vld [tilespmem:s23+$0xFFFFFFF0]  }
0x9f: {  	vm6 =	vmand vm4, vm6;
	vm4 =	vge.s32 v14, v1;
	vm12 =	vlt.s32 v14, v2;
	[tilespmem:v34+s10+$0x0] =	vst.idx.msk vm8, v30  }
0xa0: {  	v30 =	vmpcnt.ones.xlane vm6;
	vm4 =	vmand vm4, vm12;
	vm12 =	vlt.s32 v31, v2;
	s28 =	spop (v2sf);
	[tilespmem:v34+s11+$0x0] =	vst.idx.msk vm8, v12;
	v12 =	vmovc v32  }
0xa1: {  	v31 =	vmpcnt.ones.xlane vm4  }
0xa2: {  	vm8 =	vmand vm10, vm12;
	vm13 =	vlt.s32 v26, v2;
	(v2sf) =	vpush v30, $0x0  }
0xa3: {  	v63 =	vmpcnt.ones.xlane vm8;
	vm10 =	vmand vm11, vm13;
	(v2sf) =	vpush v31, $0x0  }
0xa4: {  	v32 =	vmpcnt.ones.xlane vm10  }
0xa5: {  	(v2sf) =	vpush v63, $0x0  }
0xa6: {  	s24 =	spop (v2sf);
	(v2sf) =	vpush v32, $0x0  }
0xa7: {  	s25 =	sadd.s32 s25, s28  }
0xa8: {  	s24 =	sadd.s32 s25, s24  }
0xa9: {  	v37 =	vmov s24  }
0xaa: {  	[tilespmem:v27+s10+$0x0] =	vst.idx.msk vm9, v29;
	s26 =	spop (v2sf);
	v40 =	vadd.s32 $0xFFFFFFFF, v37  }
0xab: {  	s23 =	sadd.s32 $0x40, s23;
	[tilespmem:v27+s11+$0x0] =	vst.idx.msk vm9, v15;
	s26 =	sadd.s32 s24, s26;
	v27 =	vbroadcast v40, $0x0  }
0xac: {  	vm1 =	vmmov vm1;
	vm5 =	vmmov vm5;
	v36 =	vld [tilespmem:s23+$0xFFFFFFE0];
	v33 =	vmov s26  }
0xad: {  	v34 =	vsel vm6, $0x1, v4;
	v47 =	vld [tilespmem:s23+$0x0];
	v26 =	vadd.s32 $0xFFFFFFFF, v33;
	v46 =	vadd.s32 v23, v27  }
0xae: {  	v35 =	vsel vm4, $0x1, v4;
	vm3 =	vmmov vm3;
	(xrf0) =	vadd.scan.msk.s32 $0xffff, v34;
	v26 =	vbroadcast v26, $0x0  }
0xaf: {  	v38 =	vsel vm8, $0x1, v4;
	v41 =	vmov s25;
	s28 =	spop (v2sf);
	v39 =	vsel vm10, $0x1, v4;
	[tilespmem:v22+s10+$0x0] =	vst.idx.msk vm7, v28  }
0xb0: {  	v42 =	vld [tilespmem:s23+$0x10];
	(xrf0) =	vadd.scan.msk.s32 $0xffff, v35;
	v43 =	vadd.s32 $0xFFFFFFFF, v41;
	s24 =	sadd.s32 s26, s28;
	[tilespmem:v22+s11+$0x0] =	vst.idx.msk vm7, v13;
	v25 =	vadd.s32 v25, v26  }
0xb1: {  	(xrf0) =	vadd.scan.msk.s32 $0xffff, v38;
	v45 =	vbroadcast v43, $0x0;
	v44 =	vmov s24;
	[tilespmem:v19+s10+$0x0] =	vst.idx.msk vm2, v36;
	s29 =	spop (v2sf)  }
0xb2: {  	vm15 =	vmmov vm4;
	(xrf0) =	vadd.scan.msk.s32 $0xffff, v39;
	v48 =	vadd.s32 $0xFFFFFFFF, v44;
	[tilespmem:v46+s10+$0x0] =	vst.idx.msk vm5, v47;
	s25 =	sadd.s32 s24, s29;
	s30 =	spop (v2sf)  }
0xb3: {  	v51 =	vld [tilespmem:s23+$0xFFFFFFF0];
	v13 =	vadd.s32 v20, v45;
	v49 =	vbroadcast v48, $0x0;
	[tilespmem:v46+s11+$0x0] =	vst.idx.msk vm5, v11;
	s31 =	sadd.s32 s25, s30;
	v11 =	vmov s25  }
0xb4: {  	s23 =	sadd.s32 $0x40, s23;
	v50, _, _ =	vpop (xrf0);
	[tilespmem:v19+s11+$0x0] =	vst.idx.msk vm2, v18;
	vm2 =	vmmov vm6;
	s2 =	spop (v2sf);
	v56 =	vmov s31;
	v11 =	vadd.s32 $0xFFFFFFFF, v11  }
0xb5: {  	v55 =	vld [tilespmem:s23+$0xFFFFFFE0];
	v15 =	vadd.s32 v50, v49;
	[tilespmem:v25+s10+$0x0] =	vst.idx.msk vm1, v42;
	s26 =	sadd.s32 s31, s2;
	s25 =	spop (v2sf);
	v58 =	vadd.s32 $0xFFFFFFFF, v56;
	v11 =	vbroadcast v11, $0x0  }
0xb6: {  	v53, _, _ =	vpop (xrf0);
	[tilespmem:v25+s11+$0x0] =	vst.idx.msk vm1, v12;
	vm1 =	vmmov vm8;
	v52 =	vmov s26;
	s24 =	sadd.s32 s26, s25;
	v23 =	vbroadcast v58, $0x0  }
0xb7: {  	v62 =	vld [tilespmem:s23+$0xFFFFFFF0];
	v54, _, _ =	vpop (xrf0);
	vm1 =	vmmov vm1;
	v19 =	vadd.s32 $0xFFFFFFFF, v52;
	s28 =	sadd.s32 $0xF, s24;
	v11 =	vadd.s32 v53, v11  }
0xb8: {  	v61 =	vld [tilespmem:s23+$0x0];
	[tilespmem:v13+s10+$0x0] =	vst.idx.msk vm3, v51;
	v19 =	vbroadcast v19, $0x0;
	s29 =	sand.u32 $0xF, s28;
	v60 =	vadd.s32 v54, v23  }
0xb9: {  	v57, _, _ =	vpop (xrf0);
	[tilespmem:v13+s11+$0x0] =	vst.idx.msk vm3, v17;
	s30 =	sshra.s32 s28, $0x1F;
	p0 =	slt.s32 s28, $0x1;
	p1 =	sne.s32 s29, $0x0  }
0xba: {  	v16 =	vsub.s32 v16, v1;
	v59 =	vld [tilespmem:s23+$0x10];
	[tilespmem:v15+s10+$0x0] =	vst.idx.msk vm2, v55;
	s31 =	sshrl.u32 s30, $0x1C;
	v19 =	vadd.s32 v57, v19;
	p0 =	por !p0, !p1  }
0xbb: {  	[tilespmem:v15+s11+$0x0] =	vst.idx.msk vm2, v16;
	s25 =	simm.s32 $0x1;
	s23 =	sadd.s32 s31, s28;
	p0 =	por !p0, !p0  }
0xbc: {  	s23 =	sshra.s32 s23, $0x4;
	s25 =	simm.s32 @!p0 $0x0;
	[tilespmem:v11+s10+$0x0] =	vst.idx.msk vm15, v62  }
0xbd: {  	v63 =	vsub.s32 v14, v1;
	s23 =	ssub.s32 s23, s25;
	[tilespmem:v60+s10+$0x0] =	vst.idx.msk vm1, v61  }
0xbe: {  	[tilespmem:v11+s11+$0x0] =	vst.idx.msk vm15, v63;
	p0 =	slt.s32 s23, $0x1  }
.Ltmp6:
0xbf: {  	[tilespmem:v19+s10+$0x0] =	vst.idx.msk vm10, v59;
	(pc) =	sbr.rel @p0 .LBB2_8-.Ltmp6, $4  }
0xc0: {  	[tilespmem:v60+s11+$0x0] =	vst.idx.msk vm1, v21  }
0xc1: {  	[tilespmem:v19+s11+$0x0] =	vst.idx.msk vm10, v24  }
0xc2: {  	[tilespmem:s24+$0x3F00] =	vst v0  }
0xc3: {  	vm14 =	vmmov vm10;
	vm3 =	vmmov vm15;
	[tilespmem:s24+$0x5E80] =	vst v5  }
0xc4: {  	v11 =	vld [tilespmem:$0x3F00];
	_ =	sdelay $0x4  }
0xc5: {  	v12 =	vshll.u32 v11, $0x1  }
0xc6: {  	v11 =	vand.u32 $0x7, v11;
	v12 =	vand.u32 $0xFFFFFFF0, v12  }
0xc7: {  	v11 =	vor.u32 v11, v12  }
0xc8: {  	v12 =	vperm.xlane v11, v7;
	_ =	sdelay $0x1  }
0xc9: {  	v11 =	vperm.xlane v11, v9;
	v12 =	vadd.s32 v8, v12;
	_ =	sdelay $0x1  }
0xca: {  	v11 =	vadd.s32 v8, v11;
	_ =	sdelay $0x2  }
0xcb: {  	[tilespmem:s13], [sflag:$0x1] =	stream.indirect_vreg.gather [hbm4b:s1+s3], $0x80, v12, vm0, $0xb8;
	[tilespmem:$0x1F600] =	vst v63  }
0xcc: {  	p0 =	seq.s32 s23, $0x1  }
0xcd: {  	[tilespmem:s14], [sflag:$0x1] =	stream.indirect_vreg.gather [hbm4b:s1+s3], $0x80, v11, vm0, $0xb8;
	[tilespmem:$0x1F600] =	vst v63  }
0xce: {  	v11 =	vld @!p0 [tilespmem:$0x3F10];
	_ =	sdelay $0x4  }
0xcf: {  	v12 =	vshll.u32 @!p0 v11, $0x1  }
0xd0: {  	v13 =	vlaneseq.u32 @!p0;
	v11 =	vand.u32 @!p0 $0x7, v11;
	v12 =	vand.u32 @!p0 $0xFFFFFFF0, v12  }
0xd1: {  	v14 =	vshrl.u32 @!p0 v13, $0x3;
	v11 =	vor.u32 @!p0 v11, v12;
	v12 =	vand.u32 @!p0 $0x7, v13  }
0xd2: {  	v14 =	vmul.u32 @!p0 $0x8, v14;
	v12 =	vperm.xlane @!p0 v11, v12  }
0xd3: {  	v13 =	vor.u32 @!p0 $0x8, v13  }
0xd4: {  	v11 =	vperm.xlane @!p0 v11, v13;
	v12 =	vadd.s32 @!p0 v14, v12;
	_ =	sdelay $0x1  }
0xd5: {  	v11 =	vadd.s32 @!p0 v14, v11;
	_ =	sdelay $0x1  }
0xd6: {  	vm1 =	vmmov @!p0 $0xffff;
	s24 =	simm.s32 @!p0 $0x0;
	s25 =	simm.s32 @!p0 $0x8E00  }
0xd7: {  	[tilespmem:s25], [sflag:$0x2] =	stream.indirect_vreg.gather @!p0 [hbm4b:s1+s24], $0x80, v12, vm1, $0xb8;
	[tilespmem:$0x1F600] =	vst v63  }
0xd8: {  	p1 =	slt.u32 @!p0 s23, $0x3;
	s25 =	simm.s32 @!p0 $0x9600  }
0xd9: {  	[tilespmem:s25], [sflag:$0x2] =	stream.indirect_vreg.gather @!p0 [hbm4b:s1+s24], $0x80, v11, vm1, $0xb8;
	[tilespmem:$0x1F600] =	vst v63  }
0xda: {  	p0 =	por p1, p0  }
0xdb: {  	v11 =	vld @!p0 [tilespmem:$0x3F20];
	_ =	sdelay $0x4  }
0xdc: {  	v12 =	vshll.u32 @!p0 v11, $0x1  }
0xdd: {  	v13 =	vlaneseq.u32 @!p0;
	v11 =	vand.u32 @!p0 $0x7, v11;
	v12 =	vand.u32 @!p0 $0xFFFFFFF0, v12  }
0xde: {  	v14 =	vshrl.u32 @!p0 v13, $0x3;
	v11 =	vor.u32 @!p0 v11, v12;
	v12 =	vand.u32 @!p0 $0x7, v13  }
0xdf: {  	v14 =	vmul.u32 @!p0 $0x8, v14;
	v12 =	vperm.xlane @!p0 v11, v12  }
0xe0: {  	v13 =	vor.u32 @!p0 $0x8, v13  }
0xe1: {  	v11 =	vperm.xlane @!p0 v11, v13;
	v12 =	vadd.s32 @!p0 v14, v12;
	_ =	sdelay $0x1  }
0xe2: {  	v11 =	vadd.s32 @!p0 v14, v11;
	_ =	sdelay $0x1  }
0xe3: {  	vm1 =	vmmov @!p0 $0xffff;
	s24 =	simm.s32 @!p0 $0x0;
	s25 =	simm.s32 @!p0 $0x9E00  }
0xe4: {  	[tilespmem:s25], [sflag:$0x3] =	stream.indirect_vreg.gather @!p0 [hbm4b:s1+s24], $0x80, v12, vm1, $0xb8;
	[tilespmem:$0x1F600] =	vst v63  }
0xe5: {  	s25 =	simm.s32 @!p0 $0xA600  }
0xe6: {  	[tilespmem:s25], [sflag:$0x3] =	stream.indirect_vreg.gather @!p0 [hbm4b:s1+s24], $0x80, v11, vm1, $0xb8;
	[tilespmem:$0x1F600] =	vst v63  }
.LBB2_8:
0xe7: {  	s24 =	sadd.s32 $0x2, s23  }
0xe8: {  	s25 =	smulhi.u32 $0x55555556, s24;
	s24 =	sshra.s32 s24, $0x1F  }
0xe9: {  	s24 =	smul.u32 $0x55555556, s24;
	_ =	sdelay $0x1  }
0xea: {  	s24 =	sadd.s32 s24, s25  }
0xeb: {  	s25 =	sshrl.u32 s24, $0x1F  }
0xec: {  	s24 =	sadd.s32 s25, s24  }
0xed: {  	s25 =	smul.u32 $0xFFFFFFFD, s24  }
0xee: {  	s26 =	ssub.s32 $0xFFFFFFFE, s23  }
0xef: {  	p0 =	slt.s32 s23, $0xFFFFFFFF;
	p1 =	sne.s32 s25, s26  }
0xf0: {  	p0 =	por !p0, !p1  }
0xf1: {  	s25 =	simm.s32 $0x1;
	p0 =	por !p0, !p0  }
0xf2: {  	s25 =	simm.s32 @!p0 $0x0  }
0xf3: {  	s24 =	ssub.s32 s24, s25  }
0xf4: {  	p0 =	slt.s32 s24, $0x1  }
.Ltmp7:
0xf5: {  	_ = 	snop;
	(pc) =	sbr.rel @!p0 .LBB2_9-.Ltmp7, $4  }
.Ltmp8:
0xf6: {  	_ = 	snop;
	(pc) =	sbr.rel @p0 .LBB2_22-.Ltmp8, $4  }
0xf7: {  	_ = 	snop  }
0xf8: {  	_ = 	snop  }
0xf9: {  	s25 =	simm.s32 $0x0  }
0xfa: {  	_ = 	snop  }
.LBB2_20:
0xfb: {  	_ =	sdelay $0x3  }
0xfc: {  	[tilespmem:v13+s15+$0x0] =	vst.idx.add.f32.msk $0xffff, v29  }
0xfd: {  	[tilespmem:v14+s15+$0x0] =	vst.idx.add.f32.msk $0xffff, v31  }
0xfe: {  	v11 =	vld.idx.msk [tilespmem:v30+s19+$0x0], $0xffff  }
0xff: {  	[tilespmem:v16+s15+$0x0] =	vst.idx.add.f32.msk $0xffff, v35  }
0x100: {  	[tilespmem:v12+s15+$0x0] =	vst.idx.add.f32.msk $0xffff, v23  }
0x101: {  	v56 =	vld.idx.msk [tilespmem:v27+s19+$0x0], $0xffff  }
0x102: {  	[tilespmem:v15+s15+$0x0] =	vst.idx.add.f32.msk $0xffff, v28  }
0x103: {  	v57 =	vld.idx.msk [tilespmem:v26+s19+$0x0], $0xffff  }
0x104: {  	v58 =	vld.idx.msk [tilespmem:v17+s19+$0x0], $0xffff  }
0x105: {  	v59 =	vld.idx.msk [tilespmem:v18+s19+$0x0], $0xffff  }
0x106: {  	[tilespmem:v19+s15+$0x0] =	vst.idx.add.f32.msk $0xffff, v25  }
0x107: {  	v61 =	vld.idx.msk [tilespmem:v22+s19+$0x0], $0xffff  }
0x108: {  	v60 =	vor.u32 v34, v33;
	v62 =	vld.idx.msk [tilespmem:v24+s19+$0x0], $0xffff  }
0x109: {  	[tilespmem:v21+s15+$0x0] =	vst.idx.add.f32.msk $0xffff, v56  }
0x10a: {  	v63 =	vor.u32 v37, v33;
	[tilespmem:v20+s15+$0x0] =	vst.idx.add.f32.msk $0xffff, v11  }
0x10b: {  	[tilespmem:v38+s15+$0x0] =	vst.idx.add.f32.msk $0xffff, v57  }
0x10c: {  	s2 =	sadd.s32 $0x5, s26;
	[tilespmem:v36+s15+$0x0] =	vst.idx.add.f32.msk $0xffff, v59  }
0x10d: {  	p0 =	sge.u32 s2, s23;
	[tilespmem:v60+s15+$0x0] =	vst.idx.add.f32.msk $0xffff, v61  }
0x10e: {  	s2 =	sshll.u32 @!p0 s2, $0x6;
	[tilespmem:v32+s15+$0x0] =	vst.idx.add.f32.msk $0xffff, v58  }
0x10f: {  	s2 =	sshra.s32 @!p0 s2, $0x2;
	[tilespmem:v63+s15+$0x0] =	vst.idx.add.f32.msk $0xffff, v62  }
0x110: {  	v11 =	vld @!p0 [tilespmem:s2+$0x3F00];
	_ =	sdelay $0x4  }
0x111: {  	v12 =	vshll.u32 @!p0 v11, $0x1  }
0x112: {  	v13 =	vlaneseq.u32 @!p0;
	v11 =	vand.u32 @!p0 $0x7, v11;
	v12 =	vand.u32 @!p0 $0xFFFFFFF0, v12  }
0x113: {  	v14 =	vshrl.u32 @!p0 v13, $0x3;
	v11 =	vor.u32 @!p0 v11, v12;
	v12 =	vand.u32 @!p0 $0x7, v13  }
0x114: {  	v14 =	vmul.u32 @!p0 $0x8, v14;
	v12 =	vperm.xlane @!p0 v11, v12  }
0x115: {  	v13 =	vor.u32 @!p0 $0x8, v13  }
0x116: {  	v11 =	vperm.xlane @!p0 v11, v13;
	v12 =	vadd.s32 @!p0 v14, v12;
	_ =	sdelay $0x1  }
0x117: {  	v11 =	vadd.s32 @!p0 v14, v11;
	_ =	sdelay $0x1  }
0x118: {  	vm1 =	vmmov @!p0 $0xffff;
	s26 =	simm.s32 @!p0 $0x9E00;
	s2 =	simm.s32 @!p0 $0x0  }
0x119: {  	[tilespmem:s26], [sflag:$0x3] =	stream.indirect_vreg.gather @!p0 [hbm4b:s1+s2], $0x80, v12, vm1, $0xb8;
	[tilespmem:$0x1F600] =	vst v63  }
0x11a: {  	s26 =	simm.s32 @!p0 $0xA600  }
0x11b: {  	[tilespmem:s26], [sflag:$0x3] =	stream.indirect_vreg.gather @!p0 [hbm4b:s1+s2], $0x80, v11, vm1, $0xb8;
	[tilespmem:$0x1F600] =	vst v63  }
.LBB2_21:
0x11c: {  	s25 =	sadd.s32 $0x1, s25  }
0x11d: {  	p0 =	sne.s32 s25, s24  }
.Ltmp9:
0x11e: {  	_ = 	snop;
	(pc) =	sbr.rel @!p0 .LBB2_22-.Ltmp9, $1  }
0x11f: {  	_ =	sdelay $0x3  }
.LBB2_9:
0x120: {  	s26 =	smul.u32 $0x3, s25;
	_ =	sdelay $0x1  }
0x121: {  	p0 =	sge.s32 s26, s23  }
.Ltmp10:
0x122: {  	_ = 	snop;
	(pc) =	sbr.rel @p0 .LBB2_13-.Ltmp10, $1  }
0x123: {  	_ =	sdelay $0x3  }
0x124: {  	_ =	swait.ge [sflag:s12], $0x1000;
	s28 =	smul.u32 $0xC0, s25;
	s31 =	simm.s32 $0x0  }
0x125: {  	s2 =	simm.s32 $0x1;
	s30 =	simm.s32 $0x2;
	[sflag:s12] =	ssyncset.done $0x0  }
0x126: {  	s29 =	sand.u32 $0xF0, s31;
	[sflag:s12] =	ssyncadd.s32 $0xFFFFF000;
	s28 =	sshra.s32 s28, $0x2  }
0x127: {  	v14 =	vadd.s32 s2, v6;
	v15 =	vadd.s32 s30, v6;
	s2 =	simm.s32 $0x5;
	s30 =	simm.s32 $0x7;
	v13 =	vmov s29;
	v11 =	vld [tilespmem:s28+$0x5E80]  }
0x128: {  	s29 =	simm.s32 $0x4;
	v19 =	vadd.s32 s2, v6;
	v15 =	vand.u32 $0xF, v15;
	v25 =	vadd.s32 s30, v6  }
0x129: {  	s30 =	simm.s32 $0xD;
	v16 =	vshll.u32 v13, $0x3;
	v18 =	vadd.s32 s29, v6;
	s29 =	simm.s32 $0x6;
	v13 =	vand.u32 $0x70, v13  }
0x12a: {  	v19 =	vand.u32 $0xF, v19;
	v34 =	vadd.s32 s30, v6;
	v20 =	vadd.s32 s29, v6  }
0x12b: {  	v16 =	vand.u32 $0x400, v16;
	v15 =	vor.u32 v13, v15;
	v19 =	vor.u32 v13, v19  }
0x12c: {  	v34 =	vand.u32 $0xF, v34;
	v12 =	vshll.u32 v11, $0x8;
	v11 =	vshll.u32 v11, $0x7  }
0x12d: {  	v22 =	vor.u32 v10, v16;
	v12 =	vand.u32 $0xFFFFF800, v12;
	v11 =	vand.u32 $0x380, v11  }
0x12e: {  	v26 =	vor.u32 v15, v22;
	v11 =	vor.u32 v11, v12;
	v12 =	vadd.s32 s31, v6;
	s31 =	simm.s32 $0x3  }
0x12f: {  	v32 =	vor.u32 v19, v22;
	v17 =	vadd.s32 s31, v6;
	v12 =	vand.u32 $0xF, v12  }
0x130: {  	v16 =	vor.u32 v16, v11;
	v21 =	vor.u32 v12, v13;
	v12 =	vand.u32 $0xF, v14  }
0x131: {  	v14 =	vand.u32 $0xF, v17;
	v17 =	vand.u32 $0xF, v18;
	v18 =	vand.u32 $0xF, v20  }
0x132: {  	v39 =	vor.u32 v15, v16;
	v17 =	vor.u32 v13, v17;
	v18 =	vor.u32 v13, v18  }
0x133: {  	v14 =	vor.u32 v13, v14;
	v24 =	vor.u32 v21, v22;
	v15 =	vor.u32 v13, v12  }
0x134: {  	v20 =	vor.u32 v18, v22;
	v23 =	vor.u32 v14, v22;
	v27 =	vor.u32 v14, v16  }
0x135: {  	s31 =	simm.s32 $0x8;
	v14 =	vand.u32 $0xF, v25;
	v25 =	vor.u32 v17, v22;
	v28 =	vor.u32 v17, v16  }
0x136: {  	s29 =	sand.u32 $0xF0, s31;
	v12 =	vor.u32 v18, v16;
	v18 =	vadd.s32 s31, v6;
	s31 =	simm.s32 $0xA;
	v14 =	vor.u32 v13, v14  }
0x137: {  	v40 =	vld.idx.msk [tilespmem:v26+s13+$0x0], $0xffff;
	v29 =	vadd.s32 s31, v6;
	v18 =	vand.u32 $0xF, v18;
	v17 =	vor.u32 v14, v22  }
0x138: {  	v13 =	vor.u32 v14, v16;
	v14 =	vor.u32 v21, v16;
	v22 =	vor.u32 v15, v22  }
0x139: {  	s2 =	simm.s32 $0x9;
	v15 =	vor.u32 v15, v16;
	v16 =	vor.u32 v19, v16;
	v19 =	vmov s29  }
0x13a: {  	v21 =	vadd.s32 s2, v6;
	s2 =	simm.s32 $0xB;
	s29 =	simm.s32 $0xC;
	v26 =	vand.u32 $0xF, v29;
	v30 =	vshll.u32 v19, $0x3  }
0x13b: {  	v31 =	vadd.s32 s2, v6;
	v33 =	vadd.s32 s29, v6;
	v36 =	vand.u32 $0x70, v19  }
0x13c: {  	v37 =	vand.u32 $0xF, v21;
	[tilespmem:v39+s15+$0x0] =	vst.idx.add.f32.msk $0xffff, v40;
	v19 =	vand.u32 $0x400, v30;
	v41 =	vor.u32 v18, v36  }
0x13d: {  	s29 =	simm.s32 $0xE;
	v18 =	vand.u32 $0xF, v31;
	v26 =	vor.u32 v36, v26;
	v34 =	vor.u32 v36, v34;
	v35 =	vld.idx.msk [tilespmem:v23+s13+$0x0], $0xffff  }
0x13e: {  	v37 =	vor.u32 v36, v37;
	v23 =	vadd.s32 s29, v6;
	v42 =	vor.u32 v10, v19;
	v21 =	vld.idx.msk [tilespmem:v25+s13+$0x0], $0xffff  }
0x13f: {  	v31 =	vld.idx.msk [tilespmem:v24+s13+$0x0], $0xffff;
	v25 =	vand.u32 $0xF, v33;
	v43 =	vor.u32 v36, v18;
	v33 =	vor.u32 v19, v11  }
0x140: {  	s31 =	simm.s32 $0xF;
	v23 =	vand.u32 $0xF, v23;
	v25 =	vor.u32 v36, v25;
	v18 =	vor.u32 v41, v42;
	v29 =	vld.idx.msk [tilespmem:v17+s13+$0x0], $0xffff  }
0x141: {  	v44 =	vor.u32 v43, v42;
	v38 =	vor.u32 v36, v23;
	v23 =	vld.idx.msk [tilespmem:v20+s13+$0x0], $0xffff;
	v20 =	vadd.s32 s31, v6  }
0x142: {  	v30 =	vor.u32 v26, v42;
	v19 =	vor.u32 v43, v33;
	v20 =	vand.u32 $0xF, v20;
	[tilespmem:v27+s15+$0x0] =	vst.idx.add.f32.msk $0xffff, v35  }
0x143: {  	v17 =	vor.u32 v38, v42;
	v24 =	vor.u32 v36, v20;
	[tilespmem:v28+s15+$0x0] =	vst.idx.add.f32.msk $0xffff, v21  }
0x144: {  	v20 =	vor.u32 v26, v33;
	v36 =	vor.u32 v41, v33;
	v27 =	vor.u32 v25, v42;
	v28 =	vld.idx.msk [tilespmem:v22+s13+$0x0], $0xffff  }
0x145: {  	v21 =	vor.u32 v25, v33;
	v22 =	vor.u32 v34, v42;
	v26 =	vor.u32 v24, v42;
	v35 =	vld.idx.msk [tilespmem:v32+s13+$0x0], $0xffff  }
0x146: {  	s29 =	simm.s32 $0x10;
	v32 =	vor.u32 v38, v33;
	v38 =	vor.u32 v24, v33;
	v24 =	vor.u32 v37, v42;
	v25 =	vld.idx.msk [tilespmem:v44+s13+$0x0], $0xffff  }
.LBB2_11:
0x147: {  	s28 =	sand.u32 $0xF0, s29;
	v39 =	vadd.s32 s29, v6  }
0x148: {  	s30 =	sadd.s32 $0x1, s29;
	s31 =	sadd.s32 $0x2, s29;
	v37 =	vor.u32 v37, v33;
	v33 =	vor.u32 v34, v33;
	[tilespmem:v13+s15+$0x0] =	vst.idx.add.f32.msk $0xffff, v29;
	v13 =	vmov v38;
	s2 =	smov.u32 s29  }
0x149: {  	v29 =	vmov s28;
	v34 =	vadd.s32 s30, v6;
	v38 =	vadd.s32 s31, v6;
	s30 =	sadd.s32 $0x3, s2;
	s31 =	sadd.s32 $0x4, s2;
	s28 =	sadd.s32 $0x8, s29;
	[tilespmem:v14+s15+$0x0] =	vst.idx.add.f32.msk $0xffff, v31;
	v14 =	vmovc v36  }
0x14a: {  	v31 =	vshll.u32 v29, $0x3;
	v36 =	vadd.s32 s30, v6;
	v40 =	vadd.s32 s31, v6;
	s30 =	sadd.s32 $0x5, s2;
	s31 =	sadd.s32 $0x6, s2;
	s2 =	sadd.s32 $0x7, s2;
	v41 =	vld.idx.msk [tilespmem:v30+s13+$0x0], $0xffff  }
0x14b: {  	p0 =	slt.u32 s29, $0xF8;
	v30 =	vand.u32 $0xF, v39;
	v39 =	vadd.s32 s30, v6;
	v42 =	vadd.s32 s31, v6;
	[tilespmem:v16+s15+$0x0] =	vst.idx.add.f32.msk $0xffff, v35;
	v16 =	vmovc v33  }
0x14c: {  	v43 =	vand.u32 $0x70, v29;
	v33 =	vand.u32 $0x400, v31;
	v31 =	vand.u32 $0xF, v38;
	[tilespmem:v12+s15+$0x0] =	vst.idx.add.f32.msk $0xffff, v23;
	v12 =	vmovc v32  }
0x14d: {  	v44 =	vor.u32 v30, v43;
	v45 =	vor.u32 v10, v33;
	v32 =	vand.u32 $0xF, v34;
	v27 =	vld.idx.msk [tilespmem:v27+s13+$0x0], $0xffff  }
0x14e: {  	v29 =	vand.u32 $0xF, v40;
	v23 =	vand.u32 $0xF, v36;
	v30 =	vand.u32 $0xF, v42;
	[tilespmem:v15+s15+$0x0] =	vst.idx.add.f32.msk $0xffff, v28;
	v15 =	vmovc v37  }
0x14f: {  	v34 =	vand.u32 $0xF, v39;
	v36 =	vor.u32 v43, v30;
	v28 =	vor.u32 v43, v29;
	v29 =	vld.idx.msk [tilespmem:v26+s13+$0x0], $0xffff  }
0x150: {  	v35 =	vor.u32 v43, v23;
	v26 =	vor.u32 v43, v31;
	v23 =	vld.idx.msk [tilespmem:v17+s13+$0x0], $0xffff;
	v17 =	vor.u32 v36, v45  }
0x151: {  	v38 =	vor.u32 v35, v45;
	v37 =	vadd.s32 s2, v6;
	v31 =	vld.idx.msk [tilespmem:v18+s13+$0x0], $0xffff;
	v18 =	vor.u32 v44, v45  }
0x152: {  	v33 =	vor.u32 v33, v11;
	v30 =	vor.u32 v26, v45;
	[tilespmem:v19+s15+$0x0] =	vst.idx.add.f32.msk $0xffff, v25  }
.Ltmp11:
0x153: {  	v34 =	vor.u32 v43, v34;
	v19 =	vor.u32 v35, v33;
	v25 =	vand.u32 $0xF, v37;
	[tilespmem:v21+s15+$0x0] =	vst.idx.add.f32.msk $0xffff, v27;
	(pc) =	sbr.rel @p0 .LBB2_11-.Ltmp11, $4  }
0x154: {  	v27 =	vor.u32 v28, v45;
	v21 =	vor.u32 v28, v33;
	v39 =	vor.u32 v43, v25;
	v28 =	vld.idx.msk [tilespmem:v24+s13+$0x0], $0xffff  }
0x155: {  	v40 =	vor.u32 v26, v33;
	v26 =	vor.u32 v39, v45;
	v35 =	vld.idx.msk [tilespmem:v22+s13+$0x0], $0xffff;
	v22 =	vor.u32 v34, v45  }
0x156: {  	v37 =	vor.u32 v43, v32;
	v32 =	vor.u32 v36, v33;
	v25 =	vld.idx.msk [tilespmem:v38+s13+$0x0], $0xffff;
	v38 =	vor.u32 v39, v33  }
0x157: {  	s29 =	smov.u32 s28;
	v36 =	vor.u32 v44, v33;
	v24 =	vor.u32 v37, v45;
	[tilespmem:v20+s15+$0x0] =	vst.idx.add.f32.msk $0xffff, v41;
	v20 =	vmov v40  }
0x158: {  	_ =	sdelay $0x3  }
0x159: {  	[tilespmem:v13+s15+$0x0] =	vst.idx.add.f32.msk $0xffff, v29  }
0x15a: {  	[tilespmem:v14+s15+$0x0] =	vst.idx.add.f32.msk $0xffff, v31  }
0x15b: {  	v11 =	vld.idx.msk [tilespmem:v30+s13+$0x0], $0xffff  }
0x15c: {  	[tilespmem:v12+s15+$0x0] =	vst.idx.add.f32.msk $0xffff, v23  }
0x15d: {  	v56 =	vld.idx.msk [tilespmem:v27+s13+$0x0], $0xffff  }
0x15e: {  	v57 =	vld.idx.msk [tilespmem:v26+s13+$0x0], $0xffff  }
0x15f: {  	v58 =	vld.idx.msk [tilespmem:v17+s13+$0x0], $0xffff  }
0x160: {  	v59 =	vld.idx.msk [tilespmem:v18+s13+$0x0], $0xffff  }
0x161: {  	v61 =	vld.idx.msk [tilespmem:v22+s13+$0x0], $0xffff  }
0x162: {  	v62 =	vld.idx.msk [tilespmem:v24+s13+$0x0], $0xffff  }
0x163: {  	[tilespmem:v15+s15+$0x0] =	vst.idx.add.f32.msk $0xffff, v28  }
0x164: {  	[tilespmem:v16+s15+$0x0] =	vst.idx.add.f32.msk $0xffff, v35  }
0x165: {  	v60 =	vor.u32 v34, v33;
	[tilespmem:v19+s15+$0x0] =	vst.idx.add.f32.msk $0xffff, v25  }
0x166: {  	[tilespmem:v21+s15+$0x0] =	vst.idx.add.f32.msk $0xffff, v56  }
0x167: {  	v63 =	vor.u32 v37, v33;
	[tilespmem:v20+s15+$0x0] =	vst.idx.add.f32.msk $0xffff, v11  }
0x168: {  	[tilespmem:v38+s15+$0x0] =	vst.idx.add.f32.msk $0xffff, v57  }
0x169: {  	s2 =	sadd.s32 $0x3, s26;
	[tilespmem:v36+s15+$0x0] =	vst.idx.add.f32.msk $0xffff, v59  }
0x16a: {  	p0 =	sge.u32 s2, s23;
	[tilespmem:v60+s15+$0x0] =	vst.idx.add.f32.msk $0xffff, v61  }
0x16b: {  	s2 =	sshll.u32 @!p0 s2, $0x6;
	[tilespmem:v32+s15+$0x0] =	vst.idx.add.f32.msk $0xffff, v58  }
0x16c: {  	s2 =	sshra.s32 @!p0 s2, $0x2;
	[tilespmem:v63+s15+$0x0] =	vst.idx.add.f32.msk $0xffff, v62  }
0x16d: {  	v11 =	vld @!p0 [tilespmem:s2+$0x3F00];
	_ =	sdelay $0x4  }
0x16e: {  	v12 =	vshll.u32 @!p0 v11, $0x1  }
0x16f: {  	v13 =	vlaneseq.u32 @!p0;
	v11 =	vand.u32 @!p0 $0x7, v11;
	v12 =	vand.u32 @!p0 $0xFFFFFFF0, v12  }
0x170: {  	v14 =	vshrl.u32 @!p0 v13, $0x3;
	v11 =	vor.u32 @!p0 v11, v12;
	v12 =	vand.u32 @!p0 $0x7, v13  }
0x171: {  	v14 =	vmul.u32 @!p0 $0x8, v14;
	v12 =	vperm.xlane @!p0 v11, v12  }
0x172: {  	v13 =	vor.u32 @!p0 $0x8, v13  }
0x173: {  	v11 =	vperm.xlane @!p0 v11, v13;
	v12 =	vadd.s32 @!p0 v14, v12;
	_ =	sdelay $0x1  }
0x174: {  	v11 =	vadd.s32 @!p0 v14, v11;
	_ =	sdelay $0x1  }
0x175: {  	vm1 =	vmmov @!p0 $0xffff;
	s28 =	simm.s32 @!p0 $0x7E00;
	s2 =	simm.s32 @!p0 $0x0  }
0x176: {  	[tilespmem:s28], [sflag:$0x1] =	stream.indirect_vreg.gather @!p0 [hbm4b:s1+s2], $0x80, v12, vm1, $0xb8;
	[tilespmem:$0x1F600] =	vst v63  }
0x177: {  	s28 =	simm.s32 @!p0 $0x8600  }
0x178: {  	[tilespmem:s28], [sflag:$0x1] =	stream.indirect_vreg.gather @!p0 [hbm4b:s1+s2], $0x80, v11, vm1, $0xb8;
	[tilespmem:$0x1F600] =	vst v63  }
.LBB2_13:
0x179: {  	s28 =	sadd.s32 $0x1, s26  }
0x17a: {  	p0 =	sge.s32 s28, s23  }
.Ltmp12:
0x17b: {  	_ = 	snop;
	(pc) =	sbr.rel @p0 .LBB2_17-.Ltmp12, $1  }
0x17c: {  	_ =	sdelay $0x3  }
0x17d: {  	_ =	swait.ge [sflag:s16], $0x1000  }
0x17e: {  	s2 =	sshll.u32 s28, $0x6;
	[sflag:s16] =	ssyncset.done $0x0  }
0x17f: {  	s31 =	simm.s32 $0x0;
	s2 =	sshra.s32 s2, $0x2;
	[sflag:s16] =	ssyncadd.s32 $0xFFFFF000  }
0x180: {  	s29 =	simm.s32 $0x2;
	s28 =	simm.s32 $0x7;
	s30 =	sand.u32 $0xF0, s31;
	v11 =	vld [tilespmem:s2+$0x5E80]  }
0x181: {  	v15 =	vadd.s32 s29, v6;
	v25 =	vadd.s32 s28, v6;
	s29 =	simm.s32 $0xA;
	v13 =	vmov s30  }
0x182: {  	s30 =	simm.s32 $0x3;
	v15 =	vand.u32 $0xF, v15;
	v29 =	vadd.s32 s29, v6;
	v16 =	vshll.u32 v13, $0x3  }
0x183: {  	v17 =	vadd.s32 s30, v6;
	s30 =	simm.s32 $0x5;
	v13 =	vand.u32 $0x70, v13;
	v16 =	vand.u32 $0x400, v16  }
0x184: {  	v19 =	vadd.s32 s30, v6;
	v15 =	vor.u32 v13, v15;
	v22 =	vor.u32 v10, v16  }
0x185: {  	v19 =	vand.u32 $0xF, v19;
	v12 =	vshll.u32 v11, $0x8;
	v11 =	vshll.u32 v11, $0x7  }
0x186: {  	v26 =	vor.u32 v15, v22;
	v12 =	vand.u32 $0xFFFFF800, v12;
	v11 =	vand.u32 $0x380, v11  }
0x187: {  	v19 =	vor.u32 v13, v19;
	v11 =	vor.u32 v11, v12;
	v12 =	vadd.s32 s31, v6;
	s31 =	simm.s32 $0x1  }
0x188: {  	v32 =	vor.u32 v19, v22;
	v14 =	vadd.s32 s31, v6;
	s31 =	simm.s32 $0x4;
	v12 =	vand.u32 $0xF, v12  }
0x189: {  	v16 =	vor.u32 v16, v11;
	v18 =	vadd.s32 s31, v6;
	v21 =	vor.u32 v12, v13  }
0x18a: {  	s31 =	simm.s32 $0x6;
	v12 =	vand.u32 $0xF, v14;
	v14 =	vand.u32 $0xF, v17;
	v39 =	vor.u32 v15, v16  }
0x18b: {  	v20 =	vadd.s32 s31, v6;
	v17 =	vand.u32 $0xF, v18;
	v14 =	vor.u32 v13, v14  }
0x18c: {  	v24 =	vor.u32 v21, v22;
	v15 =	vor.u32 v13, v12;
	v18 =	vand.u32 $0xF, v20  }
0x18d: {  	v17 =	vor.u32 v13, v17;
	v23 =	vor.u32 v14, v22;
	v27 =	vor.u32 v14, v16  }
0x18e: {  	v14 =	vand.u32 $0xF, v25;
	v18 =	vor.u32 v13, v18;
	v25 =	vor.u32 v17, v22  }
0x18f: {  	v28 =	vor.u32 v17, v16;
	v14 =	vor.u32 v13, v14;
	v20 =	vor.u32 v18, v22  }
0x190: {  	s30 =	simm.s32 $0x8;
	v17 =	vor.u32 v14, v22;
	v12 =	vor.u32 v18, v16;
	v13 =	vor.u32 v14, v16  }
0x191: {  	v40 =	vld.idx.msk [tilespmem:v26+s17+$0x0], $0xffff;
	s31 =	sand.u32 $0xF0, s30;
	v14 =	vor.u32 v21, v16;
	v22 =	vor.u32 v15, v22;
	v18 =	vadd.s32 s30, v6  }
0x192: {  	s30 =	simm.s32 $0x9;
	v15 =	vor.u32 v15, v16;
	v16 =	vor.u32 v19, v16;
	v19 =	vmov s31  }
0x193: {  	v26 =	vand.u32 $0xF, v29;
	s31 =	simm.s32 $0xB;
	v21 =	vadd.s32 s30, v6;
	v30 =	vshll.u32 v19, $0x3  }
0x194: {  	s30 =	simm.s32 $0xC;
	v31 =	vadd.s32 s31, v6;
	s31 =	simm.s32 $0xD;
	v18 =	vand.u32 $0xF, v18;
	v36 =	vand.u32 $0x70, v19  }
0x195: {  	v33 =	vadd.s32 s30, v6;
	v34 =	vadd.s32 s31, v6;
	v19 =	vand.u32 $0x400, v30  }
0x196: {  	[tilespmem:v39+s15+$0x0] =	vst.idx.add.f32.msk $0xffff, v40;
	s30 =	simm.s32 $0xE;
	v41 =	vor.u32 v18, v36;
	v37 =	vand.u32 $0xF, v21;
	v18 =	vand.u32 $0xF, v31  }
0x197: {  	v26 =	vor.u32 v36, v26;
	v35 =	vld.idx.msk [tilespmem:v23+s17+$0x0], $0xffff;
	v23 =	vadd.s32 s30, v6;
	v42 =	vor.u32 v10, v19  }
0x198: {  	v31 =	vld.idx.msk [tilespmem:v24+s17+$0x0], $0xffff;
	v34 =	vand.u32 $0xF, v34;
	v43 =	vor.u32 v36, v18;
	v37 =	vor.u32 v36, v37  }
0x199: {  	v21 =	vld.idx.msk [tilespmem:v25+s17+$0x0], $0xffff;
	v25 =	vand.u32 $0xF, v33;
	v23 =	vand.u32 $0xF, v23;
	v18 =	vor.u32 v41, v42  }
0x19a: {  	s31 =	simm.s32 $0xF;
	v44 =	vor.u32 v43, v42;
	v33 =	vor.u32 v19, v11;
	v30 =	vor.u32 v26, v42;
	v29 =	vld.idx.msk [tilespmem:v17+s17+$0x0], $0xffff  }
0x19b: {  	v34 =	vor.u32 v36, v34;
	v38 =	vor.u32 v36, v23;
	v23 =	vld.idx.msk [tilespmem:v20+s17+$0x0], $0xffff;
	v20 =	vadd.s32 s31, v6  }
0x19c: {  	v25 =	vor.u32 v36, v25;
	v19 =	vor.u32 v43, v33;
	v20 =	vand.u32 $0xF, v20;
	[tilespmem:v27+s15+$0x0] =	vst.idx.add.f32.msk $0xffff, v35  }
0x19d: {  	v17 =	vor.u32 v38, v42;
	v24 =	vor.u32 v36, v20;
	v20 =	vor.u32 v26, v33;
	v35 =	vld.idx.msk [tilespmem:v32+s17+$0x0], $0xffff  }
0x19e: {  	v36 =	vor.u32 v41, v33;
	v27 =	vor.u32 v25, v42;
	[tilespmem:v28+s15+$0x0] =	vst.idx.add.f32.msk $0xffff, v21  }
0x19f: {  	v26 =	vor.u32 v24, v42;
	v32 =	vor.u32 v38, v33;
	v38 =	vor.u32 v24, v33;
	v28 =	vld.idx.msk [tilespmem:v22+s17+$0x0], $0xffff  }
0x1a0: {  	s29 =	simm.s32 $0x10;
	v24 =	vor.u32 v37, v42;
	v21 =	vor.u32 v25, v33;
	v22 =	vor.u32 v34, v42;
	v25 =	vld.idx.msk [tilespmem:v44+s17+$0x0], $0xffff  }
.LBB2_15:
0x1a1: {  	s2 =	sand.u32 $0xF0, s29;
	v39 =	vadd.s32 s29, v6  }
0x1a2: {  	s28 =	sadd.s32 $0x1, s29;
	s30 =	sadd.s32 $0x2, s29;
	v37 =	vor.u32 v37, v33;
	v33 =	vor.u32 v34, v33;
	[tilespmem:v13+s15+$0x0] =	vst.idx.add.f32.msk $0xffff, v29;
	v13 =	vmov v38;
	s31 =	smov.u32 s29  }
0x1a3: {  	v29 =	vmov s2;
	v34 =	vadd.s32 s28, v6;
	v38 =	vadd.s32 s30, v6;
	s2 =	sadd.s32 $0x3, s31;
	s30 =	sadd.s32 $0x4, s31;
	s28 =	sadd.s32 $0x8, s29;
	[tilespmem:v14+s15+$0x0] =	vst.idx.add.f32.msk $0xffff, v31;
	v14 =	vmovc v36  }
0x1a4: {  	v31 =	vshll.u32 v29, $0x3;
	v36 =	vadd.s32 s2, v6;
	v40 =	vadd.s32 s30, v6;
	s2 =	sadd.s32 $0x5, s31;
	s30 =	sadd.s32 $0x6, s31;
	s31 =	sadd.s32 $0x7, s31;
	v41 =	vld.idx.msk [tilespmem:v30+s17+$0x0], $0xffff  }
0x1a5: {  	p0 =	slt.u32 s29, $0xF8;
	v30 =	vand.u32 $0xF, v39;
	v39 =	vadd.s32 s2, v6;
	v42 =	vadd.s32 s30, v6;
	[tilespmem:v16+s15+$0x0] =	vst.idx.add.f32.msk $0xffff, v35;
	v16 =	vmovc v33  }
0x1a6: {  	v43 =	vand.u32 $0x70, v29;
	v33 =	vand.u32 $0x400, v31;
	v31 =	vand.u32 $0xF, v38;
	[tilespmem:v12+s15+$0x0] =	vst.idx.add.f32.msk $0xffff, v23;
	v12 =	vmovc v32  }
0x1a7: {  	v44 =	vor.u32 v30, v43;
	v45 =	vor.u32 v10, v33;
	v32 =	vand.u32 $0xF, v34;
	v27 =	vld.idx.msk [tilespmem:v27+s17+$0x0], $0xffff  }
0x1a8: {  	v29 =	vand.u32 $0xF, v40;
	v23 =	vand.u32 $0xF, v36;
	v30 =	vand.u32 $0xF, v42;
	[tilespmem:v15+s15+$0x0] =	vst.idx.add.f32.msk $0xffff, v28;
	v15 =	vmovc v37  }
0x1a9: {  	v34 =	vand.u32 $0xF, v39;
	v36 =	vor.u32 v43, v30;
	v28 =	vor.u32 v43, v29;
	v29 =	vld.idx.msk [tilespmem:v26+s17+$0x0], $0xffff  }
0x1aa: {  	v35 =	vor.u32 v43, v23;
	v26 =	vor.u32 v43, v31;
	v23 =	vld.idx.msk [tilespmem:v17+s17+$0x0], $0xffff;
	v17 =	vor.u32 v36, v45  }
0x1ab: {  	v38 =	vor.u32 v35, v45;
	v37 =	vadd.s32 s31, v6;
	v31 =	vld.idx.msk [tilespmem:v18+s17+$0x0], $0xffff;
	v18 =	vor.u32 v44, v45  }
0x1ac: {  	v33 =	vor.u32 v33, v11;
	v30 =	vor.u32 v26, v45;
	[tilespmem:v19+s15+$0x0] =	vst.idx.add.f32.msk $0xffff, v25  }
.Ltmp13:
0x1ad: {  	v34 =	vor.u32 v43, v34;
	v19 =	vor.u32 v35, v33;
	v25 =	vand.u32 $0xF, v37;
	[tilespmem:v21+s15+$0x0] =	vst.idx.add.f32.msk $0xffff, v27;
	(pc) =	sbr.rel @p0 .LBB2_15-.Ltmp13, $4  }
0x1ae: {  	v27 =	vor.u32 v28, v45;
	v21 =	vor.u32 v28, v33;
	v39 =	vor.u32 v43, v25;
	v28 =	vld.idx.msk [tilespmem:v24+s17+$0x0], $0xffff  }
0x1af: {  	v40 =	vor.u32 v26, v33;
	v26 =	vor.u32 v39, v45;
	v35 =	vld.idx.msk [tilespmem:v22+s17+$0x0], $0xffff;
	v22 =	vor.u32 v34, v45  }
0x1b0: {  	v37 =	vor.u32 v43, v32;
	v32 =	vor.u32 v36, v33;
	v25 =	vld.idx.msk [tilespmem:v38+s17+$0x0], $0xffff;
	v38 =	vor.u32 v39, v33  }
0x1b1: {  	s29 =	smov.u32 s28;
	v36 =	vor.u32 v44, v33;
	v24 =	vor.u32 v37, v45;
	[tilespmem:v20+s15+$0x0] =	vst.idx.add.f32.msk $0xffff, v41;
	v20 =	vmov v40  }
0x1b2: {  	_ =	sdelay $0x3  }
0x1b3: {  	[tilespmem:v13+s15+$0x0] =	vst.idx.add.f32.msk $0xffff, v29  }
0x1b4: {  	[tilespmem:v14+s15+$0x0] =	vst.idx.add.f32.msk $0xffff, v31  }
0x1b5: {  	v11 =	vld.idx.msk [tilespmem:v30+s17+$0x0], $0xffff  }
0x1b6: {  	[tilespmem:v12+s15+$0x0] =	vst.idx.add.f32.msk $0xffff, v23  }
0x1b7: {  	v56 =	vld.idx.msk [tilespmem:v27+s17+$0x0], $0xffff  }
0x1b8: {  	v57 =	vld.idx.msk [tilespmem:v26+s17+$0x0], $0xffff  }
0x1b9: {  	v58 =	vld.idx.msk [tilespmem:v17+s17+$0x0], $0xffff  }
0x1ba: {  	v59 =	vld.idx.msk [tilespmem:v18+s17+$0x0], $0xffff  }
0x1bb: {  	v61 =	vld.idx.msk [tilespmem:v22+s17+$0x0], $0xffff  }
0x1bc: {  	v62 =	vld.idx.msk [tilespmem:v24+s17+$0x0], $0xffff  }
0x1bd: {  	[tilespmem:v15+s15+$0x0] =	vst.idx.add.f32.msk $0xffff, v28  }
0x1be: {  	[tilespmem:v16+s15+$0x0] =	vst.idx.add.f32.msk $0xffff, v35  }
0x1bf: {  	v60 =	vor.u32 v34, v33;
	[tilespmem:v19+s15+$0x0] =	vst.idx.add.f32.msk $0xffff, v25  }
0x1c0: {  	[tilespmem:v21+s15+$0x0] =	vst.idx.add.f32.msk $0xffff, v56  }
0x1c1: {  	v63 =	vor.u32 v37, v33;
	[tilespmem:v20+s15+$0x0] =	vst.idx.add.f32.msk $0xffff, v11  }
0x1c2: {  	[tilespmem:v38+s15+$0x0] =	vst.idx.add.f32.msk $0xffff, v57  }
0x1c3: {  	s2 =	sadd.s32 $0x4, s26;
	[tilespmem:v36+s15+$0x0] =	vst.idx.add.f32.msk $0xffff, v59  }
0x1c4: {  	p0 =	sge.u32 s2, s23;
	[tilespmem:v60+s15+$0x0] =	vst.idx.add.f32.msk $0xffff, v61  }
0x1c5: {  	s2 =	sshll.u32 @!p0 s2, $0x6;
	[tilespmem:v32+s15+$0x0] =	vst.idx.add.f32.msk $0xffff, v58  }
0x1c6: {  	s2 =	sshra.s32 @!p0 s2, $0x2;
	[tilespmem:v63+s15+$0x0] =	vst.idx.add.f32.msk $0xffff, v62  }
0x1c7: {  	v11 =	vld @!p0 [tilespmem:s2+$0x3F00];
	_ =	sdelay $0x4  }
0x1c8: {  	v12 =	vshll.u32 @!p0 v11, $0x1  }
0x1c9: {  	v13 =	vlaneseq.u32 @!p0;
	v11 =	vand.u32 @!p0 $0x7, v11;
	v12 =	vand.u32 @!p0 $0xFFFFFFF0, v12  }
0x1ca: {  	v14 =	vshrl.u32 @!p0 v13, $0x3;
	v11 =	vor.u32 @!p0 v11, v12;
	v12 =	vand.u32 @!p0 $0x7, v13  }
0x1cb: {  	v14 =	vmul.u32 @!p0 $0x8, v14;
	v12 =	vperm.xlane @!p0 v11, v12  }
0x1cc: {  	v13 =	vor.u32 @!p0 $0x8, v13  }
0x1cd: {  	v11 =	vperm.xlane @!p0 v11, v13;
	v12 =	vadd.s32 @!p0 v14, v12;
	_ =	sdelay $0x1  }
0x1ce: {  	v11 =	vadd.s32 @!p0 v14, v11;
	_ =	sdelay $0x1  }
0x1cf: {  	vm1 =	vmmov @!p0 $0xffff;
	s28 =	simm.s32 @!p0 $0x8E00;
	s2 =	simm.s32 @!p0 $0x0  }
0x1d0: {  	[tilespmem:s28], [sflag:$0x2] =	stream.indirect_vreg.gather @!p0 [hbm4b:s1+s2], $0x80, v12, vm1, $0xb8;
	[tilespmem:$0x1F600] =	vst v63  }
0x1d1: {  	s28 =	simm.s32 @!p0 $0x9600  }
0x1d2: {  	[tilespmem:s28], [sflag:$0x2] =	stream.indirect_vreg.gather @!p0 [hbm4b:s1+s2], $0x80, v11, vm1, $0xb8;
	[tilespmem:$0x1F600] =	vst v63  }
.LBB2_17:
0x1d3: {  	s28 =	sadd.s32 $0x2, s26  }
0x1d4: {  	p0 =	sge.s32 s28, s23  }
.Ltmp14:
0x1d5: {  	_ = 	snop;
	(pc) =	sbr.rel @p0 .LBB2_21-.Ltmp14, $1  }
0x1d6: {  	_ =	sdelay $0x3  }
0x1d7: {  	_ =	swait.ge [sflag:s18], $0x1000  }
0x1d8: {  	s2 =	sshll.u32 s28, $0x6;
	[sflag:s18] =	ssyncset.done $0x0  }
0x1d9: {  	s31 =	simm.s32 $0x0;
	s2 =	sshra.s32 s2, $0x2;
	[sflag:s18] =	ssyncadd.s32 $0xFFFFF000  }
0x1da: {  	s29 =	simm.s32 $0x2;
	s28 =	simm.s32 $0x7;
	s30 =	sand.u32 $0xF0, s31;
	v11 =	vld [tilespmem:s2+$0x5E80]  }
0x1db: {  	v15 =	vadd.s32 s29, v6;
	v25 =	vadd.s32 s28, v6;
	s29 =	simm.s32 $0xA;
	v13 =	vmov s30  }
0x1dc: {  	s30 =	simm.s32 $0x3;
	v15 =	vand.u32 $0xF, v15;
	v29 =	vadd.s32 s29, v6;
	v16 =	vshll.u32 v13, $0x3  }
0x1dd: {  	v17 =	vadd.s32 s30, v6;
	s30 =	simm.s32 $0x5;
	v13 =	vand.u32 $0x70, v13;
	v16 =	vand.u32 $0x400, v16  }
0x1de: {  	v19 =	vadd.s32 s30, v6;
	v15 =	vor.u32 v13, v15;
	v22 =	vor.u32 v10, v16  }
0x1df: {  	v19 =	vand.u32 $0xF, v19;
	v12 =	vshll.u32 v11, $0x8;
	v11 =	vshll.u32 v11, $0x7  }
0x1e0: {  	v26 =	vor.u32 v15, v22;
	v12 =	vand.u32 $0xFFFFF800, v12;
	v11 =	vand.u32 $0x380, v11  }
0x1e1: {  	v19 =	vor.u32 v13, v19;
	v11 =	vor.u32 v11, v12;
	v12 =	vadd.s32 s31, v6;
	s31 =	simm.s32 $0x1  }
0x1e2: {  	v32 =	vor.u32 v19, v22;
	v14 =	vadd.s32 s31, v6;
	s31 =	simm.s32 $0x4;
	v12 =	vand.u32 $0xF, v12  }
0x1e3: {  	v16 =	vor.u32 v16, v11;
	v18 =	vadd.s32 s31, v6;
	v21 =	vor.u32 v12, v13  }
0x1e4: {  	s31 =	simm.s32 $0x6;
	v12 =	vand.u32 $0xF, v14;
	v14 =	vand.u32 $0xF, v17;
	v39 =	vor.u32 v15, v16  }
0x1e5: {  	v20 =	vadd.s32 s31, v6;
	v17 =	vand.u32 $0xF, v18;
	v14 =	vor.u32 v13, v14  }
0x1e6: {  	v24 =	vor.u32 v21, v22;
	v15 =	vor.u32 v13, v12;
	v18 =	vand.u32 $0xF, v20  }
0x1e7: {  	v17 =	vor.u32 v13, v17;
	v23 =	vor.u32 v14, v22;
	v27 =	vor.u32 v14, v16  }
0x1e8: {  	v14 =	vand.u32 $0xF, v25;
	v18 =	vor.u32 v13, v18;
	v25 =	vor.u32 v17, v22  }
0x1e9: {  	v28 =	vor.u32 v17, v16;
	v14 =	vor.u32 v13, v14;
	v20 =	vor.u32 v18, v22  }
0x1ea: {  	s30 =	simm.s32 $0x8;
	v17 =	vor.u32 v14, v22;
	v12 =	vor.u32 v18, v16;
	v13 =	vor.u32 v14, v16  }
0x1eb: {  	v40 =	vld.idx.msk [tilespmem:v26+s19+$0x0], $0xffff;
	s31 =	sand.u32 $0xF0, s30;
	v14 =	vor.u32 v21, v16;
	v22 =	vor.u32 v15, v22;
	v18 =	vadd.s32 s30, v6  }
0x1ec: {  	s30 =	simm.s32 $0x9;
	v15 =	vor.u32 v15, v16;
	v16 =	vor.u32 v19, v16;
	v19 =	vmov s31  }
0x1ed: {  	v26 =	vand.u32 $0xF, v29;
	s31 =	simm.s32 $0xB;
	v21 =	vadd.s32 s30, v6;
	v30 =	vshll.u32 v19, $0x3  }
0x1ee: {  	s30 =	simm.s32 $0xC;
	v31 =	vadd.s32 s31, v6;
	s31 =	simm.s32 $0xD;
	v18 =	vand.u32 $0xF, v18;
	v36 =	vand.u32 $0x70, v19  }
0x1ef: {  	v33 =	vadd.s32 s30, v6;
	v34 =	vadd.s32 s31, v6;
	v19 =	vand.u32 $0x400, v30  }
0x1f0: {  	[tilespmem:v39+s15+$0x0] =	vst.idx.add.f32.msk $0xffff, v40;
	s30 =	simm.s32 $0xE;
	v41 =	vor.u32 v18, v36;
	v37 =	vand.u32 $0xF, v21;
	v18 =	vand.u32 $0xF, v31  }
0x1f1: {  	v26 =	vor.u32 v36, v26;
	v35 =	vld.idx.msk [tilespmem:v23+s19+$0x0], $0xffff;
	v23 =	vadd.s32 s30, v6;
	v42 =	vor.u32 v10, v19  }
0x1f2: {  	v31 =	vld.idx.msk [tilespmem:v24+s19+$0x0], $0xffff;
	v34 =	vand.u32 $0xF, v34;
	v43 =	vor.u32 v36, v18;
	v37 =	vor.u32 v36, v37  }
0x1f3: {  	v21 =	vld.idx.msk [tilespmem:v25+s19+$0x0], $0xffff;
	v25 =	vand.u32 $0xF, v33;
	v23 =	vand.u32 $0xF, v23;
	v18 =	vor.u32 v41, v42  }
0x1f4: {  	s31 =	simm.s32 $0xF;
	v44 =	vor.u32 v43, v42;
	v33 =	vor.u32 v19, v11;
	v30 =	vor.u32 v26, v42;
	v29 =	vld.idx.msk [tilespmem:v17+s19+$0x0], $0xffff  }
0x1f5: {  	v34 =	vor.u32 v36, v34;
	v38 =	vor.u32 v36, v23;
	v23 =	vld.idx.msk [tilespmem:v20+s19+$0x0], $0xffff;
	v20 =	vadd.s32 s31, v6  }
0x1f6: {  	v25 =	vor.u32 v36, v25;
	v19 =	vor.u32 v43, v33;
	v20 =	vand.u32 $0xF, v20;
	[tilespmem:v27+s15+$0x0] =	vst.idx.add.f32.msk $0xffff, v35  }
0x1f7: {  	v17 =	vor.u32 v38, v42;
	v24 =	vor.u32 v36, v20;
	v20 =	vor.u32 v26, v33;
	v35 =	vld.idx.msk [tilespmem:v32+s19+$0x0], $0xffff  }
0x1f8: {  	v36 =	vor.u32 v41, v33;
	v27 =	vor.u32 v25, v42;
	[tilespmem:v28+s15+$0x0] =	vst.idx.add.f32.msk $0xffff, v21  }
0x1f9: {  	v26 =	vor.u32 v24, v42;
	v32 =	vor.u32 v38, v33;
	v38 =	vor.u32 v24, v33;
	v28 =	vld.idx.msk [tilespmem:v22+s19+$0x0], $0xffff  }
0x1fa: {  	s29 =	simm.s32 $0x10;
	v24 =	vor.u32 v37, v42;
	v21 =	vor.u32 v25, v33;
	v22 =	vor.u32 v34, v42;
	v25 =	vld.idx.msk [tilespmem:v44+s19+$0x0], $0xffff  }
.LBB2_19:
0x1fb: {  	s2 =	sand.u32 $0xF0, s29;
	v39 =	vadd.s32 s29, v6  }
0x1fc: {  	s28 =	sadd.s32 $0x1, s29;
	s30 =	sadd.s32 $0x2, s29;
	v37 =	vor.u32 v37, v33;
	v33 =	vor.u32 v34, v33;
	[tilespmem:v13+s15+$0x0] =	vst.idx.add.f32.msk $0xffff, v29;
	v13 =	vmov v38;
	s31 =	smov.u32 s29  }
0x1fd: {  	v29 =	vmov s2;
	v34 =	vadd.s32 s28, v6;
	v38 =	vadd.s32 s30, v6;
	s2 =	sadd.s32 $0x3, s31;
	s30 =	sadd.s32 $0x4, s31;
	s28 =	sadd.s32 $0x8, s29;
	[tilespmem:v14+s15+$0x0] =	vst.idx.add.f32.msk $0xffff, v31;
	v14 =	vmovc v36  }
0x1fe: {  	v31 =	vshll.u32 v29, $0x3;
	v36 =	vadd.s32 s2, v6;
	v40 =	vadd.s32 s30, v6;
	s2 =	sadd.s32 $0x5, s31;
	s30 =	sadd.s32 $0x6, s31;
	s31 =	sadd.s32 $0x7, s31;
	v41 =	vld.idx.msk [tilespmem:v30+s19+$0x0], $0xffff  }
0x1ff: {  	p0 =	slt.u32 s29, $0xF8;
	v30 =	vand.u32 $0xF, v39;
	v39 =	vadd.s32 s2, v6;
	v42 =	vadd.s32 s30, v6;
	[tilespmem:v16+s15+$0x0] =	vst.idx.add.f32.msk $0xffff, v35;
	v16 =	vmovc v33  }
0x200: {  	v43 =	vand.u32 $0x70, v29;
	v33 =	vand.u32 $0x400, v31;
	v31 =	vand.u32 $0xF, v38;
	[tilespmem:v12+s15+$0x0] =	vst.idx.add.f32.msk $0xffff, v23;
	v12 =	vmovc v32  }
0x201: {  	v44 =	vor.u32 v30, v43;
	v45 =	vor.u32 v10, v33;
	v32 =	vand.u32 $0xF, v34;
	v27 =	vld.idx.msk [tilespmem:v27+s19+$0x0], $0xffff  }
0x202: {  	v29 =	vand.u32 $0xF, v40;
	v23 =	vand.u32 $0xF, v36;
	v30 =	vand.u32 $0xF, v42;
	[tilespmem:v15+s15+$0x0] =	vst.idx.add.f32.msk $0xffff, v28;
	v15 =	vmovc v37  }
0x203: {  	v34 =	vand.u32 $0xF, v39;
	v36 =	vor.u32 v43, v30;
	v28 =	vor.u32 v43, v29;
	v29 =	vld.idx.msk [tilespmem:v26+s19+$0x0], $0xffff  }
0x204: {  	v35 =	vor.u32 v43, v23;
	v26 =	vor.u32 v43, v31;
	v23 =	vld.idx.msk [tilespmem:v17+s19+$0x0], $0xffff;
	v17 =	vor.u32 v36, v45  }
0x205: {  	v38 =	vor.u32 v35, v45;
	v37 =	vadd.s32 s31, v6;
	v31 =	vld.idx.msk [tilespmem:v18+s19+$0x0], $0xffff;
	v18 =	vor.u32 v44, v45  }
0x206: {  	v33 =	vor.u32 v33, v11;
	v30 =	vor.u32 v26, v45;
	[tilespmem:v19+s15+$0x0] =	vst.idx.add.f32.msk $0xffff, v25  }
.Ltmp15:
0x207: {  	v34 =	vor.u32 v43, v34;
	v19 =	vor.u32 v35, v33;
	v25 =	vand.u32 $0xF, v37;
	[tilespmem:v21+s15+$0x0] =	vst.idx.add.f32.msk $0xffff, v27;
	(pc) =	sbr.rel @p0 .LBB2_19-.Ltmp15, $4  }
0x208: {  	v27 =	vor.u32 v28, v45;
	v21 =	vor.u32 v28, v33;
	v39 =	vor.u32 v43, v25;
	v28 =	vld.idx.msk [tilespmem:v24+s19+$0x0], $0xffff  }
0x209: {  	v40 =	vor.u32 v26, v33;
	v26 =	vor.u32 v39, v45;
	v35 =	vld.idx.msk [tilespmem:v22+s19+$0x0], $0xffff;
	v22 =	vor.u32 v34, v45  }
0x20a: {  	v37 =	vor.u32 v43, v32;
	v32 =	vor.u32 v36, v33;
	v25 =	vld.idx.msk [tilespmem:v38+s19+$0x0], $0xffff;
	v38 =	vor.u32 v39, v33  }
0x20b: {  	s29 =	smov.u32 s28;
	v36 =	vor.u32 v44, v33;
	v24 =	vor.u32 v37, v45;
	[tilespmem:v20+s15+$0x0] =	vst.idx.add.f32.msk $0xffff, v41;
	v20 =	vmov v40  }
.Ltmp16:
0x20c: {  	_ = 	snop;
	(pc) =	sbr.rel .LBB2_20-.Ltmp16, $1  }
0x20d: {  	_ =	sdelay $0x3  }
.LBB2_24:
0x20e: {  	_ =	sfence.sel $0x180000  }
0x20f: {  	[bflag:$0x0] =	sbarrier.arrive $0xFFFF  }
0x210: {  	_ =	strace $0x90000047  }
0x211: {  	[bflag:$0x2] =	sbarrier.arrive $0xFFFF  }
0x212: {  	p0 =	sne.s32 s0, $0x0;
	s0 =	rddreg [dreg:$0x2]  }
0x213: {  	s0 =	sadd.s32 @!p0 $0x100000, s0  }
0x214: {  	[sflag:s0] =	ssyncadd.tile.s32 @!p0 $0x1;
	_ =	shalt  }
.Lfunc_end2:
_tile_overlayer_lowered:
.L_overlay_start_2:
0x215: {  	(tag) =	ssettag $0x2  }
0x216: {  	s0 =	rddreg [dreg:$0x0];
	s2 =	stileid.u32  }
0x217: {  	s1 =	rddreg [dreg:$0x1];
	p0 =	sne.s32 s2, $0x0  }
0x218: {  	s3 =	rddreg [dreg:$0x2];
	[bflag:$0x3] =	sbarrier.arrive $0xFFFF;
	s2 =	simm.s32 @!p0 $0x1C04  }
0x219: {  	[timem:s3], [sflag:s2] =	dma.local @!p0 [hbm:s0], s1  }
0x21a: {  	s0 =	simm.s32 @!p0 $0x4  }
0x21b: {  	_ =	swait.ge @!p0 [sflag:s0], s1  }
0x21c: {  	s1 =	ssub.s32 @!p0 $0x0, s1;
	[sflag:s0] =	ssyncset.done @!p0 $0x0  }
0x21d: {  	[sflag:s0] =	ssyncadd.s32 @!p0 s1  }
0x21e: {  	[bflag:$0x3] =	sbarrier.arrive $0xFFFF  }
0x21f: {  	_ =	shalt  }

// kernel: kernel.9.cloned.1.call-start
scs
__scs_entry_jumppad:
0x0: {  	(pc) =	sbr.rel $0x88, $3  }
0x1: {  	(tag) =	ssettag $0x0;
	lr =	simm.s32 $0x1  }
0x2: {  	[smem:$0x3F92] =	sst lr;
	_ =	strace $0xD0000000  }
0x3: {  	_ = 	snop  }
0x4: {  	_ = 	snop  }
0x5: {  	_ = 	snop  }
0x6: {  	_ = 	snop  }
0x7: {  	_ = 	snop  }
__scs_overlays_trampoline_lowered:
0x8: {  	[smem:$0x3FA1] =	sst s0  }
0x9: {  	[smem:$0x3FA2] =	sst s1  }
0xa: {  	[smem:$0x3FA3] =	sst s2  }
0xb: {  	[smem:$0x3FA4] =	sst s3  }
0xc: {  	[smem:$0x3FA5] =	sst s4  }
0xd: {  	[smem:$0x3FA6] =	sst s5  }
0xe: {  	[smem:$0x3FA7] =	sst s6  }
0xf: {  	[smem:$0x3FA8] =	sst s7  }
0x10: {  	[smem:$0x3FA9] =	sst s8  }
0x11: {  	[smem:$0x3FAA] =	sst s9;
	s0 =	simm.s32 @!p0 $0x0  }
0x12: {  	s1 =	sld [smem:$0x3F90];
	s0 =	simm.s32 @p0 $0x1  }
0x13: {  	[smem:$0x3FAB] =	sst s0;
	s0 =	simm.s32 @!p1 $0x0  }
0x14: {  	s2 =	sld [smem:$0x3F8F];
	s0 =	simm.s32 @p1 $0x1  }
0x15: {  	[smem:$0x3FAC] =	sst s0;
	s0 =	simm.s32 @!p2 $0x0  }
0x16: {  	s3 =	sld [smem:$0x3FDB];
	s0 =	simm.s32 @p2 $0x1  }
0x17: {  	s4 =	simm.s32 $0x1BF5;
	[smem:$0x3FAE] =	sst s0  }
0x18: {  	s0 =	sld [smem:$0x3F91];
	_ =	swait.ge [sflag:s4], $0x0  }
0x19: {  	s7 =	sld [smem:$0x3F92]  }
0x1a: {  	s8 =	sadd.s32 $0xFFFFE003, lr  }
0x1b: {  	s9 =	sadd.s32 $0xFFFFFEF7, lr;
	s5 =	simm.s32 $0xFFFFFFFF;
	p2 =	slt.u32 s8, $0xFFFFF086  }
0x1c: {  	p1 =	slt.u32 s9, $0xF7A;
	s5 =	simm.s32 @!p2 $0x0  }
0x1d: {  	s5 =	simm.s32 @p1 $0x1;
	p0 =	seq.s32 s7, s2  }
0x1e: {  	s7 =	smul.u32 @!p0 $0xF7A, s2;
	p2 =	seq.s32 @!p0 s5, $0x0  }
0x1f: {  	s9 =	smul.u32 $0xF7A, s1;
	s8 =	simm.s32 @!p0 $0x1BF5;
	p2 =	por !p2, p0  }
0x20: {  	[sflag:s8] =	ssyncset.s32 @!p0 $0xFFFFF086;
	s6 =	sadd.s32 @!p0 s3, s7;
	s7 =	simm.s32 @!p0 $0x108  }
0x21: {  	s3 =	sadd.s32 s3, s9;
	s6 =	sadd.s32 @!p0 $0x88, s6;
	s7 =	simm.s32 @p2 $0x1082  }
0x22: {  	[simem:s7], [sflag:s8] =	dma.local @!p0 [hbm:s6], $0xF7A  }
0x23: {  	s9 =	sor.u32 $0xD0000000, s2;
	s6 =	simm.s32 $0x108;
	_ =	swait.ge @!p0 [sflag:s8], $0x0  }
0x24: {  	s3 =	sadd.s32 $0x88, s3;
	s6 =	simm.s32 @!p1 $0x1082;
	[sflag:s4] =	ssyncset.s32 $0xFFFFF086  }
0x25: {  	[simem:s6], [sflag:s4] =	dma.local [hbm:s3], $0xF7A  }
0x26: {  	[smem:$0x3F92] =	sst s1;
	(tag) =	ssettag s2;
	_ =	strace s9  }
0x27: {  	s1 =	sld [smem:$0x3FA2]  }
0x28: {  	s2 =	sld [smem:$0x3FA3]  }
0x29: {  	s4 =	sld [smem:$0x3FA5]  }
0x2a: {  	p0 =	seq.s32 s5, $0x0;
	s5 =	sld [smem:$0x3FA6]  }
0x2b: {  	s6 =	sld [smem:$0x3FA7]  }
0x2c: {  	s7 =	sld [smem:$0x3FA8]  }
0x2d: {  	s3 =	simm.s32 $0x108;
	s8 =	sld [smem:$0x3FA9]  }
0x2e: {  	s3 =	simm.s32 @!p0 $0x1082;
	s9 =	sld [smem:$0x3FAA]  }
0x2f: {  	lr =	sadd.s32 s0, s3;
	s0 =	sld [smem:$0x3FA1]  }
0x30: {  	s3 =	sld [smem:$0x3FA4]  }
0x31: {  	[smem:$0x3FAD] =	sst s10  }
0x32: {  	s10 =	sld [smem:$0x3FAB];
	_ =	sdelay $0x3  }
0x33: {  	p0 =	seq.s32 s10, $0x1;
	s10 =	sld [smem:$0x3FAD];
	_ =	sdelay $0x3  }
0x34: {  	[smem:$0x3FAD] =	sst s10  }
0x35: {  	s10 =	sld [smem:$0x3FAC];
	_ =	sdelay $0x3  }
0x36: {  	p1 =	seq.s32 s10, $0x1;
	s10 =	sld [smem:$0x3FAD];
	_ =	sdelay $0x3  }
0x37: {  	[smem:$0x3FAD] =	sst s10  }
0x38: {  	s10 =	sld [smem:$0x3FAE]  }
0x39: {  	_ = 	snop;
	(pc) =	sbr.ind lr, $3  }
0x3a: {  	_ = 	snop  }
0x3b: {  	_ = 	snop  }
0x3c: {  	p2 =	seq.s32 s10, $0x1;
	s10 =	sld [smem:$0x3FAD]  }
0x3d: {  	_ =	shalt  }
0x3e: {  	_ =	shalt  }
0x3f: {  	_ =	shalt  }
0x40: {  	_ =	shalt  }
0x41: {  	_ =	shalt  }
0x42: {  	_ =	shalt  }
0x43: {  	_ =	shalt  }
0x44: {  	_ =	shalt  }
0x45: {  	_ =	shalt  }
0x46: {  	_ =	shalt  }
0x47: {  	_ =	shalt  }
0x48: {  	_ =	shalt  }
0x49: {  	_ =	shalt  }
0x4a: {  	_ =	shalt  }
0x4b: {  	_ =	shalt  }
0x4c: {  	_ =	shalt  }
0x4d: {  	_ =	shalt  }
0x4e: {  	_ =	shalt  }
0x4f: {  	_ =	shalt  }
0x50: {  	_ =	shalt  }
0x51: {  	_ =	shalt  }
0x52: {  	_ =	shalt  }
0x53: {  	_ =	shalt  }
0x54: {  	_ =	shalt  }
0x55: {  	_ =	shalt  }
0x56: {  	_ =	shalt  }
0x57: {  	_ =	shalt  }
0x58: {  	_ =	shalt  }
0x59: {  	_ =	shalt  }
0x5a: {  	_ =	shalt  }
0x5b: {  	_ =	shalt  }
0x5c: {  	_ =	shalt  }
0x5d: {  	_ =	shalt  }
0x5e: {  	_ =	shalt  }
0x5f: {  	_ =	shalt  }
0x60: {  	_ =	shalt  }
0x61: {  	_ =	shalt  }
0x62: {  	_ =	shalt  }
0x63: {  	_ =	shalt  }
0x64: {  	_ =	shalt  }
0x65: {  	_ =	shalt  }
0x66: {  	_ =	shalt  }
0x67: {  	_ =	shalt  }
0x68: {  	_ =	shalt  }
0x69: {  	_ =	shalt  }
0x6a: {  	_ =	shalt  }
0x6b: {  	_ =	shalt  }
0x6c: {  	_ =	shalt  }
0x6d: {  	_ =	shalt  }
0x6e: {  	_ =	shalt  }
0x6f: {  	_ =	shalt  }
0x70: {  	_ =	shalt  }
0x71: {  	_ =	shalt  }
0x72: {  	_ =	shalt  }
0x73: {  	_ =	shalt  }
0x74: {  	_ =	shalt  }
0x75: {  	_ =	shalt  }
0x76: {  	_ =	shalt  }
0x77: {  	_ =	shalt  }
0x78: {  	_ =	shalt  }
0x79: {  	_ =	shalt  }
0x7a: {  	_ =	shalt  }
0x7b: {  	_ =	shalt  }
0x7c: {  	_ =	shalt  }
0x7d: {  	_ =	shalt  }
0x7e: {  	_ =	shalt  }
0x7f: {  	_ =	shalt  }
0x80: {  	_ =	shalt  }
0x81: {  	_ =	shalt  }
0x82: {  	_ =	shalt  }
0x83: {  	_ =	shalt  }
0x84: {  	_ =	shalt  }
0x85: {  	_ =	shalt  }
0x86: {  	_ =	shalt  }
0x87: {  	_ =	shalt  }
.Lfunc_end0:
.L_simem_size_0:
called_computation.1_lowered:
.L_overlay_start_0:
0x88: {  	s2 =	sld [smem:$0x3FD9]  }
0x89: {  	s3 =	sld [smem:$0x3FFE];
	_ =	sdelay $0x1  }
0x8a: {  	s1 =	srdreg.scid  }
0x8b: {  	s0 =	sand.u32 $0x1, s1  }
0x8c: {  	s16 =	sshll.u32 s0, $0xA;
	s2 =	sadd.s32 s3, s2  }
0x8d: {  	s2 =	sadd.s32 s2, s16  }
0x8e: {  	[smem:$0x3FB9] =	sst s2  }
0x8f: {  	_ = 	snop  }
0x90: {  	(tm) =	ssettm $0x1  }
0x91: {  	s17 =	sld [smem:$0x3FFB];
	_ =	sdelay $0x3  }
0x92: {  	_ =	strace s17  }
0x93: {  	s2 =	sld [smem:$0x3FFC];
	_ =	sdelay $0x3  }
0x94: {  	_ =	strace s2  }
0x95: {  	s2 =	sld [smem:$0x3FFD];
	_ =	sdelay $0x3  }
0x96: {  	_ =	strace s2  }
0x97: {  	_ =	strace $0x8FFFFFFF  }
0x98: {  	s18 =	sld [smem:$0x3FDB];
	_ =	sdelay $0x1  }
0x99: {  	s19 =	simm.s32 $_scs_section_size  }
0x9a: {  	s4 =	simm.s32 $_size__tile_overlayer_lowered;
	s5 =	simm.s32 $_tile_overlayer_lowered  }
0x9b: {  	s22 =	simm.s32 $0x1BFF;
	s21 =	sshll.u32 s5, $0x1;
	s2 =	sadd.s32 s19, s18  }
0x9c: {  	s6 =	simm.s32 $0x0;
	s20 =	sshll.u32 s4, $0x1;
	s4 =	sadd.s32 s21, s2  }
0x9d: {  	[timem:s6], [sflag:s22] =	dma.local [hbm:s4], s20  }
0x9e: {  	_ =	swait.ge [sflag:s22], s20  }
0x9f: {  	s3 =	ssub.s32 $0x0, s20;
	[sflag:s22] =	ssyncset.done $0x0  }
0xa0: {  	[sflag:s22] =	ssyncadd.s32 s3;
	_ =	sdelay $0x1  }
0xa1: {  	s23 =	simm.s32 $0x1B8B  }
0xa2: {  	_ =	swait.ge [sflag:s23], $0x1  }
0xa3: {  	[sflag:s23] =	ssyncset.done $0x0  }
0xa4: {  	s25 =	simm.s32 $0x1B8E;
	s24 =	sld [smem:$0x3FFE];
	[sflag:s23] =	ssyncadd.s32 $0xFFFFFFFF  }
0xa5: {  	s26 =	simm.s32 $execute0_lowered;
	[smem:$0x3FD2] =	sst s25  }
0xa6: {  	s4 =	sshll.u32 s26, $0x1;
	_ =	strace $0x80000049;
	[dreg:$0x1] =	wrdreg $0xFFFFFFFF  }
0xa7: {  	s28 =	simm.s32 $_size_execute0_lowered;
	s2 =	sadd.s32 s2, s4;
	[dreg:$0x0] =	wrdreg $0x0  }
0xa8: {  	s4 =	sshll.u32 s28, $0x1;
	[dreg:$0x2] =	wrdreg s2  }
0xa9: {  	[dreg:$0x3] =	wrdreg s4  }
0xaa: {  	[dreg:$0x4] =	wrdreg $0xC0  }
0xab: {  	_ =	task [dreg:s6], $0x5FFFF  }
0xac: {  	[dreg:$0x1] =	wrdreg $0xFFFFFFFF  }
0xad: {  	[dreg:$0x0] =	wrdreg $0x60  }
0xae: {  	[dreg:$0x2] =	wrdreg s24  }
0xaf: {  	[dreg:$0x3] =	wrdreg $0x9  }
0xb0: {  	_ =	task.clear_ibuf [dreg:s6], $0x4FFFF;
	_ =	strace $0x90000049  }
0xb1: {  	s29 =	simm.s32 $0x9;
	_ =	strace $0x8000004B  }
0xb2: {  	_ =	swait.ge [sflag:s29], $0x1  }
0xb3: {  	[sflag:s29] =	ssyncadd.s32 $0xFFFFFFFF  }
0xb4: {  	_ =	strace $0x9000004B  }
0xb5: {  	_ =	sfence  }
0xb6: {  	s30 =	sld [smem:$0x0];
	_ =	sdelay $0x2  }
0xb7: {  	s31 =	sshll.u32 s1, $0xD;
	s1 =	sshrl.u32 s1, $0x2  }
0xb8: {  	s3 =	sand.u32 $0x4000, s31;
	s1 =	sadd.s32 s1, s30  }
0xb9: {  	s0 =	sor.u32 s3, s0;
	s1 =	sshll.u32 s1, $0x11  }
0xba: {  	s0 =	sor.u32 s1, s0  }
0xbb: {  	s0 =	sadd.s32 $0x8F2B, s0  }
0xbc: {  	[sflag:s0] =	ssyncadd.remote.s32 $0x1  }
0xbd: {  	_ =	sfence.sel $0xFFFF  }
0xbe: {  	[dreg:$0x0] =	wrdreg $0xFFFFFFFF;
	(pc) =	sbr.abs _section_cstart, $3  }
0xbf: {  	[dreg:$0x1] =	wrdreg $0xFFFFFFFF  }
0xc0: {  	_ =	task.clear_ibuf [dreg:s6], $0x2FFFF;
	_ =	strace $0x9FFFFFFF  }
0xc1: {  	(tm) =	ssettm $0x7FFFFFFF  }
tec
execute0_lowered:
.L_overlay_start_1:
0x0: {  	(tag) =	ssettag $0x1  }
0x1: {  	v0 =	vimm.s32 $0x1380;
	vm0 =	vcmask $0x300  }
0x2: {  	vm14 =	vcmask $0x704;
	v0 =	vsel vm0, $0x0, v0  }
0x3: {  	s0 =	rddreg [dreg:$0x0];
	vm15 =	vcmask $0xB08;
	s1 =	srdreg.scid;
	v0 =	vsel vm14, $0x80, v0  }
0x4: {  	s2 =	stileid.u32;
	vm4 =	vcmask $0xF0C;
	s20 =	simm.s32 $0x0;
	s12 =	simm.s32 $0x3200;
	v0 =	vsel vm15, $0x100, v0  }
0x5: {  	vm5 =	vcmask $0x1310;
	s13 =	simm.s32 $0x4B80;
	s14 =	simm.s32 $0x1;
	s15 =	simm.s32 $0x6500;
	v0 =	vsel vm4, $0x180, v0  }
0x6: {  	vm6 =	vcmask $0x1714;
	s16 =	simm.s32 $0xA500;
	s17 =	simm.s32 $0x2;
	s18 =	simm.s32 $0x8500;
	v0 =	vsel vm5, $0x200, v0  }
0x7: {  	vm7 =	vcmask $0x1B18;
	s1 =	sand.u32 $0x1, s1;
	s3 =	sshll.u32 s2, $0x1;
	[smem:$0x7FF] =	sst s20;
	v0 =	vsel vm6, $0x280, v0  }
0x8: {  	vm8 =	vcmask $0x1F1C;
	vm9 =	vcmask $0x2320;
	s4 =	sadd.s32 $0x7000, s0;
	s5 =	sadd.s32 $0x2000, s0;
	s6 =	sor.u32 s1, s3;
	v1 =	vsel vm7, $0x300, v0  }
0x9: {  	vm10 =	vcmask $0x2724;
	s9 =	sadd.s32 $0xAC000, s0;
	_ =	strace $0x8000004A;
	s7 =	smul.u32 $0x137, s6;
	v2 =	vsel vm8, $0x380, v1  }
0xa: {  	vm11 =	vcmask $0x2B28;
	vm12 =	vcmask $0x2F2C;
	s3 =	sadd.s32 $0xC000, s0;
	s1 =	ssub.s32 $0x2, s1;
	s8 =	smul.u32 $0xA0, s6;
	v3 =	vsel vm9, $0x1000, v2  }
0xb: {  	vm13 =	vcmask $0x3330;
	v8 =	vlaneseq.u32;
	s26 =	sshrl.u32 s1, $0x1;
	s11 =	smul.u32 $0x2800, s6;
	s6 =	sadd.s32 $0xC100, s0;
	v4 =	vsel vm10, $0x1080, v3  }
.Ltmp0:
0xc: {  	vm14 =	vcmask $0x3734;
	vm15 =	vcmask $0x3B38;
	s1 =	ssub.s32 s1, s26;
	s10 =	sadd.s32 $0xA0, s8;
	v5 =	vsel vm11, $0x1100, v4;
	(pc) =	sbr.rel .LBB2_1-.Ltmp0, $4  }
0xd: {  	s28 =	sadd.s32 $0x1400, s8;
	s29 =	sadd.s32 s9, s11;
	s30 =	sadd.s32 $0x14A0, s8;
	v0 =	vmov s7;
	v1 =	vmov s8;
	v6 =	vsel vm12, $0x1180, v5  }
0xe: {  	s31 =	smax.u32 s1, $0x1;
	[dreg:$0x2] =	wrdreg s29;
	s0 =	sshll.u32 s28, $0x6;
	v2 =	vmov s10;
	v3 =	vmov s28;
	v7 =	vsel vm13, $0x1200, v6  }
0xf: {  	s19 =	simm.s32 $0x0;
	[dreg:$0x4] =	wrdreg s31;
	s0 =	sadd.s32 s9, s0;
	v4 =	vmov s30;
	v5 =	vimm.f32 $0.0e+00;
	v9 =	vsel vm14, $0x1280, v7  }
0x10: {  	s11 =	simm.s32 $0x1900;
	[dreg:$0x3] =	wrdreg s0;
	s10 =	simm.s32 $0x3;
	v6 =	vimm.s32 $0x0;
	v7 =	vimm.s32 $0xA0;
	v9 =	vsel vm15, $0x1300, v9  }
.LBB2_33:
0x11: {  	s20 =	simm.s32 $0x0;
	s0 =	rddreg [dreg:$0x3]  }
0x12: {  	[hbm4b:s0+s20] =	stream.linear.scatter [tilespmem:s16], [sflag:$0x3], $0x14000, $0x38;
	[tilespmem:$0x1F500] =	vst v63  }
0x13: {  	_ =	swait.ge [sflag:s10], $0x14000  }
0x14: {  	s19 =	sadd.s32 $0x1, s19;
	s31 =	rddreg [dreg:$0x4]  }
0x15: {  	p0 =	sne.s32 s19, s31  }
.Ltmp1:
0x16: {  	_ = 	snop;
	(pc) =	sbr.rel @!p0 .LBB2_34-.Ltmp1, $3  }
0x17: {  	_ =	sdelay $0x1  }
0x18: {  	[sflag:s10] =	ssyncset.done $0x0  }
0x19: {  	[sflag:s10] =	ssyncadd.s32 $0xFFFEC000  }
.LBB2_1:
0x1a: {  	s0 =	sand.u32 $0x1F000, s20;
	s1 =	sand.u32 $0x300, s20  }
0x1b: {  	s0 =	sor.u32 s1, s0  }
0x1c: {  	[tilespmem:s0+$0xA580] =	vst v5  }
0x1d: {  	[tilespmem:s0+$0xA590] =	vst v5  }
0x1e: {  	[tilespmem:s0+$0xA5A0] =	vst v5  }
0x1f: {  	[tilespmem:s0+$0xA5B0] =	vst v5  }
0x20: {  	[tilespmem:s0+$0xA5C0] =	vst v5  }
0x21: {  	[tilespmem:s0+$0xA5D0] =	vst v5  }
0x22: {  	[tilespmem:s0+$0xA5E0] =	vst v5  }
0x23: {  	[tilespmem:s0+$0xA5F0] =	vst v5  }
0x24: {  	[tilespmem:s0+$0xA980] =	vst v5  }
0x25: {  	[tilespmem:s0+$0xA990] =	vst v5  }
0x26: {  	[tilespmem:s0+$0xA9A0] =	vst v5  }
0x27: {  	[tilespmem:s0+$0xA9B0] =	vst v5  }
0x28: {  	[tilespmem:s0+$0xA9C0] =	vst v5  }
0x29: {  	[tilespmem:s0+$0xA9D0] =	vst v5  }
0x2a: {  	[tilespmem:s0+$0xA9E0] =	vst v5  }
0x2b: {  	[tilespmem:s0+$0xA9F0] =	vst v5  }
0x2c: {  	[tilespmem:s0+$0xAD80] =	vst v5  }
0x2d: {  	[tilespmem:s0+$0xAD90] =	vst v5  }
0x2e: {  	[tilespmem:s0+$0xADA0] =	vst v5  }
0x2f: {  	[tilespmem:s0+$0xADB0] =	vst v5  }
0x30: {  	[tilespmem:s0+$0xADC0] =	vst v5  }
0x31: {  	[tilespmem:s0+$0xADD0] =	vst v5  }
0x32: {  	[tilespmem:s0+$0xADE0] =	vst v5  }
0x33: {  	[tilespmem:s0+$0xADF0] =	vst v5  }
0x34: {  	[tilespmem:s0+$0xA500] =	vst v5  }
0x35: {  	[tilespmem:s0+$0xA510] =	vst v5  }
0x36: {  	[tilespmem:s0+$0xA520] =	vst v5  }
0x37: {  	[tilespmem:s0+$0xA530] =	vst v5  }
0x38: {  	[tilespmem:s0+$0xA540] =	vst v5  }
0x39: {  	[tilespmem:s0+$0xA550] =	vst v5  }
0x3a: {  	[tilespmem:s0+$0xA560] =	vst v5  }
0x3b: {  	[tilespmem:s0+$0xA570] =	vst v5  }
0x3c: {  	[tilespmem:s0+$0xA900] =	vst v5  }
0x3d: {  	[tilespmem:s0+$0xA910] =	vst v5  }
0x3e: {  	[tilespmem:s0+$0xA920] =	vst v5  }
0x3f: {  	[tilespmem:s0+$0xA930] =	vst v5  }
0x40: {  	[tilespmem:s0+$0xA940] =	vst v5  }
0x41: {  	[tilespmem:s0+$0xA950] =	vst v5  }
0x42: {  	[tilespmem:s0+$0xA960] =	vst v5  }
0x43: {  	[tilespmem:s0+$0xA970] =	vst v5  }
0x44: {  	s30 =	sand.u32 $0x3, s20;
	[tilespmem:s0+$0xAD00] =	vst v5  }
0x45: {  	s1 =	sshll.u32 s30, $0x8;
	[tilespmem:s0+$0xAD10] =	vst v5  }
0x46: {  	s1 =	sadd.s32 $0x0, s1;
	[tilespmem:s0+$0xAD20] =	vst v5  }
0x47: {  	[tilespmem:s0+$0xAD30] =	vst v5;
	s7 =	sadd.s32 $0x80, s1;
	s24 =	sor.u32 $0xC00, s1  }
0x48: {  	s31 =	sor.u32 $0xC00, s7;
	[tilespmem:s24+$0xA500] =	vst v5  }
0x49: {  	[tilespmem:s31+$0xA500] =	vst v5  }
0x4a: {  	[tilespmem:s0+$0xAD40] =	vst v5  }
0x4b: {  	[tilespmem:s0+$0xAD50] =	vst v5  }
0x4c: {  	[tilespmem:s0+$0xAD60] =	vst v5  }
0x4d: {  	s2 =	sor.u32 $0xC10, s7;
	[tilespmem:s0+$0xAD70] =	vst v5  }
0x4e: {  	s25 =	sor.u32 $0xC10, s1;
	[tilespmem:s2+$0xA500] =	vst v5  }
0x4f: {  	s8 =	sor.u32 $0xC20, s7;
	[tilespmem:s25+$0xA500] =	vst v5  }
0x50: {  	s26 =	sor.u32 $0xC20, s1;
	[tilespmem:s8+$0xA500] =	vst v5  }
0x51: {  	s9 =	sor.u32 $0xC30, s7;
	[tilespmem:s26+$0xA500] =	vst v5  }
0x52: {  	s29 =	sor.u32 $0xC30, s1;
	[tilespmem:s9+$0xA500] =	vst v5  }
0x53: {  	s21 =	sor.u32 $0xC40, s7;
	[tilespmem:s29+$0xA500] =	vst v5  }
0x54: {  	s30 =	sor.u32 $0xC40, s1;
	[tilespmem:s21+$0xA500] =	vst v5  }
0x55: {  	s22 =	sor.u32 $0xC50, s7;
	[tilespmem:s30+$0xA500] =	vst v5  }
0x56: {  	s31 =	sor.u32 $0xC50, s1;
	[tilespmem:s22+$0xA500] =	vst v5  }
0x57: {  	s28 =	sor.u32 $0xC60, s1;
	s23 =	sor.u32 $0xC60, s7;
	[tilespmem:s31+$0xA500] =	vst v5  }
0x58: {  	s7 =	sor.u32 $0xC70, s7;
	s24 =	simm.s32 $0x0;
	s26 =	sor.u32 $0xC70, s1;
	[tilespmem:s23+$0xA500] =	vst v5  }
0x59: {  	s21 =	simm.s32 $0x0;
	s22 =	simm.s32 $0x100;
	s23 =	simm.s32 $0x400;
	[tilespmem:s7+$0xA500] =	vst v5  }
.LBB2_2:
0x5a: {  	s0 =	sand.u32 $0x1F000, s23;
	s1 =	sand.u32 $0x300, s22;
	[tilespmem:s28+$0xA500] =	vst v5  }
0x5b: {  	s25 =	sor.u32 s1, s0;
	[tilespmem:s26+$0xA500] =	vst v5  }
0x5c: {  	[tilespmem:s25+$0xA580] =	vst v5  }
0x5d: {  	[tilespmem:s25+$0xA590] =	vst v5  }
0x5e: {  	[tilespmem:s25+$0xA5A0] =	vst v5  }
0x5f: {  	[tilespmem:s25+$0xA5B0] =	vst v5  }
0x60: {  	[tilespmem:s25+$0xA5C0] =	vst v5  }
0x61: {  	[tilespmem:s25+$0xA5D0] =	vst v5  }
0x62: {  	[tilespmem:s25+$0xA5E0] =	vst v5  }
0x63: {  	[tilespmem:s25+$0xA5F0] =	vst v5  }
0x64: {  	[tilespmem:s25+$0xA980] =	vst v5  }
0x65: {  	[tilespmem:s25+$0xA990] =	vst v5  }
0x66: {  	[tilespmem:s25+$0xA9A0] =	vst v5  }
0x67: {  	[tilespmem:s25+$0xA9B0] =	vst v5  }
0x68: {  	[tilespmem:s25+$0xA9C0] =	vst v5  }
0x69: {  	[tilespmem:s25+$0xA9D0] =	vst v5  }
0x6a: {  	[tilespmem:s25+$0xA9E0] =	vst v5  }
0x6b: {  	[tilespmem:s25+$0xA9F0] =	vst v5  }
0x6c: {  	[tilespmem:s25+$0xAD80] =	vst v5  }
0x6d: {  	[tilespmem:s25+$0xAD90] =	vst v5  }
0x6e: {  	s24 =	sadd.s32 $0x1, s24;
	[tilespmem:s25+$0xADA0] =	vst v5  }
0x6f: {  	s0 =	sand.u32 $0x3, s24;
	[tilespmem:s25+$0xADB0] =	vst v5  }
0x70: {  	s0 =	sshll.u32 s0, $0x8;
	[tilespmem:s25+$0xADC0] =	vst v5  }
0x71: {  	s20 =	sadd.s32 s0, s23;
	[tilespmem:s25+$0xADD0] =	vst v5  }
0x72: {  	s7 =	sor.u32 $0xC00, s20;
	s29 =	sor.u32 $0xC10, s20;
	s8 =	sadd.s32 $0x80, s20;
	[tilespmem:s25+$0xADE0] =	vst v5  }
0x73: {  	s31 =	sor.u32 $0xC20, s20;
	s30 =	sor.u32 $0xC30, s20;
	s26 =	sor.u32 $0xC00, s8;
	[tilespmem:s25+$0xADF0] =	vst v5  }
0x74: {  	s1 =	sor.u32 $0xC40, s20;
	s0 =	sor.u32 $0xC50, s20;
	s9 =	sor.u32 $0xC10, s8;
	[tilespmem:s26+$0xA500] =	vst v5  }
0x75: {  	s28 =	sor.u32 $0xC60, s20;
	s26 =	sor.u32 $0xC70, s20;
	[tilespmem:s9+$0xA500] =	vst v5;
	s9 =	sor.u32 $0xC20, s8  }
0x76: {  	s21 =	sadd.s32 $0x2, s21;
	[tilespmem:s9+$0xA500] =	vst v5;
	s9 =	sor.u32 $0xC30, s8  }
0x77: {  	p0 =	slt.u32 s21, $0xA6;
	[tilespmem:s9+$0xA500] =	vst v5;
	s9 =	sor.u32 $0xC40, s8  }
0x78: {  	[tilespmem:s9+$0xA500] =	vst v5;
	s9 =	sor.u32 $0xC50, s8  }
0x79: {  	[tilespmem:s9+$0xA500] =	vst v5;
	s9 =	sor.u32 $0xC60, s8  }
0x7a: {  	s8 =	sor.u32 $0xC70, s8;
	[tilespmem:s9+$0xA500] =	vst v5  }
0x7b: {  	s20 =	simm.s32 $0x0;
	[tilespmem:s8+$0xA500] =	vst v5  }
0x7c: {  	[tilespmem:s25+$0xA500] =	vst v5  }
0x7d: {  	[tilespmem:s25+$0xA510] =	vst v5  }
0x7e: {  	[tilespmem:s25+$0xA520] =	vst v5  }
0x7f: {  	[tilespmem:s25+$0xA530] =	vst v5  }
0x80: {  	[tilespmem:s25+$0xA540] =	vst v5  }
0x81: {  	[tilespmem:s25+$0xA550] =	vst v5  }
0x82: {  	[tilespmem:s25+$0xA560] =	vst v5  }
0x83: {  	[tilespmem:s25+$0xA570] =	vst v5  }
0x84: {  	[tilespmem:s25+$0xA900] =	vst v5  }
0x85: {  	[tilespmem:s25+$0xA910] =	vst v5  }
0x86: {  	[tilespmem:s25+$0xA920] =	vst v5  }
0x87: {  	[tilespmem:s25+$0xA930] =	vst v5  }
0x88: {  	[tilespmem:s25+$0xA940] =	vst v5  }
0x89: {  	[tilespmem:s25+$0xA950] =	vst v5  }
0x8a: {  	[tilespmem:s25+$0xA960] =	vst v5  }
0x8b: {  	[tilespmem:s25+$0xA970] =	vst v5  }
0x8c: {  	[tilespmem:s25+$0xAD00] =	vst v5  }
0x8d: {  	[tilespmem:s25+$0xAD10] =	vst v5  }
0x8e: {  	[tilespmem:s25+$0xAD20] =	vst v5  }
0x8f: {  	[tilespmem:s25+$0xAD30] =	vst v5  }
0x90: {  	[tilespmem:s7+$0xA500] =	vst v5  }
0x91: {  	[tilespmem:s25+$0xAD40] =	vst v5  }
0x92: {  	[tilespmem:s25+$0xAD50] =	vst v5  }
0x93: {  	[tilespmem:s25+$0xAD60] =	vst v5  }
0x94: {  	[tilespmem:s25+$0xAD70] =	vst v5  }
.Ltmp2:
0x95: {  	[tilespmem:s29+$0xA500] =	vst v5;
	(pc) =	sbr.rel @p0 .LBB2_2-.Ltmp2, $4  }
0x96: {  	[tilespmem:s31+$0xA500] =	vst v5  }
0x97: {  	[tilespmem:s30+$0xA500] =	vst v5  }
0x98: {  	[tilespmem:s1+$0xA500] =	vst v5  }
0x99: {  	s22 =	sadd.s32 $0x100, s22;
	s23 =	sadd.s32 $0x400, s23;
	[tilespmem:s0+$0xA500] =	vst v5  }
.Ltmp3:
0x9a: {  	(pc) =	sbr.rel .LBB2_4-.Ltmp3, $3  }
0x9b: {  	_ =	sdelay $0x1  }
0x9c: {  	[tilespmem:s28+$0xA500] =	vst v5  }
0x9d: {  	s21 =	simm.s32 $0x0;
	[tilespmem:s26+$0xA500] =	vst v5  }
.LBB2_16:
0x9e: {  	s21 =	sadd.s32 $0x1, s21  }
0x9f: {  	p0 =	sne.s32 s21, $0x19  }
.Ltmp4:
0xa0: {  	_ = 	snop;
	(pc) =	sbr.rel @!p0 .LBB2_17-.Ltmp4, $1  }
0xa1: {  	_ =	sdelay $0x3  }
.LBB2_4:
0xa2: {  	s0 =	smul.u32 $0x320, s21;
	_ =	sdelay $0x1  }
0xa3: {  	s1 =	sadd.s32 s4, s0  }
0xa4: {  	[tilespmem:s20], [sflag:$0x3] =	stream.linear.gather [hbm4b:s1+s20], $0x1900, $0x38;
	[tilespmem:$0x1F500] =	vst v63  }
0xa5: {  	_ =	swait.ge [sflag:s10], $0x1900  }
0xa6: {  	[sflag:s10] =	ssyncset.done $0x0  }
0xa7: {  	s0 =	sadd.s32 s5, s0;
	[sflag:s10] =	ssyncadd.s32 $0xFFFFE700  }
0xa8: {  	[tilespmem:s11], [sflag:$0x3] =	stream.linear.gather [hbm4b:s0+s20], $0x1900, $0x38;
	[tilespmem:$0x1F500] =	vst v63  }
0xa9: {  	_ =	swait.ge [sflag:s10], $0x1900  }
0xaa: {  	[sflag:s10] =	ssyncset.done $0x0  }
0xab: {  	s28 =	simm.s32 $0x1920;
	[sflag:s10] =	ssyncadd.s32 $0xFFFFE700  }
0xac: {  	v11 =	vld [tilespmem:s28+$0x0]  }
0xad: {  	v12 =	vld [tilespmem:s28+$0xFFFFFFE0]  }
0xae: {  	v13 =	vld [tilespmem:s28+$0xFFFFFFF0];
	_ =	sdelay $0x3  }
0xaf: {  	v10 =	vld [tilespmem:s28+$0x10];
	vm1 =	vge.s32 v12, v1;
	vm2 =	vlt.s32 v12, v2;
	vm4 =	vge.s32 v11, v1  }
0xb0: {  	vm3 =	vlt.s32 v13, v2;
	vm2 =	vmand vm1, vm2;
	vm1 =	vge.s32 v13, v1  }
0xb1: {  	v14 =	vmpcnt.ones.xlane vm2;
	vm3 =	vmand vm1, vm3;
	vm1 =	vlt.s32 v11, v2  }
0xb2: {  	s29 =	simm.s32 $0x1960;
	v15 =	vmpcnt.ones.xlane vm3;
	vm1 =	vmand vm4, vm1  }
0xb3: {  	s23 =	simm.s32 $0x19A0;
	v20 =	vld [tilespmem:s29+$0xFFFFFFF0];
	v16 =	vmpcnt.ones.xlane vm1;
	(v2sf) =	vpush v14, $0x0  }
0xb4: {  	v25 =	vld [tilespmem:s23+$0x10];
	vm0 =	vge.s32 v10, v1;
	(v2sf) =	vpush v15, $0x0  }
0xb5: {  	vm4 =	vlt.s32 v10, v2;
	v14 =	vsel vm2, $0x1, v6;
	(v2sf) =	vpush v16, $0x0  }
0xb6: {  	vm0 =	vmand vm0, vm4;
	(xrf0) =	vadd.scan.msk.s32 $0xffff, v14  }
0xb7: {  	v30 =	vsub.s32 v10, v1;
	v17 =	vmpcnt.ones.xlane vm0;
	v15 =	vld [tilespmem:s29+$0x10];
	v16 =	vmov s20  }
0xb8: {  	v22 =	vsub.s32 v12, v1;
	v12 =	vsub.s32 v13, v1;
	v10 =	vadd.s32 $0xFFFFFFFF, v16;
	v16 =	vld [tilespmem:s29+$0xFFFFFFE0]  }
0xb9: {  	vm7 =	vlt.s32 v20, v2;
	vm10 =	vge.s32 v25, v1;
	(v2sf) =	vpush v17, $0x0  }
0xba: {  	v18 =	vsel vm3, $0x1, v6;
	vm3 =	vmmov vm3;
	v19 =	vsel vm1, $0x1, v6;
	v17 =	vld [tilespmem:s29+$0x0]  }
0xbb: {  	vm1 =	vmmov vm1;
	vm2 =	vmmov vm2;
	v10 =	vbroadcast v10, $0x0  }
0xbc: {  	v14 =	vsub.s32 v11, v1;
	v21 =	vsel vm0, $0x1, v6;
	vm8 =	vge.s32 v15, v1;
	v11, _, _ =	vpop (xrf0)  }
0xbd: {  	v24 =	vadd.s32 v11, v10;
	vm4 =	vge.s32 v16, v1;
	vm5 =	vlt.s32 v16, v2  }
0xbe: {  	v11 =	vsub.s32 v15, v1;
	vm5 =	vmand vm4, vm5;
	vm4 =	vge.s32 v20, v1  }
0xbf: {  	s22 =	simm.s32 $0x20;
	(xrf0) =	vadd.scan.msk.s32 $0xffff, v18;
	v10 =	vsub.s32 v17, v1;
	v13 =	vmpcnt.ones.xlane vm5;
	vm9 =	vmand vm4, vm7  }
0xc0: {  	vm6 =	vge.s32 v17, v1;
	(xrf0) =	vadd.scan.msk.s32 $0xffff, v19;
	v19 =	vld [tilespmem:s22+$0xFFFFFFE0];
	vm4 =	vlt.s32 v17, v2;
	v17 =	vmpcnt.ones.xlane vm9  }
0xc1: {  	vm4 =	vmand vm6, vm4;
	vm6 =	vlt.s32 v15, v2;
	(v2sf) =	vpush v13, $0x0  }
0xc2: {  	v32 =	vld [tilespmem:s23+$0x0];
	vm7 =	vmmov vm0;
	v13 =	vmpcnt.ones.xlane vm4;
	vm0 =	vmand vm8, vm6;
	s30 =	spop (v2sf)  }
0xc3: {  	(xrf0) =	vadd.scan.msk.s32 $0xffff, v21;
	v15 =	vsel vm5, $0x1, v6;
	v18 =	vmpcnt.ones.xlane vm0;
	s0 =	sadd.s32 $0x0, s30;
	s31 =	spop (v2sf);
	(v2sf) =	vpush v17, $0x0  }
0xc4: {  	(xrf0) =	vadd.scan.msk.s32 $0xffff, v15;
	v15 =	vsel vm4, $0x1, v6;
	vm8 =	vmmov vm1;
	s1 =	sadd.s32 s0, s31;
	s7 =	spop (v2sf);
	(v2sf) =	vpush v13, $0x0  }
0xc5: {  	vm4 =	vmmov vm4;
	vm1 =	vmmov vm5;
	[tilespmem:v24+s12+$0x0] =	vst.idx.msk vm2, v19;
	s7 =	sadd.s32 s1, s7;
	(v2sf) =	vpush v18, $0x0  }
0xc6: {  	vm6 =	vmmov vm3;
	[tilespmem:v24+s13+$0x0] =	vst.idx.msk vm2, v22;
	v17 =	vsel vm9, $0x1, v6;
	v18 =	vmov s7  }
0xc7: {  	v23, _, _ =	vpop (xrf0);
	vm2 =	vmmov vm9;
	vm9 =	vge.s32 v32, v1;
	(xrf0) =	vadd.scan.msk.s32 $0xffff, v17;
	v18 =	vadd.s32 $0xFFFFFFFF, v18  }
0xc8: {  	v28, _, _ =	vpop (xrf0);
	v13 =	vsel vm0, $0x1, v6;
	s8 =	spop (v2sf);
	v21 =	vmov s1;
	(xrf0) =	vadd.scan.msk.s32 $0xffff, v15;
	v15 =	vld [tilespmem:s23+$0xFFFFFFE0];
	v18 =	vbroadcast v18, $0x0  }
0xc9: {  	v29 =	vld [tilespmem:s22+$0x10];
	v31, _, _ =	vpop (xrf0);
	v27 =	vmov s0;
	v17 =	vsub.s32 v16, v1;
	s24 =	sadd.s32 s7, s8;
	v21 =	vadd.s32 $0xFFFFFFFF, v21  }
0xca: {  	(xrf0) =	vadd.scan.msk.s32 $0xffff, v13;
	v13 =	vld [tilespmem:s23+$0xFFFFFFF0];
	v26 =	vmov s24;
	v21 =	vbroadcast v21, $0x0;
	v31 =	vadd.s32 v31, v18  }
0xcb: {  	v16 =	vsub.s32 v20, v1;
	v27 =	vadd.s32 $0xFFFFFFFF, v27;
	v26 =	vadd.s32 $0xFFFFFFFF, v26  }
0xcc: {  	v27 =	vbroadcast v27, $0x0;
	v33 =	vbroadcast v26, $0x0;
	v26 =	vadd.s32 v28, v21  }
0xcd: {  	v20, _, _ =	vpop (xrf0);
	v21 =	vsub.s32 v32, v1;
	v28 =	vld [tilespmem:s22+$0x0];
	vm3 =	vge.s32 v15, v1;
	vm5 =	vlt.s32 v15, v2  }
0xce: {  	v19, _, _ =	vpop (xrf0);
	v18 =	vadd.s32 v20, v33;
	v20 =	vadd.s32 v23, v27;
	v23 =	vsub.s32 v25, v1  }
0xcf: {  	v22, _, _ =	vpop (xrf0);
	vm5 =	vmand vm3, vm5;
	vm3 =	vge.s32 v13, v1;
	vm11 =	vlt.s32 v13, v2;
	v27 =	vld [tilespmem:s22+$0xFFFFFFF0];
	[tilespmem:v31+s12+$0x0] =	vst.idx.msk vm7, v29  }
0xd0: {  	s25 =	simm.s32 $0x8;
	v24, _, _ =	vpop (xrf0);
	vm3 =	vmand vm3, vm11;
	vm11 =	vlt.s32 v32, v2;
	s0 =	spop (v2sf);
	v29 =	vmpcnt.ones.xlane vm5;
	[tilespmem:v31+s13+$0x0] =	vst.idx.msk vm7, v30  }
.LBB2_5:
0xd1: {  	v30 =	vmpcnt.ones.xlane vm3  }
0xd2: {  	s25 =	sadd.s32 $0x4, s25;
	vm9 =	vmand vm9, vm11;
	vm11 =	vlt.s32 v25, v2;
	s0 =	sadd.s32 s24, s0;
	s1 =	spop (v2sf);
	[tilespmem:v26+s12+$0x0] =	vst.idx.msk vm8, v28;
	v31 =	vmovc v23;
	vm7 =	vmmov vm0  }
0xd3: {  	p0 =	slt.u32 s25, $0x18C;
	v23 =	vmpcnt.ones.xlane vm9;
	vm0 =	vmand vm10, vm11;
	(v2sf) =	vpush v29, $0x0;
	s1 =	sadd.s32 s0, s1;
	s7 =	spop (v2sf);
	[tilespmem:v26+s13+$0x0] =	vst.idx.msk vm8, v14;
	v14 =	vmovc v10;
	v10 =	vmovc v21  }
0xd4: {  	s22 =	sadd.s32 $0x40, s22;
	v21 =	vsel vm5, $0x1, v6;
	v25 =	vmpcnt.ones.xlane vm0;
	(v2sf) =	vpush v30, $0x0;
	s7 =	sadd.s32 s1, s7;
	s8 =	spop (v2sf);
	[tilespmem:v20+s12+$0x0] =	vst.idx.msk vm6, v27  }
0xd5: {  	v26 =	vsel vm3, $0x1, v6;
	v27 =	vsel vm9, $0x1, v6;
	(xrf0) =	vadd.scan.msk.s32 $0xffff, v21;
	(v2sf) =	vpush v23, $0x0;
	v21 =	vld [tilespmem:s22+$0xFFFFFFE0];
	s24 =	sadd.s32 s7, s8  }
0xd6: {  	v23 =	vsel vm0, $0x1, v6;
	(xrf0) =	vadd.scan.msk.s32 $0xffff, v26;
	(v2sf) =	vpush v25, $0x0;
	v25 =	vmov s7  }
0xd7: {  	v28 =	vmov s1;
	v26 =	vmov s24;
	(xrf0) =	vadd.scan.msk.s32 $0xffff, v27;
	v27 =	vmov s0  }
0xd8: {  	s23 =	sadd.s32 $0x40, s23;
	(xrf0) =	vadd.scan.msk.s32 $0xffff, v23;
	v23 =	vadd.s32 $0xFFFFFFFF, v27;
	v27 =	vadd.s32 $0xFFFFFFFF, v28;
	v29 =	vld [tilespmem:s22+$0x10];
	v28 =	vadd.s32 $0xFFFFFFFF, v25  }
0xd9: {  	v26 =	vadd.s32 $0xFFFFFFFF, v26;
	v25 =	vld [tilespmem:s23+$0x10];
	v27 =	vbroadcast v27, $0x0;
	v28 =	vbroadcast v28, $0x0;
	[tilespmem:v20+s13+$0x0] =	vst.idx.msk vm6, v12;
	v12 =	vmovc v16  }
0xda: {  	v32 =	vsub.s32 v15, v1;
	v20 =	vbroadcast v26, $0x0;
	v30 =	vld [tilespmem:s23+$0x0];
	[tilespmem:v18+s12+$0x0] =	vst.idx.msk vm1, v21;
	v21 =	vbroadcast v23, $0x0  }
0xdb: {  	v16 =	vsub.s32 v13, v1;
	v15 =	vld [tilespmem:s23+$0xFFFFFFE0];
	v23, _, _ =	vpop (xrf0);
	v26 =	vadd.s32 v22, v27;
	v33 =	vadd.s32 v24, v28  }
0xdc: {  	v13 =	vld [tilespmem:s23+$0xFFFFFFF0];
	[tilespmem:v18+s13+$0x0] =	vst.idx.msk vm1, v17;
	v18 =	vadd.s32 v23, v20;
	v20 =	vadd.s32 v19, v21;
	v19, _, _ =	vpop (xrf0);
	v17 =	vmov v32  }
0xdd: {  	vm8 =	vmmov vm4;
	vm4 =	vmmov vm9;
	vm1 =	vmmov vm5;
	v22, _, _ =	vpop (xrf0)  }
.Ltmp5:
0xde: {  	vm6 =	vmmov vm2;
	vm2 =	vmmov vm3;
	v23 =	vsub.s32 v25, v1;
	v24, _, _ =	vpop (xrf0);
	v28 =	vld [tilespmem:s22+$0x0];
	(pc) =	sbr.rel @p0 .LBB2_5-.Ltmp5, $4  }
0xdf: {  	vm10 =	vge.s32 v25, v1;
	v21 =	vsub.s32 v30, v1  }
0xe0: {  	vm9 =	vge.s32 v30, v1;
	vm3 =	vge.s32 v15, v1;
	vm5 =	vlt.s32 v15, v2;
	v27 =	vld [tilespmem:s22+$0xFFFFFFF0]  }
0xe1: {  	vm5 =	vmand vm3, vm5;
	vm3 =	vge.s32 v13, v1;
	vm11 =	vlt.s32 v13, v2;
	[tilespmem:v33+s12+$0x0] =	vst.idx.msk vm7, v29  }
0xe2: {  	v29 =	vmpcnt.ones.xlane vm5;
	vm3 =	vmand vm3, vm11;
	vm11 =	vlt.s32 v30, v2;
	s0 =	spop (v2sf);
	[tilespmem:v33+s13+$0x0] =	vst.idx.msk vm7, v11;
	v11 =	vmovc v31  }
0xe3: {  	v30 =	vmpcnt.ones.xlane vm3  }
0xe4: {  	vm7 =	vmand vm9, vm11;
	(v2sf) =	vpush v29, $0x0  }
0xe5: {  	v33 =	vmpcnt.ones.xlane vm7;
	(v2sf) =	vpush v30, $0x0;
	_ =	sdelay $0x1  }
0xe6: {  	s1 =	spop (v2sf);
	s0 =	sadd.s32 s24, s0;
	(v2sf) =	vpush v33, $0x0  }
0xe7: {  	s1 =	sadd.s32 s0, s1;
	s7 =	spop (v2sf)  }
0xe8: {  	vm15 =	vlt.s32 v25, v2;
	s7 =	sadd.s32 s1, s7;
	v39 =	vmov s1  }
0xe9: {  	[tilespmem:v26+s12+$0x0] =	vst.idx.msk vm8, v28;
	vm9 =	vmand vm10, vm15;
	v35 =	vmov s7;
	v42 =	vadd.s32 $0xFFFFFFFF, v39  }
0xea: {  	[tilespmem:v26+s13+$0x0] =	vst.idx.msk vm8, v14;
	v34 =	vmpcnt.ones.xlane vm9;
	v25 =	vadd.s32 $0xFFFFFFFF, v35;
	v26 =	vbroadcast v42, $0x0  }
0xeb: {  	v36 =	vsel vm5, $0x1, v6;
	s8 =	sadd.s32 $0x40, s22;
	vm4 =	vmmov vm4;
	v25 =	vbroadcast v25, $0x0  }
0xec: {  	vm0 =	vmmov vm0;
	(xrf0) =	vadd.scan.msk.s32 $0xffff, v36;
	v49 =	vld [tilespmem:s8+$0x0];
	(v2sf) =	vpush v34, $0x0;
	v48 =	vadd.s32 v22, v26  }
0xed: {  	v44 =	vld [tilespmem:s8+$0x10];
	s30 =	spop (v2sf);
	v24 =	vadd.s32 v24, v25  }
0xee: {  	s1 =	sadd.s32 s7, s30  }
0xef: {  	v46 =	vmov s1  }
0xf0: {  	v37 =	vsel vm3, $0x1, v6;
	v40 =	vsel vm7, $0x1, v6;
	[tilespmem:v20+s12+$0x0] =	vst.idx.msk vm6, v27;
	v50 =	vadd.s32 $0xFFFFFFFF, v46  }
0xf1: {  	v38 =	vld [tilespmem:s8+$0xFFFFFFE0];
	v43 =	vmov s0;
	(xrf0) =	vadd.scan.msk.s32 $0xffff, v37;
	v51 =	vbroadcast v50, $0x0;
	[tilespmem:v48+s12+$0x0] =	vst.idx.msk vm4, v49  }
0xf2: {  	vm11 =	vmmov vm5;
	v53 =	vld [tilespmem:s8+$0xFFFFFFF0];
	s8 =	sadd.s32 $0x40, s8;
	v45 =	vadd.s32 $0xFFFFFFFF, v43;
	(xrf0) =	vadd.scan.msk.s32 $0xffff, v40;
	v52, _, _ =	vpop (xrf0);
	[tilespmem:v24+s12+$0x0] =	vst.idx.msk vm0, v44;
	s31 =	spop (v2sf)  }
0xf3: {  	v41 =	vsel vm9, $0x1, v6;
	v47 =	vbroadcast v45, $0x0;
	v14 =	vadd.s32 v52, v51;
	[tilespmem:v24+s13+$0x0] =	vst.idx.msk vm0, v11;
	v11 =	vld [tilespmem:s8+$0xFFFFFFE0];
	s0 =	sadd.s32 s1, s31;
	s2 =	spop (v2sf)  }
0xf4: {  	vm2 =	vmmov vm2;
	(xrf0) =	vadd.scan.msk.s32 $0xffff, v41;
	[tilespmem:v48+s13+$0x0] =	vst.idx.msk vm4, v10;
	s9 =	sadd.s32 s0, s2;
	v10 =	vmov s0  }
0xf5: {  	[tilespmem:v20+s13+$0x0] =	vst.idx.msk vm6, v12;
	v12 =	vadd.s32 v19, v47;
	s22 =	spop (v2sf);
	v57 =	vmov s9;
	v10 =	vadd.s32 $0xFFFFFFFF, v10  }
0xf6: {  	vm14 =	vmmov vm3;
	[tilespmem:v18+s12+$0x0] =	vst.idx.msk vm1, v38;
	s7 =	sadd.s32 s9, s22;
	v59 =	vadd.s32 $0xFFFFFFFF, v57;
	v10 =	vbroadcast v10, $0x0  }
0xf7: {  	vm12 =	vmmov vm7;
	[tilespmem:v18+s13+$0x0] =	vst.idx.msk vm1, v17;
	v55, _, _ =	vpop (xrf0);
	v54 =	vmov s7;
	v22 =	vbroadcast v59, $0x0  }
0xf8: {  	v56, _, _ =	vpop (xrf0);
	vm0 =	vmmov vm12;
	[tilespmem:v14+s12+$0x0] =	vst.idx.msk vm11, v11;
	v11 =	vld [tilespmem:s8+$0xFFFFFFF0];
	v18 =	vadd.s32 $0xFFFFFFFF, v54;
	v10 =	vadd.s32 v55, v10  }
0xf9: {  	v62 =	vld [tilespmem:s8+$0x0];
	v18 =	vbroadcast v18, $0x0;
	v61 =	vadd.s32 v56, v22  }
0xfa: {  	v58, _, _ =	vpop (xrf0);
	[tilespmem:v12+s12+$0x0] =	vst.idx.msk vm2, v53  }
0xfb: {  	v15 =	vsub.s32 v15, v1;
	v60 =	vld [tilespmem:s8+$0x10];
	[tilespmem:v12+s13+$0x0] =	vst.idx.msk vm2, v16;
	s23 =	spop (v2sf);
	v18 =	vadd.s32 v58, v18  }
0xfc: {  	[tilespmem:v14+s13+$0x0] =	vst.idx.msk vm11, v15;
	s0 =	sadd.s32 s7, s23  }
0xfd: {  	s24 =	sadd.s32 $0xF, s0;
	[tilespmem:v10+s12+$0x0] =	vst.idx.msk vm14, v11  }
0xfe: {  	v63 =	vsub.s32 v13, v1;
	s25 =	sand.u32 $0xF, s24;
	[tilespmem:v61+s12+$0x0] =	vst.idx.msk vm0, v62  }
0xff: {  	s26 =	sshra.s32 s24, $0x1F;
	p0 =	slt.s32 s24, $0x1;
	p1 =	sne.s32 s25, $0x0;
	[tilespmem:v10+s13+$0x0] =	vst.idx.msk vm14, v63  }
0x100: {  	s28 =	sshrl.u32 s26, $0x1C;
	p0 =	por !p0, !p1;
	[tilespmem:v18+s12+$0x0] =	vst.idx.msk vm9, v60  }
0x101: {  	s7 =	simm.s32 $0x1;
	s1 =	sadd.s32 s28, s24;
	p0 =	por !p0, !p0;
	[tilespmem:v61+s13+$0x0] =	vst.idx.msk vm0, v21  }
0x102: {  	s1 =	sshra.s32 s1, $0x4;
	s7 =	simm.s32 @!p0 $0x0;
	[tilespmem:v18+s13+$0x0] =	vst.idx.msk vm9, v23  }
0x103: {  	s22 =	ssub.s32 s1, s7;
	[tilespmem:s0+$0x3200] =	vst v0  }
0x104: {  	p0 =	slt.s32 s22, $0x1;
	[tilespmem:s0+$0x4B80] =	vst v7  }
0x105: {  	v10 =	vld @!p0 [tilespmem:$0x3200];
	_ =	sdelay $0x4  }
0x106: {  	v11 =	vshll.u32 @!p0 v10, $0x2  }
0x107: {  	v12 =	vlaneseq.u32 @!p0;
	v10 =	vand.u32 @!p0 $0x7, v10;
	v11 =	vand.u32 @!p0 $0xFFFFFFE0, v11  }
0x108: {  	v13 =	vshrl.u32 @!p0 v12, $0x3;
	v10 =	vor.u32 @!p0 v10, v11;
	v11 =	vand.u32 @!p0 $0x7, v12  }
0x109: {  	v13 =	vmul.u32 @!p0 $0x8, v13;
	v11 =	vperm.xlane @!p0 v10, v11;
	_ =	sdelay $0x1  }
0x10a: {  	v11 =	vadd.s32 @!p0 v13, v11  }
0x10b: {  	v12 =	vor.u32 @!p0 $0x8, v12  }
0x10c: {  	v10 =	vperm.xlane @!p0 v10, v12;
	_ =	sdelay $0x1  }
0x10d: {  	vm0 =	vmmov @!p0 $0xffff;
	s1 =	simm.s32 @!p0 $0x6500;
	s0 =	simm.s32 @!p0 $0x0;
	v10 =	vadd.s32 @!p0 v13, v10  }
0x10e: {  	[tilespmem:s1], [sflag:$0x1] =	stream.indirect_vreg.gather @!p0 [hbm4b:s3+s0], $0x80, v11, vm0, $0xb8;
	[tilespmem:$0x1F500] =	vst v63  }
0x10f: {  	s1 =	simm.s32 @!p0 $0x6D00  }
0x110: {  	[tilespmem:s1], [sflag:$0x1] =	stream.indirect_vreg.gather @!p0 [hbm4b:s6+s0], $0x80, v11, vm0, $0xb8;
	[tilespmem:$0x1F500] =	vst v63  }
0x111: {  	s1 =	simm.s32 @!p0 $0x7500  }
0x112: {  	[tilespmem:s1], [sflag:$0x1] =	stream.indirect_vreg.gather @!p0 [hbm4b:s3+s0], $0x80, v10, vm0, $0xb8;
	[tilespmem:$0x1F500] =	vst v63  }
0x113: {  	p1 =	seq.s32 @!p0 s22, $0x1;
	s1 =	simm.s32 @!p0 $0x7D00  }
0x114: {  	[tilespmem:s1], [sflag:$0x1] =	stream.indirect_vreg.gather @!p0 [hbm4b:s6+s0], $0x80, v10, vm0, $0xb8;
	[tilespmem:$0x1F500] =	vst v63  }
0x115: {  	p0 =	por p1, p0  }
0x116: {  	v10 =	vld @!p0 [tilespmem:$0x3210];
	_ =	sdelay $0x4  }
0x117: {  	v11 =	vshll.u32 @!p0 v10, $0x2  }
0x118: {  	v12 =	vlaneseq.u32 @!p0;
	v10 =	vand.u32 @!p0 $0x7, v10;
	v11 =	vand.u32 @!p0 $0xFFFFFFE0, v11  }
0x119: {  	v13 =	vshrl.u32 @!p0 v12, $0x3;
	v10 =	vor.u32 @!p0 v10, v11;
	v11 =	vand.u32 @!p0 $0x7, v12  }
0x11a: {  	v13 =	vmul.u32 @!p0 $0x8, v13;
	v11 =	vperm.xlane @!p0 v10, v11;
	_ =	sdelay $0x1  }
0x11b: {  	v11 =	vadd.s32 @!p0 v13, v11  }
0x11c: {  	v12 =	vor.u32 @!p0 $0x8, v12  }
0x11d: {  	v10 =	vperm.xlane @!p0 v10, v12;
	_ =	sdelay $0x1  }
0x11e: {  	vm0 =	vmmov @!p0 $0xffff;
	s0 =	simm.s32 @!p0 $0x0;
	s1 =	simm.s32 @!p0 $0x8500;
	v10 =	vadd.s32 @!p0 v13, v10  }
0x11f: {  	[tilespmem:s1], [sflag:$0x2] =	stream.indirect_vreg.gather @!p0 [hbm4b:s3+s0], $0x80, v11, vm0, $0xb8;
	[tilespmem:$0x1F500] =	vst v63  }
0x120: {  	s29 =	sadd.s32 $0x1, s22;
	s1 =	simm.s32 @!p0 $0x8D00  }
0x121: {  	[tilespmem:s1], [sflag:$0x2] =	stream.indirect_vreg.gather @!p0 [hbm4b:s6+s0], $0x80, v11, vm0, $0xb8;
	[tilespmem:$0x1F500] =	vst v63  }
0x122: {  	s30 =	sand.u32 $0x1, s29;
	s1 =	simm.s32 @!p0 $0x9500  }
0x123: {  	[tilespmem:s1], [sflag:$0x2] =	stream.indirect_vreg.gather @!p0 [hbm4b:s3+s0], $0x80, v10, vm0, $0xb8;
	[tilespmem:$0x1F500] =	vst v63  }
0x124: {  	p5 =	slt.s32 s22, $0x0;
	p6 =	seq.s32 s30, $0x1;
	s1 =	simm.s32 @!p0 $0x9D00  }
0x125: {  	[tilespmem:s1], [sflag:$0x2] =	stream.indirect_vreg.gather @!p0 [hbm4b:s6+s0], $0x80, v10, vm0, $0xb8;
	[tilespmem:$0x1F500] =	vst v63  }
0x126: {  	s31 =	sshrl.u32 s29, $0x1F;
	p0 =	por !p5, !p6  }
0x127: {  	s0 =	sadd.s32 s31, s29;
	s1 =	simm.s32 $0x1;
	p0 =	por !p0, !p0  }
0x128: {  	s0 =	sshra.s32 s0, $0x1;
	s1 =	simm.s32 @!p0 $0x0  }
0x129: {  	s23 =	ssub.s32 s0, s1  }
0x12a: {  	p0 =	slt.s32 s23, $0x1  }
.Ltmp6:
0x12b: {  	_ = 	snop;
	(pc) =	sbr.rel @!p0 .LBB2_7-.Ltmp6, $4  }
.Ltmp7:
0x12c: {  	_ = 	snop;
	(pc) =	sbr.rel @p0 .LBB2_16-.Ltmp7, $4  }
0x12d: {  	_ = 	snop  }
0x12e: {  	_ = 	snop  }
0x12f: {  	vm15 =	vmmov vm14;
	vm13 =	vmmov vm9;
	s24 =	simm.s32 $0x0  }
0x130: {  	_ = 	snop  }
.LBB2_14:
0x131: {  	_ =	sdelay $0x3  }
0x132: {  	[tilespmem:v12+s16+$0x0] =	vst.idx.add.f32.msk $0xffff, v28  }
0x133: {  	[tilespmem:v13+s16+$0x0] =	vst.idx.add.f32.msk $0xffff, v30  }
0x134: {  	v10 =	vld.idx.msk [tilespmem:v29+s18+$0x0], $0xffff  }
0x135: {  	[tilespmem:v15+s16+$0x0] =	vst.idx.add.f32.msk $0xffff, v34  }
0x136: {  	[tilespmem:v11+s16+$0x0] =	vst.idx.add.f32.msk $0xffff, v22  }
0x137: {  	v11 =	vld.idx.msk [tilespmem:v26+s18+$0x0], $0xffff  }
0x138: {  	[tilespmem:v14+s16+$0x0] =	vst.idx.add.f32.msk $0xffff, v27  }
0x139: {  	v58 =	vld.idx.msk [tilespmem:v25+s18+$0x0], $0xffff  }
0x13a: {  	v59 =	vld.idx.msk [tilespmem:v16+s18+$0x0], $0xffff  }
0x13b: {  	v60 =	vld.idx.msk [tilespmem:v17+s18+$0x0], $0xffff  }
0x13c: {  	[tilespmem:v18+s16+$0x0] =	vst.idx.add.f32.msk $0xffff, v24  }
0x13d: {  	v61 =	vld.idx.msk [tilespmem:v21+s18+$0x0], $0xffff  }
0x13e: {  	v62 =	vld.idx.msk [tilespmem:v23+s18+$0x0], $0xffff  }
0x13f: {  	v63 =	vor.u32 v36, v32;
	[tilespmem:v20+s16+$0x0] =	vst.idx.add.f32.msk $0xffff, v11  }
0x140: {  	v11 =	vor.u32 v33, v32;
	[tilespmem:v19+s16+$0x0] =	vst.idx.add.f32.msk $0xffff, v10  }
0x141: {  	[tilespmem:v37+s16+$0x0] =	vst.idx.add.f32.msk $0xffff, v58  }
0x142: {  	s0 =	sadd.s32 $0x3, s25;
	[tilespmem:v35+s16+$0x0] =	vst.idx.add.f32.msk $0xffff, v60  }
0x143: {  	p0 =	sge.s32 s0, s22;
	[tilespmem:v31+s16+$0x0] =	vst.idx.add.f32.msk $0xffff, v59  }
0x144: {  	s0 =	sshll.u32 @!p0 s0, $0x6;
	[tilespmem:v63+s16+$0x0] =	vst.idx.add.f32.msk $0xffff, v62  }
0x145: {  	s0 =	sshra.s32 @!p0 s0, $0x2;
	[tilespmem:v11+s16+$0x0] =	vst.idx.add.f32.msk $0xffff, v61  }
0x146: {  	v10 =	vld @!p0 [tilespmem:s0+$0x3200];
	_ =	sdelay $0x4  }
0x147: {  	v11 =	vshll.u32 @!p0 v10, $0x2  }
0x148: {  	v12 =	vlaneseq.u32 @!p0;
	v10 =	vand.u32 @!p0 $0x7, v10;
	v11 =	vand.u32 @!p0 $0xFFFFFFE0, v11  }
0x149: {  	v13 =	vshrl.u32 @!p0 v12, $0x3;
	v10 =	vor.u32 @!p0 v10, v11;
	v11 =	vand.u32 @!p0 $0x7, v12  }
0x14a: {  	v13 =	vmul.u32 @!p0 $0x8, v13;
	v11 =	vperm.xlane @!p0 v10, v11;
	_ =	sdelay $0x1  }
0x14b: {  	v11 =	vadd.s32 @!p0 v13, v11  }
0x14c: {  	v12 =	vor.u32 @!p0 $0x8, v12  }
0x14d: {  	v10 =	vperm.xlane @!p0 v10, v12;
	_ =	sdelay $0x1  }
0x14e: {  	vm0 =	vmmov @!p0 $0xffff;
	s1 =	simm.s32 @!p0 $0x8500;
	s0 =	simm.s32 @!p0 $0x0;
	v10 =	vadd.s32 @!p0 v13, v10  }
0x14f: {  	[tilespmem:s1], [sflag:$0x2] =	stream.indirect_vreg.gather @!p0 [hbm4b:s3+s0], $0x80, v11, vm0, $0xb8;
	[tilespmem:$0x1F500] =	vst v63  }
0x150: {  	s1 =	simm.s32 @!p0 $0x8D00  }
0x151: {  	[tilespmem:s1], [sflag:$0x2] =	stream.indirect_vreg.gather @!p0 [hbm4b:s6+s0], $0x80, v11, vm0, $0xb8;
	[tilespmem:$0x1F500] =	vst v63  }
0x152: {  	s1 =	simm.s32 @!p0 $0x9500  }
0x153: {  	[tilespmem:s1], [sflag:$0x2] =	stream.indirect_vreg.gather @!p0 [hbm4b:s3+s0], $0x80, v10, vm0, $0xb8;
	[tilespmem:$0x1F500] =	vst v63  }
0x154: {  	s1 =	simm.s32 @!p0 $0x9D00  }
0x155: {  	[tilespmem:s1], [sflag:$0x2] =	stream.indirect_vreg.gather @!p0 [hbm4b:s6+s0], $0x80, v10, vm0, $0xb8;
	[tilespmem:$0x1F500] =	vst v63  }
.LBB2_15:
0x156: {  	s24 =	sadd.s32 $0x1, s24  }
0x157: {  	p0 =	sne.s32 s24, s23  }
.Ltmp8:
0x158: {  	_ = 	snop;
	(pc) =	sbr.rel @!p0 .LBB2_16-.Ltmp8, $1  }
0x159: {  	_ =	sdelay $0x3  }
.LBB2_7:
0x15a: {  	s25 =	sshll.u32 s24, $0x1  }
0x15b: {  	p0 =	sge.s32 s25, s22  }
.Ltmp9:
0x15c: {  	_ = 	snop;
	(pc) =	sbr.rel @p0 .LBB2_11-.Ltmp9, $1  }
0x15d: {  	_ =	sdelay $0x3  }
0x15e: {  	_ =	swait.ge [sflag:s14], $0x2000;
	s0 =	sshll.u32 s24, $0x7;
	s9 =	simm.s32 $0x0  }
0x15f: {  	s26 =	simm.s32 $0x1;
	s7 =	simm.s32 $0x2;
	s28 =	simm.s32 $0x3  }
0x160: {  	s29 =	simm.s32 $0x4;
	s30 =	simm.s32 $0x5;
	[sflag:s14] =	ssyncset.done $0x0  }
0x161: {  	s31 =	simm.s32 $0x6;
	s0 =	sshra.s32 s0, $0x2;
	v13 =	vadd.s32 s26, v8;
	v14 =	vadd.s32 s7, v8;
	v16 =	vadd.s32 s28, v8;
	[sflag:s14] =	ssyncadd.s32 $0xFFFFE000  }
0x162: {  	s1 =	sand.u32 $0x1F0, s9;
	v17 =	vadd.s32 s29, v8;
	v18 =	vadd.s32 s30, v8;
	v19 =	vadd.s32 s31, v8;
	v10 =	vld [tilespmem:s0+$0x4B80]  }
0x163: {  	s26 =	simm.s32 $0xB;
	s28 =	simm.s32 $0xC;
	s29 =	simm.s32 $0xD;
	v12 =	vmov s1;
	v14 =	vand.u32 $0xF, v14;
	v18 =	vand.u32 $0xF, v18  }
0x164: {  	s1 =	simm.s32 $0x7;
	v30 =	vadd.s32 s26, v8;
	v32 =	vadd.s32 s28, v8;
	v33 =	vadd.s32 s29, v8  }
0x165: {  	v15 =	vshll.u32 v12, $0x3;
	v12 =	vand.u32 $0x70, v12;
	v24 =	vadd.s32 s1, v8  }
0x166: {  	v33 =	vand.u32 $0xF, v33;
	v15 =	vand.u32 $0xC00, v15;
	v14 =	vor.u32 v12, v14  }
0x167: {  	v21 =	vor.u32 v9, v15;
	v11 =	vshll.u32 v10, $0x9;
	v10 =	vshll.u32 v10, $0x7  }
0x168: {  	v25 =	vor.u32 v14, v21;
	v11 =	vand.u32 $0xFFFFF000, v11;
	v10 =	vand.u32 $0x380, v10  }
0x169: {  	v18 =	vor.u32 v12, v18;
	v10 =	vor.u32 v10, v11;
	v11 =	vadd.s32 s9, v8  }
0x16a: {  	v31 =	vor.u32 v18, v21;
	s9 =	simm.s32 $0xA;
	v11 =	vand.u32 $0xF, v11;
	v15 =	vor.u32 v15, v10  }
0x16b: {  	v28 =	vadd.s32 s9, v8;
	v20 =	vor.u32 v11, v12;
	v11 =	vand.u32 $0xF, v13  }
0x16c: {  	v13 =	vand.u32 $0xF, v16;
	v16 =	vand.u32 $0xF, v17;
	v17 =	vand.u32 $0xF, v19  }
0x16d: {  	v39 =	vld.idx.msk [tilespmem:v25+s15+$0x0], $0xffff;
	v38 =	vor.u32 v14, v15;
	v25 =	vand.u32 $0xF, v28;
	v16 =	vor.u32 v12, v16  }
0x16e: {  	v17 =	vor.u32 v12, v17;
	v13 =	vor.u32 v12, v13;
	v23 =	vor.u32 v20, v21  }
0x16f: {  	v14 =	vor.u32 v12, v11;
	v19 =	vor.u32 v17, v21;
	v22 =	vor.u32 v13, v21  }
0x170: {  	s2 =	simm.s32 $0x8;
	v26 =	vor.u32 v13, v15;
	v13 =	vand.u32 $0xF, v24;
	v24 =	vor.u32 v16, v21  }
0x171: {  	v11 =	vor.u32 v17, v15;
	v17 =	vadd.s32 s2, v8;
	v13 =	vor.u32 v12, v13  }
0x172: {  	v27 =	vor.u32 v16, v15;
	v17 =	vand.u32 $0xF, v17;
	v16 =	vor.u32 v13, v21  }
0x173: {  	s7 =	sand.u32 $0x1F0, s2;
	v12 =	vor.u32 v13, v15;
	v13 =	vor.u32 v20, v15;
	v21 =	vor.u32 v14, v21  }
0x174: {  	s8 =	simm.s32 $0x9;
	v14 =	vor.u32 v14, v15;
	v15 =	vor.u32 v18, v15;
	v18 =	vmov s7  }
0x175: {  	v20 =	vadd.s32 s8, v8;
	v29 =	vshll.u32 v18, $0x3;
	v35 =	vand.u32 $0x70, v18  }
0x176: {  	v36 =	vand.u32 $0xF, v20;
	[tilespmem:v38+s16+$0x0] =	vst.idx.add.f32.msk $0xffff, v39;
	v18 =	vand.u32 $0xC00, v29;
	v40 =	vor.u32 v17, v35  }
0x177: {  	s30 =	simm.s32 $0xE;
	v17 =	vand.u32 $0xF, v30;
	v25 =	vor.u32 v35, v25;
	v33 =	vor.u32 v35, v33;
	v34 =	vld.idx.msk [tilespmem:v22+s15+$0x0], $0xffff  }
0x178: {  	v36 =	vor.u32 v35, v36;
	v22 =	vadd.s32 s30, v8;
	v41 =	vor.u32 v9, v18;
	v20 =	vld.idx.msk [tilespmem:v24+s15+$0x0], $0xffff  }
0x179: {  	v30 =	vld.idx.msk [tilespmem:v23+s15+$0x0], $0xffff;
	v24 =	vand.u32 $0xF, v32;
	v42 =	vor.u32 v35, v17;
	v32 =	vor.u32 v18, v10  }
0x17a: {  	s31 =	simm.s32 $0xF;
	v22 =	vand.u32 $0xF, v22;
	v24 =	vor.u32 v35, v24;
	v17 =	vor.u32 v40, v41;
	v28 =	vld.idx.msk [tilespmem:v16+s15+$0x0], $0xffff  }
0x17b: {  	v43 =	vor.u32 v42, v41;
	v37 =	vor.u32 v35, v22;
	v22 =	vld.idx.msk [tilespmem:v19+s15+$0x0], $0xffff;
	v19 =	vadd.s32 s31, v8  }
0x17c: {  	v29 =	vor.u32 v25, v41;
	v18 =	vor.u32 v42, v32;
	v19 =	vand.u32 $0xF, v19;
	[tilespmem:v26+s16+$0x0] =	vst.idx.add.f32.msk $0xffff, v34  }
0x17d: {  	v16 =	vor.u32 v37, v41;
	v23 =	vor.u32 v35, v19;
	[tilespmem:v27+s16+$0x0] =	vst.idx.add.f32.msk $0xffff, v20  }
0x17e: {  	v19 =	vor.u32 v25, v32;
	v35 =	vor.u32 v40, v32;
	v26 =	vor.u32 v24, v41;
	v27 =	vld.idx.msk [tilespmem:v21+s15+$0x0], $0xffff  }
0x17f: {  	v20 =	vor.u32 v24, v32;
	v21 =	vor.u32 v33, v41;
	v25 =	vor.u32 v23, v41;
	v34 =	vld.idx.msk [tilespmem:v31+s15+$0x0], $0xffff  }
0x180: {  	s1 =	simm.s32 $0x10;
	v31 =	vor.u32 v37, v32;
	v37 =	vor.u32 v23, v32;
	v23 =	vor.u32 v36, v41;
	v24 =	vld.idx.msk [tilespmem:v43+s15+$0x0], $0xffff  }
.LBB2_9:
0x181: {  	s0 =	sand.u32 $0x1F0, s1;
	v38 =	vadd.s32 s1, v8  }
0x182: {  	s7 =	sadd.s32 $0x1, s1;
	s8 =	sadd.s32 $0x2, s1;
	v36 =	vor.u32 v36, v32;
	v32 =	vor.u32 v33, v32;
	[tilespmem:v12+s16+$0x0] =	vst.idx.add.f32.msk $0xffff, v28;
	v12 =	vmov v37;
	s9 =	smov.u32 s1  }
0x183: {  	v28 =	vmov s0;
	v33 =	vadd.s32 s7, v8;
	v37 =	vadd.s32 s8, v8;
	s7 =	sadd.s32 $0x3, s9;
	s8 =	sadd.s32 $0x4, s9;
	s0 =	sadd.s32 $0x8, s1;
	[tilespmem:v13+s16+$0x0] =	vst.idx.add.f32.msk $0xffff, v30;
	v13 =	vmovc v35  }
0x184: {  	v30 =	vshll.u32 v28, $0x3;
	v35 =	vadd.s32 s7, v8;
	v39 =	vadd.s32 s8, v8;
	s7 =	sadd.s32 $0x5, s9;
	s8 =	sadd.s32 $0x6, s9;
	s9 =	sadd.s32 $0x7, s9;
	v40 =	vld.idx.msk [tilespmem:v29+s15+$0x0], $0xffff  }
0x185: {  	p0 =	slt.u32 s1, $0x1F8;
	v29 =	vand.u32 $0xF, v38;
	v38 =	vadd.s32 s7, v8;
	v41 =	vadd.s32 s8, v8;
	[tilespmem:v15+s16+$0x0] =	vst.idx.add.f32.msk $0xffff, v34;
	v15 =	vmovc v32  }
0x186: {  	v42 =	vand.u32 $0x70, v28;
	v32 =	vand.u32 $0xC00, v30;
	v30 =	vand.u32 $0xF, v37;
	[tilespmem:v11+s16+$0x0] =	vst.idx.add.f32.msk $0xffff, v22;
	v11 =	vmovc v31  }
0x187: {  	v43 =	vor.u32 v29, v42;
	v44 =	vor.u32 v9, v32;
	v31 =	vand.u32 $0xF, v33;
	v26 =	vld.idx.msk [tilespmem:v26+s15+$0x0], $0xffff  }
0x188: {  	v28 =	vand.u32 $0xF, v39;
	v22 =	vand.u32 $0xF, v35;
	v29 =	vand.u32 $0xF, v41;
	[tilespmem:v14+s16+$0x0] =	vst.idx.add.f32.msk $0xffff, v27;
	v14 =	vmovc v36  }
0x189: {  	v33 =	vand.u32 $0xF, v38;
	v35 =	vor.u32 v42, v29;
	v27 =	vor.u32 v42, v28;
	v28 =	vld.idx.msk [tilespmem:v25+s15+$0x0], $0xffff  }
0x18a: {  	v34 =	vor.u32 v42, v22;
	v25 =	vor.u32 v42, v30;
	v22 =	vld.idx.msk [tilespmem:v16+s15+$0x0], $0xffff;
	v16 =	vor.u32 v35, v44  }
0x18b: {  	v37 =	vor.u32 v34, v44;
	v36 =	vadd.s32 s9, v8;
	v30 =	vld.idx.msk [tilespmem:v17+s15+$0x0], $0xffff;
	v17 =	vor.u32 v43, v44  }
0x18c: {  	v32 =	vor.u32 v32, v10;
	v29 =	vor.u32 v25, v44;
	[tilespmem:v18+s16+$0x0] =	vst.idx.add.f32.msk $0xffff, v24  }
.Ltmp10:
0x18d: {  	v33 =	vor.u32 v42, v33;
	v18 =	vor.u32 v34, v32;
	v24 =	vand.u32 $0xF, v36;
	[tilespmem:v20+s16+$0x0] =	vst.idx.add.f32.msk $0xffff, v26;
	(pc) =	sbr.rel @p0 .LBB2_9-.Ltmp10, $4  }
0x18e: {  	v26 =	vor.u32 v27, v44;
	v20 =	vor.u32 v27, v32;
	v38 =	vor.u32 v42, v24;
	v27 =	vld.idx.msk [tilespmem:v23+s15+$0x0], $0xffff  }
0x18f: {  	v39 =	vor.u32 v25, v32;
	v25 =	vor.u32 v38, v44;
	v34 =	vld.idx.msk [tilespmem:v21+s15+$0x0], $0xffff;
	v21 =	vor.u32 v33, v44  }
0x190: {  	v36 =	vor.u32 v42, v31;
	v31 =	vor.u32 v35, v32;
	v24 =	vld.idx.msk [tilespmem:v37+s15+$0x0], $0xffff;
	v37 =	vor.u32 v38, v32  }
0x191: {  	s1 =	smov.u32 s0;
	v35 =	vor.u32 v43, v32;
	v23 =	vor.u32 v36, v44;
	[tilespmem:v19+s16+$0x0] =	vst.idx.add.f32.msk $0xffff, v40;
	v19 =	vmov v39  }
0x192: {  	_ =	sdelay $0x3  }
0x193: {  	[tilespmem:v12+s16+$0x0] =	vst.idx.add.f32.msk $0xffff, v28  }
0x194: {  	[tilespmem:v13+s16+$0x0] =	vst.idx.add.f32.msk $0xffff, v30  }
0x195: {  	v10 =	vld.idx.msk [tilespmem:v29+s15+$0x0], $0xffff  }
0x196: {  	[tilespmem:v11+s16+$0x0] =	vst.idx.add.f32.msk $0xffff, v22  }
0x197: {  	v11 =	vld.idx.msk [tilespmem:v26+s15+$0x0], $0xffff  }
0x198: {  	v58 =	vld.idx.msk [tilespmem:v25+s15+$0x0], $0xffff  }
0x199: {  	v59 =	vld.idx.msk [tilespmem:v16+s15+$0x0], $0xffff  }
0x19a: {  	v60 =	vld.idx.msk [tilespmem:v17+s15+$0x0], $0xffff  }
0x19b: {  	v61 =	vld.idx.msk [tilespmem:v21+s15+$0x0], $0xffff  }
0x19c: {  	v62 =	vld.idx.msk [tilespmem:v23+s15+$0x0], $0xffff  }
0x19d: {  	[tilespmem:v14+s16+$0x0] =	vst.idx.add.f32.msk $0xffff, v27  }
0x19e: {  	[tilespmem:v15+s16+$0x0] =	vst.idx.add.f32.msk $0xffff, v34  }
0x19f: {  	[tilespmem:v18+s16+$0x0] =	vst.idx.add.f32.msk $0xffff, v24  }
0x1a0: {  	v63 =	vor.u32 v36, v32;
	[tilespmem:v20+s16+$0x0] =	vst.idx.add.f32.msk $0xffff, v11  }
0x1a1: {  	v11 =	vor.u32 v33, v32;
	[tilespmem:v19+s16+$0x0] =	vst.idx.add.f32.msk $0xffff, v10  }
0x1a2: {  	[tilespmem:v37+s16+$0x0] =	vst.idx.add.f32.msk $0xffff, v58  }
0x1a3: {  	s0 =	sadd.s32 $0x2, s25;
	[tilespmem:v35+s16+$0x0] =	vst.idx.add.f32.msk $0xffff, v60  }
0x1a4: {  	p0 =	sge.s32 s0, s22;
	[tilespmem:v31+s16+$0x0] =	vst.idx.add.f32.msk $0xffff, v59  }
0x1a5: {  	s0 =	sshll.u32 @!p0 s0, $0x6;
	[tilespmem:v63+s16+$0x0] =	vst.idx.add.f32.msk $0xffff, v62  }
0x1a6: {  	s0 =	sshra.s32 @!p0 s0, $0x2;
	[tilespmem:v11+s16+$0x0] =	vst.idx.add.f32.msk $0xffff, v61  }
0x1a7: {  	v10 =	vld @!p0 [tilespmem:s0+$0x3200];
	_ =	sdelay $0x4  }
0x1a8: {  	v11 =	vshll.u32 @!p0 v10, $0x2  }
0x1a9: {  	v12 =	vlaneseq.u32 @!p0;
	v10 =	vand.u32 @!p0 $0x7, v10;
	v11 =	vand.u32 @!p0 $0xFFFFFFE0, v11  }
0x1aa: {  	v13 =	vshrl.u32 @!p0 v12, $0x3;
	v10 =	vor.u32 @!p0 v10, v11;
	v11 =	vand.u32 @!p0 $0x7, v12  }
0x1ab: {  	v13 =	vmul.u32 @!p0 $0x8, v13;
	v11 =	vperm.xlane @!p0 v10, v11;
	_ =	sdelay $0x1  }
0x1ac: {  	v11 =	vadd.s32 @!p0 v13, v11  }
0x1ad: {  	v12 =	vor.u32 @!p0 $0x8, v12  }
0x1ae: {  	v10 =	vperm.xlane @!p0 v10, v12;
	_ =	sdelay $0x1  }
0x1af: {  	vm0 =	vmmov @!p0 $0xffff;
	s1 =	simm.s32 @!p0 $0x6500;
	s0 =	simm.s32 @!p0 $0x0;
	v10 =	vadd.s32 @!p0 v13, v10  }
0x1b0: {  	[tilespmem:s1], [sflag:$0x1] =	stream.indirect_vreg.gather @!p0 [hbm4b:s3+s0], $0x80, v11, vm0, $0xb8;
	[tilespmem:$0x1F500] =	vst v63  }
0x1b1: {  	s1 =	simm.s32 @!p0 $0x6D00  }
0x1b2: {  	[tilespmem:s1], [sflag:$0x1] =	stream.indirect_vreg.gather @!p0 [hbm4b:s6+s0], $0x80, v11, vm0, $0xb8;
	[tilespmem:$0x1F500] =	vst v63  }
0x1b3: {  	s1 =	simm.s32 @!p0 $0x7500  }
0x1b4: {  	[tilespmem:s1], [sflag:$0x1] =	stream.indirect_vreg.gather @!p0 [hbm4b:s3+s0], $0x80, v10, vm0, $0xb8;
	[tilespmem:$0x1F500] =	vst v63  }
0x1b5: {  	s1 =	simm.s32 @!p0 $0x7D00  }
0x1b6: {  	[tilespmem:s1], [sflag:$0x1] =	stream.indirect_vreg.gather @!p0 [hbm4b:s6+s0], $0x80, v10, vm0, $0xb8;
	[tilespmem:$0x1F500] =	vst v63  }
.LBB2_11:
0x1b7: {  	s0 =	sor.u32 $0x1, s25  }
0x1b8: {  	p0 =	sge.s32 s0, s22  }
.Ltmp11:
0x1b9: {  	_ = 	snop;
	(pc) =	sbr.rel @p0 .LBB2_15-.Ltmp11, $1  }
0x1ba: {  	_ =	sdelay $0x3  }
0x1bb: {  	_ =	swait.ge [sflag:s17], $0x2000;
	s0 =	sshll.u32 s0, $0x6;
	s9 =	simm.s32 $0x0  }
0x1bc: {  	s26 =	simm.s32 $0x1;
	s7 =	simm.s32 $0x2;
	s28 =	simm.s32 $0x3  }
0x1bd: {  	s29 =	simm.s32 $0x4;
	s30 =	simm.s32 $0x5;
	[sflag:s17] =	ssyncset.done $0x0  }
0x1be: {  	s31 =	simm.s32 $0x6;
	s0 =	sshra.s32 s0, $0x2;
	v13 =	vadd.s32 s26, v8;
	v14 =	vadd.s32 s7, v8;
	v16 =	vadd.s32 s28, v8;
	[sflag:s17] =	ssyncadd.s32 $0xFFFFE000  }
0x1bf: {  	s1 =	sand.u32 $0x1F0, s9;
	v17 =	vadd.s32 s29, v8;
	v18 =	vadd.s32 s30, v8;
	v19 =	vadd.s32 s31, v8;
	v10 =	vld [tilespmem:s0+$0x4B80]  }
0x1c0: {  	s26 =	simm.s32 $0xB;
	s28 =	simm.s32 $0xC;
	s29 =	simm.s32 $0xD;
	v12 =	vmov s1;
	v14 =	vand.u32 $0xF, v14;
	v18 =	vand.u32 $0xF, v18  }
0x1c1: {  	s1 =	simm.s32 $0x7;
	v30 =	vadd.s32 s26, v8;
	v32 =	vadd.s32 s28, v8;
	v33 =	vadd.s32 s29, v8  }
0x1c2: {  	v15 =	vshll.u32 v12, $0x3;
	v12 =	vand.u32 $0x70, v12;
	v24 =	vadd.s32 s1, v8  }
0x1c3: {  	v33 =	vand.u32 $0xF, v33;
	v15 =	vand.u32 $0xC00, v15;
	v14 =	vor.u32 v12, v14  }
0x1c4: {  	v21 =	vor.u32 v9, v15;
	v11 =	vshll.u32 v10, $0x9;
	v10 =	vshll.u32 v10, $0x7  }
0x1c5: {  	v25 =	vor.u32 v14, v21;
	v11 =	vand.u32 $0xFFFFF000, v11;
	v10 =	vand.u32 $0x380, v10  }
0x1c6: {  	v18 =	vor.u32 v12, v18;
	v10 =	vor.u32 v10, v11;
	v11 =	vadd.s32 s9, v8  }
0x1c7: {  	v31 =	vor.u32 v18, v21;
	s9 =	simm.s32 $0xA;
	v11 =	vand.u32 $0xF, v11;
	v15 =	vor.u32 v15, v10  }
0x1c8: {  	v28 =	vadd.s32 s9, v8;
	v20 =	vor.u32 v11, v12;
	v11 =	vand.u32 $0xF, v13  }
0x1c9: {  	v13 =	vand.u32 $0xF, v16;
	v16 =	vand.u32 $0xF, v17;
	v17 =	vand.u32 $0xF, v19  }
0x1ca: {  	v39 =	vld.idx.msk [tilespmem:v25+s18+$0x0], $0xffff;
	v38 =	vor.u32 v14, v15;
	v25 =	vand.u32 $0xF, v28;
	v16 =	vor.u32 v12, v16  }
0x1cb: {  	v17 =	vor.u32 v12, v17;
	v13 =	vor.u32 v12, v13;
	v23 =	vor.u32 v20, v21  }
0x1cc: {  	v14 =	vor.u32 v12, v11;
	v19 =	vor.u32 v17, v21;
	v22 =	vor.u32 v13, v21  }
0x1cd: {  	s2 =	simm.s32 $0x8;
	v26 =	vor.u32 v13, v15;
	v13 =	vand.u32 $0xF, v24;
	v24 =	vor.u32 v16, v21  }
0x1ce: {  	v11 =	vor.u32 v17, v15;
	v17 =	vadd.s32 s2, v8;
	v13 =	vor.u32 v12, v13  }
0x1cf: {  	v27 =	vor.u32 v16, v15;
	v17 =	vand.u32 $0xF, v17;
	v16 =	vor.u32 v13, v21  }
0x1d0: {  	s7 =	sand.u32 $0x1F0, s2;
	v12 =	vor.u32 v13, v15;
	v13 =	vor.u32 v20, v15;
	v21 =	vor.u32 v14, v21  }
0x1d1: {  	s8 =	simm.s32 $0x9;
	v14 =	vor.u32 v14, v15;
	v15 =	vor.u32 v18, v15;
	v18 =	vmov s7  }
0x1d2: {  	v20 =	vadd.s32 s8, v8;
	v29 =	vshll.u32 v18, $0x3;
	v35 =	vand.u32 $0x70, v18  }
0x1d3: {  	v36 =	vand.u32 $0xF, v20;
	[tilespmem:v38+s16+$0x0] =	vst.idx.add.f32.msk $0xffff, v39;
	v18 =	vand.u32 $0xC00, v29;
	v40 =	vor.u32 v17, v35  }
0x1d4: {  	s30 =	simm.s32 $0xE;
	v17 =	vand.u32 $0xF, v30;
	v25 =	vor.u32 v35, v25;
	v33 =	vor.u32 v35, v33;
	v34 =	vld.idx.msk [tilespmem:v22+s18+$0x0], $0xffff  }
0x1d5: {  	v36 =	vor.u32 v35, v36;
	v22 =	vadd.s32 s30, v8;
	v41 =	vor.u32 v9, v18;
	v20 =	vld.idx.msk [tilespmem:v24+s18+$0x0], $0xffff  }
0x1d6: {  	v30 =	vld.idx.msk [tilespmem:v23+s18+$0x0], $0xffff;
	v24 =	vand.u32 $0xF, v32;
	v42 =	vor.u32 v35, v17;
	v32 =	vor.u32 v18, v10  }
0x1d7: {  	s31 =	simm.s32 $0xF;
	v22 =	vand.u32 $0xF, v22;
	v24 =	vor.u32 v35, v24;
	v17 =	vor.u32 v40, v41;
	v28 =	vld.idx.msk [tilespmem:v16+s18+$0x0], $0xffff  }
0x1d8: {  	v43 =	vor.u32 v42, v41;
	v37 =	vor.u32 v35, v22;
	v22 =	vld.idx.msk [tilespmem:v19+s18+$0x0], $0xffff;
	v19 =	vadd.s32 s31, v8  }
0x1d9: {  	v29 =	vor.u32 v25, v41;
	v18 =	vor.u32 v42, v32;
	v19 =	vand.u32 $0xF, v19;
	[tilespmem:v26+s16+$0x0] =	vst.idx.add.f32.msk $0xffff, v34  }
0x1da: {  	v16 =	vor.u32 v37, v41;
	v23 =	vor.u32 v35, v19;
	[tilespmem:v27+s16+$0x0] =	vst.idx.add.f32.msk $0xffff, v20  }
0x1db: {  	v19 =	vor.u32 v25, v32;
	v35 =	vor.u32 v40, v32;
	v26 =	vor.u32 v24, v41;
	v27 =	vld.idx.msk [tilespmem:v21+s18+$0x0], $0xffff  }
0x1dc: {  	v20 =	vor.u32 v24, v32;
	v21 =	vor.u32 v33, v41;
	v25 =	vor.u32 v23, v41;
	v34 =	vld.idx.msk [tilespmem:v31+s18+$0x0], $0xffff  }
0x1dd: {  	s1 =	simm.s32 $0x10;
	v31 =	vor.u32 v37, v32;
	v37 =	vor.u32 v23, v32;
	v23 =	vor.u32 v36, v41;
	v24 =	vld.idx.msk [tilespmem:v43+s18+$0x0], $0xffff  }
.LBB2_13:
0x1de: {  	s0 =	sand.u32 $0x1F0, s1;
	v38 =	vadd.s32 s1, v8  }
0x1df: {  	s7 =	sadd.s32 $0x1, s1;
	s8 =	sadd.s32 $0x2, s1;
	v36 =	vor.u32 v36, v32;
	v32 =	vor.u32 v33, v32;
	[tilespmem:v12+s16+$0x0] =	vst.idx.add.f32.msk $0xffff, v28;
	v12 =	vmov v37;
	s9 =	smov.u32 s1  }
0x1e0: {  	v28 =	vmov s0;
	v33 =	vadd.s32 s7, v8;
	v37 =	vadd.s32 s8, v8;
	s7 =	sadd.s32 $0x3, s9;
	s8 =	sadd.s32 $0x4, s9;
	s0 =	sadd.s32 $0x8, s1;
	[tilespmem:v13+s16+$0x0] =	vst.idx.add.f32.msk $0xffff, v30;
	v13 =	vmovc v35  }
0x1e1: {  	v30 =	vshll.u32 v28, $0x3;
	v35 =	vadd.s32 s7, v8;
	v39 =	vadd.s32 s8, v8;
	s7 =	sadd.s32 $0x5, s9;
	s8 =	sadd.s32 $0x6, s9;
	s9 =	sadd.s32 $0x7, s9;
	v40 =	vld.idx.msk [tilespmem:v29+s18+$0x0], $0xffff  }
0x1e2: {  	p0 =	slt.u32 s1, $0x1F8;
	v29 =	vand.u32 $0xF, v38;
	v38 =	vadd.s32 s7, v8;
	v41 =	vadd.s32 s8, v8;
	[tilespmem:v15+s16+$0x0] =	vst.idx.add.f32.msk $0xffff, v34;
	v15 =	vmovc v32  }
0x1e3: {  	v42 =	vand.u32 $0x70, v28;
	v32 =	vand.u32 $0xC00, v30;
	v30 =	vand.u32 $0xF, v37;
	[tilespmem:v11+s16+$0x0] =	vst.idx.add.f32.msk $0xffff, v22;
	v11 =	vmovc v31  }
0x1e4: {  	v43 =	vor.u32 v29, v42;
	v44 =	vor.u32 v9, v32;
	v31 =	vand.u32 $0xF, v33;
	v26 =	vld.idx.msk [tilespmem:v26+s18+$0x0], $0xffff  }
0x1e5: {  	v28 =	vand.u32 $0xF, v39;
	v22 =	vand.u32 $0xF, v35;
	v29 =	vand.u32 $0xF, v41;
	[tilespmem:v14+s16+$0x0] =	vst.idx.add.f32.msk $0xffff, v27;
	v14 =	vmovc v36  }
0x1e6: {  	v33 =	vand.u32 $0xF, v38;
	v35 =	vor.u32 v42, v29;
	v27 =	vor.u32 v42, v28;
	v28 =	vld.idx.msk [tilespmem:v25+s18+$0x0], $0xffff  }
0x1e7: {  	v34 =	vor.u32 v42, v22;
	v25 =	vor.u32 v42, v30;
	v22 =	vld.idx.msk [tilespmem:v16+s18+$0x0], $0xffff;
	v16 =	vor.u32 v35, v44  }
0x1e8: {  	v37 =	vor.u32 v34, v44;
	v36 =	vadd.s32 s9, v8;
	v30 =	vld.idx.msk [tilespmem:v17+s18+$0x0], $0xffff;
	v17 =	vor.u32 v43, v44  }
0x1e9: {  	v32 =	vor.u32 v32, v10;
	v29 =	vor.u32 v25, v44;
	[tilespmem:v18+s16+$0x0] =	vst.idx.add.f32.msk $0xffff, v24  }
.Ltmp12:
0x1ea: {  	v33 =	vor.u32 v42, v33;
	v18 =	vor.u32 v34, v32;
	v24 =	vand.u32 $0xF, v36;
	[tilespmem:v20+s16+$0x0] =	vst.idx.add.f32.msk $0xffff, v26;
	(pc) =	sbr.rel @p0 .LBB2_13-.Ltmp12, $4  }
0x1eb: {  	v26 =	vor.u32 v27, v44;
	v20 =	vor.u32 v27, v32;
	v38 =	vor.u32 v42, v24;
	v27 =	vld.idx.msk [tilespmem:v23+s18+$0x0], $0xffff  }
0x1ec: {  	v39 =	vor.u32 v25, v32;
	v25 =	vor.u32 v38, v44;
	v34 =	vld.idx.msk [tilespmem:v21+s18+$0x0], $0xffff;
	v21 =	vor.u32 v33, v44  }
0x1ed: {  	v36 =	vor.u32 v42, v31;
	v31 =	vor.u32 v35, v32;
	v24 =	vld.idx.msk [tilespmem:v37+s18+$0x0], $0xffff;
	v37 =	vor.u32 v38, v32  }
0x1ee: {  	s1 =	smov.u32 s0;
	v35 =	vor.u32 v43, v32;
	v23 =	vor.u32 v36, v44;
	[tilespmem:v19+s16+$0x0] =	vst.idx.add.f32.msk $0xffff, v40;
	v19 =	vmov v39  }
.Ltmp13:
0x1ef: {  	_ = 	snop;
	(pc) =	sbr.rel .LBB2_14-.Ltmp13, $1  }
0x1f0: {  	_ =	sdelay $0x3  }
.LBB2_17:
0x1f1: {  	s20 =	simm.s32 $0x0;
	s0 =	rddreg [dreg:$0x2]  }
0x1f2: {  	[hbm4b:s0+s20] =	stream.linear.scatter [tilespmem:s16], [sflag:$0x3], $0x14000, $0x38;
	[tilespmem:$0x1F500] =	vst v63  }
0x1f3: {  	_ =	swait.ge [sflag:s10], $0x14000  }
0x1f4: {  	s29 =	sand.u32 $0x1F000, s20;
	s1 =	sand.u32 $0x300, s20;
	[sflag:s10] =	ssyncset.done $0x0  }
0x1f5: {  	s0 =	sor.u32 s1, s29;
	[sflag:s10] =	ssyncadd.s32 $0xFFFEC000  }
0x1f6: {  	[tilespmem:s0+$0xA580] =	vst v5  }
0x1f7: {  	[tilespmem:s0+$0xA590] =	vst v5  }
0x1f8: {  	[tilespmem:s0+$0xA5A0] =	vst v5  }
0x1f9: {  	[tilespmem:s0+$0xA5B0] =	vst v5  }
0x1fa: {  	[tilespmem:s0+$0xA5C0] =	vst v5  }
0x1fb: {  	[tilespmem:s0+$0xA5D0] =	vst v5  }
0x1fc: {  	[tilespmem:s0+$0xA5E0] =	vst v5  }
0x1fd: {  	[tilespmem:s0+$0xA5F0] =	vst v5  }
0x1fe: {  	[tilespmem:s0+$0xA980] =	vst v5  }
0x1ff: {  	[tilespmem:s0+$0xA990] =	vst v5  }
0x200: {  	[tilespmem:s0+$0xA9A0] =	vst v5  }
0x201: {  	[tilespmem:s0+$0xA9B0] =	vst v5  }
0x202: {  	[tilespmem:s0+$0xA9C0] =	vst v5  }
0x203: {  	[tilespmem:s0+$0xA9D0] =	vst v5  }
0x204: {  	[tilespmem:s0+$0xA9E0] =	vst v5  }
0x205: {  	[tilespmem:s0+$0xA9F0] =	vst v5  }
0x206: {  	[tilespmem:s0+$0xAD80] =	vst v5  }
0x207: {  	[tilespmem:s0+$0xAD90] =	vst v5  }
0x208: {  	[tilespmem:s0+$0xADA0] =	vst v5  }
0x209: {  	[tilespmem:s0+$0xADB0] =	vst v5  }
0x20a: {  	[tilespmem:s0+$0xADC0] =	vst v5  }
0x20b: {  	[tilespmem:s0+$0xADD0] =	vst v5  }
0x20c: {  	[tilespmem:s0+$0xADE0] =	vst v5  }
0x20d: {  	[tilespmem:s0+$0xADF0] =	vst v5  }
0x20e: {  	[tilespmem:s0+$0xA500] =	vst v5  }
0x20f: {  	[tilespmem:s0+$0xA510] =	vst v5  }
0x210: {  	[tilespmem:s0+$0xA520] =	vst v5  }
0x211: {  	[tilespmem:s0+$0xA530] =	vst v5  }
0x212: {  	[tilespmem:s0+$0xA540] =	vst v5  }
0x213: {  	[tilespmem:s0+$0xA550] =	vst v5  }
0x214: {  	[tilespmem:s0+$0xA560] =	vst v5  }
0x215: {  	[tilespmem:s0+$0xA570] =	vst v5  }
0x216: {  	[tilespmem:s0+$0xA900] =	vst v5  }
0x217: {  	[tilespmem:s0+$0xA910] =	vst v5  }
0x218: {  	[tilespmem:s0+$0xA920] =	vst v5  }
0x219: {  	[tilespmem:s0+$0xA930] =	vst v5  }
0x21a: {  	[tilespmem:s0+$0xA940] =	vst v5  }
0x21b: {  	[tilespmem:s0+$0xA950] =	vst v5  }
0x21c: {  	[tilespmem:s0+$0xA960] =	vst v5  }
0x21d: {  	s30 =	sand.u32 $0x3, s20;
	[tilespmem:s0+$0xA970] =	vst v5  }
0x21e: {  	s1 =	sshll.u32 s30, $0x8;
	[tilespmem:s0+$0xAD00] =	vst v5  }
0x21f: {  	s1 =	sadd.s32 $0x0, s1;
	[tilespmem:s0+$0xAD10] =	vst v5  }
0x220: {  	s7 =	sadd.s32 $0x80, s1;
	[tilespmem:s0+$0xAD20] =	vst v5  }
0x221: {  	s8 =	sor.u32 $0xC00, s7;
	[tilespmem:s0+$0xAD30] =	vst v5  }
0x222: {  	s24 =	sor.u32 $0xC00, s1;
	[tilespmem:s8+$0xA500] =	vst v5  }
0x223: {  	s31 =	sor.u32 $0xC10, s7;
	[tilespmem:s24+$0xA500] =	vst v5  }
0x224: {  	[tilespmem:s31+$0xA500] =	vst v5  }
0x225: {  	[tilespmem:s0+$0xAD40] =	vst v5  }
0x226: {  	[tilespmem:s0+$0xAD50] =	vst v5  }
0x227: {  	[tilespmem:s0+$0xAD60] =	vst v5  }
0x228: {  	s2 =	sor.u32 $0xC20, s7;
	[tilespmem:s0+$0xAD70] =	vst v5  }
0x229: {  	s25 =	sor.u32 $0xC10, s1;
	[tilespmem:s2+$0xA500] =	vst v5  }
0x22a: {  	s9 =	sor.u32 $0xC30, s7;
	[tilespmem:s25+$0xA500] =	vst v5  }
0x22b: {  	s26 =	sor.u32 $0xC20, s1;
	[tilespmem:s9+$0xA500] =	vst v5  }
0x22c: {  	s21 =	sor.u32 $0xC40, s7;
	[tilespmem:s26+$0xA500] =	vst v5  }
0x22d: {  	s29 =	sor.u32 $0xC30, s1;
	[tilespmem:s21+$0xA500] =	vst v5  }
0x22e: {  	s22 =	sor.u32 $0xC50, s7;
	[tilespmem:s29+$0xA500] =	vst v5  }
0x22f: {  	s30 =	sor.u32 $0xC40, s1;
	[tilespmem:s22+$0xA500] =	vst v5  }
0x230: {  	s23 =	sor.u32 $0xC60, s7;
	[tilespmem:s30+$0xA500] =	vst v5  }
0x231: {  	s28 =	sor.u32 $0xC60, s1;
	s31 =	sor.u32 $0xC50, s1;
	[tilespmem:s23+$0xA500] =	vst v5  }
0x232: {  	s7 =	sor.u32 $0xC70, s7;
	s24 =	simm.s32 $0x0;
	s26 =	sor.u32 $0xC70, s1;
	[tilespmem:s31+$0xA500] =	vst v5  }
0x233: {  	s21 =	simm.s32 $0x0;
	s22 =	simm.s32 $0x100;
	s23 =	simm.s32 $0x400;
	[tilespmem:s7+$0xA500] =	vst v5  }
.LBB2_18:
0x234: {  	s0 =	sand.u32 $0x1F000, s23;
	s1 =	sand.u32 $0x300, s22;
	[tilespmem:s28+$0xA500] =	vst v5  }
0x235: {  	s25 =	sor.u32 s1, s0;
	[tilespmem:s26+$0xA500] =	vst v5  }
0x236: {  	[tilespmem:s25+$0xA580] =	vst v5  }
0x237: {  	[tilespmem:s25+$0xA590] =	vst v5  }
0x238: {  	[tilespmem:s25+$0xA5A0] =	vst v5  }
0x239: {  	[tilespmem:s25+$0xA5B0] =	vst v5  }
0x23a: {  	[tilespmem:s25+$0xA5C0] =	vst v5  }
0x23b: {  	[tilespmem:s25+$0xA5D0] =	vst v5  }
0x23c: {  	[tilespmem:s25+$0xA5E0] =	vst v5  }
0x23d: {  	[tilespmem:s25+$0xA5F0] =	vst v5  }
0x23e: {  	[tilespmem:s25+$0xA980] =	vst v5  }
0x23f: {  	[tilespmem:s25+$0xA990] =	vst v5  }
0x240: {  	[tilespmem:s25+$0xA9A0] =	vst v5  }
0x241: {  	[tilespmem:s25+$0xA9B0] =	vst v5  }
0x242: {  	[tilespmem:s25+$0xA9C0] =	vst v5  }
0x243: {  	[tilespmem:s25+$0xA9D0] =	vst v5  }
0x244: {  	[tilespmem:s25+$0xA9E0] =	vst v5  }
0x245: {  	[tilespmem:s25+$0xA9F0] =	vst v5  }
0x246: {  	[tilespmem:s25+$0xAD80] =	vst v5  }
0x247: {  	[tilespmem:s25+$0xAD90] =	vst v5  }
0x248: {  	s24 =	sadd.s32 $0x1, s24;
	[tilespmem:s25+$0xADA0] =	vst v5  }
0x249: {  	s0 =	sand.u32 $0x3, s24;
	[tilespmem:s25+$0xADB0] =	vst v5  }
0x24a: {  	s0 =	sshll.u32 s0, $0x8;
	[tilespmem:s25+$0xADC0] =	vst v5  }
0x24b: {  	s8 =	sadd.s32 s0, s23;
	[tilespmem:s25+$0xADD0] =	vst v5  }
0x24c: {  	s7 =	sor.u32 $0xC00, s8;
	s29 =	sor.u32 $0xC10, s8;
	s9 =	sadd.s32 $0x80, s8;
	[tilespmem:s25+$0xADE0] =	vst v5  }
0x24d: {  	s1 =	sor.u32 $0xC20, s8;
	s0 =	sor.u32 $0xC30, s8;
	s26 =	sor.u32 $0xC00, s9;
	[tilespmem:s25+$0xADF0] =	vst v5  }
0x24e: {  	s31 =	sor.u32 $0xC40, s8;
	s30 =	sor.u32 $0xC50, s8;
	s2 =	sor.u32 $0xC10, s9;
	[tilespmem:s26+$0xA500] =	vst v5  }
0x24f: {  	s28 =	sor.u32 $0xC60, s8;
	s26 =	sor.u32 $0xC70, s8;
	[tilespmem:s2+$0xA500] =	vst v5;
	s2 =	sor.u32 $0xC20, s9  }
0x250: {  	s21 =	sadd.s32 $0x2, s21;
	[tilespmem:s2+$0xA500] =	vst v5;
	s2 =	sor.u32 $0xC30, s9  }
0x251: {  	p0 =	slt.u32 s21, $0xA6;
	[tilespmem:s2+$0xA500] =	vst v5;
	s2 =	sor.u32 $0xC40, s9  }
0x252: {  	[tilespmem:s2+$0xA500] =	vst v5;
	s2 =	sor.u32 $0xC50, s9  }
0x253: {  	[tilespmem:s2+$0xA500] =	vst v5;
	s2 =	sor.u32 $0xC60, s9  }
0x254: {  	[tilespmem:s2+$0xA500] =	vst v5;
	s2 =	sor.u32 $0xC70, s9  }
0x255: {  	[tilespmem:s2+$0xA500] =	vst v5  }
0x256: {  	[tilespmem:s25+$0xA500] =	vst v5  }
0x257: {  	[tilespmem:s25+$0xA510] =	vst v5  }
0x258: {  	[tilespmem:s25+$0xA520] =	vst v5  }
0x259: {  	[tilespmem:s25+$0xA530] =	vst v5  }
0x25a: {  	[tilespmem:s25+$0xA540] =	vst v5  }
0x25b: {  	[tilespmem:s25+$0xA550] =	vst v5  }
0x25c: {  	[tilespmem:s25+$0xA560] =	vst v5  }
0x25d: {  	[tilespmem:s25+$0xA570] =	vst v5  }
0x25e: {  	[tilespmem:s25+$0xA900] =	vst v5  }
0x25f: {  	[tilespmem:s25+$0xA910] =	vst v5  }
0x260: {  	[tilespmem:s25+$0xA920] =	vst v5  }
0x261: {  	[tilespmem:s25+$0xA930] =	vst v5  }
0x262: {  	[tilespmem:s25+$0xA940] =	vst v5  }
0x263: {  	[tilespmem:s25+$0xA950] =	vst v5  }
0x264: {  	[tilespmem:s25+$0xA960] =	vst v5  }
0x265: {  	[tilespmem:s25+$0xA970] =	vst v5  }
0x266: {  	[tilespmem:s25+$0xAD00] =	vst v5  }
0x267: {  	[tilespmem:s25+$0xAD10] =	vst v5  }
0x268: {  	[tilespmem:s25+$0xAD20] =	vst v5  }
0x269: {  	[tilespmem:s25+$0xAD30] =	vst v5  }
0x26a: {  	[tilespmem:s7+$0xA500] =	vst v5  }
0x26b: {  	[tilespmem:s25+$0xAD40] =	vst v5  }
0x26c: {  	[tilespmem:s25+$0xAD50] =	vst v5  }
0x26d: {  	[tilespmem:s25+$0xAD60] =	vst v5  }
0x26e: {  	[tilespmem:s25+$0xAD70] =	vst v5  }
.Ltmp14:
0x26f: {  	[tilespmem:s29+$0xA500] =	vst v5;
	(pc) =	sbr.rel @p0 .LBB2_18-.Ltmp14, $4  }
0x270: {  	[tilespmem:s1+$0xA500] =	vst v5  }
0x271: {  	[tilespmem:s0+$0xA500] =	vst v5  }
0x272: {  	[tilespmem:s31+$0xA500] =	vst v5  }
0x273: {  	s22 =	sadd.s32 $0x100, s22;
	s23 =	sadd.s32 $0x400, s23;
	[tilespmem:s30+$0xA500] =	vst v5  }
.Ltmp15:
0x274: {  	(pc) =	sbr.rel .LBB2_20-.Ltmp15, $3  }
0x275: {  	_ =	sdelay $0x1  }
0x276: {  	[tilespmem:s28+$0xA500] =	vst v5  }
0x277: {  	[tilespmem:s26+$0xA500] =	vst v5  }
.LBB2_32:
0x278: {  	s20 =	sadd.s32 $0x1, s20  }
0x279: {  	p0 =	sne.s32 s20, $0x19  }
.Ltmp16:
0x27a: {  	_ = 	snop;
	(pc) =	sbr.rel @!p0 .LBB2_33-.Ltmp16, $1  }
0x27b: {  	_ =	sdelay $0x3  }
.LBB2_20:
0x27c: {  	s0 =	smul.u32 $0x320, s20;
	_ =	sdelay $0x1  }
0x27d: {  	s2 =	simm.s32 $0x0;
	s1 =	sadd.s32 s4, s0  }
0x27e: {  	[tilespmem:s2], [sflag:$0x3] =	stream.linear.gather [hbm4b:s1+s2], $0x1900, $0x38;
	[tilespmem:$0x1F500] =	vst v63  }
0x27f: {  	_ =	swait.ge [sflag:s10], $0x1900  }
0x280: {  	[sflag:s10] =	ssyncset.done $0x0  }
0x281: {  	s0 =	sadd.s32 s5, s0;
	[sflag:s10] =	ssyncadd.s32 $0xFFFFE700  }
0x282: {  	[tilespmem:s11], [sflag:$0x3] =	stream.linear.gather [hbm4b:s0+s2], $0x1900, $0x38;
	[tilespmem:$0x1F500] =	vst v63  }
0x283: {  	_ =	swait.ge [sflag:s10], $0x1900  }
0x284: {  	[sflag:s10] =	ssyncset.done $0x0  }
0x285: {  	s26 =	simm.s32 $0x1920;
	[sflag:s10] =	ssyncadd.s32 $0xFFFFE700  }
0x286: {  	v11 =	vld [tilespmem:s26+$0x0]  }
0x287: {  	v12 =	vld [tilespmem:s26+$0xFFFFFFE0]  }
0x288: {  	v13 =	vld [tilespmem:s26+$0xFFFFFFF0];
	_ =	sdelay $0x3  }
0x289: {  	v10 =	vld [tilespmem:s26+$0x10];
	vm1 =	vge.s32 v12, v3;
	vm2 =	vlt.s32 v12, v4;
	vm4 =	vge.s32 v11, v3  }
0x28a: {  	vm3 =	vlt.s32 v13, v4;
	vm2 =	vmand vm1, vm2;
	vm1 =	vge.s32 v13, v3  }
0x28b: {  	v14 =	vmpcnt.ones.xlane vm2;
	vm3 =	vmand vm1, vm3;
	vm1 =	vlt.s32 v11, v4  }
0x28c: {  	s28 =	simm.s32 $0x1960;
	v15 =	vmpcnt.ones.xlane vm3;
	vm1 =	vmand vm4, vm1  }
0x28d: {  	s22 =	simm.s32 $0x19A0;
	v20 =	vld [tilespmem:s28+$0xFFFFFFF0];
	v16 =	vmpcnt.ones.xlane vm1;
	(v2sf) =	vpush v14, $0x0  }
0x28e: {  	v25 =	vld [tilespmem:s22+$0x10];
	vm0 =	vge.s32 v10, v3;
	(v2sf) =	vpush v15, $0x0  }
0x28f: {  	vm4 =	vlt.s32 v10, v4;
	v14 =	vsel vm2, $0x1, v6;
	(v2sf) =	vpush v16, $0x0  }
0x290: {  	vm0 =	vmand vm0, vm4;
	(xrf0) =	vadd.scan.msk.s32 $0xffff, v14  }
0x291: {  	v30 =	vsub.s32 v10, v3;
	v17 =	vmpcnt.ones.xlane vm0;
	v15 =	vld [tilespmem:s28+$0x10];
	v16 =	vmov s2  }
0x292: {  	v22 =	vsub.s32 v12, v3;
	v12 =	vsub.s32 v13, v3;
	v10 =	vadd.s32 $0xFFFFFFFF, v16;
	v16 =	vld [tilespmem:s28+$0xFFFFFFE0]  }
0x293: {  	vm7 =	vlt.s32 v20, v4;
	vm10 =	vge.s32 v25, v3;
	(v2sf) =	vpush v17, $0x0  }
0x294: {  	v18 =	vsel vm3, $0x1, v6;
	vm3 =	vmmov vm3;
	v19 =	vsel vm1, $0x1, v6;
	v17 =	vld [tilespmem:s28+$0x0]  }
0x295: {  	vm1 =	vmmov vm1;
	vm2 =	vmmov vm2;
	v10 =	vbroadcast v10, $0x0  }
0x296: {  	v14 =	vsub.s32 v11, v3;
	v21 =	vsel vm0, $0x1, v6;
	vm8 =	vge.s32 v15, v3;
	v11, _, _ =	vpop (xrf0)  }
0x297: {  	v24 =	vadd.s32 v11, v10;
	vm4 =	vge.s32 v16, v3;
	vm5 =	vlt.s32 v16, v4  }
0x298: {  	v11 =	vsub.s32 v15, v3;
	vm5 =	vmand vm4, vm5;
	vm4 =	vge.s32 v20, v3  }
0x299: {  	s21 =	simm.s32 $0x20;
	(xrf0) =	vadd.scan.msk.s32 $0xffff, v18;
	v10 =	vsub.s32 v17, v3;
	v13 =	vmpcnt.ones.xlane vm5;
	vm9 =	vmand vm4, vm7  }
0x29a: {  	vm6 =	vge.s32 v17, v3;
	(xrf0) =	vadd.scan.msk.s32 $0xffff, v19;
	v19 =	vld [tilespmem:s21+$0xFFFFFFE0];
	vm4 =	vlt.s32 v17, v4;
	v17 =	vmpcnt.ones.xlane vm9  }
0x29b: {  	vm4 =	vmand vm6, vm4;
	vm6 =	vlt.s32 v15, v4;
	(v2sf) =	vpush v13, $0x0  }
0x29c: {  	v32 =	vld [tilespmem:s22+$0x0];
	vm7 =	vmmov vm0;
	v13 =	vmpcnt.ones.xlane vm4;
	vm0 =	vmand vm8, vm6;
	s29 =	spop (v2sf)  }
0x29d: {  	(xrf0) =	vadd.scan.msk.s32 $0xffff, v21;
	v15 =	vsel vm5, $0x1, v6;
	v18 =	vmpcnt.ones.xlane vm0;
	s0 =	sadd.s32 $0x0, s29;
	s30 =	spop (v2sf);
	(v2sf) =	vpush v17, $0x0  }
0x29e: {  	(xrf0) =	vadd.scan.msk.s32 $0xffff, v15;
	v15 =	vsel vm4, $0x1, v6;
	vm8 =	vmmov vm1;
	s1 =	sadd.s32 s0, s30;
	s31 =	spop (v2sf);
	(v2sf) =	vpush v13, $0x0  }
0x29f: {  	vm4 =	vmmov vm4;
	vm1 =	vmmov vm5;
	[tilespmem:v24+s12+$0x0] =	vst.idx.msk vm2, v19;
	s2 =	sadd.s32 s1, s31;
	(v2sf) =	vpush v18, $0x0  }
0x2a0: {  	vm6 =	vmmov vm3;
	[tilespmem:v24+s13+$0x0] =	vst.idx.msk vm2, v22;
	v17 =	vsel vm9, $0x1, v6;
	v18 =	vmov s2  }
0x2a1: {  	v23, _, _ =	vpop (xrf0);
	vm2 =	vmmov vm9;
	vm9 =	vge.s32 v32, v3;
	(xrf0) =	vadd.scan.msk.s32 $0xffff, v17;
	v18 =	vadd.s32 $0xFFFFFFFF, v18  }
0x2a2: {  	v28, _, _ =	vpop (xrf0);
	v13 =	vsel vm0, $0x1, v6;
	s7 =	spop (v2sf);
	v21 =	vmov s1;
	(xrf0) =	vadd.scan.msk.s32 $0xffff, v15;
	v15 =	vld [tilespmem:s22+$0xFFFFFFE0];
	v18 =	vbroadcast v18, $0x0  }
0x2a3: {  	v29 =	vld [tilespmem:s21+$0x10];
	v31, _, _ =	vpop (xrf0);
	v27 =	vmov s0;
	v17 =	vsub.s32 v16, v3;
	s23 =	sadd.s32 s2, s7;
	v21 =	vadd.s32 $0xFFFFFFFF, v21  }
0x2a4: {  	(xrf0) =	vadd.scan.msk.s32 $0xffff, v13;
	v13 =	vld [tilespmem:s22+$0xFFFFFFF0];
	v26 =	vmov s23;
	v21 =	vbroadcast v21, $0x0;
	v31 =	vadd.s32 v31, v18  }
0x2a5: {  	v16 =	vsub.s32 v20, v3;
	v27 =	vadd.s32 $0xFFFFFFFF, v27;
	v26 =	vadd.s32 $0xFFFFFFFF, v26  }
0x2a6: {  	v27 =	vbroadcast v27, $0x0;
	v33 =	vbroadcast v26, $0x0;
	v26 =	vadd.s32 v28, v21  }
0x2a7: {  	v20, _, _ =	vpop (xrf0);
	v21 =	vsub.s32 v32, v3;
	v28 =	vld [tilespmem:s21+$0x0];
	vm3 =	vge.s32 v15, v3;
	vm5 =	vlt.s32 v15, v4  }
0x2a8: {  	v19, _, _ =	vpop (xrf0);
	v18 =	vadd.s32 v20, v33;
	v20 =	vadd.s32 v23, v27;
	v23 =	vsub.s32 v25, v3  }
0x2a9: {  	v22, _, _ =	vpop (xrf0);
	vm5 =	vmand vm3, vm5;
	vm3 =	vge.s32 v13, v3;
	vm11 =	vlt.s32 v13, v4;
	v27 =	vld [tilespmem:s21+$0xFFFFFFF0];
	[tilespmem:v31+s12+$0x0] =	vst.idx.msk vm7, v29  }
0x2aa: {  	s24 =	simm.s32 $0x8;
	v24, _, _ =	vpop (xrf0);
	vm3 =	vmand vm3, vm11;
	vm11 =	vlt.s32 v32, v4;
	s0 =	spop (v2sf);
	v29 =	vmpcnt.ones.xlane vm5;
	[tilespmem:v31+s13+$0x0] =	vst.idx.msk vm7, v30  }
.LBB2_21:
0x2ab: {  	v30 =	vmpcnt.ones.xlane vm3  }
0x2ac: {  	s24 =	sadd.s32 $0x4, s24;
	vm9 =	vmand vm9, vm11;
	vm11 =	vlt.s32 v25, v4;
	s0 =	sadd.s32 s23, s0;
	s1 =	spop (v2sf);
	[tilespmem:v26+s12+$0x0] =	vst.idx.msk vm8, v28;
	v31 =	vmovc v23;
	vm7 =	vmmov vm0  }
0x2ad: {  	p0 =	slt.u32 s24, $0x18C;
	v23 =	vmpcnt.ones.xlane vm9;
	vm0 =	vmand vm10, vm11;
	(v2sf) =	vpush v29, $0x0;
	s1 =	sadd.s32 s0, s1;
	s2 =	spop (v2sf);
	[tilespmem:v26+s13+$0x0] =	vst.idx.msk vm8, v14;
	v14 =	vmovc v10;
	v10 =	vmovc v21  }
0x2ae: {  	s21 =	sadd.s32 $0x40, s21;
	v21 =	vsel vm5, $0x1, v6;
	v25 =	vmpcnt.ones.xlane vm0;
	(v2sf) =	vpush v30, $0x0;
	s2 =	sadd.s32 s1, s2;
	s7 =	spop (v2sf);
	[tilespmem:v20+s12+$0x0] =	vst.idx.msk vm6, v27  }
0x2af: {  	v26 =	vsel vm3, $0x1, v6;
	v27 =	vsel vm9, $0x1, v6;
	(xrf0) =	vadd.scan.msk.s32 $0xffff, v21;
	(v2sf) =	vpush v23, $0x0;
	v21 =	vld [tilespmem:s21+$0xFFFFFFE0];
	s23 =	sadd.s32 s2, s7  }
0x2b0: {  	v23 =	vsel vm0, $0x1, v6;
	(xrf0) =	vadd.scan.msk.s32 $0xffff, v26;
	(v2sf) =	vpush v25, $0x0;
	v25 =	vmov s2  }
0x2b1: {  	v28 =	vmov s1;
	v26 =	vmov s23;
	(xrf0) =	vadd.scan.msk.s32 $0xffff, v27;
	v27 =	vmov s0  }
0x2b2: {  	s22 =	sadd.s32 $0x40, s22;
	(xrf0) =	vadd.scan.msk.s32 $0xffff, v23;
	v23 =	vadd.s32 $0xFFFFFFFF, v27;
	v27 =	vadd.s32 $0xFFFFFFFF, v28;
	v29 =	vld [tilespmem:s21+$0x10];
	v28 =	vadd.s32 $0xFFFFFFFF, v25  }
0x2b3: {  	v26 =	vadd.s32 $0xFFFFFFFF, v26;
	v25 =	vld [tilespmem:s22+$0x10];
	v27 =	vbroadcast v27, $0x0;
	v28 =	vbroadcast v28, $0x0;
	[tilespmem:v20+s13+$0x0] =	vst.idx.msk vm6, v12;
	v12 =	vmovc v16  }
0x2b4: {  	v32 =	vsub.s32 v15, v3;
	v20 =	vbroadcast v26, $0x0;
	v30 =	vld [tilespmem:s22+$0x0];
	[tilespmem:v18+s12+$0x0] =	vst.idx.msk vm1, v21;
	v21 =	vbroadcast v23, $0x0  }
0x2b5: {  	v16 =	vsub.s32 v13, v3;
	v15 =	vld [tilespmem:s22+$0xFFFFFFE0];
	v23, _, _ =	vpop (xrf0);
	v26 =	vadd.s32 v22, v27;
	v33 =	vadd.s32 v24, v28  }
0x2b6: {  	v13 =	vld [tilespmem:s22+$0xFFFFFFF0];
	[tilespmem:v18+s13+$0x0] =	vst.idx.msk vm1, v17;
	v18 =	vadd.s32 v23, v20;
	v20 =	vadd.s32 v19, v21;
	v19, _, _ =	vpop (xrf0);
	v17 =	vmov v32  }
0x2b7: {  	vm8 =	vmmov vm4;
	vm4 =	vmmov vm9;
	vm1 =	vmmov vm5;
	v22, _, _ =	vpop (xrf0)  }
.Ltmp17:
0x2b8: {  	vm6 =	vmmov vm2;
	vm2 =	vmmov vm3;
	v23 =	vsub.s32 v25, v3;
	v24, _, _ =	vpop (xrf0);
	v28 =	vld [tilespmem:s21+$0x0];
	(pc) =	sbr.rel @p0 .LBB2_21-.Ltmp17, $4  }
0x2b9: {  	vm10 =	vge.s32 v25, v3;
	v21 =	vsub.s32 v30, v3  }
0x2ba: {  	vm9 =	vge.s32 v30, v3;
	vm3 =	vge.s32 v15, v3;
	vm5 =	vlt.s32 v15, v4;
	v27 =	vld [tilespmem:s21+$0xFFFFFFF0]  }
0x2bb: {  	vm5 =	vmand vm3, vm5;
	vm3 =	vge.s32 v13, v3;
	vm11 =	vlt.s32 v13, v4;
	[tilespmem:v33+s12+$0x0] =	vst.idx.msk vm7, v29  }
0x2bc: {  	v29 =	vmpcnt.ones.xlane vm5;
	vm3 =	vmand vm3, vm11;
	vm11 =	vlt.s32 v30, v4;
	s0 =	spop (v2sf);
	[tilespmem:v33+s13+$0x0] =	vst.idx.msk vm7, v11;
	v11 =	vmovc v31  }
0x2bd: {  	v30 =	vmpcnt.ones.xlane vm3  }
0x2be: {  	vm7 =	vmand vm9, vm11;
	(v2sf) =	vpush v29, $0x0  }
0x2bf: {  	v33 =	vmpcnt.ones.xlane vm7;
	(v2sf) =	vpush v30, $0x0;
	_ =	sdelay $0x1  }
0x2c0: {  	s1 =	spop (v2sf);
	s0 =	sadd.s32 s23, s0;
	(v2sf) =	vpush v33, $0x0  }
0x2c1: {  	s1 =	sadd.s32 s0, s1;
	s2 =	spop (v2sf)  }
0x2c2: {  	vm15 =	vlt.s32 v25, v4;
	s2 =	sadd.s32 s1, s2;
	v39 =	vmov s1  }
0x2c3: {  	[tilespmem:v26+s12+$0x0] =	vst.idx.msk vm8, v28;
	vm9 =	vmand vm10, vm15;
	v35 =	vmov s2;
	v42 =	vadd.s32 $0xFFFFFFFF, v39  }
0x2c4: {  	[tilespmem:v26+s13+$0x0] =	vst.idx.msk vm8, v14;
	v34 =	vmpcnt.ones.xlane vm9;
	v25 =	vadd.s32 $0xFFFFFFFF, v35;
	v26 =	vbroadcast v42, $0x0  }
0x2c5: {  	v36 =	vsel vm5, $0x1, v6;
	s7 =	sadd.s32 $0x40, s21;
	vm4 =	vmmov vm4;
	v25 =	vbroadcast v25, $0x0  }
0x2c6: {  	vm0 =	vmmov vm0;
	(xrf0) =	vadd.scan.msk.s32 $0xffff, v36;
	v49 =	vld [tilespmem:s7+$0x0];
	(v2sf) =	vpush v34, $0x0;
	v48 =	vadd.s32 v22, v26  }
0x2c7: {  	v44 =	vld [tilespmem:s7+$0x10];
	s31 =	spop (v2sf);
	v24 =	vadd.s32 v24, v25  }
0x2c8: {  	s1 =	sadd.s32 s2, s31  }
0x2c9: {  	v46 =	vmov s1  }
0x2ca: {  	v37 =	vsel vm3, $0x1, v6;
	v40 =	vsel vm7, $0x1, v6;
	[tilespmem:v20+s12+$0x0] =	vst.idx.msk vm6, v27;
	v50 =	vadd.s32 $0xFFFFFFFF, v46  }
0x2cb: {  	v38 =	vld [tilespmem:s7+$0xFFFFFFE0];
	v43 =	vmov s0;
	(xrf0) =	vadd.scan.msk.s32 $0xffff, v37;
	v51 =	vbroadcast v50, $0x0;
	[tilespmem:v48+s12+$0x0] =	vst.idx.msk vm4, v49  }
0x2cc: {  	vm11 =	vmmov vm5;
	v53 =	vld [tilespmem:s7+$0xFFFFFFF0];
	s7 =	sadd.s32 $0x40, s7;
	v45 =	vadd.s32 $0xFFFFFFFF, v43;
	(xrf0) =	vadd.scan.msk.s32 $0xffff, v40;
	v52, _, _ =	vpop (xrf0);
	[tilespmem:v24+s12+$0x0] =	vst.idx.msk vm0, v44;
	s8 =	spop (v2sf)  }
0x2cd: {  	v41 =	vsel vm9, $0x1, v6;
	v47 =	vbroadcast v45, $0x0;
	v14 =	vadd.s32 v52, v51;
	[tilespmem:v24+s13+$0x0] =	vst.idx.msk vm0, v11;
	v11 =	vld [tilespmem:s7+$0xFFFFFFE0];
	s0 =	sadd.s32 s1, s8;
	s9 =	spop (v2sf)  }
0x2ce: {  	vm2 =	vmmov vm2;
	(xrf0) =	vadd.scan.msk.s32 $0xffff, v41;
	[tilespmem:v48+s13+$0x0] =	vst.idx.msk vm4, v10;
	s21 =	sadd.s32 s0, s9;
	v10 =	vmov s0  }
0x2cf: {  	[tilespmem:v20+s13+$0x0] =	vst.idx.msk vm6, v12;
	v12 =	vadd.s32 v19, v47;
	s22 =	spop (v2sf);
	v57 =	vmov s21;
	v10 =	vadd.s32 $0xFFFFFFFF, v10  }
0x2d0: {  	vm14 =	vmmov vm3;
	[tilespmem:v18+s12+$0x0] =	vst.idx.msk vm1, v38;
	s2 =	sadd.s32 s21, s22;
	v59 =	vadd.s32 $0xFFFFFFFF, v57;
	v10 =	vbroadcast v10, $0x0  }
0x2d1: {  	vm12 =	vmmov vm7;
	[tilespmem:v18+s13+$0x0] =	vst.idx.msk vm1, v17;
	v55, _, _ =	vpop (xrf0);
	v54 =	vmov s2;
	v22 =	vbroadcast v59, $0x0  }
0x2d2: {  	v56, _, _ =	vpop (xrf0);
	vm0 =	vmmov vm12;
	[tilespmem:v14+s12+$0x0] =	vst.idx.msk vm11, v11;
	v11 =	vld [tilespmem:s7+$0xFFFFFFF0];
	v18 =	vadd.s32 $0xFFFFFFFF, v54;
	v10 =	vadd.s32 v55, v10  }
0x2d3: {  	v62 =	vld [tilespmem:s7+$0x0];
	v18 =	vbroadcast v18, $0x0;
	v61 =	vadd.s32 v56, v22  }
0x2d4: {  	v58, _, _ =	vpop (xrf0);
	[tilespmem:v12+s12+$0x0] =	vst.idx.msk vm2, v53  }
0x2d5: {  	v15 =	vsub.s32 v15, v3;
	v60 =	vld [tilespmem:s7+$0x10];
	[tilespmem:v12+s13+$0x0] =	vst.idx.msk vm2, v16;
	s23 =	spop (v2sf);
	v18 =	vadd.s32 v58, v18  }
0x2d6: {  	[tilespmem:v14+s13+$0x0] =	vst.idx.msk vm11, v15;
	s0 =	sadd.s32 s2, s23  }
0x2d7: {  	s24 =	sadd.s32 $0xF, s0;
	[tilespmem:v10+s12+$0x0] =	vst.idx.msk vm14, v11  }
0x2d8: {  	v63 =	vsub.s32 v13, v3;
	s25 =	sand.u32 $0xF, s24;
	[tilespmem:v61+s12+$0x0] =	vst.idx.msk vm0, v62  }
0x2d9: {  	s26 =	sshra.s32 s24, $0x1F;
	p0 =	slt.s32 s24, $0x1;
	p1 =	sne.s32 s25, $0x0;
	[tilespmem:v10+s13+$0x0] =	vst.idx.msk vm14, v63  }
0x2da: {  	s28 =	sshrl.u32 s26, $0x1C;
	p0 =	por !p0, !p1;
	[tilespmem:v18+s12+$0x0] =	vst.idx.msk vm9, v60  }
0x2db: {  	s2 =	simm.s32 $0x1;
	s1 =	sadd.s32 s28, s24;
	p0 =	por !p0, !p0;
	[tilespmem:v61+s13+$0x0] =	vst.idx.msk vm0, v21  }
0x2dc: {  	s1 =	sshra.s32 s1, $0x4;
	s2 =	simm.s32 @!p0 $0x0;
	[tilespmem:v18+s13+$0x0] =	vst.idx.msk vm9, v23  }
0x2dd: {  	s21 =	ssub.s32 s1, s2;
	[tilespmem:s0+$0x3200] =	vst v0  }
0x2de: {  	p0 =	slt.s32 s21, $0x1;
	[tilespmem:s0+$0x4B80] =	vst v7  }
0x2df: {  	v10 =	vld @!p0 [tilespmem:$0x3200];
	_ =	sdelay $0x4  }
0x2e0: {  	v11 =	vshll.u32 @!p0 v10, $0x2  }
0x2e1: {  	v12 =	vlaneseq.u32 @!p0;
	v10 =	vand.u32 @!p0 $0x7, v10;
	v11 =	vand.u32 @!p0 $0xFFFFFFE0, v11  }
0x2e2: {  	v13 =	vshrl.u32 @!p0 v12, $0x3;
	v10 =	vor.u32 @!p0 v10, v11;
	v11 =	vand.u32 @!p0 $0x7, v12  }
0x2e3: {  	v13 =	vmul.u32 @!p0 $0x8, v13;
	v11 =	vperm.xlane @!p0 v10, v11;
	_ =	sdelay $0x1  }
0x2e4: {  	v11 =	vadd.s32 @!p0 v13, v11  }
0x2e5: {  	v12 =	vor.u32 @!p0 $0x8, v12  }
0x2e6: {  	v10 =	vperm.xlane @!p0 v10, v12;
	_ =	sdelay $0x1  }
0x2e7: {  	vm0 =	vmmov @!p0 $0xffff;
	s1 =	simm.s32 @!p0 $0x6500;
	s0 =	simm.s32 @!p0 $0x0;
	v10 =	vadd.s32 @!p0 v13, v10  }
0x2e8: {  	[tilespmem:s1], [sflag:$0x1] =	stream.indirect_vreg.gather @!p0 [hbm4b:s3+s0], $0x80, v11, vm0, $0xb8;
	[tilespmem:$0x1F500] =	vst v63  }
0x2e9: {  	s1 =	simm.s32 @!p0 $0x6D00  }
0x2ea: {  	[tilespmem:s1], [sflag:$0x1] =	stream.indirect_vreg.gather @!p0 [hbm4b:s6+s0], $0x80, v11, vm0, $0xb8;
	[tilespmem:$0x1F500] =	vst v63  }
0x2eb: {  	s1 =	simm.s32 @!p0 $0x7500  }
0x2ec: {  	[tilespmem:s1], [sflag:$0x1] =	stream.indirect_vreg.gather @!p0 [hbm4b:s3+s0], $0x80, v10, vm0, $0xb8;
	[tilespmem:$0x1F500] =	vst v63  }
0x2ed: {  	p1 =	seq.s32 @!p0 s21, $0x1;
	s1 =	simm.s32 @!p0 $0x7D00  }
0x2ee: {  	[tilespmem:s1], [sflag:$0x1] =	stream.indirect_vreg.gather @!p0 [hbm4b:s6+s0], $0x80, v10, vm0, $0xb8;
	[tilespmem:$0x1F500] =	vst v63  }
0x2ef: {  	p0 =	por p1, p0  }
0x2f0: {  	v10 =	vld @!p0 [tilespmem:$0x3210];
	_ =	sdelay $0x4  }
0x2f1: {  	v11 =	vshll.u32 @!p0 v10, $0x2  }
0x2f2: {  	v12 =	vlaneseq.u32 @!p0;
	v10 =	vand.u32 @!p0 $0x7, v10;
	v11 =	vand.u32 @!p0 $0xFFFFFFE0, v11  }
0x2f3: {  	v13 =	vshrl.u32 @!p0 v12, $0x3;
	v10 =	vor.u32 @!p0 v10, v11;
	v11 =	vand.u32 @!p0 $0x7, v12  }
0x2f4: {  	v13 =	vmul.u32 @!p0 $0x8, v13;
	v11 =	vperm.xlane @!p0 v10, v11;
	_ =	sdelay $0x1  }
0x2f5: {  	v11 =	vadd.s32 @!p0 v13, v11  }
0x2f6: {  	v12 =	vor.u32 @!p0 $0x8, v12  }
0x2f7: {  	v10 =	vperm.xlane @!p0 v10, v12;
	_ =	sdelay $0x1  }
0x2f8: {  	vm0 =	vmmov @!p0 $0xffff;
	s0 =	simm.s32 @!p0 $0x0;
	s1 =	simm.s32 @!p0 $0x8500;
	v10 =	vadd.s32 @!p0 v13, v10  }
0x2f9: {  	[tilespmem:s1], [sflag:$0x2] =	stream.indirect_vreg.gather @!p0 [hbm4b:s3+s0], $0x80, v11, vm0, $0xb8;
	[tilespmem:$0x1F500] =	vst v63  }
0x2fa: {  	s29 =	sadd.s32 $0x1, s21;
	s1 =	simm.s32 @!p0 $0x8D00  }
0x2fb: {  	[tilespmem:s1], [sflag:$0x2] =	stream.indirect_vreg.gather @!p0 [hbm4b:s6+s0], $0x80, v11, vm0, $0xb8;
	[tilespmem:$0x1F500] =	vst v63  }
0x2fc: {  	s30 =	sand.u32 $0x1, s29;
	s1 =	simm.s32 @!p0 $0x9500  }
0x2fd: {  	[tilespmem:s1], [sflag:$0x2] =	stream.indirect_vreg.gather @!p0 [hbm4b:s3+s0], $0x80, v10, vm0, $0xb8;
	[tilespmem:$0x1F500] =	vst v63  }
0x2fe: {  	p5 =	slt.s32 s21, $0x0;
	p6 =	seq.s32 s30, $0x1;
	s1 =	simm.s32 @!p0 $0x9D00  }
0x2ff: {  	[tilespmem:s1], [sflag:$0x2] =	stream.indirect_vreg.gather @!p0 [hbm4b:s6+s0], $0x80, v10, vm0, $0xb8;
	[tilespmem:$0x1F500] =	vst v63  }
0x300: {  	s31 =	sshrl.u32 s29, $0x1F;
	p0 =	por !p5, !p6  }
0x301: {  	s0 =	sadd.s32 s31, s29;
	s1 =	simm.s32 $0x1;
	p0 =	por !p0, !p0  }
0x302: {  	s0 =	sshra.s32 s0, $0x1;
	s1 =	simm.s32 @!p0 $0x0  }
0x303: {  	s22 =	ssub.s32 s0, s1  }
0x304: {  	p0 =	slt.s32 s22, $0x1  }
.Ltmp18:
0x305: {  	_ = 	snop;
	(pc) =	sbr.rel @!p0 .LBB2_23-.Ltmp18, $4  }
.Ltmp19:
0x306: {  	_ = 	snop;
	(pc) =	sbr.rel @p0 .LBB2_32-.Ltmp19, $4  }
0x307: {  	_ = 	snop  }
0x308: {  	_ = 	snop  }
0x309: {  	vm15 =	vmmov vm14;
	vm13 =	vmmov vm9;
	s23 =	simm.s32 $0x0  }
0x30a: {  	_ = 	snop  }
.LBB2_30:
0x30b: {  	_ =	sdelay $0x3  }
0x30c: {  	[tilespmem:v12+s16+$0x0] =	vst.idx.add.f32.msk $0xffff, v28  }
0x30d: {  	[tilespmem:v13+s16+$0x0] =	vst.idx.add.f32.msk $0xffff, v30  }
0x30e: {  	v10 =	vld.idx.msk [tilespmem:v29+s18+$0x0], $0xffff  }
0x30f: {  	[tilespmem:v15+s16+$0x0] =	vst.idx.add.f32.msk $0xffff, v34  }
0x310: {  	[tilespmem:v11+s16+$0x0] =	vst.idx.add.f32.msk $0xffff, v22  }
0x311: {  	v11 =	vld.idx.msk [tilespmem:v26+s18+$0x0], $0xffff  }
0x312: {  	[tilespmem:v14+s16+$0x0] =	vst.idx.add.f32.msk $0xffff, v27  }
0x313: {  	v58 =	vld.idx.msk [tilespmem:v25+s18+$0x0], $0xffff  }
0x314: {  	v59 =	vld.idx.msk [tilespmem:v16+s18+$0x0], $0xffff  }
0x315: {  	v60 =	vld.idx.msk [tilespmem:v17+s18+$0x0], $0xffff  }
0x316: {  	[tilespmem:v18+s16+$0x0] =	vst.idx.add.f32.msk $0xffff, v24  }
0x317: {  	v61 =	vld.idx.msk [tilespmem:v21+s18+$0x0], $0xffff  }
0x318: {  	v62 =	vld.idx.msk [tilespmem:v23+s18+$0x0], $0xffff  }
0x319: {  	v63 =	vor.u32 v36, v32;
	[tilespmem:v20+s16+$0x0] =	vst.idx.add.f32.msk $0xffff, v11  }
0x31a: {  	v11 =	vor.u32 v33, v32;
	[tilespmem:v19+s16+$0x0] =	vst.idx.add.f32.msk $0xffff, v10  }
0x31b: {  	[tilespmem:v37+s16+$0x0] =	vst.idx.add.f32.msk $0xffff, v58  }
0x31c: {  	s0 =	sadd.s32 $0x3, s24;
	[tilespmem:v35+s16+$0x0] =	vst.idx.add.f32.msk $0xffff, v60  }
0x31d: {  	p0 =	sge.s32 s0, s21;
	[tilespmem:v31+s16+$0x0] =	vst.idx.add.f32.msk $0xffff, v59  }
0x31e: {  	s0 =	sshll.u32 @!p0 s0, $0x6;
	[tilespmem:v63+s16+$0x0] =	vst.idx.add.f32.msk $0xffff, v62  }
0x31f: {  	s0 =	sshra.s32 @!p0 s0, $0x2;
	[tilespmem:v11+s16+$0x0] =	vst.idx.add.f32.msk $0xffff, v61  }
0x320: {  	v10 =	vld @!p0 [tilespmem:s0+$0x3200];
	_ =	sdelay $0x4  }
0x321: {  	v11 =	vshll.u32 @!p0 v10, $0x2  }
0x322: {  	v12 =	vlaneseq.u32 @!p0;
	v10 =	vand.u32 @!p0 $0x7, v10;
	v11 =	vand.u32 @!p0 $0xFFFFFFE0, v11  }
0x323: {  	v13 =	vshrl.u32 @!p0 v12, $0x3;
	v10 =	vor.u32 @!p0 v10, v11;
	v11 =	vand.u32 @!p0 $0x7, v12  }
0x324: {  	v13 =	vmul.u32 @!p0 $0x8, v13;
	v11 =	vperm.xlane @!p0 v10, v11;
	_ =	sdelay $0x1  }
0x325: {  	v11 =	vadd.s32 @!p0 v13, v11  }
0x326: {  	v12 =	vor.u32 @!p0 $0x8, v12  }
0x327: {  	v10 =	vperm.xlane @!p0 v10, v12;
	_ =	sdelay $0x1  }
0x328: {  	vm0 =	vmmov @!p0 $0xffff;
	s1 =	simm.s32 @!p0 $0x8500;
	s0 =	simm.s32 @!p0 $0x0;
	v10 =	vadd.s32 @!p0 v13, v10  }
0x329: {  	[tilespmem:s1], [sflag:$0x2] =	stream.indirect_vreg.gather @!p0 [hbm4b:s3+s0], $0x80, v11, vm0, $0xb8;
	[tilespmem:$0x1F500] =	vst v63  }
0x32a: {  	s1 =	simm.s32 @!p0 $0x8D00  }
0x32b: {  	[tilespmem:s1], [sflag:$0x2] =	stream.indirect_vreg.gather @!p0 [hbm4b:s6+s0], $0x80, v11, vm0, $0xb8;
	[tilespmem:$0x1F500] =	vst v63  }
0x32c: {  	s1 =	simm.s32 @!p0 $0x9500  }
0x32d: {  	[tilespmem:s1], [sflag:$0x2] =	stream.indirect_vreg.gather @!p0 [hbm4b:s3+s0], $0x80, v10, vm0, $0xb8;
	[tilespmem:$0x1F500] =	vst v63  }
0x32e: {  	s1 =	simm.s32 @!p0 $0x9D00  }
0x32f: {  	[tilespmem:s1], [sflag:$0x2] =	stream.indirect_vreg.gather @!p0 [hbm4b:s6+s0], $0x80, v10, vm0, $0xb8;
	[tilespmem:$0x1F500] =	vst v63  }
.LBB2_31:
0x330: {  	s23 =	sadd.s32 $0x1, s23  }
0x331: {  	p0 =	sne.s32 s23, s22  }
.Ltmp20:
0x332: {  	_ = 	snop;
	(pc) =	sbr.rel @!p0 .LBB2_32-.Ltmp20, $1  }
0x333: {  	_ =	sdelay $0x3  }
.LBB2_23:
0x334: {  	s24 =	sshll.u32 s23, $0x1  }
0x335: {  	p0 =	sge.s32 s24, s21  }
.Ltmp21:
0x336: {  	_ = 	snop;
	(pc) =	sbr.rel @p0 .LBB2_27-.Ltmp21, $1  }
0x337: {  	_ =	sdelay $0x3  }
0x338: {  	_ =	swait.ge [sflag:s14], $0x2000;
	s0 =	sshll.u32 s23, $0x7;
	s25 =	simm.s32 $0x0  }
0x339: {  	s26 =	simm.s32 $0x1;
	s2 =	simm.s32 $0x2;
	s28 =	simm.s32 $0x3  }
0x33a: {  	s29 =	simm.s32 $0x4;
	s30 =	simm.s32 $0x5;
	[sflag:s14] =	ssyncset.done $0x0  }
0x33b: {  	s31 =	simm.s32 $0x6;
	s0 =	sshra.s32 s0, $0x2;
	v13 =	vadd.s32 s26, v8;
	v14 =	vadd.s32 s2, v8;
	v16 =	vadd.s32 s28, v8;
	[sflag:s14] =	ssyncadd.s32 $0xFFFFE000  }
0x33c: {  	s1 =	sand.u32 $0x1F0, s25;
	v17 =	vadd.s32 s29, v8;
	v18 =	vadd.s32 s30, v8;
	v19 =	vadd.s32 s31, v8;
	v10 =	vld [tilespmem:s0+$0x4B80]  }
0x33d: {  	s2 =	simm.s32 $0x7;
	s26 =	simm.s32 $0xB;
	s28 =	simm.s32 $0xC;
	v12 =	vmov s1;
	v14 =	vand.u32 $0xF, v14;
	v18 =	vand.u32 $0xF, v18  }
0x33e: {  	s29 =	simm.s32 $0xD;
	v24 =	vadd.s32 s2, v8;
	v30 =	vadd.s32 s26, v8;
	v32 =	vadd.s32 s28, v8  }
0x33f: {  	v33 =	vadd.s32 s29, v8;
	v15 =	vshll.u32 v12, $0x3;
	v12 =	vand.u32 $0x70, v12  }
0x340: {  	v33 =	vand.u32 $0xF, v33;
	v15 =	vand.u32 $0xC00, v15;
	v14 =	vor.u32 v12, v14  }
0x341: {  	v21 =	vor.u32 v9, v15;
	v11 =	vshll.u32 v10, $0x9;
	v10 =	vshll.u32 v10, $0x7  }
0x342: {  	v25 =	vor.u32 v14, v21;
	v11 =	vand.u32 $0xFFFFF000, v11;
	v10 =	vand.u32 $0x380, v10  }
0x343: {  	v18 =	vor.u32 v12, v18;
	v10 =	vor.u32 v10, v11;
	v11 =	vadd.s32 s25, v8  }
0x344: {  	v31 =	vor.u32 v18, v21;
	s25 =	simm.s32 $0xA;
	v11 =	vand.u32 $0xF, v11;
	v15 =	vor.u32 v15, v10  }
0x345: {  	v28 =	vadd.s32 s25, v8;
	v20 =	vor.u32 v11, v12;
	v11 =	vand.u32 $0xF, v13  }
0x346: {  	v13 =	vand.u32 $0xF, v16;
	v16 =	vand.u32 $0xF, v17;
	v17 =	vand.u32 $0xF, v19  }
0x347: {  	v39 =	vld.idx.msk [tilespmem:v25+s15+$0x0], $0xffff;
	v38 =	vor.u32 v14, v15;
	v25 =	vand.u32 $0xF, v28;
	v16 =	vor.u32 v12, v16  }
0x348: {  	v17 =	vor.u32 v12, v17;
	v13 =	vor.u32 v12, v13;
	v23 =	vor.u32 v20, v21  }
0x349: {  	v14 =	vor.u32 v12, v11;
	v19 =	vor.u32 v17, v21;
	v22 =	vor.u32 v13, v21  }
0x34a: {  	s7 =	simm.s32 $0x8;
	v26 =	vor.u32 v13, v15;
	v13 =	vand.u32 $0xF, v24;
	v24 =	vor.u32 v16, v21  }
0x34b: {  	v11 =	vor.u32 v17, v15;
	v17 =	vadd.s32 s7, v8;
	v13 =	vor.u32 v12, v13  }
0x34c: {  	v27 =	vor.u32 v16, v15;
	v17 =	vand.u32 $0xF, v17;
	v16 =	vor.u32 v13, v21  }
0x34d: {  	s8 =	sand.u32 $0x1F0, s7;
	v12 =	vor.u32 v13, v15;
	v13 =	vor.u32 v20, v15;
	v21 =	vor.u32 v14, v21  }
0x34e: {  	s9 =	simm.s32 $0x9;
	v14 =	vor.u32 v14, v15;
	v15 =	vor.u32 v18, v15;
	v18 =	vmov s8  }
0x34f: {  	v20 =	vadd.s32 s9, v8;
	v29 =	vshll.u32 v18, $0x3;
	v35 =	vand.u32 $0x70, v18  }
0x350: {  	v36 =	vand.u32 $0xF, v20;
	[tilespmem:v38+s16+$0x0] =	vst.idx.add.f32.msk $0xffff, v39;
	v18 =	vand.u32 $0xC00, v29;
	v40 =	vor.u32 v17, v35  }
0x351: {  	s30 =	simm.s32 $0xE;
	v17 =	vand.u32 $0xF, v30;
	v25 =	vor.u32 v35, v25;
	v33 =	vor.u32 v35, v33;
	v34 =	vld.idx.msk [tilespmem:v22+s15+$0x0], $0xffff  }
0x352: {  	v36 =	vor.u32 v35, v36;
	v22 =	vadd.s32 s30, v8;
	v41 =	vor.u32 v9, v18;
	v20 =	vld.idx.msk [tilespmem:v24+s15+$0x0], $0xffff  }
0x353: {  	v30 =	vld.idx.msk [tilespmem:v23+s15+$0x0], $0xffff;
	v24 =	vand.u32 $0xF, v32;
	v42 =	vor.u32 v35, v17;
	v32 =	vor.u32 v18, v10  }
0x354: {  	s31 =	simm.s32 $0xF;
	v22 =	vand.u32 $0xF, v22;
	v24 =	vor.u32 v35, v24;
	v17 =	vor.u32 v40, v41;
	v28 =	vld.idx.msk [tilespmem:v16+s15+$0x0], $0xffff  }
0x355: {  	v43 =	vor.u32 v42, v41;
	v37 =	vor.u32 v35, v22;
	v22 =	vld.idx.msk [tilespmem:v19+s15+$0x0], $0xffff;
	v19 =	vadd.s32 s31, v8  }
0x356: {  	v29 =	vor.u32 v25, v41;
	v18 =	vor.u32 v42, v32;
	v19 =	vand.u32 $0xF, v19;
	[tilespmem:v26+s16+$0x0] =	vst.idx.add.f32.msk $0xffff, v34  }
0x357: {  	v16 =	vor.u32 v37, v41;
	v23 =	vor.u32 v35, v19;
	[tilespmem:v27+s16+$0x0] =	vst.idx.add.f32.msk $0xffff, v20  }
0x358: {  	v19 =	vor.u32 v25, v32;
	v35 =	vor.u32 v40, v32;
	v26 =	vor.u32 v24, v41;
	v27 =	vld.idx.msk [tilespmem:v21+s15+$0x0], $0xffff  }
0x359: {  	v20 =	vor.u32 v24, v32;
	v21 =	vor.u32 v33, v41;
	v25 =	vor.u32 v23, v41;
	v34 =	vld.idx.msk [tilespmem:v31+s15+$0x0], $0xffff  }
0x35a: {  	s1 =	simm.s32 $0x10;
	v31 =	vor.u32 v37, v32;
	v37 =	vor.u32 v23, v32;
	v23 =	vor.u32 v36, v41;
	v24 =	vld.idx.msk [tilespmem:v43+s15+$0x0], $0xffff  }
.LBB2_25:
0x35b: {  	s0 =	sand.u32 $0x1F0, s1;
	v38 =	vadd.s32 s1, v8  }
0x35c: {  	s2 =	sadd.s32 $0x1, s1;
	s7 =	sadd.s32 $0x2, s1;
	v36 =	vor.u32 v36, v32;
	v32 =	vor.u32 v33, v32;
	[tilespmem:v12+s16+$0x0] =	vst.idx.add.f32.msk $0xffff, v28;
	v12 =	vmov v37;
	s8 =	smov.u32 s1  }
0x35d: {  	v28 =	vmov s0;
	v33 =	vadd.s32 s2, v8;
	v37 =	vadd.s32 s7, v8;
	s2 =	sadd.s32 $0x3, s8;
	s7 =	sadd.s32 $0x4, s8;
	s0 =	sadd.s32 $0x8, s1;
	[tilespmem:v13+s16+$0x0] =	vst.idx.add.f32.msk $0xffff, v30;
	v13 =	vmovc v35  }
0x35e: {  	v30 =	vshll.u32 v28, $0x3;
	v35 =	vadd.s32 s2, v8;
	v39 =	vadd.s32 s7, v8;
	s2 =	sadd.s32 $0x5, s8;
	s7 =	sadd.s32 $0x6, s8;
	s8 =	sadd.s32 $0x7, s8;
	v40 =	vld.idx.msk [tilespmem:v29+s15+$0x0], $0xffff  }
0x35f: {  	p0 =	slt.u32 s1, $0x1F8;
	v29 =	vand.u32 $0xF, v38;
	v38 =	vadd.s32 s2, v8;
	v41 =	vadd.s32 s7, v8;
	[tilespmem:v15+s16+$0x0] =	vst.idx.add.f32.msk $0xffff, v34;
	v15 =	vmovc v32  }
0x360: {  	v42 =	vand.u32 $0x70, v28;
	v32 =	vand.u32 $0xC00, v30;
	v30 =	vand.u32 $0xF, v37;
	[tilespmem:v11+s16+$0x0] =	vst.idx.add.f32.msk $0xffff, v22;
	v11 =	vmovc v31  }
0x361: {  	v43 =	vor.u32 v29, v42;
	v44 =	vor.u32 v9, v32;
	v31 =	vand.u32 $0xF, v33;
	v26 =	vld.idx.msk [tilespmem:v26+s15+$0x0], $0xffff  }
0x362: {  	v28 =	vand.u32 $0xF, v39;
	v22 =	vand.u32 $0xF, v35;
	v29 =	vand.u32 $0xF, v41;
	[tilespmem:v14+s16+$0x0] =	vst.idx.add.f32.msk $0xffff, v27;
	v14 =	vmovc v36  }
0x363: {  	v33 =	vand.u32 $0xF, v38;
	v35 =	vor.u32 v42, v29;
	v27 =	vor.u32 v42, v28;
	v28 =	vld.idx.msk [tilespmem:v25+s15+$0x0], $0xffff  }
0x364: {  	v34 =	vor.u32 v42, v22;
	v25 =	vor.u32 v42, v30;
	v22 =	vld.idx.msk [tilespmem:v16+s15+$0x0], $0xffff;
	v16 =	vor.u32 v35, v44  }
0x365: {  	v37 =	vor.u32 v34, v44;
	v36 =	vadd.s32 s8, v8;
	v30 =	vld.idx.msk [tilespmem:v17+s15+$0x0], $0xffff;
	v17 =	vor.u32 v43, v44  }
0x366: {  	v32 =	vor.u32 v32, v10;
	v29 =	vor.u32 v25, v44;
	[tilespmem:v18+s16+$0x0] =	vst.idx.add.f32.msk $0xffff, v24  }
.Ltmp22:
0x367: {  	v33 =	vor.u32 v42, v33;
	v18 =	vor.u32 v34, v32;
	v24 =	vand.u32 $0xF, v36;
	[tilespmem:v20+s16+$0x0] =	vst.idx.add.f32.msk $0xffff, v26;
	(pc) =	sbr.rel @p0 .LBB2_25-.Ltmp22, $4  }
0x368: {  	v26 =	vor.u32 v27, v44;
	v20 =	vor.u32 v27, v32;
	v38 =	vor.u32 v42, v24;
	v27 =	vld.idx.msk [tilespmem:v23+s15+$0x0], $0xffff  }
0x369: {  	v39 =	vor.u32 v25, v32;
	v25 =	vor.u32 v38, v44;
	v34 =	vld.idx.msk [tilespmem:v21+s15+$0x0], $0xffff;
	v21 =	vor.u32 v33, v44  }
0x36a: {  	v36 =	vor.u32 v42, v31;
	v31 =	vor.u32 v35, v32;
	v24 =	vld.idx.msk [tilespmem:v37+s15+$0x0], $0xffff;
	v37 =	vor.u32 v38, v32  }
0x36b: {  	s1 =	smov.u32 s0;
	v35 =	vor.u32 v43, v32;
	v23 =	vor.u32 v36, v44;
	[tilespmem:v19+s16+$0x0] =	vst.idx.add.f32.msk $0xffff, v40;
	v19 =	vmov v39  }
0x36c: {  	_ =	sdelay $0x3  }
0x36d: {  	[tilespmem:v12+s16+$0x0] =	vst.idx.add.f32.msk $0xffff, v28  }
0x36e: {  	[tilespmem:v13+s16+$0x0] =	vst.idx.add.f32.msk $0xffff, v30  }
0x36f: {  	v10 =	vld.idx.msk [tilespmem:v29+s15+$0x0], $0xffff  }
0x370: {  	[tilespmem:v11+s16+$0x0] =	vst.idx.add.f32.msk $0xffff, v22  }
0x371: {  	v11 =	vld.idx.msk [tilespmem:v26+s15+$0x0], $0xffff  }
0x372: {  	v58 =	vld.idx.msk [tilespmem:v25+s15+$0x0], $0xffff  }
0x373: {  	v59 =	vld.idx.msk [tilespmem:v16+s15+$0x0], $0xffff  }
0x374: {  	v60 =	vld.idx.msk [tilespmem:v17+s15+$0x0], $0xffff  }
0x375: {  	v61 =	vld.idx.msk [tilespmem:v21+s15+$0x0], $0xffff  }
0x376: {  	v62 =	vld.idx.msk [tilespmem:v23+s15+$0x0], $0xffff  }
0x377: {  	[tilespmem:v14+s16+$0x0] =	vst.idx.add.f32.msk $0xffff, v27  }
0x378: {  	[tilespmem:v15+s16+$0x0] =	vst.idx.add.f32.msk $0xffff, v34  }
0x379: {  	[tilespmem:v18+s16+$0x0] =	vst.idx.add.f32.msk $0xffff, v24  }
0x37a: {  	v63 =	vor.u32 v36, v32;
	[tilespmem:v20+s16+$0x0] =	vst.idx.add.f32.msk $0xffff, v11  }
0x37b: {  	v11 =	vor.u32 v33, v32;
	[tilespmem:v19+s16+$0x0] =	vst.idx.add.f32.msk $0xffff, v10  }
0x37c: {  	[tilespmem:v37+s16+$0x0] =	vst.idx.add.f32.msk $0xffff, v58  }
0x37d: {  	s0 =	sadd.s32 $0x2, s24;
	[tilespmem:v35+s16+$0x0] =	vst.idx.add.f32.msk $0xffff, v60  }
0x37e: {  	p0 =	sge.s32 s0, s21;
	[tilespmem:v31+s16+$0x0] =	vst.idx.add.f32.msk $0xffff, v59  }
0x37f: {  	s0 =	sshll.u32 @!p0 s0, $0x6;
	[tilespmem:v63+s16+$0x0] =	vst.idx.add.f32.msk $0xffff, v62  }
0x380: {  	s0 =	sshra.s32 @!p0 s0, $0x2;
	[tilespmem:v11+s16+$0x0] =	vst.idx.add.f32.msk $0xffff, v61  }
0x381: {  	v10 =	vld @!p0 [tilespmem:s0+$0x3200];
	_ =	sdelay $0x4  }
0x382: {  	v11 =	vshll.u32 @!p0 v10, $0x2  }
0x383: {  	v12 =	vlaneseq.u32 @!p0;
	v10 =	vand.u32 @!p0 $0x7, v10;
	v11 =	vand.u32 @!p0 $0xFFFFFFE0, v11  }
0x384: {  	v13 =	vshrl.u32 @!p0 v12, $0x3;
	v10 =	vor.u32 @!p0 v10, v11;
	v11 =	vand.u32 @!p0 $0x7, v12  }
0x385: {  	v13 =	vmul.u32 @!p0 $0x8, v13;
	v11 =	vperm.xlane @!p0 v10, v11;
	_ =	sdelay $0x1  }
0x386: {  	v11 =	vadd.s32 @!p0 v13, v11  }
0x387: {  	v12 =	vor.u32 @!p0 $0x8, v12  }
0x388: {  	v10 =	vperm.xlane @!p0 v10, v12;
	_ =	sdelay $0x1  }
0x389: {  	vm0 =	vmmov @!p0 $0xffff;
	s1 =	simm.s32 @!p0 $0x6500;
	s0 =	simm.s32 @!p0 $0x0;
	v10 =	vadd.s32 @!p0 v13, v10  }
0x38a: {  	[tilespmem:s1], [sflag:$0x1] =	stream.indirect_vreg.gather @!p0 [hbm4b:s3+s0], $0x80, v11, vm0, $0xb8;
	[tilespmem:$0x1F500] =	vst v63  }
0x38b: {  	s1 =	simm.s32 @!p0 $0x6D00  }
0x38c: {  	[tilespmem:s1], [sflag:$0x1] =	stream.indirect_vreg.gather @!p0 [hbm4b:s6+s0], $0x80, v11, vm0, $0xb8;
	[tilespmem:$0x1F500] =	vst v63  }
0x38d: {  	s1 =	simm.s32 @!p0 $0x7500  }
0x38e: {  	[tilespmem:s1], [sflag:$0x1] =	stream.indirect_vreg.gather @!p0 [hbm4b:s3+s0], $0x80, v10, vm0, $0xb8;
	[tilespmem:$0x1F500] =	vst v63  }
0x38f: {  	s1 =	simm.s32 @!p0 $0x7D00  }
0x390: {  	[tilespmem:s1], [sflag:$0x1] =	stream.indirect_vreg.gather @!p0 [hbm4b:s6+s0], $0x80, v10, vm0, $0xb8;
	[tilespmem:$0x1F500] =	vst v63  }
.LBB2_27:
0x391: {  	s0 =	sor.u32 $0x1, s24  }
0x392: {  	p0 =	sge.s32 s0, s21  }
.Ltmp23:
0x393: {  	_ = 	snop;
	(pc) =	sbr.rel @p0 .LBB2_31-.Ltmp23, $1  }
0x394: {  	_ =	sdelay $0x3  }
0x395: {  	_ =	swait.ge [sflag:s17], $0x2000;
	s0 =	sshll.u32 s0, $0x6;
	s25 =	simm.s32 $0x0  }
0x396: {  	s26 =	simm.s32 $0x1;
	s2 =	simm.s32 $0x2;
	s28 =	simm.s32 $0x3  }
0x397: {  	s29 =	simm.s32 $0x4;
	s30 =	simm.s32 $0x5;
	[sflag:s17] =	ssyncset.done $0x0  }
0x398: {  	s31 =	simm.s32 $0x6;
	s0 =	sshra.s32 s0, $0x2;
	v13 =	vadd.s32 s26, v8;
	v14 =	vadd.s32 s2, v8;
	v16 =	vadd.s32 s28, v8;
	[sflag:s17] =	ssyncadd.s32 $0xFFFFE000  }
0x399: {  	s1 =	sand.u32 $0x1F0, s25;
	v17 =	vadd.s32 s29, v8;
	v18 =	vadd.s32 s30, v8;
	v19 =	vadd.s32 s31, v8;
	v10 =	vld [tilespmem:s0+$0x4B80]  }
0x39a: {  	s2 =	simm.s32 $0x7;
	s26 =	simm.s32 $0xB;
	s28 =	simm.s32 $0xC;
	v12 =	vmov s1;
	v14 =	vand.u32 $0xF, v14;
	v18 =	vand.u32 $0xF, v18  }
0x39b: {  	s29 =	simm.s32 $0xD;
	v24 =	vadd.s32 s2, v8;
	v30 =	vadd.s32 s26, v8;
	v32 =	vadd.s32 s28, v8  }
0x39c: {  	v33 =	vadd.s32 s29, v8;
	v15 =	vshll.u32 v12, $0x3;
	v12 =	vand.u32 $0x70, v12  }
0x39d: {  	v33 =	vand.u32 $0xF, v33;
	v15 =	vand.u32 $0xC00, v15;
	v14 =	vor.u32 v12, v14  }
0x39e: {  	v21 =	vor.u32 v9, v15;
	v11 =	vshll.u32 v10, $0x9;
	v10 =	vshll.u32 v10, $0x7  }
0x39f: {  	v25 =	vor.u32 v14, v21;
	v11 =	vand.u32 $0xFFFFF000, v11;
	v10 =	vand.u32 $0x380, v10  }
0x3a0: {  	v18 =	vor.u32 v12, v18;
	v10 =	vor.u32 v10, v11;
	v11 =	vadd.s32 s25, v8  }
0x3a1: {  	v31 =	vor.u32 v18, v21;
	s25 =	simm.s32 $0xA;
	v11 =	vand.u32 $0xF, v11;
	v15 =	vor.u32 v15, v10  }
0x3a2: {  	v28 =	vadd.s32 s25, v8;
	v20 =	vor.u32 v11, v12;
	v11 =	vand.u32 $0xF, v13  }
0x3a3: {  	v13 =	vand.u32 $0xF, v16;
	v16 =	vand.u32 $0xF, v17;
	v17 =	vand.u32 $0xF, v19  }
0x3a4: {  	v39 =	vld.idx.msk [tilespmem:v25+s18+$0x0], $0xffff;
	v38 =	vor.u32 v14, v15;
	v25 =	vand.u32 $0xF, v28;
	v16 =	vor.u32 v12, v16  }
0x3a5: {  	v17 =	vor.u32 v12, v17;
	v13 =	vor.u32 v12, v13;
	v23 =	vor.u32 v20, v21  }
0x3a6: {  	v14 =	vor.u32 v12, v11;
	v19 =	vor.u32 v17, v21;
	v22 =	vor.u32 v13, v21  }
0x3a7: {  	s7 =	simm.s32 $0x8;
	v26 =	vor.u32 v13, v15;
	v13 =	vand.u32 $0xF, v24;
	v24 =	vor.u32 v16, v21  }
0x3a8: {  	v11 =	vor.u32 v17, v15;
	v17 =	vadd.s32 s7, v8;
	v13 =	vor.u32 v12, v13  }
0x3a9: {  	v27 =	vor.u32 v16, v15;
	v17 =	vand.u32 $0xF, v17;
	v16 =	vor.u32 v13, v21  }
0x3aa: {  	s8 =	sand.u32 $0x1F0, s7;
	v12 =	vor.u32 v13, v15;
	v13 =	vor.u32 v20, v15;
	v21 =	vor.u32 v14, v21  }
0x3ab: {  	s9 =	simm.s32 $0x9;
	v14 =	vor.u32 v14, v15;
	v15 =	vor.u32 v18, v15;
	v18 =	vmov s8  }
0x3ac: {  	v20 =	vadd.s32 s9, v8;
	v29 =	vshll.u32 v18, $0x3;
	v35 =	vand.u32 $0x70, v18  }
0x3ad: {  	v36 =	vand.u32 $0xF, v20;
	[tilespmem:v38+s16+$0x0] =	vst.idx.add.f32.msk $0xffff, v39;
	v18 =	vand.u32 $0xC00, v29;
	v40 =	vor.u32 v17, v35  }
0x3ae: {  	s30 =	simm.s32 $0xE;
	v17 =	vand.u32 $0xF, v30;
	v25 =	vor.u32 v35, v25;
	v33 =	vor.u32 v35, v33;
	v34 =	vld.idx.msk [tilespmem:v22+s18+$0x0], $0xffff  }
0x3af: {  	v36 =	vor.u32 v35, v36;
	v22 =	vadd.s32 s30, v8;
	v41 =	vor.u32 v9, v18;
	v20 =	vld.idx.msk [tilespmem:v24+s18+$0x0], $0xffff  }
0x3b0: {  	v30 =	vld.idx.msk [tilespmem:v23+s18+$0x0], $0xffff;
	v24 =	vand.u32 $0xF, v32;
	v42 =	vor.u32 v35, v17;
	v32 =	vor.u32 v18, v10  }
0x3b1: {  	s31 =	simm.s32 $0xF;
	v22 =	vand.u32 $0xF, v22;
	v24 =	vor.u32 v35, v24;
	v17 =	vor.u32 v40, v41;
	v28 =	vld.idx.msk [tilespmem:v16+s18+$0x0], $0xffff  }
0x3b2: {  	v43 =	vor.u32 v42, v41;
	v37 =	vor.u32 v35, v22;
	v22 =	vld.idx.msk [tilespmem:v19+s18+$0x0], $0xffff;
	v19 =	vadd.s32 s31, v8  }
0x3b3: {  	v29 =	vor.u32 v25, v41;
	v18 =	vor.u32 v42, v32;
	v19 =	vand.u32 $0xF, v19;
	[tilespmem:v26+s16+$0x0] =	vst.idx.add.f32.msk $0xffff, v34  }
0x3b4: {  	v16 =	vor.u32 v37, v41;
	v23 =	vor.u32 v35, v19;
	[tilespmem:v27+s16+$0x0] =	vst.idx.add.f32.msk $0xffff, v20  }
0x3b5: {  	v19 =	vor.u32 v25, v32;
	v35 =	vor.u32 v40, v32;
	v26 =	vor.u32 v24, v41;
	v27 =	vld.idx.msk [tilespmem:v21+s18+$0x0], $0xffff  }
0x3b6: {  	v20 =	vor.u32 v24, v32;
	v21 =	vor.u32 v33, v41;
	v25 =	vor.u32 v23, v41;
	v34 =	vld.idx.msk [tilespmem:v31+s18+$0x0], $0xffff  }
0x3b7: {  	s1 =	simm.s32 $0x10;
	v31 =	vor.u32 v37, v32;
	v37 =	vor.u32 v23, v32;
	v23 =	vor.u32 v36, v41;
	v24 =	vld.idx.msk [tilespmem:v43+s18+$0x0], $0xffff  }
.LBB2_29:
0x3b8: {  	s0 =	sand.u32 $0x1F0, s1;
	v38 =	vadd.s32 s1, v8  }
0x3b9: {  	s2 =	sadd.s32 $0x1, s1;
	s7 =	sadd.s32 $0x2, s1;
	v36 =	vor.u32 v36, v32;
	v32 =	vor.u32 v33, v32;
	[tilespmem:v12+s16+$0x0] =	vst.idx.add.f32.msk $0xffff, v28;
	v12 =	vmov v37;
	s8 =	smov.u32 s1  }
0x3ba: {  	v28 =	vmov s0;
	v33 =	vadd.s32 s2, v8;
	v37 =	vadd.s32 s7, v8;
	s2 =	sadd.s32 $0x3, s8;
	s7 =	sadd.s32 $0x4, s8;
	s0 =	sadd.s32 $0x8, s1;
	[tilespmem:v13+s16+$0x0] =	vst.idx.add.f32.msk $0xffff, v30;
	v13 =	vmovc v35  }
0x3bb: {  	v30 =	vshll.u32 v28, $0x3;
	v35 =	vadd.s32 s2, v8;
	v39 =	vadd.s32 s7, v8;
	s2 =	sadd.s32 $0x5, s8;
	s7 =	sadd.s32 $0x6, s8;
	s8 =	sadd.s32 $0x7, s8;
	v40 =	vld.idx.msk [tilespmem:v29+s18+$0x0], $0xffff  }
0x3bc: {  	p0 =	slt.u32 s1, $0x1F8;
	v29 =	vand.u32 $0xF, v38;
	v38 =	vadd.s32 s2, v8;
	v41 =	vadd.s32 s7, v8;
	[tilespmem:v15+s16+$0x0] =	vst.idx.add.f32.msk $0xffff, v34;
	v15 =	vmovc v32  }
0x3bd: {  	v42 =	vand.u32 $0x70, v28;
	v32 =	vand.u32 $0xC00, v30;
	v30 =	vand.u32 $0xF, v37;
	[tilespmem:v11+s16+$0x0] =	vst.idx.add.f32.msk $0xffff, v22;
	v11 =	vmovc v31  }
0x3be: {  	v43 =	vor.u32 v29, v42;
	v44 =	vor.u32 v9, v32;
	v31 =	vand.u32 $0xF, v33;
	v26 =	vld.idx.msk [tilespmem:v26+s18+$0x0], $0xffff  }
0x3bf: {  	v28 =	vand.u32 $0xF, v39;
	v22 =	vand.u32 $0xF, v35;
	v29 =	vand.u32 $0xF, v41;
	[tilespmem:v14+s16+$0x0] =	vst.idx.add.f32.msk $0xffff, v27;
	v14 =	vmovc v36  }
0x3c0: {  	v33 =	vand.u32 $0xF, v38;
	v35 =	vor.u32 v42, v29;
	v27 =	vor.u32 v42, v28;
	v28 =	vld.idx.msk [tilespmem:v25+s18+$0x0], $0xffff  }
0x3c1: {  	v34 =	vor.u32 v42, v22;
	v25 =	vor.u32 v42, v30;
	v22 =	vld.idx.msk [tilespmem:v16+s18+$0x0], $0xffff;
	v16 =	vor.u32 v35, v44  }
0x3c2: {  	v37 =	vor.u32 v34, v44;
	v36 =	vadd.s32 s8, v8;
	v30 =	vld.idx.msk [tilespmem:v17+s18+$0x0], $0xffff;
	v17 =	vor.u32 v43, v44  }
0x3c3: {  	v32 =	vor.u32 v32, v10;
	v29 =	vor.u32 v25, v44;
	[tilespmem:v18+s16+$0x0] =	vst.idx.add.f32.msk $0xffff, v24  }
.Ltmp24:
0x3c4: {  	v33 =	vor.u32 v42, v33;
	v18 =	vor.u32 v34, v32;
	v24 =	vand.u32 $0xF, v36;
	[tilespmem:v20+s16+$0x0] =	vst.idx.add.f32.msk $0xffff, v26;
	(pc) =	sbr.rel @p0 .LBB2_29-.Ltmp24, $4  }
0x3c5: {  	v26 =	vor.u32 v27, v44;
	v20 =	vor.u32 v27, v32;
	v38 =	vor.u32 v42, v24;
	v27 =	vld.idx.msk [tilespmem:v23+s18+$0x0], $0xffff  }
0x3c6: {  	v39 =	vor.u32 v25, v32;
	v25 =	vor.u32 v38, v44;
	v34 =	vld.idx.msk [tilespmem:v21+s18+$0x0], $0xffff;
	v21 =	vor.u32 v33, v44  }
0x3c7: {  	v36 =	vor.u32 v42, v31;
	v31 =	vor.u32 v35, v32;
	v24 =	vld.idx.msk [tilespmem:v37+s18+$0x0], $0xffff;
	v37 =	vor.u32 v38, v32  }
0x3c8: {  	s1 =	smov.u32 s0;
	v35 =	vor.u32 v43, v32;
	v23 =	vor.u32 v36, v44;
	[tilespmem:v19+s16+$0x0] =	vst.idx.add.f32.msk $0xffff, v40;
	v19 =	vmov v39  }
.Ltmp25:
0x3c9: {  	_ = 	snop;
	(pc) =	sbr.rel .LBB2_30-.Ltmp25, $1  }
0x3ca: {  	_ =	sdelay $0x3  }
.LBB2_34:
0x3cb: {  	_ =	sfence.sel $0x180000  }
0x3cc: {  	[bflag:$0x0] =	sbarrier.arrive $0xFFFF  }
0x3cd: {  	_ =	strace $0x9000004A  }
0x3ce: {  	s0 =	stileid.u32;
	[bflag:$0x2] =	sbarrier.arrive $0xFFFF  }
0x3cf: {  	p0 =	sne.s32 s0, $0x0;
	s0 =	rddreg [dreg:$0x1]  }
0x3d0: {  	s0 =	sadd.s32 @!p0 $0x100000, s0  }
0x3d1: {  	[sflag:s0] =	ssyncadd.tile.s32 @!p0 $0x1;
	_ =	shalt  }
.Lfunc_end2:
_tile_overlayer_lowered:
.L_overlay_start_2:
0x3d2: {  	(tag) =	ssettag $0x2  }
0x3d3: {  	s0 =	rddreg [dreg:$0x0];
	s2 =	stileid.u32  }
0x3d4: {  	s1 =	rddreg [dreg:$0x1];
	p0 =	sne.s32 s2, $0x0  }
0x3d5: {  	s3 =	rddreg [dreg:$0x2];
	[bflag:$0x3] =	sbarrier.arrive $0xFFFF;
	s2 =	simm.s32 @!p0 $0x1C03  }
0x3d6: {  	[timem:s3], [sflag:s2] =	dma.local @!p0 [hbm:s0], s1  }
0x3d7: {  	s0 =	simm.s32 @!p0 $0x3  }
0x3d8: {  	_ =	swait.ge @!p0 [sflag:s0], s1  }
0x3d9: {  	s1 =	ssub.s32 @!p0 $0x0, s1;
	[sflag:s0] =	ssyncset.done @!p0 $0x0  }
0x3da: {  	[sflag:s0] =	ssyncadd.s32 @!p0 s1  }
0x3db: {  	[bflag:$0x3] =	sbarrier.arrive $0xFFFF  }
0x3dc: {  	_ =	shalt  }

</sc_bundles>
